<compile_context>
chip_gen: v7x
topology: tpu7x:2x2x1
jax: 0.10.2.dev20260603
libtpu: 0.0.44.dev20260713+nightly
codegen_flags: <defaults>
</compile_context>

<pallas_src>
import functools

import jax
import jax.numpy as jnp
from jax import lax
from jax.experimental import pallas as pl
from jax.experimental.pallas import tpu as pltpu
from jax.experimental.pallas import tpu_sc as plsc

_N = 10000
_E = 320000
_H = 128
_NSEG = 64
_CHUNK = 88
_EPW = _E // 16
_NCHUNK = -(-_EPW // _CHUNK)
_EPAD = _NCHUNK * _CHUNK
_GPAD = 512

_STRIPE = 632
_LAST_OFF = 15 * _STRIPE
_LAST_STRIPE = _N - _LAST_OFF

_BN = 1000
_NB = (2 * _N) // _BN


@functools.partial(
    pl.kernel,
    mesh=plsc.VectorSubcoreMesh(core_axis_name="c", subcore_axis_name="s"),
    out_type=jax.ShapeDtypeStruct((2 * _N, _H), jnp.float32),
    scratch_types=[
        pltpu.VMEM((2, _CHUNK), jnp.int32),
        pltpu.VMEM((2, _CHUNK), jnp.int32),
        pltpu.VMEM((2, _CHUNK), jnp.int32),
        pltpu.VMEM((2, _CHUNK), jnp.int32),
        pltpu.VMEM((_CHUNK, _H), jnp.float32),
        pltpu.VMEM((_CHUNK, _H), jnp.float32),
        pltpu.VMEM_SHARED((_N + _GPAD, _H), jnp.float32),
        pltpu.SemaphoreType.DMA,
        pltpu.SemaphoreType.DMA,
        pltpu.SemaphoreType.DMA,
        pltpu.SemaphoreType.DMA,
        pltpu.SemaphoreType.DMA,
        pltpu.SemaphoreType.DMA,
        pltpu.SemaphoreType.DMA,
        pltpu.SemaphoreType.DMA,
    ],
)
def _sc_segsum(y_hbm, ei_hbm, zeros_hbm, out_hbm,
               ix0, ix1, ix2, ix3, rows0, rows1, acc,
               si0, si1, si2, si3, sg0, sg1, ss0, ss1):
    cid = lax.axis_index("c")
    sid = lax.axis_index("s")
    wid = cid * 16 + sid
    base = wid * _NCHUNK
    ix = [ix0, ix1, ix2, ix3]
    si = [si0, si1, si2, si3]
    rb = [rows0, rows1]
    sg = [sg0, sg1]
    ss = [ss0, ss1]

    @pl.when(sid < 15)
    def _():
        pltpu.sync_copy(zeros_hbm.at[pl.ds(sid * _STRIPE, _STRIPE)],
                        acc.at[pl.ds(sid * _STRIPE, _STRIPE)])

    @pl.when(sid == 15)
    def _():
        pltpu.sync_copy(zeros_hbm.at[pl.ds(_LAST_OFF, _LAST_STRIPE)],
                        acc.at[pl.ds(_LAST_OFF, _LAST_STRIPE)])

    plsc.subcore_barrier()

    def idx_start(c, k):
        pltpu.make_async_copy(ei_hbm.at[base + c], ix[k], si[k]).start()

    def idx_wait(c, k):
        pltpu.make_async_copy(ei_hbm.at[base + c], ix[k], si[k]).wait()

    def gather_start(k, r):
        pltpu.make_async_copy(y_hbm.at[ix[k].at[0]], rb[r], sg[r]).start()

    def gather_wait(k, r):
        pltpu.make_async_copy(y_hbm.at[ix[k].at[0]], rb[r], sg[r]).wait()

    def scat_start(k, r):
        pltpu.make_async_copy(rb[r], acc.at[ix[k].at[1]],
                              ss[r]).start(add=True)

    def scat_wait(k, r):
        pltpu.make_async_copy(rb[r], acc.at[ix[k].at[1]], ss[r]).wait()

    idx_start(0, 0)
    idx_start(1, 1)
    idx_wait(0, 0); idx_start(2, 2); gather_start(0, 0)
    idx_wait(1, 1); idx_start(3, 3); gather_start(1, 1)
    gather_wait(0, 0); scat_start(0, 0)
    idx_wait(2, 2); scat_wait(0, 0); idx_start(4, 0); gather_start(2, 0)
    gather_wait(1, 1); scat_start(1, 1)
    idx_wait(3, 3); scat_wait(1, 1); idx_start(5, 1); gather_start(3, 1)
    gather_wait(2, 0); scat_start(2, 0)

    def body(m, carry):
        c = 4 * m
        for ki in range(4):
            kr = ki & 1
            idx_wait(c + ki, ki)
            scat_wait(ki - 2 & 3, kr)
            idx_start(c + ki + 2, ki + 2 & 3)
            gather_start(ki, kr)
            gather_wait(ki - 1 & 3, kr ^ 1)
            scat_start(ki - 1 & 3, kr ^ 1)
        return carry

    _R = 4 + _NCHUNK % 4
    lax.fori_loop(1, (_NCHUNK - _R) // 4, body, 0)
    for c in range(_NCHUNK - _R, _NCHUNK):
        ki, kr = c % 4, c % 2
        idx_wait(c, ki)
        scat_wait(ki - 2 & 3, kr)
        if c + 2 < _NCHUNK:
            idx_start(c + 2, ki + 2 & 3)
        gather_start(ki, kr)
        gather_wait(ki - 1 & 3, kr ^ 1)
        scat_start(ki - 1 & 3, kr ^ 1)
    _L = _NCHUNK - 1
    gather_wait(_L % 4, _L % 2)
    scat_start(_L % 4, _L % 2)
    scat_wait(_L - 1 & 3, _L - 1 & 1)
    scat_wait(_L % 4, _L % 2)

    plsc.subcore_barrier()

    @pl.when(sid < 15)
    def _():
        pltpu.sync_copy(acc.at[pl.ds(sid * _STRIPE, _STRIPE)],
                        out_hbm.at[pl.ds(cid * _N + sid * _STRIPE, _STRIPE)])

    @pl.when(sid == 15)
    def _():
        pltpu.sync_copy(acc.at[pl.ds(_LAST_OFF, _LAST_STRIPE)],
                        out_hbm.at[pl.ds(cid * _N + _LAST_OFF, _LAST_STRIPE)])


def _layer_body(p_ref, x_ref, wrel_ref, wroot_ref, brel_ref,
                batch_ref, h_ref, pool_h_ref, pool_x_ref):
    i = pl.program_id(0)
    h = jnp.dot(p_ref[...], wrel_ref[...], preferred_element_type=jnp.float32)
    h = h + jnp.dot(x_ref[...], wroot_ref[...],
                    preferred_element_type=jnp.float32)
    h = jnp.maximum(h + brel_ref[...], 0.0)
    h_ref[...] = h

    seg = batch_ref[0, 0, :]
    onehot_t = (lax.broadcasted_iota(jnp.int32, (_NSEG, _BN), 0)
                == seg[None, :]).astype(jnp.float32)

    @pl.when(i % (_NB // 2) == 0)
    def _():
        pool_h_ref[...] = jnp.zeros_like(pool_h_ref)
        pool_x_ref[...] = jnp.zeros_like(pool_x_ref)

    pool_h_ref[0] += jnp.dot(onehot_t, h, preferred_element_type=jnp.float32)
    pool_x_ref[0] += jnp.dot(onehot_t, x_ref[...],
                             preferred_element_type=jnp.float32)


def _tc_layer(p, x, wrel, wroot, brel, batch3):
    return pl.pallas_call(
        _layer_body,
        grid=(_NB,),
        in_specs=[
            pl.BlockSpec((_BN, _H), lambda i: (i, 0)),
            pl.BlockSpec((_BN, _H), lambda i: (i, 0)),
            pl.BlockSpec((_H, _H), lambda i: (0, 0)),
            pl.BlockSpec((_H, _H), lambda i: (0, 0)),
            pl.BlockSpec((1, _H), lambda i: (0, 0)),
            pl.BlockSpec((1, 1, _BN), lambda i: (i, 0, 0)),
        ],
        out_specs=[
            pl.BlockSpec((_BN, _H), lambda i: (i, 0)),
            pl.BlockSpec((1, _NSEG, _H), lambda i: (i // (_NB // 2), 0, 0)),
            pl.BlockSpec((1, _NSEG, _H), lambda i: (i // (_NB // 2), 0, 0)),
        ],
        out_shape=[
            jax.ShapeDtypeStruct((2 * _N, _H), jnp.float32),
            jax.ShapeDtypeStruct((2, _NSEG, _H), jnp.float32),
            jax.ShapeDtypeStruct((2, _NSEG, _H), jnp.float32),
        ],
    )(p, x, wrel, wroot, brel, batch3)


def _final_body(ps_ref, pt_ref, w_ref, b_ref, out_ref):
    def embed(p_ref):
        e = jnp.dot(p_ref[...], w_ref[...],
                    preferred_element_type=jnp.float32) + b_ref[...]
        n = jnp.sqrt(jnp.sum(e * e, axis=1, keepdims=True))
        return e / jnp.maximum(n, 1e-12)

    d = embed(ps_ref) - embed(pt_ref)
    out_ref[...] = jnp.sqrt(jnp.sum(d * d, axis=1, keepdims=True))


def _tc_final(ps, pt, w_emb, b_emb2):
    return pl.pallas_call(
        _final_body,
        out_shape=jax.ShapeDtypeStruct((_NSEG, 1), jnp.float32),
    )(ps, pt, w_emb, b_emb2)


def kernel(x_s, edge_index_s, edge_attr_s, x_t, edge_index_t, edge_attr_t,
           x_s_batch, x_t_batch, W_rel0, b_rel0, W_root0, W_rel1, b_rel1,
           W_root1, W_rel2, b_rel2, W_root2, W_emb, b_emb, virtual_embedding):
    del edge_attr_s, edge_attr_t, virtual_embedding
    layers = [(W_rel0, b_rel0.reshape(1, _H), W_root0),
              (W_rel1, b_rel1.reshape(1, _H), W_root1),
              (W_rel2, b_rel2.reshape(1, _H), W_root2)]
    zeros = jnp.zeros((_N, _H), jnp.float32)

    pad = ((0, 0), (0, _EPAD - _EPW))
    dpad = jnp.broadcast_to(
        _N + (jnp.arange(_EPAD - _EPW, dtype=jnp.int32) % _GPAD),
        (16, _EPAD - _EPW))
    src = jnp.concatenate([
        jnp.pad(edge_index_s[0].reshape(16, _EPW), pad),
        jnp.pad((edge_index_t[0] + _N).reshape(16, _EPW), pad),
    ]).reshape(32 * _NCHUNK, _CHUNK)
    dst = jnp.concatenate([
        jnp.concatenate([edge_index_s[1].reshape(16, _EPW), dpad], axis=1),
        jnp.concatenate([edge_index_t[1].reshape(16, _EPW), dpad], axis=1),
    ]).reshape(32 * _NCHUNK, _CHUNK)
    ei = jnp.stack([src, dst], axis=1)
    batch3 = jnp.concatenate([x_s_batch, x_t_batch]).reshape(_NB, 1, _BN)

    x = jnp.concatenate([x_s, x_t], axis=0)
    pooled = []
    h = x
    for l, (wrel, brel, wroot) in enumerate(layers):
        p = _sc_segsum(h, ei, zeros)
        h, pool_h, pool_in = _tc_layer(p, h, wrel, wroot, brel, batch3)
        if l == 0:
            pooled.append(pool_in)
        pooled.append(pool_h)

    ps = jnp.concatenate([q[0] for q in pooled], axis=1)
    pt = jnp.concatenate([q[1] for q in pooled], axis=1)
    geds = _tc_final(ps, pt, W_emb, b_emb.reshape(1, _NSEG))
    return geds.reshape(_NSEG)

# --- scband reference (transcript-rebuilt; emitter-appended) ---
"""Pipeline reference for scband-distance-net-57002805952696 (READ-ONLY COPY).

The authoritative reference and input builder live on the scoring server;
editing this copy changes nothing except your own understanding.
"""

import jax, jax.numpy as jnp
import numpy as np

N = 10000
E = 320000
D_IN = 128
H = 128
L = 3
EMB = 64
NSEG = 64


def setup_inputs(seed: int = 0) -> dict:
    key = jax.random.key(seed)
    ks = jax.random.split(key, 32)
    inp = {}
    inp['x_s'] = jax.random.normal(ks[0], (N, D_IN), dtype=jnp.float32)
    inp['edge_index_s'] = jax.random.randint(ks[1], (2, E), 0, N, dtype=jnp.int32)
    inp['edge_attr_s'] = jax.random.normal(ks[2], (E, 4), dtype=jnp.float32)
    inp['x_t'] = jax.random.normal(ks[3], (N, D_IN), dtype=jnp.float32)
    inp['edge_index_t'] = jax.random.randint(ks[4], (2, E), 0, N, dtype=jnp.int32)
    inp['edge_attr_t'] = jax.random.normal(ks[5], (E, 4), dtype=jnp.float32)
    inp['x_s_batch'] = jnp.sort(jax.random.randint(ks[6], (N,), 0, NSEG, dtype=jnp.int32))
    inp['x_t_batch'] = jnp.sort(jax.random.randint(ks[7], (N,), 0, NSEG, dtype=jnp.int32))
    kidx = 8
    dims = [(D_IN, H), (H, H), (H, H)]
    for l, (din, dout) in enumerate(dims):
        s = 1.0 / np.sqrt(din)
        inp['W_rel%d' % l] = jax.random.uniform(ks[kidx], (din, dout), minval=-s, maxval=s, dtype=jnp.float32); kidx += 1
        inp['b_rel%d' % l] = jnp.zeros((dout,), dtype=jnp.float32)
        inp['W_root%d' % l] = jax.random.uniform(ks[kidx], (din, dout), minval=-s, maxval=s, dtype=jnp.float32); kidx += 1
    din_emb = D_IN + L * H
    s = 1.0 / np.sqrt(din_emb)
    inp['W_emb'] = jax.random.uniform(ks[kidx], (din_emb, EMB), minval=-s, maxval=s, dtype=jnp.float32); kidx += 1
    inp['b_emb'] = jnp.zeros((EMB,), dtype=jnp.float32)
    inp['virtual_embedding'] = jax.random.uniform(ks[kidx], (EMB,), dtype=jnp.float32)
    return inp


def _normalize(x):
    return x / jnp.maximum(jnp.linalg.norm(x, axis=-1, keepdims=True), 1e-12)


def _graph_conv(x, src, dst, W_rel, b_rel, W_root):
    # PyG GraphConv with aggr='add': gather x at src, scatter-add to dst
    agg = jax.ops.segment_sum(x[src], dst, num_segments=N)
    return agg @ W_rel + b_rel + x @ W_root


def reference(x_s, edge_index_s, edge_attr_s, x_t, edge_index_t, edge_attr_t, x_s_batch, x_t_batch, W_rel0, b_rel0, W_root0, W_rel1, b_rel1, W_root1, W_rel2, b_rel2, W_root2, W_emb, b_emb, virtual_embedding):
    layers = [(W_rel0, b_rel0, W_root0), (W_rel1, b_rel1, W_root1), (W_rel2, b_rel2, W_root2)]
    npairs = NSEG

    def encode(x, ei, batch):
        embs = [x]
        for (Wr, br, Wo) in layers:
            h = _graph_conv(embs[-1], ei[0], ei[1], Wr, br, Wo)
            embs.append(jax.nn.relu(h))
        emb = jnp.concatenate(embs, axis=1)
        pooled = jax.ops.segment_sum(emb, batch, num_segments=npairs)
        return _normalize(pooled @ W_emb + b_emb)

    es = encode(x_s, edge_index_s, x_s_batch)
    et = encode(x_t, edge_index_t, x_t_batch)
    _virtual = _normalize(virtual_embedding)  # computed in torch forward but unused in output
    geds = jnp.linalg.norm(es - et, axis=-1)
    return geds

if __name__ == "__main__":
    import jax
    _d = setup_inputs()
    print(jax.jit(kernel)(*tuple(_d.values())))

</pallas_src>

<mosaic_0001>
#map = affine_map<(d0, d1) -> (0, 0)>
#map1 = affine_map<(d0, d1) -> (0, 0, 0)>
module attributes {stable_mosaic.version = 14 : i64} {
  func.func @_sc_segsum(%arg0: i32, %arg1: i32, %arg2: memref<20000x128xf32, #tpu.memory_space<hbm>>, %arg3: memref<7296x2x88xi32, #tpu.memory_space<hbm>>, %arg4: memref<10000x128xf32, #tpu.memory_space<hbm>>, %arg5: memref<20000x128xf32, #tpu.memory_space<hbm>>, %arg6: memref<2x88xi32, #tpu.memory_space<vmem>>, %arg7: memref<2x88xi32, #tpu.memory_space<vmem>>, %arg8: memref<2x88xi32, #tpu.memory_space<vmem>>, %arg9: memref<2x88xi32, #tpu.memory_space<vmem>>, %arg10: memref<88x128xf32, #tpu.memory_space<vmem>>, %arg11: memref<88x128xf32, #tpu.memory_space<vmem>>, %arg12: memref<10512x128xf32, #tpu.memory_space<vmem_shared>>, %arg13: memref<!tpu.dma_semaphore, #tpu.memory_space<semaphore_mem>>, %arg14: memref<!tpu.dma_semaphore, #tpu.memory_space<semaphore_mem>>, %arg15: memref<!tpu.dma_semaphore, #tpu.memory_space<semaphore_mem>>, %arg16: memref<!tpu.dma_semaphore, #tpu.memory_space<semaphore_mem>>, %arg17: memref<!tpu.dma_semaphore, #tpu.memory_space<semaphore_mem>>, %arg18: memref<!tpu.dma_semaphore, #tpu.memory_space<semaphore_mem>>, %arg19: memref<!tpu.dma_semaphore, #tpu.memory_space<semaphore_mem>>, %arg20: memref<!tpu.dma_semaphore, #tpu.memory_space<semaphore_mem>>) attributes {dimension_semantics = [#tpu.dimension_semantics<core_parallel>, #tpu.dimension_semantics<subcore_parallel>], iteration_bounds = array<i64: 2, 16>, scalar_prefetch = 0 : i64, scratch_operands = 15 : i64, tpu.core_type = #tpu.core_type<sc_vector_subcore>, window_params = [{transform_indices = #map}, {transform_indices = #map1}, {transform_indices = #map}, {transform_indices = #map}]} {
    %mul3A = arith.constant 16 : i32
    %mul3A_0 = arith.muli %arg0, %mul3A : i32
    %add3A = arith.addi %mul3A_0, %arg1 : i32
    %mul3A_1 = arith.constant 228 : i32
    %mul3A_2 = arith.muli %add3A, %mul3A_1 : i32
    %lt3A = arith.constant 15 : i32
    %lt3A_3 = arith.cmpi slt, %arg1, %lt3A : i32
    %convert_element_type3A = arith.extui %lt3A_3 : i1 to i32
    %cond3A = arith.constant 0 : i32
    %cond3A_4 = arith.cmpi ne, %convert_element_type3A, %cond3A : i32
    scf.if %cond3A_4 {
      %mul3A_407 = arith.constant 632 : i32
      %mul3A_408 = arith.muli %arg1, %mul3A_407 : i32
      %mul3A_409 = arith.constant 632 : i32
      %mul3A_410 = arith.muli %arg1, %mul3A_409 : i32
      "tpu.region"() ({
        %run_scoped3A = tpu.sem_alloc : memref<!tpu.dma_semaphore, #tpu.memory_space<semaphore_mem>>
        %dma_start3A_411 = arith.constant 0 : i32
        %dma_start3A_412 = tpu.memref_slice %arg12[%mul3A_410, %dma_start3A_411] : memref<10512x128xf32, #tpu.memory_space<vmem_shared>> -> memref<632x128xf32, #tpu.memory_space<vmem_shared>>
        %dma_start3A_413 = arith.constant 0 : i32
        %dma_start3A_414 = tpu.memref_slice %arg4[%mul3A_408, %dma_start3A_413] : memref<10000x128xf32, #tpu.memory_space<hbm>> -> memref<632x128xf32, #tpu.memory_space<hbm>>
        tpu.enqueue_dma source(%dma_start3A_414 : memref<632x128xf32, #tpu.memory_space<hbm>>) target(%dma_start3A_412 : memref<632x128xf32, #tpu.memory_space<vmem_shared>>) target_semaphore(%run_scoped3A : memref<!tpu.dma_semaphore, #tpu.memory_space<semaphore_mem>>)
        %dma_wait3A_415 = arith.constant 0 : i32
        %dma_wait3A_416 = tpu.memref_slice %arg12[%mul3A_410, %dma_wait3A_415] : memref<10512x128xf32, #tpu.memory_space<vmem_shared>> -> memref<632x128xf32, #tpu.memory_space<vmem_shared>>
        %dma_wait3A_417 = arith.constant 0 : i32
        %dma_wait3A_418 = tpu.memref_slice %arg4[%mul3A_408, %dma_wait3A_417] : memref<10000x128xf32, #tpu.memory_space<hbm>> -> memref<632x128xf32, #tpu.memory_space<hbm>>
        tpu.wait_dma2 semaphore(%run_scoped3A : memref<!tpu.dma_semaphore, #tpu.memory_space<semaphore_mem>>) src(%dma_wait3A_418 : memref<632x128xf32, #tpu.memory_space<hbm>>) dst(%dma_wait3A_416 : memref<632x128xf32, #tpu.memory_space<vmem_shared>>)
        tpu.yield
      }) : () -> ()
    } else {
    }
    %eq3A = arith.constant 15 : i32
    %eq3A_5 = arith.cmpi eq, %arg1, %eq3A : i32
    %convert_element_type3A_6 = arith.extui %eq3A_5 : i1 to i32
    %cond3A_7 = arith.constant 0 : i32
    %cond3A_8 = arith.cmpi ne, %convert_element_type3A_6, %cond3A_7 : i32
    scf.if %cond3A_8 {
      "tpu.region"() ({
        %run_scoped3A = tpu.sem_alloc : memref<!tpu.dma_semaphore, #tpu.memory_space<semaphore_mem>>
        %dma_start3A_407 = arith.constant 9480 : i32
        %dma_start3A_408 = arith.constant 0 : i32
        %dma_start3A_409 = tpu.memref_slice %arg12[%dma_start3A_407, %dma_start3A_408] : memref<10512x128xf32, #tpu.memory_space<vmem_shared>> -> memref<520x128xf32, #tpu.memory_space<vmem_shared>>
        %dma_start3A_410 = arith.constant 9480 : i32
        %dma_start3A_411 = arith.constant 0 : i32
        %dma_start3A_412 = tpu.memref_slice %arg4[%dma_start3A_410, %dma_start3A_411] : memref<10000x128xf32, #tpu.memory_space<hbm>> -> memref<520x128xf32, #tpu.memory_space<hbm>>
        tpu.enqueue_dma source(%dma_start3A_412 : memref<520x128xf32, #tpu.memory_space<hbm>>) target(%dma_start3A_409 : memref<520x128xf32, #tpu.memory_space<vmem_shared>>) target_semaphore(%run_scoped3A : memref<!tpu.dma_semaphore, #tpu.memory_space<semaphore_mem>>)
        %dma_wait3A_413 = arith.constant 9480 : i32
        %dma_wait3A_414 = arith.constant 0 : i32
        %dma_wait3A_415 = tpu.memref_slice %arg12[%dma_wait3A_413, %dma_wait3A_414] : memref<10512x128xf32, #tpu.memory_space<vmem_shared>> -> memref<520x128xf32, #tpu.memory_space<vmem_shared>>
        %dma_wait3A_416 = arith.constant 9480 : i32
        %dma_wait3A_417 = arith.constant 0 : i32
        %dma_wait3A_418 = tpu.memref_slice %arg4[%dma_wait3A_416, %dma_wait3A_417] : memref<10000x128xf32, #tpu.memory_space<hbm>> -> memref<520x128xf32, #tpu.memory_space<hbm>>
        tpu.wait_dma2 semaphore(%run_scoped3A : memref<!tpu.dma_semaphore, #tpu.memory_space<semaphore_mem>>) src(%dma_wait3A_418 : memref<520x128xf32, #tpu.memory_space<hbm>>) dst(%dma_wait3A_415 : memref<520x128xf32, #tpu.memory_space<vmem_shared>>)
        tpu.yield
      }) : () -> ()
    } else {
    }
    %barrier3A = arith.constant 0 : index
    tpu.barrier barrier_id(%barrier3A)
    %add3A_9 = arith.constant 0 : i32
    %add3A_10 = arith.addi %mul3A_2, %add3A_9 : i32
    %dma_start3A = arith.constant 0 : i32
    %dma_start3A_11 = arith.constant 0 : i32
    %dma_start3A_12 = tpu.memref_slice %arg3[%add3A_10, %dma_start3A, %dma_start3A_11] : memref<7296x2x88xi32, #tpu.memory_space<hbm>> -> memref<1x2x88xi32, #tpu.memory_space<hbm>>
    %dma_start3A_13 = tpu.memref_squeeze %dma_start3A_12 : memref<1x2x88xi32, #tpu.memory_space<hbm>> -> memref<2x88xi32, #tpu.memory_space<hbm>>
    %dma_start3A_14 = arith.constant 0 : i32
    %dma_start3A_15 = arith.constant 0 : i32
    %dma_start3A_16 = tpu.memref_slice %arg3[%add3A_10, %dma_start3A_14, %dma_start3A_15] : memref<7296x2x88xi32, #tpu.memory_space<hbm>> -> memref<1x2x88xi32, #tpu.memory_space<hbm>>
    %dma_start3A_17 = tpu.memref_squeeze %dma_start3A_16 : memref<1x2x88xi32, #tpu.memory_space<hbm>> -> memref<2x88xi32, #tpu.memory_space<hbm>>
    tpu.enqueue_dma source(%dma_start3A_17 : memref<2x88xi32, #tpu.memory_space<hbm>>) target(%arg6 : memref<2x88xi32, #tpu.memory_space<vmem>>) target_semaphore(%arg13 : memref<!tpu.dma_semaphore, #tpu.memory_space<semaphore_mem>>)
    %add3A_18 = arith.constant 1 : i32
    %add3A_19 = arith.addi %mul3A_2, %add3A_18 : i32
    %dma_start3A_20 = arith.constant 0 : i32
    %dma_start3A_21 = arith.constant 0 : i32
    %dma_start3A_22 = tpu.memref_slice %arg3[%add3A_19, %dma_start3A_20, %dma_start3A_21] : memref<7296x2x88xi32, #tpu.memory_space<hbm>> -> memref<1x2x88xi32, #tpu.memory_space<hbm>>
    %dma_start3A_23 = tpu.memref_squeeze %dma_start3A_22 : memref<1x2x88xi32, #tpu.memory_space<hbm>> -> memref<2x88xi32, #tpu.memory_space<hbm>>
    %dma_start3A_24 = arith.constant 0 : i32
    %dma_start3A_25 = arith.constant 0 : i32
    %dma_start3A_26 = tpu.memref_slice %arg3[%add3A_19, %dma_start3A_24, %dma_start3A_25] : memref<7296x2x88xi32, #tpu.memory_space<hbm>> -> memref<1x2x88xi32, #tpu.memory_space<hbm>>
    %dma_start3A_27 = tpu.memref_squeeze %dma_start3A_26 : memref<1x2x88xi32, #tpu.memory_space<hbm>> -> memref<2x88xi32, #tpu.memory_space<hbm>>
    tpu.enqueue_dma source(%dma_start3A_27 : memref<2x88xi32, #tpu.memory_space<hbm>>) target(%arg7 : memref<2x88xi32, #tpu.memory_space<vmem>>) target_semaphore(%arg14 : memref<!tpu.dma_semaphore, #tpu.memory_space<semaphore_mem>>)
    %add3A_28 = arith.constant 0 : i32
    %add3A_29 = arith.addi %mul3A_2, %add3A_28 : i32
    %dma_wait3A = arith.constant 0 : i32
    %dma_wait3A_30 = arith.constant 0 : i32
    %dma_wait3A_31 = tpu.memref_slice %arg3[%add3A_29, %dma_wait3A, %dma_wait3A_30] : memref<7296x2x88xi32, #tpu.memory_space<hbm>> -> memref<1x2x88xi32, #tpu.memory_space<hbm>>
    %dma_wait3A_32 = tpu.memref_squeeze %dma_wait3A_31 : memref<1x2x88xi32, #tpu.memory_space<hbm>> -> memref<2x88xi32, #tpu.memory_space<hbm>>
    %dma_wait3A_33 = arith.constant 0 : i32
    %dma_wait3A_34 = arith.constant 0 : i32
    %dma_wait3A_35 = tpu.memref_slice %arg3[%add3A_29, %dma_wait3A_33, %dma_wait3A_34] : memref<7296x2x88xi32, #tpu.memory_space<hbm>> -> memref<1x2x88xi32, #tpu.memory_space<hbm>>
    %dma_wait3A_36 = tpu.memref_squeeze %dma_wait3A_35 : memref<1x2x88xi32, #tpu.memory_space<hbm>> -> memref<2x88xi32, #tpu.memory_space<hbm>>
    tpu.wait_dma2 semaphore(%arg13 : memref<!tpu.dma_semaphore, #tpu.memory_space<semaphore_mem>>) src(%dma_wait3A_36 : memref<2x88xi32, #tpu.memory_space<hbm>>) dst(%arg6 : memref<2x88xi32, #tpu.memory_space<vmem>>)
    %add3A_37 = arith.constant 2 : i32
    %add3A_38 = arith.addi %mul3A_2, %add3A_37 : i32
    %dma_start3A_39 = arith.constant 0 : i32
    %dma_start3A_40 = arith.constant 0 : i32
    %dma_start3A_41 = tpu.memref_slice %arg3[%add3A_38, %dma_start3A_39, %dma_start3A_40] : memref<7296x2x88xi32, #tpu.memory_space<hbm>> -> memref<1x2x88xi32, #tpu.memory_space<hbm>>
    %dma_start3A_42 = tpu.memref_squeeze %dma_start3A_41 : memref<1x2x88xi32, #tpu.memory_space<hbm>> -> memref<2x88xi32, #tpu.memory_space<hbm>>
    %dma_start3A_43 = arith.constant 0 : i32
    %dma_start3A_44 = arith.constant 0 : i32
    %dma_start3A_45 = tpu.memref_slice %arg3[%add3A_38, %dma_start3A_43, %dma_start3A_44] : memref<7296x2x88xi32, #tpu.memory_space<hbm>> -> memref<1x2x88xi32, #tpu.memory_space<hbm>>
    %dma_start3A_46 = tpu.memref_squeeze %dma_start3A_45 : memref<1x2x88xi32, #tpu.memory_space<hbm>> -> memref<2x88xi32, #tpu.memory_space<hbm>>
    tpu.enqueue_dma source(%dma_start3A_46 : memref<2x88xi32, #tpu.memory_space<hbm>>) target(%arg8 : memref<2x88xi32, #tpu.memory_space<vmem>>) target_semaphore(%arg15 : memref<!tpu.dma_semaphore, #tpu.memory_space<semaphore_mem>>)
    %dma_start3A_47 = arith.constant 0 : i32
    %dma_start3A_48 = arith.constant 0 : i32
    %dma_start3A_49 = tpu.memref_slice %arg6[%dma_start3A_47, %dma_start3A_48] : memref<2x88xi32, #tpu.memory_space<vmem>> -> memref<1x88xi32, #tpu.memory_space<vmem>>
    %dma_start3A_50 = tpu.memref_squeeze %dma_start3A_49 : memref<1x88xi32, #tpu.memory_space<vmem>> -> memref<88xi32, #tpu.memory_space<vmem>>
    %dma_start3A_51 = arith.constant 0 : i32
    %dma_start3A_52 = arith.constant 0 : i32
    %dma_start3A_53 = tpu.memref_slice %arg2[%dma_start3A_51, %dma_start3A_52] : memref<20000x128xf32, #tpu.memory_space<hbm>> -> memref<20000x128xf32, #tpu.memory_space<hbm>>
    tpu.enqueue_indirect_dma source(%dma_start3A_53 : memref<20000x128xf32, #tpu.memory_space<hbm>>) target(%arg10 : memref<88x128xf32, #tpu.memory_space<vmem>>) offsets(%dma_start3A_50 : memref<88xi32, #tpu.memory_space<vmem>>) semaphore(%arg17 : memref<!tpu.dma_semaphore, #tpu.memory_space<semaphore_mem>>)
    %add3A_54 = arith.constant 1 : i32
    %add3A_55 = arith.addi %mul3A_2, %add3A_54 : i32
    %dma_wait3A_56 = arith.constant 0 : i32
    %dma_wait3A_57 = arith.constant 0 : i32
    %dma_wait3A_58 = tpu.memref_slice %arg3[%add3A_55, %dma_wait3A_56, %dma_wait3A_57] : memref<7296x2x88xi32, #tpu.memory_space<hbm>> -> memref<1x2x88xi32, #tpu.memory_space<hbm>>
    %dma_wait3A_59 = tpu.memref_squeeze %dma_wait3A_58 : memref<1x2x88xi32, #tpu.memory_space<hbm>> -> memref<2x88xi32, #tpu.memory_space<hbm>>
    %dma_wait3A_60 = arith.constant 0 : i32
    %dma_wait3A_61 = arith.constant 0 : i32
    %dma_wait3A_62 = tpu.memref_slice %arg3[%add3A_55, %dma_wait3A_60, %dma_wait3A_61] : memref<7296x2x88xi32, #tpu.memory_space<hbm>> -> memref<1x2x88xi32, #tpu.memory_space<hbm>>
    %dma_wait3A_63 = tpu.memref_squeeze %dma_wait3A_62 : memref<1x2x88xi32, #tpu.memory_space<hbm>> -> memref<2x88xi32, #tpu.memory_space<hbm>>
    tpu.wait_dma2 semaphore(%arg14 : memref<!tpu.dma_semaphore, #tpu.memory_space<semaphore_mem>>) src(%dma_wait3A_63 : memref<2x88xi32, #tpu.memory_space<hbm>>) dst(%arg7 : memref<2x88xi32, #tpu.memory_space<vmem>>)
    %add3A_64 = arith.constant 3 : i32
    %add3A_65 = arith.addi %mul3A_2, %add3A_64 : i32
    %dma_start3A_66 = arith.constant 0 : i32
    %dma_start3A_67 = arith.constant 0 : i32
    %dma_start3A_68 = tpu.memref_slice %arg3[%add3A_65, %dma_start3A_66, %dma_start3A_67] : memref<7296x2x88xi32, #tpu.memory_space<hbm>> -> memref<1x2x88xi32, #tpu.memory_space<hbm>>
    %dma_start3A_69 = tpu.memref_squeeze %dma_start3A_68 : memref<1x2x88xi32, #tpu.memory_space<hbm>> -> memref<2x88xi32, #tpu.memory_space<hbm>>
    %dma_start3A_70 = arith.constant 0 : i32
    %dma_start3A_71 = arith.constant 0 : i32
    %dma_start3A_72 = tpu.memref_slice %arg3[%add3A_65, %dma_start3A_70, %dma_start3A_71] : memref<7296x2x88xi32, #tpu.memory_space<hbm>> -> memref<1x2x88xi32, #tpu.memory_space<hbm>>
    %dma_start3A_73 = tpu.memref_squeeze %dma_start3A_72 : memref<1x2x88xi32, #tpu.memory_space<hbm>> -> memref<2x88xi32, #tpu.memory_space<hbm>>
    tpu.enqueue_dma source(%dma_start3A_73 : memref<2x88xi32, #tpu.memory_space<hbm>>) target(%arg9 : memref<2x88xi32, #tpu.memory_space<vmem>>) target_semaphore(%arg16 : memref<!tpu.dma_semaphore, #tpu.memory_space<semaphore_mem>>)
    %dma_start3A_74 = arith.constant 0 : i32
    %dma_start3A_75 = arith.constant 0 : i32
    %dma_start3A_76 = tpu.memref_slice %arg7[%dma_start3A_74, %dma_start3A_75] : memref<2x88xi32, #tpu.memory_space<vmem>> -> memref<1x88xi32, #tpu.memory_space<vmem>>
    %dma_start3A_77 = tpu.memref_squeeze %dma_start3A_76 : memref<1x88xi32, #tpu.memory_space<vmem>> -> memref<88xi32, #tpu.memory_space<vmem>>
    %dma_start3A_78 = arith.constant 0 : i32
    %dma_start3A_79 = arith.constant 0 : i32
    %dma_start3A_80 = tpu.memref_slice %arg2[%dma_start3A_78, %dma_start3A_79] : memref<20000x128xf32, #tpu.memory_space<hbm>> -> memref<20000x128xf32, #tpu.memory_space<hbm>>
    tpu.enqueue_indirect_dma source(%dma_start3A_80 : memref<20000x128xf32, #tpu.memory_space<hbm>>) target(%arg11 : memref<88x128xf32, #tpu.memory_space<vmem>>) offsets(%dma_start3A_77 : memref<88xi32, #tpu.memory_space<vmem>>) semaphore(%arg18 : memref<!tpu.dma_semaphore, #tpu.memory_space<semaphore_mem>>)
    %dma_wait3A_81 = arith.constant 0 : i32
    %dma_wait3A_82 = arith.constant 0 : i32
    %dma_wait3A_83 = tpu.memref_slice %arg6[%dma_wait3A_81, %dma_wait3A_82] : memref<2x88xi32, #tpu.memory_space<vmem>> -> memref<1x88xi32, #tpu.memory_space<vmem>>
    %dma_wait3A_84 = tpu.memref_squeeze %dma_wait3A_83 : memref<1x88xi32, #tpu.memory_space<vmem>> -> memref<88xi32, #tpu.memory_space<vmem>>
    %dma_wait3A_85 = arith.constant 0 : i32
    %dma_wait3A_86 = arith.constant 0 : i32
    %dma_wait3A_87 = tpu.memref_slice %arg2[%dma_wait3A_85, %dma_wait3A_86] : memref<20000x128xf32, #tpu.memory_space<hbm>> -> memref<20000x128xf32, #tpu.memory_space<hbm>>
    tpu.wait_indirect_dma semaphore(%arg17 : memref<!tpu.dma_semaphore, #tpu.memory_space<semaphore_mem>>) src(%dma_wait3A_87 : memref<20000x128xf32, #tpu.memory_space<hbm>>) dst(%arg10 : memref<88x128xf32, #tpu.memory_space<vmem>>)
    %dma_start3A_88 = arith.constant 1 : i32
    %dma_start3A_89 = arith.constant 0 : i32
    %dma_start3A_90 = tpu.memref_slice %arg6[%dma_start3A_88, %dma_start3A_89] : memref<2x88xi32, #tpu.memory_space<vmem>> -> memref<1x88xi32, #tpu.memory_space<vmem>>
    %dma_start3A_91 = tpu.memref_squeeze %dma_start3A_90 : memref<1x88xi32, #tpu.memory_space<vmem>> -> memref<88xi32, #tpu.memory_space<vmem>>
    %dma_start3A_92 = arith.constant 0 : i32
    %dma_start3A_93 = arith.constant 0 : i32
    %dma_start3A_94 = tpu.memref_slice %arg12[%dma_start3A_92, %dma_start3A_93] : memref<10512x128xf32, #tpu.memory_space<vmem_shared>> -> memref<10512x128xf32, #tpu.memory_space<vmem_shared>>
    tpu.enqueue_indirect_dma source(%arg10 : memref<88x128xf32, #tpu.memory_space<vmem>>) target(%dma_start3A_94 : memref<10512x128xf32, #tpu.memory_space<vmem_shared>>) offsets(%dma_start3A_91 : memref<88xi32, #tpu.memory_space<vmem>>) semaphore(%arg19 : memref<!tpu.dma_semaphore, #tpu.memory_space<semaphore_mem>>) {add = true}
    %add3A_95 = arith.constant 2 : i32
    %add3A_96 = arith.addi %mul3A_2, %add3A_95 : i32
    %dma_wait3A_97 = arith.constant 0 : i32
    %dma_wait3A_98 = arith.constant 0 : i32
    %dma_wait3A_99 = tpu.memref_slice %arg3[%add3A_96, %dma_wait3A_97, %dma_wait3A_98] : memref<7296x2x88xi32, #tpu.memory_space<hbm>> -> memref<1x2x88xi32, #tpu.memory_space<hbm>>
    %dma_wait3A_100 = tpu.memref_squeeze %dma_wait3A_99 : memref<1x2x88xi32, #tpu.memory_space<hbm>> -> memref<2x88xi32, #tpu.memory_space<hbm>>
    %dma_wait3A_101 = arith.constant 0 : i32
    %dma_wait3A_102 = arith.constant 0 : i32
    %dma_wait3A_103 = tpu.memref_slice %arg3[%add3A_96, %dma_wait3A_101, %dma_wait3A_102] : memref<7296x2x88xi32, #tpu.memory_space<hbm>> -> memref<1x2x88xi32, #tpu.memory_space<hbm>>
    %dma_wait3A_104 = tpu.memref_squeeze %dma_wait3A_103 : memref<1x2x88xi32, #tpu.memory_space<hbm>> -> memref<2x88xi32, #tpu.memory_space<hbm>>
    tpu.wait_dma2 semaphore(%arg15 : memref<!tpu.dma_semaphore, #tpu.memory_space<semaphore_mem>>) src(%dma_wait3A_104 : memref<2x88xi32, #tpu.memory_space<hbm>>) dst(%arg8 : memref<2x88xi32, #tpu.memory_space<vmem>>)
    %dma_wait3A_105 = arith.constant 1 : i32
    %dma_wait3A_106 = arith.constant 0 : i32
    %dma_wait3A_107 = tpu.memref_slice %arg6[%dma_wait3A_105, %dma_wait3A_106] : memref<2x88xi32, #tpu.memory_space<vmem>> -> memref<1x88xi32, #tpu.memory_space<vmem>>
    %dma_wait3A_108 = tpu.memref_squeeze %dma_wait3A_107 : memref<1x88xi32, #tpu.memory_space<vmem>> -> memref<88xi32, #tpu.memory_space<vmem>>
    %dma_wait3A_109 = arith.constant 0 : i32
    %dma_wait3A_110 = arith.constant 0 : i32
    %dma_wait3A_111 = tpu.memref_slice %arg12[%dma_wait3A_109, %dma_wait3A_110] : memref<10512x128xf32, #tpu.memory_space<vmem_shared>> -> memref<10512x128xf32, #tpu.memory_space<vmem_shared>>
    tpu.wait_indirect_dma semaphore(%arg19 : memref<!tpu.dma_semaphore, #tpu.memory_space<semaphore_mem>>) src(%arg10 : memref<88x128xf32, #tpu.memory_space<vmem>>) dst(%dma_wait3A_111 : memref<10512x128xf32, #tpu.memory_space<vmem_shared>>)
    %add3A_112 = arith.constant 4 : i32
    %add3A_113 = arith.addi %mul3A_2, %add3A_112 : i32
    %dma_start3A_114 = arith.constant 0 : i32
    %dma_start3A_115 = arith.constant 0 : i32
    %dma_start3A_116 = tpu.memref_slice %arg3[%add3A_113, %dma_start3A_114, %dma_start3A_115] : memref<7296x2x88xi32, #tpu.memory_space<hbm>> -> memref<1x2x88xi32, #tpu.memory_space<hbm>>
    %dma_start3A_117 = tpu.memref_squeeze %dma_start3A_116 : memref<1x2x88xi32, #tpu.memory_space<hbm>> -> memref<2x88xi32, #tpu.memory_space<hbm>>
    %dma_start3A_118 = arith.constant 0 : i32
    %dma_start3A_119 = arith.constant 0 : i32
    %dma_start3A_120 = tpu.memref_slice %arg3[%add3A_113, %dma_start3A_118, %dma_start3A_119] : memref<7296x2x88xi32, #tpu.memory_space<hbm>> -> memref<1x2x88xi32, #tpu.memory_space<hbm>>
    %dma_start3A_121 = tpu.memref_squeeze %dma_start3A_120 : memref<1x2x88xi32, #tpu.memory_space<hbm>> -> memref<2x88xi32, #tpu.memory_space<hbm>>
    tpu.enqueue_dma source(%dma_start3A_121 : memref<2x88xi32, #tpu.memory_space<hbm>>) target(%arg6 : memref<2x88xi32, #tpu.memory_space<vmem>>) target_semaphore(%arg13 : memref<!tpu.dma_semaphore, #tpu.memory_space<semaphore_mem>>)
    %dma_start3A_122 = arith.constant 0 : i32
    %dma_start3A_123 = arith.constant 0 : i32
    %dma_start3A_124 = tpu.memref_slice %arg8[%dma_start3A_122, %dma_start3A_123] : memref<2x88xi32, #tpu.memory_space<vmem>> -> memref<1x88xi32, #tpu.memory_space<vmem>>
    %dma_start3A_125 = tpu.memref_squeeze %dma_start3A_124 : memref<1x88xi32, #tpu.memory_space<vmem>> -> memref<88xi32, #tpu.memory_space<vmem>>
    %dma_start3A_126 = arith.constant 0 : i32
    %dma_start3A_127 = arith.constant 0 : i32
    %dma_start3A_128 = tpu.memref_slice %arg2[%dma_start3A_126, %dma_start3A_127] : memref<20000x128xf32, #tpu.memory_space<hbm>> -> memref<20000x128xf32, #tpu.memory_space<hbm>>
    tpu.enqueue_indirect_dma source(%dma_start3A_128 : memref<20000x128xf32, #tpu.memory_space<hbm>>) target(%arg10 : memref<88x128xf32, #tpu.memory_space<vmem>>) offsets(%dma_start3A_125 : memref<88xi32, #tpu.memory_space<vmem>>) semaphore(%arg17 : memref<!tpu.dma_semaphore, #tpu.memory_space<semaphore_mem>>)
    %dma_wait3A_129 = arith.constant 0 : i32
    %dma_wait3A_130 = arith.constant 0 : i32
    %dma_wait3A_131 = tpu.memref_slice %arg7[%dma_wait3A_129, %dma_wait3A_130] : memref<2x88xi32, #tpu.memory_space<vmem>> -> memref<1x88xi32, #tpu.memory_space<vmem>>
    %dma_wait3A_132 = tpu.memref_squeeze %dma_wait3A_131 : memref<1x88xi32, #tpu.memory_space<vmem>> -> memref<88xi32, #tpu.memory_space<vmem>>
    %dma_wait3A_133 = arith.constant 0 : i32
    %dma_wait3A_134 = arith.constant 0 : i32
    %dma_wait3A_135 = tpu.memref_slice %arg2[%dma_wait3A_133, %dma_wait3A_134] : memref<20000x128xf32, #tpu.memory_space<hbm>> -> memref<20000x128xf32, #tpu.memory_space<hbm>>
    tpu.wait_indirect_dma semaphore(%arg18 : memref<!tpu.dma_semaphore, #tpu.memory_space<semaphore_mem>>) src(%dma_wait3A_135 : memref<20000x128xf32, #tpu.memory_space<hbm>>) dst(%arg11 : memref<88x128xf32, #tpu.memory_space<vmem>>)
    %dma_start3A_136 = arith.constant 1 : i32
    %dma_start3A_137 = arith.constant 0 : i32
    %dma_start3A_138 = tpu.memref_slice %arg7[%dma_start3A_136, %dma_start3A_137] : memref<2x88xi32, #tpu.memory_space<vmem>> -> memref<1x88xi32, #tpu.memory_space<vmem>>
    %dma_start3A_139 = tpu.memref_squeeze %dma_start3A_138 : memref<1x88xi32, #tpu.memory_space<vmem>> -> memref<88xi32, #tpu.memory_space<vmem>>
    %dma_start3A_140 = arith.constant 0 : i32
    %dma_start3A_141 = arith.constant 0 : i32
    %dma_start3A_142 = tpu.memref_slice %arg12[%dma_start3A_140, %dma_start3A_141] : memref<10512x128xf32, #tpu.memory_space<vmem_shared>> -> memref<10512x128xf32, #tpu.memory_space<vmem_shared>>
    tpu.enqueue_indirect_dma source(%arg11 : memref<88x128xf32, #tpu.memory_space<vmem>>) target(%dma_start3A_142 : memref<10512x128xf32, #tpu.memory_space<vmem_shared>>) offsets(%dma_start3A_139 : memref<88xi32, #tpu.memory_space<vmem>>) semaphore(%arg20 : memref<!tpu.dma_semaphore, #tpu.memory_space<semaphore_mem>>) {add = true}
    %add3A_143 = arith.constant 3 : i32
    %add3A_144 = arith.addi %mul3A_2, %add3A_143 : i32
    %dma_wait3A_145 = arith.constant 0 : i32
    %dma_wait3A_146 = arith.constant 0 : i32
    %dma_wait3A_147 = tpu.memref_slice %arg3[%add3A_144, %dma_wait3A_145, %dma_wait3A_146] : memref<7296x2x88xi32, #tpu.memory_space<hbm>> -> memref<1x2x88xi32, #tpu.memory_space<hbm>>
    %dma_wait3A_148 = tpu.memref_squeeze %dma_wait3A_147 : memref<1x2x88xi32, #tpu.memory_space<hbm>> -> memref<2x88xi32, #tpu.memory_space<hbm>>
    %dma_wait3A_149 = arith.constant 0 : i32
    %dma_wait3A_150 = arith.constant 0 : i32
    %dma_wait3A_151 = tpu.memref_slice %arg3[%add3A_144, %dma_wait3A_149, %dma_wait3A_150] : memref<7296x2x88xi32, #tpu.memory_space<hbm>> -> memref<1x2x88xi32, #tpu.memory_space<hbm>>
    %dma_wait3A_152 = tpu.memref_squeeze %dma_wait3A_151 : memref<1x2x88xi32, #tpu.memory_space<hbm>> -> memref<2x88xi32, #tpu.memory_space<hbm>>
    tpu.wait_dma2 semaphore(%arg16 : memref<!tpu.dma_semaphore, #tpu.memory_space<semaphore_mem>>) src(%dma_wait3A_152 : memref<2x88xi32, #tpu.memory_space<hbm>>) dst(%arg9 : memref<2x88xi32, #tpu.memory_space<vmem>>)
    %dma_wait3A_153 = arith.constant 1 : i32
    %dma_wait3A_154 = arith.constant 0 : i32
    %dma_wait3A_155 = tpu.memref_slice %arg7[%dma_wait3A_153, %dma_wait3A_154] : memref<2x88xi32, #tpu.memory_space<vmem>> -> memref<1x88xi32, #tpu.memory_space<vmem>>
    %dma_wait3A_156 = tpu.memref_squeeze %dma_wait3A_155 : memref<1x88xi32, #tpu.memory_space<vmem>> -> memref<88xi32, #tpu.memory_space<vmem>>
    %dma_wait3A_157 = arith.constant 0 : i32
    %dma_wait3A_158 = arith.constant 0 : i32
    %dma_wait3A_159 = tpu.memref_slice %arg12[%dma_wait3A_157, %dma_wait3A_158] : memref<10512x128xf32, #tpu.memory_space<vmem_shared>> -> memref<10512x128xf32, #tpu.memory_space<vmem_shared>>
    tpu.wait_indirect_dma semaphore(%arg20 : memref<!tpu.dma_semaphore, #tpu.memory_space<semaphore_mem>>) src(%arg11 : memref<88x128xf32, #tpu.memory_space<vmem>>) dst(%dma_wait3A_159 : memref<10512x128xf32, #tpu.memory_space<vmem_shared>>)
    %add3A_160 = arith.constant 5 : i32
    %add3A_161 = arith.addi %mul3A_2, %add3A_160 : i32
    %dma_start3A_162 = arith.constant 0 : i32
    %dma_start3A_163 = arith.constant 0 : i32
    %dma_start3A_164 = tpu.memref_slice %arg3[%add3A_161, %dma_start3A_162, %dma_start3A_163] : memref<7296x2x88xi32, #tpu.memory_space<hbm>> -> memref<1x2x88xi32, #tpu.memory_space<hbm>>
    %dma_start3A_165 = tpu.memref_squeeze %dma_start3A_164 : memref<1x2x88xi32, #tpu.memory_space<hbm>> -> memref<2x88xi32, #tpu.memory_space<hbm>>
    %dma_start3A_166 = arith.constant 0 : i32
    %dma_start3A_167 = arith.constant 0 : i32
    %dma_start3A_168 = tpu.memref_slice %arg3[%add3A_161, %dma_start3A_166, %dma_start3A_167] : memref<7296x2x88xi32, #tpu.memory_space<hbm>> -> memref<1x2x88xi32, #tpu.memory_space<hbm>>
    %dma_start3A_169 = tpu.memref_squeeze %dma_start3A_168 : memref<1x2x88xi32, #tpu.memory_space<hbm>> -> memref<2x88xi32, #tpu.memory_space<hbm>>
    tpu.enqueue_dma source(%dma_start3A_169 : memref<2x88xi32, #tpu.memory_space<hbm>>) target(%arg7 : memref<2x88xi32, #tpu.memory_space<vmem>>) target_semaphore(%arg14 : memref<!tpu.dma_semaphore, #tpu.memory_space<semaphore_mem>>)
    %dma_start3A_170 = arith.constant 0 : i32
    %dma_start3A_171 = arith.constant 0 : i32
    %dma_start3A_172 = tpu.memref_slice %arg9[%dma_start3A_170, %dma_start3A_171] : memref<2x88xi32, #tpu.memory_space<vmem>> -> memref<1x88xi32, #tpu.memory_space<vmem>>
    %dma_start3A_173 = tpu.memref_squeeze %dma_start3A_172 : memref<1x88xi32, #tpu.memory_space<vmem>> -> memref<88xi32, #tpu.memory_space<vmem>>
    %dma_start3A_174 = arith.constant 0 : i32
    %dma_start3A_175 = arith.constant 0 : i32
    %dma_start3A_176 = tpu.memref_slice %arg2[%dma_start3A_174, %dma_start3A_175] : memref<20000x128xf32, #tpu.memory_space<hbm>> -> memref<20000x128xf32, #tpu.memory_space<hbm>>
    tpu.enqueue_indirect_dma source(%dma_start3A_176 : memref<20000x128xf32, #tpu.memory_space<hbm>>) target(%arg11 : memref<88x128xf32, #tpu.memory_space<vmem>>) offsets(%dma_start3A_173 : memref<88xi32, #tpu.memory_space<vmem>>) semaphore(%arg18 : memref<!tpu.dma_semaphore, #tpu.memory_space<semaphore_mem>>)
    %dma_wait3A_177 = arith.constant 0 : i32
    %dma_wait3A_178 = arith.constant 0 : i32
    %dma_wait3A_179 = tpu.memref_slice %arg8[%dma_wait3A_177, %dma_wait3A_178] : memref<2x88xi32, #tpu.memory_space<vmem>> -> memref<1x88xi32, #tpu.memory_space<vmem>>
    %dma_wait3A_180 = tpu.memref_squeeze %dma_wait3A_179 : memref<1x88xi32, #tpu.memory_space<vmem>> -> memref<88xi32, #tpu.memory_space<vmem>>
    %dma_wait3A_181 = arith.constant 0 : i32
    %dma_wait3A_182 = arith.constant 0 : i32
    %dma_wait3A_183 = tpu.memref_slice %arg2[%dma_wait3A_181, %dma_wait3A_182] : memref<20000x128xf32, #tpu.memory_space<hbm>> -> memref<20000x128xf32, #tpu.memory_space<hbm>>
    tpu.wait_indirect_dma semaphore(%arg17 : memref<!tpu.dma_semaphore, #tpu.memory_space<semaphore_mem>>) src(%dma_wait3A_183 : memref<20000x128xf32, #tpu.memory_space<hbm>>) dst(%arg10 : memref<88x128xf32, #tpu.memory_space<vmem>>)
    %dma_start3A_184 = arith.constant 1 : i32
    %dma_start3A_185 = arith.constant 0 : i32
    %dma_start3A_186 = tpu.memref_slice %arg8[%dma_start3A_184, %dma_start3A_185] : memref<2x88xi32, #tpu.memory_space<vmem>> -> memref<1x88xi32, #tpu.memory_space<vmem>>
    %dma_start3A_187 = tpu.memref_squeeze %dma_start3A_186 : memref<1x88xi32, #tpu.memory_space<vmem>> -> memref<88xi32, #tpu.memory_space<vmem>>
    %dma_start3A_188 = arith.constant 0 : i32
    %dma_start3A_189 = arith.constant 0 : i32
    %dma_start3A_190 = tpu.memref_slice %arg12[%dma_start3A_188, %dma_start3A_189] : memref<10512x128xf32, #tpu.memory_space<vmem_shared>> -> memref<10512x128xf32, #tpu.memory_space<vmem_shared>>
    tpu.enqueue_indirect_dma source(%arg10 : memref<88x128xf32, #tpu.memory_space<vmem>>) target(%dma_start3A_190 : memref<10512x128xf32, #tpu.memory_space<vmem_shared>>) offsets(%dma_start3A_187 : memref<88xi32, #tpu.memory_space<vmem>>) semaphore(%arg19 : memref<!tpu.dma_semaphore, #tpu.memory_space<semaphore_mem>>) {add = true}
    %scan3A = arith.constant 0 : i32
    %scan3A_191 = arith.constant 1 : i32
    %scan3A_192 = arith.constant 55 : i32
    %scan3A_193 = arith.addi %scan3A_191, %scan3A_192 : i32
    %scan3A_194 = arith.constant 1 : i32
    scf.for %scan3A_407 = %scan3A_191 to %scan3A_193 step %scan3A_194  : i32 {
      %mul3A_408 = arith.constant 4 : i32
      %mul3A_409 = arith.muli %mul3A_408, %scan3A_407 : i32
      %add3A_410 = arith.constant 0 : i32
      %add3A_411 = arith.addi %mul3A_409, %add3A_410 : i32
      %add3A_412 = arith.addi %mul3A_2, %add3A_411 : i32
      %dma_wait3A_413 = arith.constant 0 : i32
      %dma_wait3A_414 = arith.constant 0 : i32
      %dma_wait3A_415 = tpu.memref_slice %arg3[%add3A_412, %dma_wait3A_413, %dma_wait3A_414] : memref<7296x2x88xi32, #tpu.memory_space<hbm>> -> memref<1x2x88xi32, #tpu.memory_space<hbm>>
      %dma_wait3A_416 = tpu.memref_squeeze %dma_wait3A_415 : memref<1x2x88xi32, #tpu.memory_space<hbm>> -> memref<2x88xi32, #tpu.memory_space<hbm>>
      %dma_wait3A_417 = arith.constant 0 : i32
      %dma_wait3A_418 = arith.constant 0 : i32
      %dma_wait3A_419 = tpu.memref_slice %arg3[%add3A_412, %dma_wait3A_417, %dma_wait3A_418] : memref<7296x2x88xi32, #tpu.memory_space<hbm>> -> memref<1x2x88xi32, #tpu.memory_space<hbm>>
      %dma_wait3A_420 = tpu.memref_squeeze %dma_wait3A_419 : memref<1x2x88xi32, #tpu.memory_space<hbm>> -> memref<2x88xi32, #tpu.memory_space<hbm>>
      tpu.wait_dma2 semaphore(%arg13 : memref<!tpu.dma_semaphore, #tpu.memory_space<semaphore_mem>>) src(%dma_wait3A_420 : memref<2x88xi32, #tpu.memory_space<hbm>>) dst(%arg6 : memref<2x88xi32, #tpu.memory_space<vmem>>)
      %dma_wait3A_421 = arith.constant 1 : i32
      %dma_wait3A_422 = arith.constant 0 : i32
      %dma_wait3A_423 = tpu.memref_slice %arg8[%dma_wait3A_421, %dma_wait3A_422] : memref<2x88xi32, #tpu.memory_space<vmem>> -> memref<1x88xi32, #tpu.memory_space<vmem>>
      %dma_wait3A_424 = tpu.memref_squeeze %dma_wait3A_423 : memref<1x88xi32, #tpu.memory_space<vmem>> -> memref<88xi32, #tpu.memory_space<vmem>>
      %dma_wait3A_425 = arith.constant 0 : i32
      %dma_wait3A_426 = arith.constant 0 : i32
      %dma_wait3A_427 = tpu.memref_slice %arg12[%dma_wait3A_425, %dma_wait3A_426] : memref<10512x128xf32, #tpu.memory_space<vmem_shared>> -> memref<10512x128xf32, #tpu.memory_space<vmem_shared>>
      tpu.wait_indirect_dma semaphore(%arg19 : memref<!tpu.dma_semaphore, #tpu.memory_space<semaphore_mem>>) src(%arg10 : memref<88x128xf32, #tpu.memory_space<vmem>>) dst(%dma_wait3A_427 : memref<10512x128xf32, #tpu.memory_space<vmem_shared>>)
      %add3A_428 = arith.constant 0 : i32
      %add3A_429 = arith.addi %mul3A_409, %add3A_428 : i32
      %add3A_430 = arith.constant 2 : i32
      %add3A_431 = arith.addi %add3A_429, %add3A_430 : i32
      %add3A_432 = arith.addi %mul3A_2, %add3A_431 : i32
      %dma_start3A_433 = arith.constant 0 : i32
      %dma_start3A_434 = arith.constant 0 : i32
      %dma_start3A_435 = tpu.memref_slice %arg3[%add3A_432, %dma_start3A_433, %dma_start3A_434] : memref<7296x2x88xi32, #tpu.memory_space<hbm>> -> memref<1x2x88xi32, #tpu.memory_space<hbm>>
      %dma_start3A_436 = tpu.memref_squeeze %dma_start3A_435 : memref<1x2x88xi32, #tpu.memory_space<hbm>> -> memref<2x88xi32, #tpu.memory_space<hbm>>
      %dma_start3A_437 = arith.constant 0 : i32
      %dma_start3A_438 = arith.constant 0 : i32
      %dma_start3A_439 = tpu.memref_slice %arg3[%add3A_432, %dma_start3A_437, %dma_start3A_438] : memref<7296x2x88xi32, #tpu.memory_space<hbm>> -> memref<1x2x88xi32, #tpu.memory_space<hbm>>
      %dma_start3A_440 = tpu.memref_squeeze %dma_start3A_439 : memref<1x2x88xi32, #tpu.memory_space<hbm>> -> memref<2x88xi32, #tpu.memory_space<hbm>>
      tpu.enqueue_dma source(%dma_start3A_440 : memref<2x88xi32, #tpu.memory_space<hbm>>) target(%arg8 : memref<2x88xi32, #tpu.memory_space<vmem>>) target_semaphore(%arg15 : memref<!tpu.dma_semaphore, #tpu.memory_space<semaphore_mem>>)
      %dma_start3A_441 = arith.constant 0 : i32
      %dma_start3A_442 = arith.constant 0 : i32
      %dma_start3A_443 = tpu.memref_slice %arg6[%dma_start3A_441, %dma_start3A_442] : memref<2x88xi32, #tpu.memory_space<vmem>> -> memref<1x88xi32, #tpu.memory_space<vmem>>
      %dma_start3A_444 = tpu.memref_squeeze %dma_start3A_443 : memref<1x88xi32, #tpu.memory_space<vmem>> -> memref<88xi32, #tpu.memory_space<vmem>>
      %dma_start3A_445 = arith.constant 0 : i32
      %dma_start3A_446 = arith.constant 0 : i32
      %dma_start3A_447 = tpu.memref_slice %arg2[%dma_start3A_445, %dma_start3A_446] : memref<20000x128xf32, #tpu.memory_space<hbm>> -> memref<20000x128xf32, #tpu.memory_space<hbm>>
      tpu.enqueue_indirect_dma source(%dma_start3A_447 : memref<20000x128xf32, #tpu.memory_space<hbm>>) target(%arg10 : memref<88x128xf32, #tpu.memory_space<vmem>>) offsets(%dma_start3A_444 : memref<88xi32, #tpu.memory_space<vmem>>) semaphore(%arg17 : memref<!tpu.dma_semaphore, #tpu.memory_space<semaphore_mem>>)
      %dma_wait3A_448 = arith.constant 0 : i32
      %dma_wait3A_449 = arith.constant 0 : i32
      %dma_wait3A_450 = tpu.memref_slice %arg9[%dma_wait3A_448, %dma_wait3A_449] : memref<2x88xi32, #tpu.memory_space<vmem>> -> memref<1x88xi32, #tpu.memory_space<vmem>>
      %dma_wait3A_451 = tpu.memref_squeeze %dma_wait3A_450 : memref<1x88xi32, #tpu.memory_space<vmem>> -> memref<88xi32, #tpu.memory_space<vmem>>
      %dma_wait3A_452 = arith.constant 0 : i32
      %dma_wait3A_453 = arith.constant 0 : i32
      %dma_wait3A_454 = tpu.memref_slice %arg2[%dma_wait3A_452, %dma_wait3A_453] : memref<20000x128xf32, #tpu.memory_space<hbm>> -> memref<20000x128xf32, #tpu.memory_space<hbm>>
      tpu.wait_indirect_dma semaphore(%arg18 : memref<!tpu.dma_semaphore, #tpu.memory_space<semaphore_mem>>) src(%dma_wait3A_454 : memref<20000x128xf32, #tpu.memory_space<hbm>>) dst(%arg11 : memref<88x128xf32, #tpu.memory_space<vmem>>)
      %dma_start3A_455 = arith.constant 1 : i32
      %dma_start3A_456 = arith.constant 0 : i32
      %dma_start3A_457 = tpu.memref_slice %arg9[%dma_start3A_455, %dma_start3A_456] : memref<2x88xi32, #tpu.memory_space<vmem>> -> memref<1x88xi32, #tpu.memory_space<vmem>>
      %dma_start3A_458 = tpu.memref_squeeze %dma_start3A_457 : memref<1x88xi32, #tpu.memory_space<vmem>> -> memref<88xi32, #tpu.memory_space<vmem>>
      %dma_start3A_459 = arith.constant 0 : i32
      %dma_start3A_460 = arith.constant 0 : i32
      %dma_start3A_461 = tpu.memref_slice %arg12[%dma_start3A_459, %dma_start3A_460] : memref<10512x128xf32, #tpu.memory_space<vmem_shared>> -> memref<10512x128xf32, #tpu.memory_space<vmem_shared>>
      tpu.enqueue_indirect_dma source(%arg11 : memref<88x128xf32, #tpu.memory_space<vmem>>) target(%dma_start3A_461 : memref<10512x128xf32, #tpu.memory_space<vmem_shared>>) offsets(%dma_start3A_458 : memref<88xi32, #tpu.memory_space<vmem>>) semaphore(%arg20 : memref<!tpu.dma_semaphore, #tpu.memory_space<semaphore_mem>>) {add = true}
      %add3A_462 = arith.constant 1 : i32
      %add3A_463 = arith.addi %mul3A_409, %add3A_462 : i32
      %add3A_464 = arith.addi %mul3A_2, %add3A_463 : i32
      %dma_wait3A_465 = arith.constant 0 : i32
      %dma_wait3A_466 = arith.constant 0 : i32
      %dma_wait3A_467 = tpu.memref_slice %arg3[%add3A_464, %dma_wait3A_465, %dma_wait3A_466] : memref<7296x2x88xi32, #tpu.memory_space<hbm>> -> memref<1x2x88xi32, #tpu.memory_space<hbm>>
      %dma_wait3A_468 = tpu.memref_squeeze %dma_wait3A_467 : memref<1x2x88xi32, #tpu.memory_space<hbm>> -> memref<2x88xi32, #tpu.memory_space<hbm>>
      %dma_wait3A_469 = arith.constant 0 : i32
      %dma_wait3A_470 = arith.constant 0 : i32
      %dma_wait3A_471 = tpu.memref_slice %arg3[%add3A_464, %dma_wait3A_469, %dma_wait3A_470] : memref<7296x2x88xi32, #tpu.memory_space<hbm>> -> memref<1x2x88xi32, #tpu.memory_space<hbm>>
      %dma_wait3A_472 = tpu.memref_squeeze %dma_wait3A_471 : memref<1x2x88xi32, #tpu.memory_space<hbm>> -> memref<2x88xi32, #tpu.memory_space<hbm>>
      tpu.wait_dma2 semaphore(%arg14 : memref<!tpu.dma_semaphore, #tpu.memory_space<semaphore_mem>>) src(%dma_wait3A_472 : memref<2x88xi32, #tpu.memory_space<hbm>>) dst(%arg7 : memref<2x88xi32, #tpu.memory_space<vmem>>)
      %dma_wait3A_473 = arith.constant 1 : i32
      %dma_wait3A_474 = arith.constant 0 : i32
      %dma_wait3A_475 = tpu.memref_slice %arg9[%dma_wait3A_473, %dma_wait3A_474] : memref<2x88xi32, #tpu.memory_space<vmem>> -> memref<1x88xi32, #tpu.memory_space<vmem>>
      %dma_wait3A_476 = tpu.memref_squeeze %dma_wait3A_475 : memref<1x88xi32, #tpu.memory_space<vmem>> -> memref<88xi32, #tpu.memory_space<vmem>>
      %dma_wait3A_477 = arith.constant 0 : i32
      %dma_wait3A_478 = arith.constant 0 : i32
      %dma_wait3A_479 = tpu.memref_slice %arg12[%dma_wait3A_477, %dma_wait3A_478] : memref<10512x128xf32, #tpu.memory_space<vmem_shared>> -> memref<10512x128xf32, #tpu.memory_space<vmem_shared>>
      tpu.wait_indirect_dma semaphore(%arg20 : memref<!tpu.dma_semaphore, #tpu.memory_space<semaphore_mem>>) src(%arg11 : memref<88x128xf32, #tpu.memory_space<vmem>>) dst(%dma_wait3A_479 : memref<10512x128xf32, #tpu.memory_space<vmem_shared>>)
      %add3A_480 = arith.constant 1 : i32
      %add3A_481 = arith.addi %mul3A_409, %add3A_480 : i32
      %add3A_482 = arith.constant 2 : i32
      %add3A_483 = arith.addi %add3A_481, %add3A_482 : i32
      %add3A_484 = arith.addi %mul3A_2, %add3A_483 : i32
      %dma_start3A_485 = arith.constant 0 : i32
      %dma_start3A_486 = arith.constant 0 : i32
      %dma_start3A_487 = tpu.memref_slice %arg3[%add3A_484, %dma_start3A_485, %dma_start3A_486] : memref<7296x2x88xi32, #tpu.memory_space<hbm>> -> memref<1x2x88xi32, #tpu.memory_space<hbm>>
      %dma_start3A_488 = tpu.memref_squeeze %dma_start3A_487 : memref<1x2x88xi32, #tpu.memory_space<hbm>> -> memref<2x88xi32, #tpu.memory_space<hbm>>
      %dma_start3A_489 = arith.constant 0 : i32
      %dma_start3A_490 = arith.constant 0 : i32
      %dma_start3A_491 = tpu.memref_slice %arg3[%add3A_484, %dma_start3A_489, %dma_start3A_490] : memref<7296x2x88xi32, #tpu.memory_space<hbm>> -> memref<1x2x88xi32, #tpu.memory_space<hbm>>
      %dma_start3A_492 = tpu.memref_squeeze %dma_start3A_491 : memref<1x2x88xi32, #tpu.memory_space<hbm>> -> memref<2x88xi32, #tpu.memory_space<hbm>>
      tpu.enqueue_dma source(%dma_start3A_492 : memref<2x88xi32, #tpu.memory_space<hbm>>) target(%arg9 : memref<2x88xi32, #tpu.memory_space<vmem>>) target_semaphore(%arg16 : memref<!tpu.dma_semaphore, #tpu.memory_space<semaphore_mem>>)
      %dma_start3A_493 = arith.constant 0 : i32
      %dma_start3A_494 = arith.constant 0 : i32
      %dma_start3A_495 = tpu.memref_slice %arg7[%dma_start3A_493, %dma_start3A_494] : memref<2x88xi32, #tpu.memory_space<vmem>> -> memref<1x88xi32, #tpu.memory_space<vmem>>
      %dma_start3A_496 = tpu.memref_squeeze %dma_start3A_495 : memref<1x88xi32, #tpu.memory_space<vmem>> -> memref<88xi32, #tpu.memory_space<vmem>>
      %dma_start3A_497 = arith.constant 0 : i32
      %dma_start3A_498 = arith.constant 0 : i32
      %dma_start3A_499 = tpu.memref_slice %arg2[%dma_start3A_497, %dma_start3A_498] : memref<20000x128xf32, #tpu.memory_space<hbm>> -> memref<20000x128xf32, #tpu.memory_space<hbm>>
      tpu.enqueue_indirect_dma source(%dma_start3A_499 : memref<20000x128xf32, #tpu.memory_space<hbm>>) target(%arg11 : memref<88x128xf32, #tpu.memory_space<vmem>>) offsets(%dma_start3A_496 : memref<88xi32, #tpu.memory_space<vmem>>) semaphore(%arg18 : memref<!tpu.dma_semaphore, #tpu.memory_space<semaphore_mem>>)
      %dma_wait3A_500 = arith.constant 0 : i32
      %dma_wait3A_501 = arith.constant 0 : i32
      %dma_wait3A_502 = tpu.memref_slice %arg6[%dma_wait3A_500, %dma_wait3A_501] : memref<2x88xi32, #tpu.memory_space<vmem>> -> memref<1x88xi32, #tpu.memory_space<vmem>>
      %dma_wait3A_503 = tpu.memref_squeeze %dma_wait3A_502 : memref<1x88xi32, #tpu.memory_space<vmem>> -> memref<88xi32, #tpu.memory_space<vmem>>
      %dma_wait3A_504 = arith.constant 0 : i32
      %dma_wait3A_505 = arith.constant 0 : i32
      %dma_wait3A_506 = tpu.memref_slice %arg2[%dma_wait3A_504, %dma_wait3A_505] : memref<20000x128xf32, #tpu.memory_space<hbm>> -> memref<20000x128xf32, #tpu.memory_space<hbm>>
      tpu.wait_indirect_dma semaphore(%arg17 : memref<!tpu.dma_semaphore, #tpu.memory_space<semaphore_mem>>) src(%dma_wait3A_506 : memref<20000x128xf32, #tpu.memory_space<hbm>>) dst(%arg10 : memref<88x128xf32, #tpu.memory_space<vmem>>)
      %dma_start3A_507 = arith.constant 1 : i32
      %dma_start3A_508 = arith.constant 0 : i32
      %dma_start3A_509 = tpu.memref_slice %arg6[%dma_start3A_507, %dma_start3A_508] : memref<2x88xi32, #tpu.memory_space<vmem>> -> memref<1x88xi32, #tpu.memory_space<vmem>>
      %dma_start3A_510 = tpu.memref_squeeze %dma_start3A_509 : memref<1x88xi32, #tpu.memory_space<vmem>> -> memref<88xi32, #tpu.memory_space<vmem>>
      %dma_start3A_511 = arith.constant 0 : i32
      %dma_start3A_512 = arith.constant 0 : i32
      %dma_start3A_513 = tpu.memref_slice %arg12[%dma_start3A_511, %dma_start3A_512] : memref<10512x128xf32, #tpu.memory_space<vmem_shared>> -> memref<10512x128xf32, #tpu.memory_space<vmem_shared>>
      tpu.enqueue_indirect_dma source(%arg10 : memref<88x128xf32, #tpu.memory_space<vmem>>) target(%dma_start3A_513 : memref<10512x128xf32, #tpu.memory_space<vmem_shared>>) offsets(%dma_start3A_510 : memref<88xi32, #tpu.memory_space<vmem>>) semaphore(%arg19 : memref<!tpu.dma_semaphore, #tpu.memory_space<semaphore_mem>>) {add = true}
      %add3A_514 = arith.constant 2 : i32
      %add3A_515 = arith.addi %mul3A_409, %add3A_514 : i32
      %add3A_516 = arith.addi %mul3A_2, %add3A_515 : i32
      %dma_wait3A_517 = arith.constant 0 : i32
      %dma_wait3A_518 = arith.constant 0 : i32
      %dma_wait3A_519 = tpu.memref_slice %arg3[%add3A_516, %dma_wait3A_517, %dma_wait3A_518] : memref<7296x2x88xi32, #tpu.memory_space<hbm>> -> memref<1x2x88xi32, #tpu.memory_space<hbm>>
      %dma_wait3A_520 = tpu.memref_squeeze %dma_wait3A_519 : memref<1x2x88xi32, #tpu.memory_space<hbm>> -> memref<2x88xi32, #tpu.memory_space<hbm>>
      %dma_wait3A_521 = arith.constant 0 : i32
      %dma_wait3A_522 = arith.constant 0 : i32
      %dma_wait3A_523 = tpu.memref_slice %arg3[%add3A_516, %dma_wait3A_521, %dma_wait3A_522] : memref<7296x2x88xi32, #tpu.memory_space<hbm>> -> memref<1x2x88xi32, #tpu.memory_space<hbm>>
      %dma_wait3A_524 = tpu.memref_squeeze %dma_wait3A_523 : memref<1x2x88xi32, #tpu.memory_space<hbm>> -> memref<2x88xi32, #tpu.memory_space<hbm>>
      tpu.wait_dma2 semaphore(%arg15 : memref<!tpu.dma_semaphore, #tpu.memory_space<semaphore_mem>>) src(%dma_wait3A_524 : memref<2x88xi32, #tpu.memory_space<hbm>>) dst(%arg8 : memref<2x88xi32, #tpu.memory_space<vmem>>)
      %dma_wait3A_525 = arith.constant 1 : i32
      %dma_wait3A_526 = arith.constant 0 : i32
      %dma_wait3A_527 = tpu.memref_slice %arg6[%dma_wait3A_525, %dma_wait3A_526] : memref<2x88xi32, #tpu.memory_space<vmem>> -> memref<1x88xi32, #tpu.memory_space<vmem>>
      %dma_wait3A_528 = tpu.memref_squeeze %dma_wait3A_527 : memref<1x88xi32, #tpu.memory_space<vmem>> -> memref<88xi32, #tpu.memory_space<vmem>>
      %dma_wait3A_529 = arith.constant 0 : i32
      %dma_wait3A_530 = arith.constant 0 : i32
      %dma_wait3A_531 = tpu.memref_slice %arg12[%dma_wait3A_529, %dma_wait3A_530] : memref<10512x128xf32, #tpu.memory_space<vmem_shared>> -> memref<10512x128xf32, #tpu.memory_space<vmem_shared>>
      tpu.wait_indirect_dma semaphore(%arg19 : memref<!tpu.dma_semaphore, #tpu.memory_space<semaphore_mem>>) src(%arg10 : memref<88x128xf32, #tpu.memory_space<vmem>>) dst(%dma_wait3A_531 : memref<10512x128xf32, #tpu.memory_space<vmem_shared>>)
      %add3A_532 = arith.constant 2 : i32
      %add3A_533 = arith.addi %mul3A_409, %add3A_532 : i32
      %add3A_534 = arith.constant 2 : i32
      %add3A_535 = arith.addi %add3A_533, %add3A_534 : i32
      %add3A_536 = arith.addi %mul3A_2, %add3A_535 : i32
      %dma_start3A_537 = arith.constant 0 : i32
      %dma_start3A_538 = arith.constant 0 : i32
      %dma_start3A_539 = tpu.memref_slice %arg3[%add3A_536, %dma_start3A_537, %dma_start3A_538] : memref<7296x2x88xi32, #tpu.memory_space<hbm>> -> memref<1x2x88xi32, #tpu.memory_space<hbm>>
      %dma_start3A_540 = tpu.memref_squeeze %dma_start3A_539 : memref<1x2x88xi32, #tpu.memory_space<hbm>> -> memref<2x88xi32, #tpu.memory_space<hbm>>
      %dma_start3A_541 = arith.constant 0 : i32
      %dma_start3A_542 = arith.constant 0 : i32
      %dma_start3A_543 = tpu.memref_slice %arg3[%add3A_536, %dma_start3A_541, %dma_start3A_542] : memref<7296x2x88xi32, #tpu.memory_space<hbm>> -> memref<1x2x88xi32, #tpu.memory_space<hbm>>
      %dma_start3A_544 = tpu.memref_squeeze %dma_start3A_543 : memref<1x2x88xi32, #tpu.memory_space<hbm>> -> memref<2x88xi32, #tpu.memory_space<hbm>>
      tpu.enqueue_dma source(%dma_start3A_544 : memref<2x88xi32, #tpu.memory_space<hbm>>) target(%arg6 : memref<2x88xi32, #tpu.memory_space<vmem>>) target_semaphore(%arg13 : memref<!tpu.dma_semaphore, #tpu.memory_space<semaphore_mem>>)
      %dma_start3A_545 = arith.constant 0 : i32
      %dma_start3A_546 = arith.constant 0 : i32
      %dma_start3A_547 = tpu.memref_slice %arg8[%dma_start3A_545, %dma_start3A_546] : memref<2x88xi32, #tpu.memory_space<vmem>> -> memref<1x88xi32, #tpu.memory_space<vmem>>
      %dma_start3A_548 = tpu.memref_squeeze %dma_start3A_547 : memref<1x88xi32, #tpu.memory_space<vmem>> -> memref<88xi32, #tpu.memory_space<vmem>>
      %dma_start3A_549 = arith.constant 0 : i32
      %dma_start3A_550 = arith.constant 0 : i32
      %dma_start3A_551 = tpu.memref_slice %arg2[%dma_start3A_549, %dma_start3A_550] : memref<20000x128xf32, #tpu.memory_space<hbm>> -> memref<20000x128xf32, #tpu.memory_space<hbm>>
      tpu.enqueue_indirect_dma source(%dma_start3A_551 : memref<20000x128xf32, #tpu.memory_space<hbm>>) target(%arg10 : memref<88x128xf32, #tpu.memory_space<vmem>>) offsets(%dma_start3A_548 : memref<88xi32, #tpu.memory_space<vmem>>) semaphore(%arg17 : memref<!tpu.dma_semaphore, #tpu.memory_space<semaphore_mem>>)
      %dma_wait3A_552 = arith.constant 0 : i32
      %dma_wait3A_553 = arith.constant 0 : i32
      %dma_wait3A_554 = tpu.memref_slice %arg7[%dma_wait3A_552, %dma_wait3A_553] : memref<2x88xi32, #tpu.memory_space<vmem>> -> memref<1x88xi32, #tpu.memory_space<vmem>>
      %dma_wait3A_555 = tpu.memref_squeeze %dma_wait3A_554 : memref<1x88xi32, #tpu.memory_space<vmem>> -> memref<88xi32, #tpu.memory_space<vmem>>
      %dma_wait3A_556 = arith.constant 0 : i32
      %dma_wait3A_557 = arith.constant 0 : i32
      %dma_wait3A_558 = tpu.memref_slice %arg2[%dma_wait3A_556, %dma_wait3A_557] : memref<20000x128xf32, #tpu.memory_space<hbm>> -> memref<20000x128xf32, #tpu.memory_space<hbm>>
      tpu.wait_indirect_dma semaphore(%arg18 : memref<!tpu.dma_semaphore, #tpu.memory_space<semaphore_mem>>) src(%dma_wait3A_558 : memref<20000x128xf32, #tpu.memory_space<hbm>>) dst(%arg11 : memref<88x128xf32, #tpu.memory_space<vmem>>)
      %dma_start3A_559 = arith.constant 1 : i32
      %dma_start3A_560 = arith.constant 0 : i32
      %dma_start3A_561 = tpu.memref_slice %arg7[%dma_start3A_559, %dma_start3A_560] : memref<2x88xi32, #tpu.memory_space<vmem>> -> memref<1x88xi32, #tpu.memory_space<vmem>>
      %dma_start3A_562 = tpu.memref_squeeze %dma_start3A_561 : memref<1x88xi32, #tpu.memory_space<vmem>> -> memref<88xi32, #tpu.memory_space<vmem>>
      %dma_start3A_563 = arith.constant 0 : i32
      %dma_start3A_564 = arith.constant 0 : i32
      %dma_start3A_565 = tpu.memref_slice %arg12[%dma_start3A_563, %dma_start3A_564] : memref<10512x128xf32, #tpu.memory_space<vmem_shared>> -> memref<10512x128xf32, #tpu.memory_space<vmem_shared>>
      tpu.enqueue_indirect_dma source(%arg11 : memref<88x128xf32, #tpu.memory_space<vmem>>) target(%dma_start3A_565 : memref<10512x128xf32, #tpu.memory_space<vmem_shared>>) offsets(%dma_start3A_562 : memref<88xi32, #tpu.memory_space<vmem>>) semaphore(%arg20 : memref<!tpu.dma_semaphore, #tpu.memory_space<semaphore_mem>>) {add = true}
      %add3A_566 = arith.constant 3 : i32
      %add3A_567 = arith.addi %mul3A_409, %add3A_566 : i32
      %add3A_568 = arith.addi %mul3A_2, %add3A_567 : i32
      %dma_wait3A_569 = arith.constant 0 : i32
      %dma_wait3A_570 = arith.constant 0 : i32
      %dma_wait3A_571 = tpu.memref_slice %arg3[%add3A_568, %dma_wait3A_569, %dma_wait3A_570] : memref<7296x2x88xi32, #tpu.memory_space<hbm>> -> memref<1x2x88xi32, #tpu.memory_space<hbm>>
      %dma_wait3A_572 = tpu.memref_squeeze %dma_wait3A_571 : memref<1x2x88xi32, #tpu.memory_space<hbm>> -> memref<2x88xi32, #tpu.memory_space<hbm>>
      %dma_wait3A_573 = arith.constant 0 : i32
      %dma_wait3A_574 = arith.constant 0 : i32
      %dma_wait3A_575 = tpu.memref_slice %arg3[%add3A_568, %dma_wait3A_573, %dma_wait3A_574] : memref<7296x2x88xi32, #tpu.memory_space<hbm>> -> memref<1x2x88xi32, #tpu.memory_space<hbm>>
      %dma_wait3A_576 = tpu.memref_squeeze %dma_wait3A_575 : memref<1x2x88xi32, #tpu.memory_space<hbm>> -> memref<2x88xi32, #tpu.memory_space<hbm>>
      tpu.wait_dma2 semaphore(%arg16 : memref<!tpu.dma_semaphore, #tpu.memory_space<semaphore_mem>>) src(%dma_wait3A_576 : memref<2x88xi32, #tpu.memory_space<hbm>>) dst(%arg9 : memref<2x88xi32, #tpu.memory_space<vmem>>)
      %dma_wait3A_577 = arith.constant 1 : i32
      %dma_wait3A_578 = arith.constant 0 : i32
      %dma_wait3A_579 = tpu.memref_slice %arg7[%dma_wait3A_577, %dma_wait3A_578] : memref<2x88xi32, #tpu.memory_space<vmem>> -> memref<1x88xi32, #tpu.memory_space<vmem>>
      %dma_wait3A_580 = tpu.memref_squeeze %dma_wait3A_579 : memref<1x88xi32, #tpu.memory_space<vmem>> -> memref<88xi32, #tpu.memory_space<vmem>>
      %dma_wait3A_581 = arith.constant 0 : i32
      %dma_wait3A_582 = arith.constant 0 : i32
      %dma_wait3A_583 = tpu.memref_slice %arg12[%dma_wait3A_581, %dma_wait3A_582] : memref<10512x128xf32, #tpu.memory_space<vmem_shared>> -> memref<10512x128xf32, #tpu.memory_space<vmem_shared>>
      tpu.wait_indirect_dma semaphore(%arg20 : memref<!tpu.dma_semaphore, #tpu.memory_space<semaphore_mem>>) src(%arg11 : memref<88x128xf32, #tpu.memory_space<vmem>>) dst(%dma_wait3A_583 : memref<10512x128xf32, #tpu.memory_space<vmem_shared>>)
      %add3A_584 = arith.constant 3 : i32
      %add3A_585 = arith.addi %mul3A_409, %add3A_584 : i32
      %add3A_586 = arith.constant 2 : i32
      %add3A_587 = arith.addi %add3A_585, %add3A_586 : i32
      %add3A_588 = arith.addi %mul3A_2, %add3A_587 : i32
      %dma_start3A_589 = arith.constant 0 : i32
      %dma_start3A_590 = arith.constant 0 : i32
      %dma_start3A_591 = tpu.memref_slice %arg3[%add3A_588, %dma_start3A_589, %dma_start3A_590] : memref<7296x2x88xi32, #tpu.memory_space<hbm>> -> memref<1x2x88xi32, #tpu.memory_space<hbm>>
      %dma_start3A_592 = tpu.memref_squeeze %dma_start3A_591 : memref<1x2x88xi32, #tpu.memory_space<hbm>> -> memref<2x88xi32, #tpu.memory_space<hbm>>
      %dma_start3A_593 = arith.constant 0 : i32
      %dma_start3A_594 = arith.constant 0 : i32
      %dma_start3A_595 = tpu.memref_slice %arg3[%add3A_588, %dma_start3A_593, %dma_start3A_594] : memref<7296x2x88xi32, #tpu.memory_space<hbm>> -> memref<1x2x88xi32, #tpu.memory_space<hbm>>
      %dma_start3A_596 = tpu.memref_squeeze %dma_start3A_595 : memref<1x2x88xi32, #tpu.memory_space<hbm>> -> memref<2x88xi32, #tpu.memory_space<hbm>>
      tpu.enqueue_dma source(%dma_start3A_596 : memref<2x88xi32, #tpu.memory_space<hbm>>) target(%arg7 : memref<2x88xi32, #tpu.memory_space<vmem>>) target_semaphore(%arg14 : memref<!tpu.dma_semaphore, #tpu.memory_space<semaphore_mem>>)
      %dma_start3A_597 = arith.constant 0 : i32
      %dma_start3A_598 = arith.constant 0 : i32
      %dma_start3A_599 = tpu.memref_slice %arg9[%dma_start3A_597, %dma_start3A_598] : memref<2x88xi32, #tpu.memory_space<vmem>> -> memref<1x88xi32, #tpu.memory_space<vmem>>
      %dma_start3A_600 = tpu.memref_squeeze %dma_start3A_599 : memref<1x88xi32, #tpu.memory_space<vmem>> -> memref<88xi32, #tpu.memory_space<vmem>>
      %dma_start3A_601 = arith.constant 0 : i32
      %dma_start3A_602 = arith.constant 0 : i32
      %dma_start3A_603 = tpu.memref_slice %arg2[%dma_start3A_601, %dma_start3A_602] : memref<20000x128xf32, #tpu.memory_space<hbm>> -> memref<20000x128xf32, #tpu.memory_space<hbm>>
      tpu.enqueue_indirect_dma source(%dma_start3A_603 : memref<20000x128xf32, #tpu.memory_space<hbm>>) target(%arg11 : memref<88x128xf32, #tpu.memory_space<vmem>>) offsets(%dma_start3A_600 : memref<88xi32, #tpu.memory_space<vmem>>) semaphore(%arg18 : memref<!tpu.dma_semaphore, #tpu.memory_space<semaphore_mem>>)
      %dma_wait3A_604 = arith.constant 0 : i32
      %dma_wait3A_605 = arith.constant 0 : i32
      %dma_wait3A_606 = tpu.memref_slice %arg8[%dma_wait3A_604, %dma_wait3A_605] : memref<2x88xi32, #tpu.memory_space<vmem>> -> memref<1x88xi32, #tpu.memory_space<vmem>>
      %dma_wait3A_607 = tpu.memref_squeeze %dma_wait3A_606 : memref<1x88xi32, #tpu.memory_space<vmem>> -> memref<88xi32, #tpu.memory_space<vmem>>
      %dma_wait3A_608 = arith.constant 0 : i32
      %dma_wait3A_609 = arith.constant 0 : i32
      %dma_wait3A_610 = tpu.memref_slice %arg2[%dma_wait3A_608, %dma_wait3A_609] : memref<20000x128xf32, #tpu.memory_space<hbm>> -> memref<20000x128xf32, #tpu.memory_space<hbm>>
      tpu.wait_indirect_dma semaphore(%arg17 : memref<!tpu.dma_semaphore, #tpu.memory_space<semaphore_mem>>) src(%dma_wait3A_610 : memref<20000x128xf32, #tpu.memory_space<hbm>>) dst(%arg10 : memref<88x128xf32, #tpu.memory_space<vmem>>)
      %dma_start3A_611 = arith.constant 1 : i32
      %dma_start3A_612 = arith.constant 0 : i32
      %dma_start3A_613 = tpu.memref_slice %arg8[%dma_start3A_611, %dma_start3A_612] : memref<2x88xi32, #tpu.memory_space<vmem>> -> memref<1x88xi32, #tpu.memory_space<vmem>>
      %dma_start3A_614 = tpu.memref_squeeze %dma_start3A_613 : memref<1x88xi32, #tpu.memory_space<vmem>> -> memref<88xi32, #tpu.memory_space<vmem>>
      %dma_start3A_615 = arith.constant 0 : i32
      %dma_start3A_616 = arith.constant 0 : i32
      %dma_start3A_617 = tpu.memref_slice %arg12[%dma_start3A_615, %dma_start3A_616] : memref<10512x128xf32, #tpu.memory_space<vmem_shared>> -> memref<10512x128xf32, #tpu.memory_space<vmem_shared>>
      tpu.enqueue_indirect_dma source(%arg10 : memref<88x128xf32, #tpu.memory_space<vmem>>) target(%dma_start3A_617 : memref<10512x128xf32, #tpu.memory_space<vmem_shared>>) offsets(%dma_start3A_614 : memref<88xi32, #tpu.memory_space<vmem>>) semaphore(%arg19 : memref<!tpu.dma_semaphore, #tpu.memory_space<semaphore_mem>>) {add = true}
    }
    %scan3A_195 = arith.constant 55 : i32
    %add3A_196 = arith.constant 224 : i32
    %add3A_197 = arith.addi %mul3A_2, %add3A_196 : i32
    %dma_wait3A_198 = arith.constant 0 : i32
    %dma_wait3A_199 = arith.constant 0 : i32
    %dma_wait3A_200 = tpu.memref_slice %arg3[%add3A_197, %dma_wait3A_198, %dma_wait3A_199] : memref<7296x2x88xi32, #tpu.memory_space<hbm>> -> memref<1x2x88xi32, #tpu.memory_space<hbm>>
    %dma_wait3A_201 = tpu.memref_squeeze %dma_wait3A_200 : memref<1x2x88xi32, #tpu.memory_space<hbm>> -> memref<2x88xi32, #tpu.memory_space<hbm>>
    %dma_wait3A_202 = arith.constant 0 : i32
    %dma_wait3A_203 = arith.constant 0 : i32
    %dma_wait3A_204 = tpu.memref_slice %arg3[%add3A_197, %dma_wait3A_202, %dma_wait3A_203] : memref<7296x2x88xi32, #tpu.memory_space<hbm>> -> memref<1x2x88xi32, #tpu.memory_space<hbm>>
    %dma_wait3A_205 = tpu.memref_squeeze %dma_wait3A_204 : memref<1x2x88xi32, #tpu.memory_space<hbm>> -> memref<2x88xi32, #tpu.memory_space<hbm>>
    tpu.wait_dma2 semaphore(%arg13 : memref<!tpu.dma_semaphore, #tpu.memory_space<semaphore_mem>>) src(%dma_wait3A_205 : memref<2x88xi32, #tpu.memory_space<hbm>>) dst(%arg6 : memref<2x88xi32, #tpu.memory_space<vmem>>)
    %dma_wait3A_206 = arith.constant 1 : i32
    %dma_wait3A_207 = arith.constant 0 : i32
    %dma_wait3A_208 = tpu.memref_slice %arg8[%dma_wait3A_206, %dma_wait3A_207] : memref<2x88xi32, #tpu.memory_space<vmem>> -> memref<1x88xi32, #tpu.memory_space<vmem>>
    %dma_wait3A_209 = tpu.memref_squeeze %dma_wait3A_208 : memref<1x88xi32, #tpu.memory_space<vmem>> -> memref<88xi32, #tpu.memory_space<vmem>>
    %dma_wait3A_210 = arith.constant 0 : i32
    %dma_wait3A_211 = arith.constant 0 : i32
    %dma_wait3A_212 = tpu.memref_slice %arg12[%dma_wait3A_210, %dma_wait3A_211] : memref<10512x128xf32, #tpu.memory_space<vmem_shared>> -> memref<10512x128xf32, #tpu.memory_space<vmem_shared>>
    tpu.wait_indirect_dma semaphore(%arg19 : memref<!tpu.dma_semaphore, #tpu.memory_space<semaphore_mem>>) src(%arg10 : memref<88x128xf32, #tpu.memory_space<vmem>>) dst(%dma_wait3A_212 : memref<10512x128xf32, #tpu.memory_space<vmem_shared>>)
    %add3A_213 = arith.constant 226 : i32
    %add3A_214 = arith.addi %mul3A_2, %add3A_213 : i32
    %dma_start3A_215 = arith.constant 0 : i32
    %dma_start3A_216 = arith.constant 0 : i32
    %dma_start3A_217 = tpu.memref_slice %arg3[%add3A_214, %dma_start3A_215, %dma_start3A_216] : memref<7296x2x88xi32, #tpu.memory_space<hbm>> -> memref<1x2x88xi32, #tpu.memory_space<hbm>>
    %dma_start3A_218 = tpu.memref_squeeze %dma_start3A_217 : memref<1x2x88xi32, #tpu.memory_space<hbm>> -> memref<2x88xi32, #tpu.memory_space<hbm>>
    %dma_start3A_219 = arith.constant 0 : i32
    %dma_start3A_220 = arith.constant 0 : i32
    %dma_start3A_221 = tpu.memref_slice %arg3[%add3A_214, %dma_start3A_219, %dma_start3A_220] : memref<7296x2x88xi32, #tpu.memory_space<hbm>> -> memref<1x2x88xi32, #tpu.memory_space<hbm>>
    %dma_start3A_222 = tpu.memref_squeeze %dma_start3A_221 : memref<1x2x88xi32, #tpu.memory_space<hbm>> -> memref<2x88xi32, #tpu.memory_space<hbm>>
    tpu.enqueue_dma source(%dma_start3A_222 : memref<2x88xi32, #tpu.memory_space<hbm>>) target(%arg8 : memref<2x88xi32, #tpu.memory_space<vmem>>) target_semaphore(%arg15 : memref<!tpu.dma_semaphore, #tpu.memory_space<semaphore_mem>>)
    %dma_start3A_223 = arith.constant 0 : i32
    %dma_start3A_224 = arith.constant 0 : i32
    %dma_start3A_225 = tpu.memref_slice %arg6[%dma_start3A_223, %dma_start3A_224] : memref<2x88xi32, #tpu.memory_space<vmem>> -> memref<1x88xi32, #tpu.memory_space<vmem>>
    %dma_start3A_226 = tpu.memref_squeeze %dma_start3A_225 : memref<1x88xi32, #tpu.memory_space<vmem>> -> memref<88xi32, #tpu.memory_space<vmem>>
    %dma_start3A_227 = arith.constant 0 : i32
    %dma_start3A_228 = arith.constant 0 : i32
    %dma_start3A_229 = tpu.memref_slice %arg2[%dma_start3A_227, %dma_start3A_228] : memref<20000x128xf32, #tpu.memory_space<hbm>> -> memref<20000x128xf32, #tpu.memory_space<hbm>>
    tpu.enqueue_indirect_dma source(%dma_start3A_229 : memref<20000x128xf32, #tpu.memory_space<hbm>>) target(%arg10 : memref<88x128xf32, #tpu.memory_space<vmem>>) offsets(%dma_start3A_226 : memref<88xi32, #tpu.memory_space<vmem>>) semaphore(%arg17 : memref<!tpu.dma_semaphore, #tpu.memory_space<semaphore_mem>>)
    %dma_wait3A_230 = arith.constant 0 : i32
    %dma_wait3A_231 = arith.constant 0 : i32
    %dma_wait3A_232 = tpu.memref_slice %arg9[%dma_wait3A_230, %dma_wait3A_231] : memref<2x88xi32, #tpu.memory_space<vmem>> -> memref<1x88xi32, #tpu.memory_space<vmem>>
    %dma_wait3A_233 = tpu.memref_squeeze %dma_wait3A_232 : memref<1x88xi32, #tpu.memory_space<vmem>> -> memref<88xi32, #tpu.memory_space<vmem>>
    %dma_wait3A_234 = arith.constant 0 : i32
    %dma_wait3A_235 = arith.constant 0 : i32
    %dma_wait3A_236 = tpu.memref_slice %arg2[%dma_wait3A_234, %dma_wait3A_235] : memref<20000x128xf32, #tpu.memory_space<hbm>> -> memref<20000x128xf32, #tpu.memory_space<hbm>>
    tpu.wait_indirect_dma semaphore(%arg18 : memref<!tpu.dma_semaphore, #tpu.memory_space<semaphore_mem>>) src(%dma_wait3A_236 : memref<20000x128xf32, #tpu.memory_space<hbm>>) dst(%arg11 : memref<88x128xf32, #tpu.memory_space<vmem>>)
    %dma_start3A_237 = arith.constant 1 : i32
    %dma_start3A_238 = arith.constant 0 : i32
    %dma_start3A_239 = tpu.memref_slice %arg9[%dma_start3A_237, %dma_start3A_238] : memref<2x88xi32, #tpu.memory_space<vmem>> -> memref<1x88xi32, #tpu.memory_space<vmem>>
    %dma_start3A_240 = tpu.memref_squeeze %dma_start3A_239 : memref<1x88xi32, #tpu.memory_space<vmem>> -> memref<88xi32, #tpu.memory_space<vmem>>
    %dma_start3A_241 = arith.constant 0 : i32
    %dma_start3A_242 = arith.constant 0 : i32
    %dma_start3A_243 = tpu.memref_slice %arg12[%dma_start3A_241, %dma_start3A_242] : memref<10512x128xf32, #tpu.memory_space<vmem_shared>> -> memref<10512x128xf32, #tpu.memory_space<vmem_shared>>
    tpu.enqueue_indirect_dma source(%arg11 : memref<88x128xf32, #tpu.memory_space<vmem>>) target(%dma_start3A_243 : memref<10512x128xf32, #tpu.memory_space<vmem_shared>>) offsets(%dma_start3A_240 : memref<88xi32, #tpu.memory_space<vmem>>) semaphore(%arg20 : memref<!tpu.dma_semaphore, #tpu.memory_space<semaphore_mem>>) {add = true}
    %add3A_244 = arith.constant 225 : i32
    %add3A_245 = arith.addi %mul3A_2, %add3A_244 : i32
    %dma_wait3A_246 = arith.constant 0 : i32
    %dma_wait3A_247 = arith.constant 0 : i32
    %dma_wait3A_248 = tpu.memref_slice %arg3[%add3A_245, %dma_wait3A_246, %dma_wait3A_247] : memref<7296x2x88xi32, #tpu.memory_space<hbm>> -> memref<1x2x88xi32, #tpu.memory_space<hbm>>
    %dma_wait3A_249 = tpu.memref_squeeze %dma_wait3A_248 : memref<1x2x88xi32, #tpu.memory_space<hbm>> -> memref<2x88xi32, #tpu.memory_space<hbm>>
    %dma_wait3A_250 = arith.constant 0 : i32
    %dma_wait3A_251 = arith.constant 0 : i32
    %dma_wait3A_252 = tpu.memref_slice %arg3[%add3A_245, %dma_wait3A_250, %dma_wait3A_251] : memref<7296x2x88xi32, #tpu.memory_space<hbm>> -> memref<1x2x88xi32, #tpu.memory_space<hbm>>
    %dma_wait3A_253 = tpu.memref_squeeze %dma_wait3A_252 : memref<1x2x88xi32, #tpu.memory_space<hbm>> -> memref<2x88xi32, #tpu.memory_space<hbm>>
    tpu.wait_dma2 semaphore(%arg14 : memref<!tpu.dma_semaphore, #tpu.memory_space<semaphore_mem>>) src(%dma_wait3A_253 : memref<2x88xi32, #tpu.memory_space<hbm>>) dst(%arg7 : memref<2x88xi32, #tpu.memory_space<vmem>>)
    %dma_wait3A_254 = arith.constant 1 : i32
    %dma_wait3A_255 = arith.constant 0 : i32
    %dma_wait3A_256 = tpu.memref_slice %arg9[%dma_wait3A_254, %dma_wait3A_255] : memref<2x88xi32, #tpu.memory_space<vmem>> -> memref<1x88xi32, #tpu.memory_space<vmem>>
    %dma_wait3A_257 = tpu.memref_squeeze %dma_wait3A_256 : memref<1x88xi32, #tpu.memory_space<vmem>> -> memref<88xi32, #tpu.memory_space<vmem>>
    %dma_wait3A_258 = arith.constant 0 : i32
    %dma_wait3A_259 = arith.constant 0 : i32
    %dma_wait3A_260 = tpu.memref_slice %arg12[%dma_wait3A_258, %dma_wait3A_259] : memref<10512x128xf32, #tpu.memory_space<vmem_shared>> -> memref<10512x128xf32, #tpu.memory_space<vmem_shared>>
    tpu.wait_indirect_dma semaphore(%arg20 : memref<!tpu.dma_semaphore, #tpu.memory_space<semaphore_mem>>) src(%arg11 : memref<88x128xf32, #tpu.memory_space<vmem>>) dst(%dma_wait3A_260 : memref<10512x128xf32, #tpu.memory_space<vmem_shared>>)
    %add3A_261 = arith.constant 227 : i32
    %add3A_262 = arith.addi %mul3A_2, %add3A_261 : i32
    %dma_start3A_263 = arith.constant 0 : i32
    %dma_start3A_264 = arith.constant 0 : i32
    %dma_start3A_265 = tpu.memref_slice %arg3[%add3A_262, %dma_start3A_263, %dma_start3A_264] : memref<7296x2x88xi32, #tpu.memory_space<hbm>> -> memref<1x2x88xi32, #tpu.memory_space<hbm>>
    %dma_start3A_266 = tpu.memref_squeeze %dma_start3A_265 : memref<1x2x88xi32, #tpu.memory_space<hbm>> -> memref<2x88xi32, #tpu.memory_space<hbm>>
    %dma_start3A_267 = arith.constant 0 : i32
    %dma_start3A_268 = arith.constant 0 : i32
    %dma_start3A_269 = tpu.memref_slice %arg3[%add3A_262, %dma_start3A_267, %dma_start3A_268] : memref<7296x2x88xi32, #tpu.memory_space<hbm>> -> memref<1x2x88xi32, #tpu.memory_space<hbm>>
    %dma_start3A_270 = tpu.memref_squeeze %dma_start3A_269 : memref<1x2x88xi32, #tpu.memory_space<hbm>> -> memref<2x88xi32, #tpu.memory_space<hbm>>
    tpu.enqueue_dma source(%dma_start3A_270 : memref<2x88xi32, #tpu.memory_space<hbm>>) target(%arg9 : memref<2x88xi32, #tpu.memory_space<vmem>>) target_semaphore(%arg16 : memref<!tpu.dma_semaphore, #tpu.memory_space<semaphore_mem>>)
    %dma_start3A_271 = arith.constant 0 : i32
    %dma_start3A_272 = arith.constant 0 : i32
    %dma_start3A_273 = tpu.memref_slice %arg7[%dma_start3A_271, %dma_start3A_272] : memref<2x88xi32, #tpu.memory_space<vmem>> -> memref<1x88xi32, #tpu.memory_space<vmem>>
    %dma_start3A_274 = tpu.memref_squeeze %dma_start3A_273 : memref<1x88xi32, #tpu.memory_space<vmem>> -> memref<88xi32, #tpu.memory_space<vmem>>
    %dma_start3A_275 = arith.constant 0 : i32
    %dma_start3A_276 = arith.constant 0 : i32
    %dma_start3A_277 = tpu.memref_slice %arg2[%dma_start3A_275, %dma_start3A_276] : memref<20000x128xf32, #tpu.memory_space<hbm>> -> memref<20000x128xf32, #tpu.memory_space<hbm>>
    tpu.enqueue_indirect_dma source(%dma_start3A_277 : memref<20000x128xf32, #tpu.memory_space<hbm>>) target(%arg11 : memref<88x128xf32, #tpu.memory_space<vmem>>) offsets(%dma_start3A_274 : memref<88xi32, #tpu.memory_space<vmem>>) semaphore(%arg18 : memref<!tpu.dma_semaphore, #tpu.memory_space<semaphore_mem>>)
    %dma_wait3A_278 = arith.constant 0 : i32
    %dma_wait3A_279 = arith.constant 0 : i32
    %dma_wait3A_280 = tpu.memref_slice %arg6[%dma_wait3A_278, %dma_wait3A_279] : memref<2x88xi32, #tpu.memory_space<vmem>> -> memref<1x88xi32, #tpu.memory_space<vmem>>
    %dma_wait3A_281 = tpu.memref_squeeze %dma_wait3A_280 : memref<1x88xi32, #tpu.memory_space<vmem>> -> memref<88xi32, #tpu.memory_space<vmem>>
    %dma_wait3A_282 = arith.constant 0 : i32
    %dma_wait3A_283 = arith.constant 0 : i32
    %dma_wait3A_284 = tpu.memref_slice %arg2[%dma_wait3A_282, %dma_wait3A_283] : memref<20000x128xf32, #tpu.memory_space<hbm>> -> memref<20000x128xf32, #tpu.memory_space<hbm>>
    tpu.wait_indirect_dma semaphore(%arg17 : memref<!tpu.dma_semaphore, #tpu.memory_space<semaphore_mem>>) src(%dma_wait3A_284 : memref<20000x128xf32, #tpu.memory_space<hbm>>) dst(%arg10 : memref<88x128xf32, #tpu.memory_space<vmem>>)
    %dma_start3A_285 = arith.constant 1 : i32
    %dma_start3A_286 = arith.constant 0 : i32
    %dma_start3A_287 = tpu.memref_slice %arg6[%dma_start3A_285, %dma_start3A_286] : memref<2x88xi32, #tpu.memory_space<vmem>> -> memref<1x88xi32, #tpu.memory_space<vmem>>
    %dma_start3A_288 = tpu.memref_squeeze %dma_start3A_287 : memref<1x88xi32, #tpu.memory_space<vmem>> -> memref<88xi32, #tpu.memory_space<vmem>>
    %dma_start3A_289 = arith.constant 0 : i32
    %dma_start3A_290 = arith.constant 0 : i32
    %dma_start3A_291 = tpu.memref_slice %arg12[%dma_start3A_289, %dma_start3A_290] : memref<10512x128xf32, #tpu.memory_space<vmem_shared>> -> memref<10512x128xf32, #tpu.memory_space<vmem_shared>>
    tpu.enqueue_indirect_dma source(%arg10 : memref<88x128xf32, #tpu.memory_space<vmem>>) target(%dma_start3A_291 : memref<10512x128xf32, #tpu.memory_space<vmem_shared>>) offsets(%dma_start3A_288 : memref<88xi32, #tpu.memory_space<vmem>>) semaphore(%arg19 : memref<!tpu.dma_semaphore, #tpu.memory_space<semaphore_mem>>) {add = true}
    %add3A_292 = arith.constant 226 : i32
    %add3A_293 = arith.addi %mul3A_2, %add3A_292 : i32
    %dma_wait3A_294 = arith.constant 0 : i32
    %dma_wait3A_295 = arith.constant 0 : i32
    %dma_wait3A_296 = tpu.memref_slice %arg3[%add3A_293, %dma_wait3A_294, %dma_wait3A_295] : memref<7296x2x88xi32, #tpu.memory_space<hbm>> -> memref<1x2x88xi32, #tpu.memory_space<hbm>>
    %dma_wait3A_297 = tpu.memref_squeeze %dma_wait3A_296 : memref<1x2x88xi32, #tpu.memory_space<hbm>> -> memref<2x88xi32, #tpu.memory_space<hbm>>
    %dma_wait3A_298 = arith.constant 0 : i32
    %dma_wait3A_299 = arith.constant 0 : i32
    %dma_wait3A_300 = tpu.memref_slice %arg3[%add3A_293, %dma_wait3A_298, %dma_wait3A_299] : memref<7296x2x88xi32, #tpu.memory_space<hbm>> -> memref<1x2x88xi32, #tpu.memory_space<hbm>>
    %dma_wait3A_301 = tpu.memref_squeeze %dma_wait3A_300 : memref<1x2x88xi32, #tpu.memory_space<hbm>> -> memref<2x88xi32, #tpu.memory_space<hbm>>
    tpu.wait_dma2 semaphore(%arg15 : memref<!tpu.dma_semaphore, #tpu.memory_space<semaphore_mem>>) src(%dma_wait3A_301 : memref<2x88xi32, #tpu.memory_space<hbm>>) dst(%arg8 : memref<2x88xi32, #tpu.memory_space<vmem>>)
    %dma_wait3A_302 = arith.constant 1 : i32
    %dma_wait3A_303 = arith.constant 0 : i32
    %dma_wait3A_304 = tpu.memref_slice %arg6[%dma_wait3A_302, %dma_wait3A_303] : memref<2x88xi32, #tpu.memory_space<vmem>> -> memref<1x88xi32, #tpu.memory_space<vmem>>
    %dma_wait3A_305 = tpu.memref_squeeze %dma_wait3A_304 : memref<1x88xi32, #tpu.memory_space<vmem>> -> memref<88xi32, #tpu.memory_space<vmem>>
    %dma_wait3A_306 = arith.constant 0 : i32
    %dma_wait3A_307 = arith.constant 0 : i32
    %dma_wait3A_308 = tpu.memref_slice %arg12[%dma_wait3A_306, %dma_wait3A_307] : memref<10512x128xf32, #tpu.memory_space<vmem_shared>> -> memref<10512x128xf32, #tpu.memory_space<vmem_shared>>
    tpu.wait_indirect_dma semaphore(%arg19 : memref<!tpu.dma_semaphore, #tpu.memory_space<semaphore_mem>>) src(%arg10 : memref<88x128xf32, #tpu.memory_space<vmem>>) dst(%dma_wait3A_308 : memref<10512x128xf32, #tpu.memory_space<vmem_shared>>)
    %dma_start3A_309 = arith.constant 0 : i32
    %dma_start3A_310 = arith.constant 0 : i32
    %dma_start3A_311 = tpu.memref_slice %arg8[%dma_start3A_309, %dma_start3A_310] : memref<2x88xi32, #tpu.memory_space<vmem>> -> memref<1x88xi32, #tpu.memory_space<vmem>>
    %dma_start3A_312 = tpu.memref_squeeze %dma_start3A_311 : memref<1x88xi32, #tpu.memory_space<vmem>> -> memref<88xi32, #tpu.memory_space<vmem>>
    %dma_start3A_313 = arith.constant 0 : i32
    %dma_start3A_314 = arith.constant 0 : i32
    %dma_start3A_315 = tpu.memref_slice %arg2[%dma_start3A_313, %dma_start3A_314] : memref<20000x128xf32, #tpu.memory_space<hbm>> -> memref<20000x128xf32, #tpu.memory_space<hbm>>
    tpu.enqueue_indirect_dma source(%dma_start3A_315 : memref<20000x128xf32, #tpu.memory_space<hbm>>) target(%arg10 : memref<88x128xf32, #tpu.memory_space<vmem>>) offsets(%dma_start3A_312 : memref<88xi32, #tpu.memory_space<vmem>>) semaphore(%arg17 : memref<!tpu.dma_semaphore, #tpu.memory_space<semaphore_mem>>)
    %dma_wait3A_316 = arith.constant 0 : i32
    %dma_wait3A_317 = arith.constant 0 : i32
    %dma_wait3A_318 = tpu.memref_slice %arg7[%dma_wait3A_316, %dma_wait3A_317] : memref<2x88xi32, #tpu.memory_space<vmem>> -> memref<1x88xi32, #tpu.memory_space<vmem>>
    %dma_wait3A_319 = tpu.memref_squeeze %dma_wait3A_318 : memref<1x88xi32, #tpu.memory_space<vmem>> -> memref<88xi32, #tpu.memory_space<vmem>>
    %dma_wait3A_320 = arith.constant 0 : i32
    %dma_wait3A_321 = arith.constant 0 : i32
    %dma_wait3A_322 = tpu.memref_slice %arg2[%dma_wait3A_320, %dma_wait3A_321] : memref<20000x128xf32, #tpu.memory_space<hbm>> -> memref<20000x128xf32, #tpu.memory_space<hbm>>
    tpu.wait_indirect_dma semaphore(%arg18 : memref<!tpu.dma_semaphore, #tpu.memory_space<semaphore_mem>>) src(%dma_wait3A_322 : memref<20000x128xf32, #tpu.memory_space<hbm>>) dst(%arg11 : memref<88x128xf32, #tpu.memory_space<vmem>>)
    %dma_start3A_323 = arith.constant 1 : i32
    %dma_start3A_324 = arith.constant 0 : i32
    %dma_start3A_325 = tpu.memref_slice %arg7[%dma_start3A_323, %dma_start3A_324] : memref<2x88xi32, #tpu.memory_space<vmem>> -> memref<1x88xi32, #tpu.memory_space<vmem>>
    %dma_start3A_326 = tpu.memref_squeeze %dma_start3A_325 : memref<1x88xi32, #tpu.memory_space<vmem>> -> memref<88xi32, #tpu.memory_space<vmem>>
    %dma_start3A_327 = arith.constant 0 : i32
    %dma_start3A_328 = arith.constant 0 : i32
    %dma_start3A_329 = tpu.memref_slice %arg12[%dma_start3A_327, %dma_start3A_328] : memref<10512x128xf32, #tpu.memory_space<vmem_shared>> -> memref<10512x128xf32, #tpu.memory_space<vmem_shared>>
    tpu.enqueue_indirect_dma source(%arg11 : memref<88x128xf32, #tpu.memory_space<vmem>>) target(%dma_start3A_329 : memref<10512x128xf32, #tpu.memory_space<vmem_shared>>) offsets(%dma_start3A_326 : memref<88xi32, #tpu.memory_space<vmem>>) semaphore(%arg20 : memref<!tpu.dma_semaphore, #tpu.memory_space<semaphore_mem>>) {add = true}
    %add3A_330 = arith.constant 227 : i32
    %add3A_331 = arith.addi %mul3A_2, %add3A_330 : i32
    %dma_wait3A_332 = arith.constant 0 : i32
    %dma_wait3A_333 = arith.constant 0 : i32
    %dma_wait3A_334 = tpu.memref_slice %arg3[%add3A_331, %dma_wait3A_332, %dma_wait3A_333] : memref<7296x2x88xi32, #tpu.memory_space<hbm>> -> memref<1x2x88xi32, #tpu.memory_space<hbm>>
    %dma_wait3A_335 = tpu.memref_squeeze %dma_wait3A_334 : memref<1x2x88xi32, #tpu.memory_space<hbm>> -> memref<2x88xi32, #tpu.memory_space<hbm>>
    %dma_wait3A_336 = arith.constant 0 : i32
    %dma_wait3A_337 = arith.constant 0 : i32
    %dma_wait3A_338 = tpu.memref_slice %arg3[%add3A_331, %dma_wait3A_336, %dma_wait3A_337] : memref<7296x2x88xi32, #tpu.memory_space<hbm>> -> memref<1x2x88xi32, #tpu.memory_space<hbm>>
    %dma_wait3A_339 = tpu.memref_squeeze %dma_wait3A_338 : memref<1x2x88xi32, #tpu.memory_space<hbm>> -> memref<2x88xi32, #tpu.memory_space<hbm>>
    tpu.wait_dma2 semaphore(%arg16 : memref<!tpu.dma_semaphore, #tpu.memory_space<semaphore_mem>>) src(%dma_wait3A_339 : memref<2x88xi32, #tpu.memory_space<hbm>>) dst(%arg9 : memref<2x88xi32, #tpu.memory_space<vmem>>)
    %dma_wait3A_340 = arith.constant 1 : i32
    %dma_wait3A_341 = arith.constant 0 : i32
    %dma_wait3A_342 = tpu.memref_slice %arg7[%dma_wait3A_340, %dma_wait3A_341] : memref<2x88xi32, #tpu.memory_space<vmem>> -> memref<1x88xi32, #tpu.memory_space<vmem>>
    %dma_wait3A_343 = tpu.memref_squeeze %dma_wait3A_342 : memref<1x88xi32, #tpu.memory_space<vmem>> -> memref<88xi32, #tpu.memory_space<vmem>>
    %dma_wait3A_344 = arith.constant 0 : i32
    %dma_wait3A_345 = arith.constant 0 : i32
    %dma_wait3A_346 = tpu.memref_slice %arg12[%dma_wait3A_344, %dma_wait3A_345] : memref<10512x128xf32, #tpu.memory_space<vmem_shared>> -> memref<10512x128xf32, #tpu.memory_space<vmem_shared>>
    tpu.wait_indirect_dma semaphore(%arg20 : memref<!tpu.dma_semaphore, #tpu.memory_space<semaphore_mem>>) src(%arg11 : memref<88x128xf32, #tpu.memory_space<vmem>>) dst(%dma_wait3A_346 : memref<10512x128xf32, #tpu.memory_space<vmem_shared>>)
    %dma_start3A_347 = arith.constant 0 : i32
    %dma_start3A_348 = arith.constant 0 : i32
    %dma_start3A_349 = tpu.memref_slice %arg9[%dma_start3A_347, %dma_start3A_348] : memref<2x88xi32, #tpu.memory_space<vmem>> -> memref<1x88xi32, #tpu.memory_space<vmem>>
    %dma_start3A_350 = tpu.memref_squeeze %dma_start3A_349 : memref<1x88xi32, #tpu.memory_space<vmem>> -> memref<88xi32, #tpu.memory_space<vmem>>
    %dma_start3A_351 = arith.constant 0 : i32
    %dma_start3A_352 = arith.constant 0 : i32
    %dma_start3A_353 = tpu.memref_slice %arg2[%dma_start3A_351, %dma_start3A_352] : memref<20000x128xf32, #tpu.memory_space<hbm>> -> memref<20000x128xf32, #tpu.memory_space<hbm>>
    tpu.enqueue_indirect_dma source(%dma_start3A_353 : memref<20000x128xf32, #tpu.memory_space<hbm>>) target(%arg11 : memref<88x128xf32, #tpu.memory_space<vmem>>) offsets(%dma_start3A_350 : memref<88xi32, #tpu.memory_space<vmem>>) semaphore(%arg18 : memref<!tpu.dma_semaphore, #tpu.memory_space<semaphore_mem>>)
    %dma_wait3A_354 = arith.constant 0 : i32
    %dma_wait3A_355 = arith.constant 0 : i32
    %dma_wait3A_356 = tpu.memref_slice %arg8[%dma_wait3A_354, %dma_wait3A_355] : memref<2x88xi32, #tpu.memory_space<vmem>> -> memref<1x88xi32, #tpu.memory_space<vmem>>
    %dma_wait3A_357 = tpu.memref_squeeze %dma_wait3A_356 : memref<1x88xi32, #tpu.memory_space<vmem>> -> memref<88xi32, #tpu.memory_space<vmem>>
    %dma_wait3A_358 = arith.constant 0 : i32
    %dma_wait3A_359 = arith.constant 0 : i32
    %dma_wait3A_360 = tpu.memref_slice %arg2[%dma_wait3A_358, %dma_wait3A_359] : memref<20000x128xf32, #tpu.memory_space<hbm>> -> memref<20000x128xf32, #tpu.memory_space<hbm>>
    tpu.wait_indirect_dma semaphore(%arg17 : memref<!tpu.dma_semaphore, #tpu.memory_space<semaphore_mem>>) src(%dma_wait3A_360 : memref<20000x128xf32, #tpu.memory_space<hbm>>) dst(%arg10 : memref<88x128xf32, #tpu.memory_space<vmem>>)
    %dma_start3A_361 = arith.constant 1 : i32
    %dma_start3A_362 = arith.constant 0 : i32
    %dma_start3A_363 = tpu.memref_slice %arg8[%dma_start3A_361, %dma_start3A_362] : memref<2x88xi32, #tpu.memory_space<vmem>> -> memref<1x88xi32, #tpu.memory_space<vmem>>
    %dma_start3A_364 = tpu.memref_squeeze %dma_start3A_363 : memref<1x88xi32, #tpu.memory_space<vmem>> -> memref<88xi32, #tpu.memory_space<vmem>>
    %dma_start3A_365 = arith.constant 0 : i32
    %dma_start3A_366 = arith.constant 0 : i32
    %dma_start3A_367 = tpu.memref_slice %arg12[%dma_start3A_365, %dma_start3A_366] : memref<10512x128xf32, #tpu.memory_space<vmem_shared>> -> memref<10512x128xf32, #tpu.memory_space<vmem_shared>>
    tpu.enqueue_indirect_dma source(%arg10 : memref<88x128xf32, #tpu.memory_space<vmem>>) target(%dma_start3A_367 : memref<10512x128xf32, #tpu.memory_space<vmem_shared>>) offsets(%dma_start3A_364 : memref<88xi32, #tpu.memory_space<vmem>>) semaphore(%arg19 : memref<!tpu.dma_semaphore, #tpu.memory_space<semaphore_mem>>) {add = true}
    %dma_wait3A_368 = arith.constant 0 : i32
    %dma_wait3A_369 = arith.constant 0 : i32
    %dma_wait3A_370 = tpu.memref_slice %arg9[%dma_wait3A_368, %dma_wait3A_369] : memref<2x88xi32, #tpu.memory_space<vmem>> -> memref<1x88xi32, #tpu.memory_space<vmem>>
    %dma_wait3A_371 = tpu.memref_squeeze %dma_wait3A_370 : memref<1x88xi32, #tpu.memory_space<vmem>> -> memref<88xi32, #tpu.memory_space<vmem>>
    %dma_wait3A_372 = arith.constant 0 : i32
    %dma_wait3A_373 = arith.constant 0 : i32
    %dma_wait3A_374 = tpu.memref_slice %arg2[%dma_wait3A_372, %dma_wait3A_373] : memref<20000x128xf32, #tpu.memory_space<hbm>> -> memref<20000x128xf32, #tpu.memory_space<hbm>>
    tpu.wait_indirect_dma semaphore(%arg18 : memref<!tpu.dma_semaphore, #tpu.memory_space<semaphore_mem>>) src(%dma_wait3A_374 : memref<20000x128xf32, #tpu.memory_space<hbm>>) dst(%arg11 : memref<88x128xf32, #tpu.memory_space<vmem>>)
    %dma_start3A_375 = arith.constant 1 : i32
    %dma_start3A_376 = arith.constant 0 : i32
    %dma_start3A_377 = tpu.memref_slice %arg9[%dma_start3A_375, %dma_start3A_376] : memref<2x88xi32, #tpu.memory_space<vmem>> -> memref<1x88xi32, #tpu.memory_space<vmem>>
    %dma_start3A_378 = tpu.memref_squeeze %dma_start3A_377 : memref<1x88xi32, #tpu.memory_space<vmem>> -> memref<88xi32, #tpu.memory_space<vmem>>
    %dma_start3A_379 = arith.constant 0 : i32
    %dma_start3A_380 = arith.constant 0 : i32
    %dma_start3A_381 = tpu.memref_slice %arg12[%dma_start3A_379, %dma_start3A_380] : memref<10512x128xf32, #tpu.memory_space<vmem_shared>> -> memref<10512x128xf32, #tpu.memory_space<vmem_shared>>
    tpu.enqueue_indirect_dma source(%arg11 : memref<88x128xf32, #tpu.memory_space<vmem>>) target(%dma_start3A_381 : memref<10512x128xf32, #tpu.memory_space<vmem_shared>>) offsets(%dma_start3A_378 : memref<88xi32, #tpu.memory_space<vmem>>) semaphore(%arg20 : memref<!tpu.dma_semaphore, #tpu.memory_space<semaphore_mem>>) {add = true}
    %dma_wait3A_382 = arith.constant 1 : i32
    %dma_wait3A_383 = arith.constant 0 : i32
    %dma_wait3A_384 = tpu.memref_slice %arg8[%dma_wait3A_382, %dma_wait3A_383] : memref<2x88xi32, #tpu.memory_space<vmem>> -> memref<1x88xi32, #tpu.memory_space<vmem>>
    %dma_wait3A_385 = tpu.memref_squeeze %dma_wait3A_384 : memref<1x88xi32, #tpu.memory_space<vmem>> -> memref<88xi32, #tpu.memory_space<vmem>>
    %dma_wait3A_386 = arith.constant 0 : i32
    %dma_wait3A_387 = arith.constant 0 : i32
    %dma_wait3A_388 = tpu.memref_slice %arg12[%dma_wait3A_386, %dma_wait3A_387] : memref<10512x128xf32, #tpu.memory_space<vmem_shared>> -> memref<10512x128xf32, #tpu.memory_space<vmem_shared>>
    tpu.wait_indirect_dma semaphore(%arg19 : memref<!tpu.dma_semaphore, #tpu.memory_space<semaphore_mem>>) src(%arg10 : memref<88x128xf32, #tpu.memory_space<vmem>>) dst(%dma_wait3A_388 : memref<10512x128xf32, #tpu.memory_space<vmem_shared>>)
    %dma_wait3A_389 = arith.constant 1 : i32
    %dma_wait3A_390 = arith.constant 0 : i32
    %dma_wait3A_391 = tpu.memref_slice %arg9[%dma_wait3A_389, %dma_wait3A_390] : memref<2x88xi32, #tpu.memory_space<vmem>> -> memref<1x88xi32, #tpu.memory_space<vmem>>
    %dma_wait3A_392 = tpu.memref_squeeze %dma_wait3A_391 : memref<1x88xi32, #tpu.memory_space<vmem>> -> memref<88xi32, #tpu.memory_space<vmem>>
    %dma_wait3A_393 = arith.constant 0 : i32
    %dma_wait3A_394 = arith.constant 0 : i32
    %dma_wait3A_395 = tpu.memref_slice %arg12[%dma_wait3A_393, %dma_wait3A_394] : memref<10512x128xf32, #tpu.memory_space<vmem_shared>> -> memref<10512x128xf32, #tpu.memory_space<vmem_shared>>
    tpu.wait_indirect_dma semaphore(%arg20 : memref<!tpu.dma_semaphore, #tpu.memory_space<semaphore_mem>>) src(%arg11 : memref<88x128xf32, #tpu.memory_space<vmem>>) dst(%dma_wait3A_395 : memref<10512x128xf32, #tpu.memory_space<vmem_shared>>)
    %barrier3A_396 = arith.constant 0 : index
    tpu.barrier barrier_id(%barrier3A_396)
    %lt3A_397 = arith.constant 15 : i32
    %lt3A_398 = arith.cmpi slt, %arg1, %lt3A_397 : i32
    %convert_element_type3A_399 = arith.extui %lt3A_398 : i1 to i32
    %cond3A_400 = arith.constant 0 : i32
    %cond3A_401 = arith.cmpi ne, %convert_element_type3A_399, %cond3A_400 : i32
    scf.if %cond3A_401 {
      %mul3A_407 = arith.constant 632 : i32
      %mul3A_408 = arith.muli %arg1, %mul3A_407 : i32
      %mul3A_409 = arith.constant 10000 : i32
      %mul3A_410 = arith.muli %arg0, %mul3A_409 : i32
      %mul3A_411 = arith.constant 632 : i32
      %mul3A_412 = arith.muli %arg1, %mul3A_411 : i32
      %add3A_413 = arith.addi %mul3A_410, %mul3A_412 : i32
      "tpu.region"() ({
        %run_scoped3A = tpu.sem_alloc : memref<!tpu.dma_semaphore, #tpu.memory_space<semaphore_mem>>
        %dma_start3A_414 = arith.constant 0 : i32
        %dma_start3A_415 = tpu.memref_slice %arg5[%add3A_413, %dma_start3A_414] : memref<20000x128xf32, #tpu.memory_space<hbm>> -> memref<632x128xf32, #tpu.memory_space<hbm>>
        %dma_start3A_416 = arith.constant 0 : i32
        %dma_start3A_417 = tpu.memref_slice %arg12[%mul3A_408, %dma_start3A_416] : memref<10512x128xf32, #tpu.memory_space<vmem_shared>> -> memref<632x128xf32, #tpu.memory_space<vmem_shared>>
        tpu.enqueue_dma source(%dma_start3A_417 : memref<632x128xf32, #tpu.memory_space<vmem_shared>>) target(%dma_start3A_415 : memref<632x128xf32, #tpu.memory_space<hbm>>) target_semaphore(%run_scoped3A : memref<!tpu.dma_semaphore, #tpu.memory_space<semaphore_mem>>)
        %dma_wait3A_418 = arith.constant 0 : i32
        %dma_wait3A_419 = tpu.memref_slice %arg5[%add3A_413, %dma_wait3A_418] : memref<20000x128xf32, #tpu.memory_space<hbm>> -> memref<632x128xf32, #tpu.memory_space<hbm>>
        %dma_wait3A_420 = arith.constant 0 : i32
        %dma_wait3A_421 = tpu.memref_slice %arg12[%mul3A_408, %dma_wait3A_420] : memref<10512x128xf32, #tpu.memory_space<vmem_shared>> -> memref<632x128xf32, #tpu.memory_space<vmem_shared>>
        tpu.wait_dma2 semaphore(%run_scoped3A : memref<!tpu.dma_semaphore, #tpu.memory_space<semaphore_mem>>) src(%dma_wait3A_421 : memref<632x128xf32, #tpu.memory_space<vmem_shared>>) dst(%dma_wait3A_419 : memref<632x128xf32, #tpu.memory_space<hbm>>)
        tpu.yield
      }) : () -> ()
    } else {
    }
    %eq3A_402 = arith.constant 15 : i32
    %eq3A_403 = arith.cmpi eq, %arg1, %eq3A_402 : i32
    %convert_element_type3A_404 = arith.extui %eq3A_403 : i1 to i32
    %cond3A_405 = arith.constant 0 : i32
    %cond3A_406 = arith.cmpi ne, %convert_element_type3A_404, %cond3A_405 : i32
    scf.if %cond3A_406 {
      %mul3A_407 = arith.constant 10000 : i32
      %mul3A_408 = arith.muli %arg0, %mul3A_407 : i32
      %add3A_409 = arith.constant 9480 : i32
      %add3A_410 = arith.addi %mul3A_408, %add3A_409 : i32
      "tpu.region"() ({
        %run_scoped3A = tpu.sem_alloc : memref<!tpu.dma_semaphore, #tpu.memory_space<semaphore_mem>>
        %dma_start3A_411 = arith.constant 0 : i32
        %dma_start3A_412 = tpu.memref_slice %arg5[%add3A_410, %dma_start3A_411] : memref<20000x128xf32, #tpu.memory_space<hbm>> -> memref<520x128xf32, #tpu.memory_space<hbm>>
        %dma_start3A_413 = arith.constant 9480 : i32
        %dma_start3A_414 = arith.constant 0 : i32
        %dma_start3A_415 = tpu.memref_slice %arg12[%dma_start3A_413, %dma_start3A_414] : memref<10512x128xf32, #tpu.memory_space<vmem_shared>> -> memref<520x128xf32, #tpu.memory_space<vmem_shared>>
        tpu.enqueue_dma source(%dma_start3A_415 : memref<520x128xf32, #tpu.memory_space<vmem_shared>>) target(%dma_start3A_412 : memref<520x128xf32, #tpu.memory_space<hbm>>) target_semaphore(%run_scoped3A : memref<!tpu.dma_semaphore, #tpu.memory_space<semaphore_mem>>)
        %dma_wait3A_416 = arith.constant 0 : i32
        %dma_wait3A_417 = tpu.memref_slice %arg5[%add3A_410, %dma_wait3A_416] : memref<20000x128xf32, #tpu.memory_space<hbm>> -> memref<520x128xf32, #tpu.memory_space<hbm>>
        %dma_wait3A_418 = arith.constant 9480 : i32
        %dma_wait3A_419 = arith.constant 0 : i32
        %dma_wait3A_420 = tpu.memref_slice %arg12[%dma_wait3A_418, %dma_wait3A_419] : memref<10512x128xf32, #tpu.memory_space<vmem_shared>> -> memref<520x128xf32, #tpu.memory_space<vmem_shared>>
        tpu.wait_dma2 semaphore(%run_scoped3A : memref<!tpu.dma_semaphore, #tpu.memory_space<semaphore_mem>>) src(%dma_wait3A_420 : memref<520x128xf32, #tpu.memory_space<vmem_shared>>) dst(%dma_wait3A_417 : memref<520x128xf32, #tpu.memory_space<hbm>>)
        tpu.yield
      }) : () -> ()
    } else {
    }
    return
  }
}

#map = affine_map<(d0, d1) -> (0, 0)>
#map1 = affine_map<(d0, d1) -> (0, 0, 0)>
module attributes {stable_mosaic.version = 14 : i64} {
  func.func @_sc_segsum(%arg0: i32, %arg1: i32, %arg2: memref<20000x128xf32, #tpu.memory_space<hbm>>, %arg3: memref<7296x2x88xi32, #tpu.memory_space<hbm>>, %arg4: memref<10000x128xf32, #tpu.memory_space<hbm>>, %arg5: memref<20000x128xf32, #tpu.memory_space<hbm>>, %arg6: memref<2x88xi32, #tpu.memory_space<vmem>>, %arg7: memref<2x88xi32, #tpu.memory_space<vmem>>, %arg8: memref<2x88xi32, #tpu.memory_space<vmem>>, %arg9: memref<2x88xi32, #tpu.memory_space<vmem>>, %arg10: memref<88x128xf32, #tpu.memory_space<vmem>>, %arg11: memref<88x128xf32, #tpu.memory_space<vmem>>, %arg12: memref<10512x128xf32, #tpu.memory_space<vmem_shared>>, %arg13: memref<!tpu.dma_semaphore, #tpu.memory_space<semaphore_mem>>, %arg14: memref<!tpu.dma_semaphore, #tpu.memory_space<semaphore_mem>>, %arg15: memref<!tpu.dma_semaphore, #tpu.memory_space<semaphore_mem>>, %arg16: memref<!tpu.dma_semaphore, #tpu.memory_space<semaphore_mem>>, %arg17: memref<!tpu.dma_semaphore, #tpu.memory_space<semaphore_mem>>, %arg18: memref<!tpu.dma_semaphore, #tpu.memory_space<semaphore_mem>>, %arg19: memref<!tpu.dma_semaphore, #tpu.memory_space<semaphore_mem>>, %arg20: memref<!tpu.dma_semaphore, #tpu.memory_space<semaphore_mem>>) attributes {dimension_semantics = [#tpu.dimension_semantics<core_parallel>, #tpu.dimension_semantics<subcore_parallel>], iteration_bounds = array<i64: 2, 16>, scalar_prefetch = 0 : i64, scratch_operands = 15 : i64, tpu.core_type = #tpu.core_type<sc_vector_subcore>, window_params = [{transform_indices = #map}, {transform_indices = #map1}, {transform_indices = #map}, {transform_indices = #map}]} {
    %mul3A = arith.constant 16 : i32
    %mul3A_0 = arith.muli %arg0, %mul3A : i32
    %add3A = arith.addi %mul3A_0, %arg1 : i32
    %mul3A_1 = arith.constant 228 : i32
    %mul3A_2 = arith.muli %add3A, %mul3A_1 : i32
    %lt3A = arith.constant 15 : i32
    %lt3A_3 = arith.cmpi slt, %arg1, %lt3A : i32
    %convert_element_type3A = arith.extui %lt3A_3 : i1 to i32
    %cond3A = arith.constant 0 : i32
    %cond3A_4 = arith.cmpi ne, %convert_element_type3A, %cond3A : i32
    scf.if %cond3A_4 {
      %mul3A_407 = arith.constant 632 : i32
      %mul3A_408 = arith.muli %arg1, %mul3A_407 : i32
      %mul3A_409 = arith.constant 632 : i32
      %mul3A_410 = arith.muli %arg1, %mul3A_409 : i32
      "tpu.region"() ({
        %run_scoped3A = tpu.sem_alloc : memref<!tpu.dma_semaphore, #tpu.memory_space<semaphore_mem>>
        %dma_start3A_411 = arith.constant 0 : i32
        %dma_start3A_412 = tpu.memref_slice %arg12[%mul3A_410, %dma_start3A_411] : memref<10512x128xf32, #tpu.memory_space<vmem_shared>> -> memref<632x128xf32, #tpu.memory_space<vmem_shared>>
        %dma_start3A_413 = arith.constant 0 : i32
        %dma_start3A_414 = tpu.memref_slice %arg4[%mul3A_408, %dma_start3A_413] : memref<10000x128xf32, #tpu.memory_space<hbm>> -> memref<632x128xf32, #tpu.memory_space<hbm>>
        tpu.enqueue_dma source(%dma_start3A_414 : memref<632x128xf32, #tpu.memory_space<hbm>>) target(%dma_start3A_412 : memref<632x128xf32, #tpu.memory_space<vmem_shared>>) target_semaphore(%run_scoped3A : memref<!tpu.dma_semaphore, #tpu.memory_space<semaphore_mem>>)
        %dma_wait3A_415 = arith.constant 0 : i32
        %dma_wait3A_416 = tpu.memref_slice %arg12[%mul3A_410, %dma_wait3A_415] : memref<10512x128xf32, #tpu.memory_space<vmem_shared>> -> memref<632x128xf32, #tpu.memory_space<vmem_shared>>
        %dma_wait3A_417 = arith.constant 0 : i32
        %dma_wait3A_418 = tpu.memref_slice %arg4[%mul3A_408, %dma_wait3A_417] : memref<10000x128xf32, #tpu.memory_space<hbm>> -> memref<632x128xf32, #tpu.memory_space<hbm>>
        tpu.wait_dma2 semaphore(%run_scoped3A : memref<!tpu.dma_semaphore, #tpu.memory_space<semaphore_mem>>) src(%dma_wait3A_418 : memref<632x128xf32, #tpu.memory_space<hbm>>) dst(%dma_wait3A_416 : memref<632x128xf32, #tpu.memory_space<vmem_shared>>)
        tpu.yield
      }) : () -> ()
    } else {
    }
    %eq3A = arith.constant 15 : i32
    %eq3A_5 = arith.cmpi eq, %arg1, %eq3A : i32
    %convert_element_type3A_6 = arith.extui %eq3A_5 : i1 to i32
    %cond3A_7 = arith.constant 0 : i32
    %cond3A_8 = arith.cmpi ne, %convert_element_type3A_6, %cond3A_7 : i32
    scf.if %cond3A_8 {
      "tpu.region"() ({
        %run_scoped3A = tpu.sem_alloc : memref<!tpu.dma_semaphore, #tpu.memory_space<semaphore_mem>>
        %dma_start3A_407 = arith.constant 9480 : i32
        %dma_start3A_408 = arith.constant 0 : i32
        %dma_start3A_409 = tpu.memref_slice %arg12[%dma_start3A_407, %dma_start3A_408] : memref<10512x128xf32, #tpu.memory_space<vmem_shared>> -> memref<520x128xf32, #tpu.memory_space<vmem_shared>>
        %dma_start3A_410 = arith.constant 9480 : i32
        %dma_start3A_411 = arith.constant 0 : i32
        %dma_start3A_412 = tpu.memref_slice %arg4[%dma_start3A_410, %dma_start3A_411] : memref<10000x128xf32, #tpu.memory_space<hbm>> -> memref<520x128xf32, #tpu.memory_space<hbm>>
        tpu.enqueue_dma source(%dma_start3A_412 : memref<520x128xf32, #tpu.memory_space<hbm>>) target(%dma_start3A_409 : memref<520x128xf32, #tpu.memory_space<vmem_shared>>) target_semaphore(%run_scoped3A : memref<!tpu.dma_semaphore, #tpu.memory_space<semaphore_mem>>)
        %dma_wait3A_413 = arith.constant 9480 : i32
        %dma_wait3A_414 = arith.constant 0 : i32
        %dma_wait3A_415 = tpu.memref_slice %arg12[%dma_wait3A_413, %dma_wait3A_414] : memref<10512x128xf32, #tpu.memory_space<vmem_shared>> -> memref<520x128xf32, #tpu.memory_space<vmem_shared>>
        %dma_wait3A_416 = arith.constant 9480 : i32
        %dma_wait3A_417 = arith.constant 0 : i32
        %dma_wait3A_418 = tpu.memref_slice %arg4[%dma_wait3A_416, %dma_wait3A_417] : memref<10000x128xf32, #tpu.memory_space<hbm>> -> memref<520x128xf32, #tpu.memory_space<hbm>>
        tpu.wait_dma2 semaphore(%run_scoped3A : memref<!tpu.dma_semaphore, #tpu.memory_space<semaphore_mem>>) src(%dma_wait3A_418 : memref<520x128xf32, #tpu.memory_space<hbm>>) dst(%dma_wait3A_415 : memref<520x128xf32, #tpu.memory_space<vmem_shared>>)
        tpu.yield
      }) : () -> ()
    } else {
    }
    %barrier3A = arith.constant 0 : index
    tpu.barrier barrier_id(%barrier3A)
    %add3A_9 = arith.constant 0 : i32
    %add3A_10 = arith.addi %mul3A_2, %add3A_9 : i32
    %dma_start3A = arith.constant 0 : i32
    %dma_start3A_11 = arith.constant 0 : i32
    %dma_start3A_12 = tpu.memref_slice %arg3[%add3A_10, %dma_start3A, %dma_start3A_11] : memref<7296x2x88xi32, #tpu.memory_space<hbm>> -> memref<1x2x88xi32, #tpu.memory_space<hbm>>
    %dma_start3A_13 = tpu.memref_squeeze %dma_start3A_12 : memref<1x2x88xi32, #tpu.memory_space<hbm>> -> memref<2x88xi32, #tpu.memory_space<hbm>>
    %dma_start3A_14 = arith.constant 0 : i32
    %dma_start3A_15 = arith.constant 0 : i32
    %dma_start3A_16 = tpu.memref_slice %arg3[%add3A_10, %dma_start3A_14, %dma_start3A_15] : memref<7296x2x88xi32, #tpu.memory_space<hbm>> -> memref<1x2x88xi32, #tpu.memory_space<hbm>>
    %dma_start3A_17 = tpu.memref_squeeze %dma_start3A_16 : memref<1x2x88xi32, #tpu.memory_space<hbm>> -> memref<2x88xi32, #tpu.memory_space<hbm>>
    tpu.enqueue_dma source(%dma_start3A_17 : memref<2x88xi32, #tpu.memory_space<hbm>>) target(%arg6 : memref<2x88xi32, #tpu.memory_space<vmem>>) target_semaphore(%arg13 : memref<!tpu.dma_semaphore, #tpu.memory_space<semaphore_mem>>)
    %add3A_18 = arith.constant 1 : i32
    %add3A_19 = arith.addi %mul3A_2, %add3A_18 : i32
    %dma_start3A_20 = arith.constant 0 : i32
    %dma_start3A_21 = arith.constant 0 : i32
    %dma_start3A_22 = tpu.memref_slice %arg3[%add3A_19, %dma_start3A_20, %dma_start3A_21] : memref<7296x2x88xi32, #tpu.memory_space<hbm>> -> memref<1x2x88xi32, #tpu.memory_space<hbm>>
    %dma_start3A_23 = tpu.memref_squeeze %dma_start3A_22 : memref<1x2x88xi32, #tpu.memory_space<hbm>> -> memref<2x88xi32, #tpu.memory_space<hbm>>
    %dma_start3A_24 = arith.constant 0 : i32
    %dma_start3A_25 = arith.constant 0 : i32
    %dma_start3A_26 = tpu.memref_slice %arg3[%add3A_19, %dma_start3A_24, %dma_start3A_25] : memref<7296x2x88xi32, #tpu.memory_space<hbm>> -> memref<1x2x88xi32, #tpu.memory_space<hbm>>
    %dma_start3A_27 = tpu.memref_squeeze %dma_start3A_26 : memref<1x2x88xi32, #tpu.memory_space<hbm>> -> memref<2x88xi32, #tpu.memory_space<hbm>>
    tpu.enqueue_dma source(%dma_start3A_27 : memref<2x88xi32, #tpu.memory_space<hbm>>) target(%arg7 : memref<2x88xi32, #tpu.memory_space<vmem>>) target_semaphore(%arg14 : memref<!tpu.dma_semaphore, #tpu.memory_space<semaphore_mem>>)
    %add3A_28 = arith.constant 0 : i32
    %add3A_29 = arith.addi %mul3A_2, %add3A_28 : i32
    %dma_wait3A = arith.constant 0 : i32
    %dma_wait3A_30 = arith.constant 0 : i32
    %dma_wait3A_31 = tpu.memref_slice %arg3[%add3A_29, %dma_wait3A, %dma_wait3A_30] : memref<7296x2x88xi32, #tpu.memory_space<hbm>> -> memref<1x2x88xi32, #tpu.memory_space<hbm>>
    %dma_wait3A_32 = tpu.memref_squeeze %dma_wait3A_31 : memref<1x2x88xi32, #tpu.memory_space<hbm>> -> memref<2x88xi32, #tpu.memory_space<hbm>>
    %dma_wait3A_33 = arith.constant 0 : i32
    %dma_wait3A_34 = arith.constant 0 : i32
    %dma_wait3A_35 = tpu.memref_slice %arg3[%add3A_29, %dma_wait3A_33, %dma_wait3A_34] : memref<7296x2x88xi32, #tpu.memory_space<hbm>> -> memref<1x2x88xi32, #tpu.memory_space<hbm>>
    %dma_wait3A_36 = tpu.memref_squeeze %dma_wait3A_35 : memref<1x2x88xi32, #tpu.memory_space<hbm>> -> memref<2x88xi32, #tpu.memory_space<hbm>>
    tpu.wait_dma2 semaphore(%arg13 : memref<!tpu.dma_semaphore, #tpu.memory_space<semaphore_mem>>) src(%dma_wait3A_36 : memref<2x88xi32, #tpu.memory_space<hbm>>) dst(%arg6 : memref<2x88xi32, #tpu.memory_space<vmem>>)
    %add3A_37 = arith.constant 2 : i32
    %add3A_38 = arith.addi %mul3A_2, %add3A_37 : i32
    %dma_start3A_39 = arith.constant 0 : i32
    %dma_start3A_40 = arith.constant 0 : i32
    %dma_start3A_41 = tpu.memref_slice %arg3[%add3A_38, %dma_start3A_39, %dma_start3A_40] : memref<7296x2x88xi32, #tpu.memory_space<hbm>> -> memref<1x2x88xi32, #tpu.memory_space<hbm>>
    %dma_start3A_42 = tpu.memref_squeeze %dma_start3A_41 : memref<1x2x88xi32, #tpu.memory_space<hbm>> -> memref<2x88xi32, #tpu.memory_space<hbm>>
    %dma_start3A_43 = arith.constant 0 : i32
    %dma_start3A_44 = arith.constant 0 : i32
    %dma_start3A_45 = tpu.memref_slice %arg3[%add3A_38, %dma_start3A_43, %dma_start3A_44] : memref<7296x2x88xi32, #tpu.memory_space<hbm>> -> memref<1x2x88xi32, #tpu.memory_space<hbm>>
    %dma_start3A_46 = tpu.memref_squeeze %dma_start3A_45 : memref<1x2x88xi32, #tpu.memory_space<hbm>> -> memref<2x88xi32, #tpu.memory_space<hbm>>
    tpu.enqueue_dma source(%dma_start3A_46 : memref<2x88xi32, #tpu.memory_space<hbm>>) target(%arg8 : memref<2x88xi32, #tpu.memory_space<vmem>>) target_semaphore(%arg15 : memref<!tpu.dma_semaphore, #tpu.memory_space<semaphore_mem>>)
    %dma_start3A_47 = arith.constant 0 : i32
    %dma_start3A_48 = arith.constant 0 : i32
    %dma_start3A_49 = tpu.memref_slice %arg6[%dma_start3A_47, %dma_start3A_48] : memref<2x88xi32, #tpu.memory_space<vmem>> -> memref<1x88xi32, #tpu.memory_space<vmem>>
    %dma_start3A_50 = tpu.memref_squeeze %dma_start3A_49 : memref<1x88xi32, #tpu.memory_space<vmem>> -> memref<88xi32, #tpu.memory_space<vmem>>
    %dma_start3A_51 = arith.constant 0 : i32
    %dma_start3A_52 = arith.constant 0 : i32
    %dma_start3A_53 = tpu.memref_slice %arg2[%dma_start3A_51, %dma_start3A_52] : memref<20000x128xf32, #tpu.memory_space<hbm>> -> memref<20000x128xf32, #tpu.memory_space<hbm>>
    tpu.enqueue_indirect_dma source(%dma_start3A_53 : memref<20000x128xf32, #tpu.memory_space<hbm>>) target(%arg10 : memref<88x128xf32, #tpu.memory_space<vmem>>) offsets(%dma_start3A_50 : memref<88xi32, #tpu.memory_space<vmem>>) semaphore(%arg17 : memref<!tpu.dma_semaphore, #tpu.memory_space<semaphore_mem>>)
    %add3A_54 = arith.constant 1 : i32
    %add3A_55 = arith.addi %mul3A_2, %add3A_54 : i32
    %dma_wait3A_56 = arith.constant 0 : i32
    %dma_wait3A_57 = arith.constant 0 : i32
    %dma_wait3A_58 = tpu.memref_slice %arg3[%add3A_55, %dma_wait3A_56, %dma_wait3A_57] : memref<7296x2x88xi32, #tpu.memory_space<hbm>> -> memref<1x2x88xi32, #tpu.memory_space<hbm>>
    %dma_wait3A_59 = tpu.memref_squeeze %dma_wait3A_58 : memref<1x2x88xi32, #tpu.memory_space<hbm>> -> memref<2x88xi32, #tpu.memory_space<hbm>>
    %dma_wait3A_60 = arith.constant 0 : i32
    %dma_wait3A_61 = arith.constant 0 : i32
    %dma_wait3A_62 = tpu.memref_slice %arg3[%add3A_55, %dma_wait3A_60, %dma_wait3A_61] : memref<7296x2x88xi32, #tpu.memory_space<hbm>> -> memref<1x2x88xi32, #tpu.memory_space<hbm>>
    %dma_wait3A_63 = tpu.memref_squeeze %dma_wait3A_62 : memref<1x2x88xi32, #tpu.memory_space<hbm>> -> memref<2x88xi32, #tpu.memory_space<hbm>>
    tpu.wait_dma2 semaphore(%arg14 : memref<!tpu.dma_semaphore, #tpu.memory_space<semaphore_mem>>) src(%dma_wait3A_63 : memref<2x88xi32, #tpu.memory_space<hbm>>) dst(%arg7 : memref<2x88xi32, #tpu.memory_space<vmem>>)
    %add3A_64 = arith.constant 3 : i32
    %add3A_65 = arith.addi %mul3A_2, %add3A_64 : i32
    %dma_start3A_66 = arith.constant 0 : i32
    %dma_start3A_67 = arith.constant 0 : i32
    %dma_start3A_68 = tpu.memref_slice %arg3[%add3A_65, %dma_start3A_66, %dma_start3A_67] : memref<7296x2x88xi32, #tpu.memory_space<hbm>> -> memref<1x2x88xi32, #tpu.memory_space<hbm>>
    %dma_start3A_69 = tpu.memref_squeeze %dma_start3A_68 : memref<1x2x88xi32, #tpu.memory_space<hbm>> -> memref<2x88xi32, #tpu.memory_space<hbm>>
    %dma_start3A_70 = arith.constant 0 : i32
    %dma_start3A_71 = arith.constant 0 : i32
    %dma_start3A_72 = tpu.memref_slice %arg3[%add3A_65, %dma_start3A_70, %dma_start3A_71] : memref<7296x2x88xi32, #tpu.memory_space<hbm>> -> memref<1x2x88xi32, #tpu.memory_space<hbm>>
    %dma_start3A_73 = tpu.memref_squeeze %dma_start3A_72 : memref<1x2x88xi32, #tpu.memory_space<hbm>> -> memref<2x88xi32, #tpu.memory_space<hbm>>
    tpu.enqueue_dma source(%dma_start3A_73 : memref<2x88xi32, #tpu.memory_space<hbm>>) target(%arg9 : memref<2x88xi32, #tpu.memory_space<vmem>>) target_semaphore(%arg16 : memref<!tpu.dma_semaphore, #tpu.memory_space<semaphore_mem>>)
    %dma_start3A_74 = arith.constant 0 : i32
    %dma_start3A_75 = arith.constant 0 : i32
    %dma_start3A_76 = tpu.memref_slice %arg7[%dma_start3A_74, %dma_start3A_75] : memref<2x88xi32, #tpu.memory_space<vmem>> -> memref<1x88xi32, #tpu.memory_space<vmem>>
    %dma_start3A_77 = tpu.memref_squeeze %dma_start3A_76 : memref<1x88xi32, #tpu.memory_space<vmem>> -> memref<88xi32, #tpu.memory_space<vmem>>
    %dma_start3A_78 = arith.constant 0 : i32
    %dma_start3A_79 = arith.constant 0 : i32
    %dma_start3A_80 = tpu.memref_slice %arg2[%dma_start3A_78, %dma_start3A_79] : memref<20000x128xf32, #tpu.memory_space<hbm>> -> memref<20000x128xf32, #tpu.memory_space<hbm>>
    tpu.enqueue_indirect_dma source(%dma_start3A_80 : memref<20000x128xf32, #tpu.memory_space<hbm>>) target(%arg11 : memref<88x128xf32, #tpu.memory_space<vmem>>) offsets(%dma_start3A_77 : memref<88xi32, #tpu.memory_space<vmem>>) semaphore(%arg18 : memref<!tpu.dma_semaphore, #tpu.memory_space<semaphore_mem>>)
    %dma_wait3A_81 = arith.constant 0 : i32
    %dma_wait3A_82 = arith.constant 0 : i32
    %dma_wait3A_83 = tpu.memref_slice %arg6[%dma_wait3A_81, %dma_wait3A_82] : memref<2x88xi32, #tpu.memory_space<vmem>> -> memref<1x88xi32, #tpu.memory_space<vmem>>
    %dma_wait3A_84 = tpu.memref_squeeze %dma_wait3A_83 : memref<1x88xi32, #tpu.memory_space<vmem>> -> memref<88xi32, #tpu.memory_space<vmem>>
    %dma_wait3A_85 = arith.constant 0 : i32
    %dma_wait3A_86 = arith.constant 0 : i32
    %dma_wait3A_87 = tpu.memref_slice %arg2[%dma_wait3A_85, %dma_wait3A_86] : memref<20000x128xf32, #tpu.memory_space<hbm>> -> memref<20000x128xf32, #tpu.memory_space<hbm>>
    tpu.wait_indirect_dma semaphore(%arg17 : memref<!tpu.dma_semaphore, #tpu.memory_space<semaphore_mem>>) src(%dma_wait3A_87 : memref<20000x128xf32, #tpu.memory_space<hbm>>) dst(%arg10 : memref<88x128xf32, #tpu.memory_space<vmem>>)
    %dma_start3A_88 = arith.constant 1 : i32
    %dma_start3A_89 = arith.constant 0 : i32
    %dma_start3A_90 = tpu.memref_slice %arg6[%dma_start3A_88, %dma_start3A_89] : memref<2x88xi32, #tpu.memory_space<vmem>> -> memref<1x88xi32, #tpu.memory_space<vmem>>
    %dma_start3A_91 = tpu.memref_squeeze %dma_start3A_90 : memref<1x88xi32, #tpu.memory_space<vmem>> -> memref<88xi32, #tpu.memory_space<vmem>>
    %dma_start3A_92 = arith.constant 0 : i32
    %dma_start3A_93 = arith.constant 0 : i32
    %dma_start3A_94 = tpu.memref_slice %arg12[%dma_start3A_92, %dma_start3A_93] : memref<10512x128xf32, #tpu.memory_space<vmem_shared>> -> memref<10512x128xf32, #tpu.memory_space<vmem_shared>>
    tpu.enqueue_indirect_dma source(%arg10 : memref<88x128xf32, #tpu.memory_space<vmem>>) target(%dma_start3A_94 : memref<10512x128xf32, #tpu.memory_space<vmem_shared>>) offsets(%dma_start3A_91 : memref<88xi32, #tpu.memory_space<vmem>>) semaphore(%arg19 : memref<!tpu.dma_semaphore, #tpu.memory_space<semaphore_mem>>) {add = true}
    %add3A_95 = arith.constant 2 : i32
    %add3A_96 = arith.addi %mul3A_2, %add3A_95 : i32
    %dma_wait3A_97 = arith.constant 0 : i32
    %dma_wait3A_98 = arith.constant 0 : i32
    %dma_wait3A_99 = tpu.memref_slice %arg3[%add3A_96, %dma_wait3A_97, %dma_wait3A_98] : memref<7296x2x88xi32, #tpu.memory_space<hbm>> -> memref<1x2x88xi32, #tpu.memory_space<hbm>>
    %dma_wait3A_100 = tpu.memref_squeeze %dma_wait3A_99 : memref<1x2x88xi32, #tpu.memory_space<hbm>> -> memref<2x88xi32, #tpu.memory_space<hbm>>
    %dma_wait3A_101 = arith.constant 0 : i32
    %dma_wait3A_102 = arith.constant 0 : i32
    %dma_wait3A_103 = tpu.memref_slice %arg3[%add3A_96, %dma_wait3A_101, %dma_wait3A_102] : memref<7296x2x88xi32, #tpu.memory_space<hbm>> -> memref<1x2x88xi32, #tpu.memory_space<hbm>>
    %dma_wait3A_104 = tpu.memref_squeeze %dma_wait3A_103 : memref<1x2x88xi32, #tpu.memory_space<hbm>> -> memref<2x88xi32, #tpu.memory_space<hbm>>
    tpu.wait_dma2 semaphore(%arg15 : memref<!tpu.dma_semaphore, #tpu.memory_space<semaphore_mem>>) src(%dma_wait3A_104 : memref<2x88xi32, #tpu.memory_space<hbm>>) dst(%arg8 : memref<2x88xi32, #tpu.memory_space<vmem>>)
    %dma_wait3A_105 = arith.constant 1 : i32
    %dma_wait3A_106 = arith.constant 0 : i32
    %dma_wait3A_107 = tpu.memref_slice %arg6[%dma_wait3A_105, %dma_wait3A_106] : memref<2x88xi32, #tpu.memory_space<vmem>> -> memref<1x88xi32, #tpu.memory_space<vmem>>
    %dma_wait3A_108 = tpu.memref_squeeze %dma_wait3A_107 : memref<1x88xi32, #tpu.memory_space<vmem>> -> memref<88xi32, #tpu.memory_space<vmem>>
    %dma_wait3A_109 = arith.constant 0 : i32
    %dma_wait3A_110 = arith.constant 0 : i32
    %dma_wait3A_111 = tpu.memref_slice %arg12[%dma_wait3A_109, %dma_wait3A_110] : memref<10512x128xf32, #tpu.memory_space<vmem_shared>> -> memref<10512x128xf32, #tpu.memory_space<vmem_shared>>
    tpu.wait_indirect_dma semaphore(%arg19 : memref<!tpu.dma_semaphore, #tpu.memory_space<semaphore_mem>>) src(%arg10 : memref<88x128xf32, #tpu.memory_space<vmem>>) dst(%dma_wait3A_111 : memref<10512x128xf32, #tpu.memory_space<vmem_shared>>)
    %add3A_112 = arith.constant 4 : i32
    %add3A_113 = arith.addi %mul3A_2, %add3A_112 : i32
    %dma_start3A_114 = arith.constant 0 : i32
    %dma_start3A_115 = arith.constant 0 : i32
    %dma_start3A_116 = tpu.memref_slice %arg3[%add3A_113, %dma_start3A_114, %dma_start3A_115] : memref<7296x2x88xi32, #tpu.memory_space<hbm>> -> memref<1x2x88xi32, #tpu.memory_space<hbm>>
    %dma_start3A_117 = tpu.memref_squeeze %dma_start3A_116 : memref<1x2x88xi32, #tpu.memory_space<hbm>> -> memref<2x88xi32, #tpu.memory_space<hbm>>
    %dma_start3A_118 = arith.constant 0 : i32
    %dma_start3A_119 = arith.constant 0 : i32
    %dma_start3A_120 = tpu.memref_slice %arg3[%add3A_113, %dma_start3A_118, %dma_start3A_119] : memref<7296x2x88xi32, #tpu.memory_space<hbm>> -> memref<1x2x88xi32, #tpu.memory_space<hbm>>
    %dma_start3A_121 = tpu.memref_squeeze %dma_start3A_120 : memref<1x2x88xi32, #tpu.memory_space<hbm>> -> memref<2x88xi32, #tpu.memory_space<hbm>>
    tpu.enqueue_dma source(%dma_start3A_121 : memref<2x88xi32, #tpu.memory_space<hbm>>) target(%arg6 : memref<2x88xi32, #tpu.memory_space<vmem>>) target_semaphore(%arg13 : memref<!tpu.dma_semaphore, #tpu.memory_space<semaphore_mem>>)
    %dma_start3A_122 = arith.constant 0 : i32
    %dma_start3A_123 = arith.constant 0 : i32
    %dma_start3A_124 = tpu.memref_slice %arg8[%dma_start3A_122, %dma_start3A_123] : memref<2x88xi32, #tpu.memory_space<vmem>> -> memref<1x88xi32, #tpu.memory_space<vmem>>
    %dma_start3A_125 = tpu.memref_squeeze %dma_start3A_124 : memref<1x88xi32, #tpu.memory_space<vmem>> -> memref<88xi32, #tpu.memory_space<vmem>>
    %dma_start3A_126 = arith.constant 0 : i32
    %dma_start3A_127 = arith.constant 0 : i32
    %dma_start3A_128 = tpu.memref_slice %arg2[%dma_start3A_126, %dma_start3A_127] : memref<20000x128xf32, #tpu.memory_space<hbm>> -> memref<20000x128xf32, #tpu.memory_space<hbm>>
    tpu.enqueue_indirect_dma source(%dma_start3A_128 : memref<20000x128xf32, #tpu.memory_space<hbm>>) target(%arg10 : memref<88x128xf32, #tpu.memory_space<vmem>>) offsets(%dma_start3A_125 : memref<88xi32, #tpu.memory_space<vmem>>) semaphore(%arg17 : memref<!tpu.dma_semaphore, #tpu.memory_space<semaphore_mem>>)
    %dma_wait3A_129 = arith.constant 0 : i32
    %dma_wait3A_130 = arith.constant 0 : i32
    %dma_wait3A_131 = tpu.memref_slice %arg7[%dma_wait3A_129, %dma_wait3A_130] : memref<2x88xi32, #tpu.memory_space<vmem>> -> memref<1x88xi32, #tpu.memory_space<vmem>>
    %dma_wait3A_132 = tpu.memref_squeeze %dma_wait3A_131 : memref<1x88xi32, #tpu.memory_space<vmem>> -> memref<88xi32, #tpu.memory_space<vmem>>
    %dma_wait3A_133 = arith.constant 0 : i32
    %dma_wait3A_134 = arith.constant 0 : i32
    %dma_wait3A_135 = tpu.memref_slice %arg2[%dma_wait3A_133, %dma_wait3A_134] : memref<20000x128xf32, #tpu.memory_space<hbm>> -> memref<20000x128xf32, #tpu.memory_space<hbm>>
    tpu.wait_indirect_dma semaphore(%arg18 : memref<!tpu.dma_semaphore, #tpu.memory_space<semaphore_mem>>) src(%dma_wait3A_135 : memref<20000x128xf32, #tpu.memory_space<hbm>>) dst(%arg11 : memref<88x128xf32, #tpu.memory_space<vmem>>)
    %dma_start3A_136 = arith.constant 1 : i32
    %dma_start3A_137 = arith.constant 0 : i32
    %dma_start3A_138 = tpu.memref_slice %arg7[%dma_start3A_136, %dma_start3A_137] : memref<2x88xi32, #tpu.memory_space<vmem>> -> memref<1x88xi32, #tpu.memory_space<vmem>>
    %dma_start3A_139 = tpu.memref_squeeze %dma_start3A_138 : memref<1x88xi32, #tpu.memory_space<vmem>> -> memref<88xi32, #tpu.memory_space<vmem>>
    %dma_start3A_140 = arith.constant 0 : i32
    %dma_start3A_141 = arith.constant 0 : i32
    %dma_start3A_142 = tpu.memref_slice %arg12[%dma_start3A_140, %dma_start3A_141] : memref<10512x128xf32, #tpu.memory_space<vmem_shared>> -> memref<10512x128xf32, #tpu.memory_space<vmem_shared>>
    tpu.enqueue_indirect_dma source(%arg11 : memref<88x128xf32, #tpu.memory_space<vmem>>) target(%dma_start3A_142 : memref<10512x128xf32, #tpu.memory_space<vmem_shared>>) offsets(%dma_start3A_139 : memref<88xi32, #tpu.memory_space<vmem>>) semaphore(%arg20 : memref<!tpu.dma_semaphore, #tpu.memory_space<semaphore_mem>>) {add = true}
    %add3A_143 = arith.constant 3 : i32
    %add3A_144 = arith.addi %mul3A_2, %add3A_143 : i32
    %dma_wait3A_145 = arith.constant 0 : i32
    %dma_wait3A_146 = arith.constant 0 : i32
    %dma_wait3A_147 = tpu.memref_slice %arg3[%add3A_144, %dma_wait3A_145, %dma_wait3A_146] : memref<7296x2x88xi32, #tpu.memory_space<hbm>> -> memref<1x2x88xi32, #tpu.memory_space<hbm>>
    %dma_wait3A_148 = tpu.memref_squeeze %dma_wait3A_147 : memref<1x2x88xi32, #tpu.memory_space<hbm>> -> memref<2x88xi32, #tpu.memory_space<hbm>>
    %dma_wait3A_149 = arith.constant 0 : i32
    %dma_wait3A_150 = arith.constant 0 : i32
    %dma_wait3A_151 = tpu.memref_slice %arg3[%add3A_144, %dma_wait3A_149, %dma_wait3A_150] : memref<7296x2x88xi32, #tpu.memory_space<hbm>> -> memref<1x2x88xi32, #tpu.memory_space<hbm>>
    %dma_wait3A_152 = tpu.memref_squeeze %dma_wait3A_151 : memref<1x2x88xi32, #tpu.memory_space<hbm>> -> memref<2x88xi32, #tpu.memory_space<hbm>>
    tpu.wait_dma2 semaphore(%arg16 : memref<!tpu.dma_semaphore, #tpu.memory_space<semaphore_mem>>) src(%dma_wait3A_152 : memref<2x88xi32, #tpu.memory_space<hbm>>) dst(%arg9 : memref<2x88xi32, #tpu.memory_space<vmem>>)
    %dma_wait3A_153 = arith.constant 1 : i32
    %dma_wait3A_154 = arith.constant 0 : i32
    %dma_wait3A_155 = tpu.memref_slice %arg7[%dma_wait3A_153, %dma_wait3A_154] : memref<2x88xi32, #tpu.memory_space<vmem>> -> memref<1x88xi32, #tpu.memory_space<vmem>>
    %dma_wait3A_156 = tpu.memref_squeeze %dma_wait3A_155 : memref<1x88xi32, #tpu.memory_space<vmem>> -> memref<88xi32, #tpu.memory_space<vmem>>
    %dma_wait3A_157 = arith.constant 0 : i32
    %dma_wait3A_158 = arith.constant 0 : i32
    %dma_wait3A_159 = tpu.memref_slice %arg12[%dma_wait3A_157, %dma_wait3A_158] : memref<10512x128xf32, #tpu.memory_space<vmem_shared>> -> memref<10512x128xf32, #tpu.memory_space<vmem_shared>>
    tpu.wait_indirect_dma semaphore(%arg20 : memref<!tpu.dma_semaphore, #tpu.memory_space<semaphore_mem>>) src(%arg11 : memref<88x128xf32, #tpu.memory_space<vmem>>) dst(%dma_wait3A_159 : memref<10512x128xf32, #tpu.memory_space<vmem_shared>>)
    %add3A_160 = arith.constant 5 : i32
    %add3A_161 = arith.addi %mul3A_2, %add3A_160 : i32
    %dma_start3A_162 = arith.constant 0 : i32
    %dma_start3A_163 = arith.constant 0 : i32
    %dma_start3A_164 = tpu.memref_slice %arg3[%add3A_161, %dma_start3A_162, %dma_start3A_163] : memref<7296x2x88xi32, #tpu.memory_space<hbm>> -> memref<1x2x88xi32, #tpu.memory_space<hbm>>
    %dma_start3A_165 = tpu.memref_squeeze %dma_start3A_164 : memref<1x2x88xi32, #tpu.memory_space<hbm>> -> memref<2x88xi32, #tpu.memory_space<hbm>>
    %dma_start3A_166 = arith.constant 0 : i32
    %dma_start3A_167 = arith.constant 0 : i32
    %dma_start3A_168 = tpu.memref_slice %arg3[%add3A_161, %dma_start3A_166, %dma_start3A_167] : memref<7296x2x88xi32, #tpu.memory_space<hbm>> -> memref<1x2x88xi32, #tpu.memory_space<hbm>>
    %dma_start3A_169 = tpu.memref_squeeze %dma_start3A_168 : memref<1x2x88xi32, #tpu.memory_space<hbm>> -> memref<2x88xi32, #tpu.memory_space<hbm>>
    tpu.enqueue_dma source(%dma_start3A_169 : memref<2x88xi32, #tpu.memory_space<hbm>>) target(%arg7 : memref<2x88xi32, #tpu.memory_space<vmem>>) target_semaphore(%arg14 : memref<!tpu.dma_semaphore, #tpu.memory_space<semaphore_mem>>)
    %dma_start3A_170 = arith.constant 0 : i32
    %dma_start3A_171 = arith.constant 0 : i32
    %dma_start3A_172 = tpu.memref_slice %arg9[%dma_start3A_170, %dma_start3A_171] : memref<2x88xi32, #tpu.memory_space<vmem>> -> memref<1x88xi32, #tpu.memory_space<vmem>>
    %dma_start3A_173 = tpu.memref_squeeze %dma_start3A_172 : memref<1x88xi32, #tpu.memory_space<vmem>> -> memref<88xi32, #tpu.memory_space<vmem>>
    %dma_start3A_174 = arith.constant 0 : i32
    %dma_start3A_175 = arith.constant 0 : i32
    %dma_start3A_176 = tpu.memref_slice %arg2[%dma_start3A_174, %dma_start3A_175] : memref<20000x128xf32, #tpu.memory_space<hbm>> -> memref<20000x128xf32, #tpu.memory_space<hbm>>
    tpu.enqueue_indirect_dma source(%dma_start3A_176 : memref<20000x128xf32, #tpu.memory_space<hbm>>) target(%arg11 : memref<88x128xf32, #tpu.memory_space<vmem>>) offsets(%dma_start3A_173 : memref<88xi32, #tpu.memory_space<vmem>>) semaphore(%arg18 : memref<!tpu.dma_semaphore, #tpu.memory_space<semaphore_mem>>)
    %dma_wait3A_177 = arith.constant 0 : i32
    %dma_wait3A_178 = arith.constant 0 : i32
    %dma_wait3A_179 = tpu.memref_slice %arg8[%dma_wait3A_177, %dma_wait3A_178] : memref<2x88xi32, #tpu.memory_space<vmem>> -> memref<1x88xi32, #tpu.memory_space<vmem>>
    %dma_wait3A_180 = tpu.memref_squeeze %dma_wait3A_179 : memref<1x88xi32, #tpu.memory_space<vmem>> -> memref<88xi32, #tpu.memory_space<vmem>>
    %dma_wait3A_181 = arith.constant 0 : i32
    %dma_wait3A_182 = arith.constant 0 : i32
    %dma_wait3A_183 = tpu.memref_slice %arg2[%dma_wait3A_181, %dma_wait3A_182] : memref<20000x128xf32, #tpu.memory_space<hbm>> -> memref<20000x128xf32, #tpu.memory_space<hbm>>
    tpu.wait_indirect_dma semaphore(%arg17 : memref<!tpu.dma_semaphore, #tpu.memory_space<semaphore_mem>>) src(%dma_wait3A_183 : memref<20000x128xf32, #tpu.memory_space<hbm>>) dst(%arg10 : memref<88x128xf32, #tpu.memory_space<vmem>>)
    %dma_start3A_184 = arith.constant 1 : i32
    %dma_start3A_185 = arith.constant 0 : i32
    %dma_start3A_186 = tpu.memref_slice %arg8[%dma_start3A_184, %dma_start3A_185] : memref<2x88xi32, #tpu.memory_space<vmem>> -> memref<1x88xi32, #tpu.memory_space<vmem>>
    %dma_start3A_187 = tpu.memref_squeeze %dma_start3A_186 : memref<1x88xi32, #tpu.memory_space<vmem>> -> memref<88xi32, #tpu.memory_space<vmem>>
    %dma_start3A_188 = arith.constant 0 : i32
    %dma_start3A_189 = arith.constant 0 : i32
    %dma_start3A_190 = tpu.memref_slice %arg12[%dma_start3A_188, %dma_start3A_189] : memref<10512x128xf32, #tpu.memory_space<vmem_shared>> -> memref<10512x128xf32, #tpu.memory_space<vmem_shared>>
    tpu.enqueue_indirect_dma source(%arg10 : memref<88x128xf32, #tpu.memory_space<vmem>>) target(%dma_start3A_190 : memref<10512x128xf32, #tpu.memory_space<vmem_shared>>) offsets(%dma_start3A_187 : memref<88xi32, #tpu.memory_space<vmem>>) semaphore(%arg19 : memref<!tpu.dma_semaphore, #tpu.memory_space<semaphore_mem>>) {add = true}
    %scan3A = arith.constant 0 : i32
    %scan3A_191 = arith.constant 1 : i32
    %scan3A_192 = arith.constant 55 : i32
    %scan3A_193 = arith.addi %scan3A_191, %scan3A_192 : i32
    %scan3A_194 = arith.constant 1 : i32
    scf.for %scan3A_407 = %scan3A_191 to %scan3A_193 step %scan3A_194  : i32 {
      %mul3A_408 = arith.constant 4 : i32
      %mul3A_409 = arith.muli %mul3A_408, %scan3A_407 : i32
      %add3A_410 = arith.constant 0 : i32
      %add3A_411 = arith.addi %mul3A_409, %add3A_410 : i32
      %add3A_412 = arith.addi %mul3A_2, %add3A_411 : i32
      %dma_wait3A_413 = arith.constant 0 : i32
      %dma_wait3A_414 = arith.constant 0 : i32
      %dma_wait3A_415 = tpu.memref_slice %arg3[%add3A_412, %dma_wait3A_413, %dma_wait3A_414] : memref<7296x2x88xi32, #tpu.memory_space<hbm>> -> memref<1x2x88xi32, #tpu.memory_space<hbm>>
      %dma_wait3A_416 = tpu.memref_squeeze %dma_wait3A_415 : memref<1x2x88xi32, #tpu.memory_space<hbm>> -> memref<2x88xi32, #tpu.memory_space<hbm>>
      %dma_wait3A_417 = arith.constant 0 : i32
      %dma_wait3A_418 = arith.constant 0 : i32
      %dma_wait3A_419 = tpu.memref_slice %arg3[%add3A_412, %dma_wait3A_417, %dma_wait3A_418] : memref<7296x2x88xi32, #tpu.memory_space<hbm>> -> memref<1x2x88xi32, #tpu.memory_space<hbm>>
      %dma_wait3A_420 = tpu.memref_squeeze %dma_wait3A_419 : memref<1x2x88xi32, #tpu.memory_space<hbm>> -> memref<2x88xi32, #tpu.memory_space<hbm>>
      tpu.wait_dma2 semaphore(%arg13 : memref<!tpu.dma_semaphore, #tpu.memory_space<semaphore_mem>>) src(%dma_wait3A_420 : memref<2x88xi32, #tpu.memory_space<hbm>>) dst(%arg6 : memref<2x88xi32, #tpu.memory_space<vmem>>)
      %dma_wait3A_421 = arith.constant 1 : i32
      %dma_wait3A_422 = arith.constant 0 : i32
      %dma_wait3A_423 = tpu.memref_slice %arg8[%dma_wait3A_421, %dma_wait3A_422] : memref<2x88xi32, #tpu.memory_space<vmem>> -> memref<1x88xi32, #tpu.memory_space<vmem>>
      %dma_wait3A_424 = tpu.memref_squeeze %dma_wait3A_423 : memref<1x88xi32, #tpu.memory_space<vmem>> -> memref<88xi32, #tpu.memory_space<vmem>>
      %dma_wait3A_425 = arith.constant 0 : i32
      %dma_wait3A_426 = arith.constant 0 : i32
      %dma_wait3A_427 = tpu.memref_slice %arg12[%dma_wait3A_425, %dma_wait3A_426] : memref<10512x128xf32, #tpu.memory_space<vmem_shared>> -> memref<10512x128xf32, #tpu.memory_space<vmem_shared>>
      tpu.wait_indirect_dma semaphore(%arg19 : memref<!tpu.dma_semaphore, #tpu.memory_space<semaphore_mem>>) src(%arg10 : memref<88x128xf32, #tpu.memory_space<vmem>>) dst(%dma_wait3A_427 : memref<10512x128xf32, #tpu.memory_space<vmem_shared>>)
      %add3A_428 = arith.constant 0 : i32
      %add3A_429 = arith.addi %mul3A_409, %add3A_428 : i32
      %add3A_430 = arith.constant 2 : i32
      %add3A_431 = arith.addi %add3A_429, %add3A_430 : i32
      %add3A_432 = arith.addi %mul3A_2, %add3A_431 : i32
      %dma_start3A_433 = arith.constant 0 : i32
      %dma_start3A_434 = arith.constant 0 : i32
      %dma_start3A_435 = tpu.memref_slice %arg3[%add3A_432, %dma_start3A_433, %dma_start3A_434] : memref<7296x2x88xi32, #tpu.memory_space<hbm>> -> memref<1x2x88xi32, #tpu.memory_space<hbm>>
      %dma_start3A_436 = tpu.memref_squeeze %dma_start3A_435 : memref<1x2x88xi32, #tpu.memory_space<hbm>> -> memref<2x88xi32, #tpu.memory_space<hbm>>
      %dma_start3A_437 = arith.constant 0 : i32
      %dma_start3A_438 = arith.constant 0 : i32
      %dma_start3A_439 = tpu.memref_slice %arg3[%add3A_432, %dma_start3A_437, %dma_start3A_438] : memref<7296x2x88xi32, #tpu.memory_space<hbm>> -> memref<1x2x88xi32, #tpu.memory_space<hbm>>
      %dma_start3A_440 = tpu.memref_squeeze %dma_start3A_439 : memref<1x2x88xi32, #tpu.memory_space<hbm>> -> memref<2x88xi32, #tpu.memory_space<hbm>>
      tpu.enqueue_dma source(%dma_start3A_440 : memref<2x88xi32, #tpu.memory_space<hbm>>) target(%arg8 : memref<2x88xi32, #tpu.memory_space<vmem>>) target_semaphore(%arg15 : memref<!tpu.dma_semaphore, #tpu.memory_space<semaphore_mem>>)
      %dma_start3A_441 = arith.constant 0 : i32
      %dma_start3A_442 = arith.constant 0 : i32
      %dma_start3A_443 = tpu.memref_slice %arg6[%dma_start3A_441, %dma_start3A_442] : memref<2x88xi32, #tpu.memory_space<vmem>> -> memref<1x88xi32, #tpu.memory_space<vmem>>
      %dma_start3A_444 = tpu.memref_squeeze %dma_start3A_443 : memref<1x88xi32, #tpu.memory_space<vmem>> -> memref<88xi32, #tpu.memory_space<vmem>>
      %dma_start3A_445 = arith.constant 0 : i32
      %dma_start3A_446 = arith.constant 0 : i32
      %dma_start3A_447 = tpu.memref_slice %arg2[%dma_start3A_445, %dma_start3A_446] : memref<20000x128xf32, #tpu.memory_space<hbm>> -> memref<20000x128xf32, #tpu.memory_space<hbm>>
      tpu.enqueue_indirect_dma source(%dma_start3A_447 : memref<20000x128xf32, #tpu.memory_space<hbm>>) target(%arg10 : memref<88x128xf32, #tpu.memory_space<vmem>>) offsets(%dma_start3A_444 : memref<88xi32, #tpu.memory_space<vmem>>) semaphore(%arg17 : memref<!tpu.dma_semaphore, #tpu.memory_space<semaphore_mem>>)
      %dma_wait3A_448 = arith.constant 0 : i32
      %dma_wait3A_449 = arith.constant 0 : i32
      %dma_wait3A_450 = tpu.memref_slice %arg9[%dma_wait3A_448, %dma_wait3A_449] : memref<2x88xi32, #tpu.memory_space<vmem>> -> memref<1x88xi32, #tpu.memory_space<vmem>>
      %dma_wait3A_451 = tpu.memref_squeeze %dma_wait3A_450 : memref<1x88xi32, #tpu.memory_space<vmem>> -> memref<88xi32, #tpu.memory_space<vmem>>
      %dma_wait3A_452 = arith.constant 0 : i32
      %dma_wait3A_453 = arith.constant 0 : i32
      %dma_wait3A_454 = tpu.memref_slice %arg2[%dma_wait3A_452, %dma_wait3A_453] : memref<20000x128xf32, #tpu.memory_space<hbm>> -> memref<20000x128xf32, #tpu.memory_space<hbm>>
      tpu.wait_indirect_dma semaphore(%arg18 : memref<!tpu.dma_semaphore, #tpu.memory_space<semaphore_mem>>) src(%dma_wait3A_454 : memref<20000x128xf32, #tpu.memory_space<hbm>>) dst(%arg11 : memref<88x128xf32, #tpu.memory_space<vmem>>)
      %dma_start3A_455 = arith.constant 1 : i32
      %dma_start3A_456 = arith.constant 0 : i32
      %dma_start3A_457 = tpu.memref_slice %arg9[%dma_start3A_455, %dma_start3A_456] : memref<2x88xi32, #tpu.memory_space<vmem>> -> memref<1x88xi32, #tpu.memory_space<vmem>>
      %dma_start3A_458 = tpu.memref_squeeze %dma_start3A_457 : memref<1x88xi32, #tpu.memory_space<vmem>> -> memref<88xi32, #tpu.memory_space<vmem>>
      %dma_start3A_459 = arith.constant 0 : i32
      %dma_start3A_460 = arith.constant 0 : i32
      %dma_start3A_461 = tpu.memref_slice %arg12[%dma_start3A_459, %dma_start3A_460] : memref<10512x128xf32, #tpu.memory_space<vmem_shared>> -> memref<10512x128xf32, #tpu.memory_space<vmem_shared>>
      tpu.enqueue_indirect_dma source(%arg11 : memref<88x128xf32, #tpu.memory_space<vmem>>) target(%dma_start3A_461 : memref<10512x128xf32, #tpu.memory_space<vmem_shared>>) offsets(%dma_start3A_458 : memref<88xi32, #tpu.memory_space<vmem>>) semaphore(%arg20 : memref<!tpu.dma_semaphore, #tpu.memory_space<semaphore_mem>>) {add = true}
      %add3A_462 = arith.constant 1 : i32
      %add3A_463 = arith.addi %mul3A_409, %add3A_462 : i32
      %add3A_464 = arith.addi %mul3A_2, %add3A_463 : i32
      %dma_wait3A_465 = arith.constant 0 : i32
      %dma_wait3A_466 = arith.constant 0 : i32
      %dma_wait3A_467 = tpu.memref_slice %arg3[%add3A_464, %dma_wait3A_465, %dma_wait3A_466] : memref<7296x2x88xi32, #tpu.memory_space<hbm>> -> memref<1x2x88xi32, #tpu.memory_space<hbm>>
      %dma_wait3A_468 = tpu.memref_squeeze %dma_wait3A_467 : memref<1x2x88xi32, #tpu.memory_space<hbm>> -> memref<2x88xi32, #tpu.memory_space<hbm>>
      %dma_wait3A_469 = arith.constant 0 : i32
      %dma_wait3A_470 = arith.constant 0 : i32
      %dma_wait3A_471 = tpu.memref_slice %arg3[%add3A_464, %dma_wait3A_469, %dma_wait3A_470] : memref<7296x2x88xi32, #tpu.memory_space<hbm>> -> memref<1x2x88xi32, #tpu.memory_space<hbm>>
      %dma_wait3A_472 = tpu.memref_squeeze %dma_wait3A_471 : memref<1x2x88xi32, #tpu.memory_space<hbm>> -> memref<2x88xi32, #tpu.memory_space<hbm>>
      tpu.wait_dma2 semaphore(%arg14 : memref<!tpu.dma_semaphore, #tpu.memory_space<semaphore_mem>>) src(%dma_wait3A_472 : memref<2x88xi32, #tpu.memory_space<hbm>>) dst(%arg7 : memref<2x88xi32, #tpu.memory_space<vmem>>)
      %dma_wait3A_473 = arith.constant 1 : i32
      %dma_wait3A_474 = arith.constant 0 : i32
      %dma_wait3A_475 = tpu.memref_slice %arg9[%dma_wait3A_473, %dma_wait3A_474] : memref<2x88xi32, #tpu.memory_space<vmem>> -> memref<1x88xi32, #tpu.memory_space<vmem>>
      %dma_wait3A_476 = tpu.memref_squeeze %dma_wait3A_475 : memref<1x88xi32, #tpu.memory_space<vmem>> -> memref<88xi32, #tpu.memory_space<vmem>>
      %dma_wait3A_477 = arith.constant 0 : i32
      %dma_wait3A_478 = arith.constant 0 : i32
      %dma_wait3A_479 = tpu.memref_slice %arg12[%dma_wait3A_477, %dma_wait3A_478] : memref<10512x128xf32, #tpu.memory_space<vmem_shared>> -> memref<10512x128xf32, #tpu.memory_space<vmem_shared>>
      tpu.wait_indirect_dma semaphore(%arg20 : memref<!tpu.dma_semaphore, #tpu.memory_space<semaphore_mem>>) src(%arg11 : memref<88x128xf32, #tpu.memory_space<vmem>>) dst(%dma_wait3A_479 : memref<10512x128xf32, #tpu.memory_space<vmem_shared>>)
      %add3A_480 = arith.constant 1 : i32
      %add3A_481 = arith.addi %mul3A_409, %add3A_480 : i32
      %add3A_482 = arith.constant 2 : i32
      %add3A_483 = arith.addi %add3A_481, %add3A_482 : i32
      %add3A_484 = arith.addi %mul3A_2, %add3A_483 : i32
      %dma_start3A_485 = arith.constant 0 : i32
      %dma_start3A_486 = arith.constant 0 : i32
      %dma_start3A_487 = tpu.memref_slice %arg3[%add3A_484, %dma_start3A_485, %dma_start3A_486] : memref<7296x2x88xi32, #tpu.memory_space<hbm>> -> memref<1x2x88xi32, #tpu.memory_space<hbm>>
      %dma_start3A_488 = tpu.memref_squeeze %dma_start3A_487 : memref<1x2x88xi32, #tpu.memory_space<hbm>> -> memref<2x88xi32, #tpu.memory_space<hbm>>
      %dma_start3A_489 = arith.constant 0 : i32
      %dma_start3A_490 = arith.constant 0 : i32
      %dma_start3A_491 = tpu.memref_slice %arg3[%add3A_484, %dma_start3A_489, %dma_start3A_490] : memref<7296x2x88xi32, #tpu.memory_space<hbm>> -> memref<1x2x88xi32, #tpu.memory_space<hbm>>
      %dma_start3A_492 = tpu.memref_squeeze %dma_start3A_491 : memref<1x2x88xi32, #tpu.memory_space<hbm>> -> memref<2x88xi32, #tpu.memory_space<hbm>>
      tpu.enqueue_dma source(%dma_start3A_492 : memref<2x88xi32, #tpu.memory_space<hbm>>) target(%arg9 : memref<2x88xi32, #tpu.memory_space<vmem>>) target_semaphore(%arg16 : memref<!tpu.dma_semaphore, #tpu.memory_space<semaphore_mem>>)
      %dma_start3A_493 = arith.constant 0 : i32
      %dma_start3A_494 = arith.constant 0 : i32
      %dma_start3A_495 = tpu.memref_slice %arg7[%dma_start3A_493, %dma_start3A_494] : memref<2x88xi32, #tpu.memory_space<vmem>> -> memref<1x88xi32, #tpu.memory_space<vmem>>
      %dma_start3A_496 = tpu.memref_squeeze %dma_start3A_495 : memref<1x88xi32, #tpu.memory_space<vmem>> -> memref<88xi32, #tpu.memory_space<vmem>>
      %dma_start3A_497 = arith.constant 0 : i32
      %dma_start3A_498 = arith.constant 0 : i32
      %dma_start3A_499 = tpu.memref_slice %arg2[%dma_start3A_497, %dma_start3A_498] : memref<20000x128xf32, #tpu.memory_space<hbm>> -> memref<20000x128xf32, #tpu.memory_space<hbm>>
      tpu.enqueue_indirect_dma source(%dma_start3A_499 : memref<20000x128xf32, #tpu.memory_space<hbm>>) target(%arg11 : memref<88x128xf32, #tpu.memory_space<vmem>>) offsets(%dma_start3A_496 : memref<88xi32, #tpu.memory_space<vmem>>) semaphore(%arg18 : memref<!tpu.dma_semaphore, #tpu.memory_space<semaphore_mem>>)
      %dma_wait3A_500 = arith.constant 0 : i32
      %dma_wait3A_501 = arith.constant 0 : i32
      %dma_wait3A_502 = tpu.memref_slice %arg6[%dma_wait3A_500, %dma_wait3A_501] : memref<2x88xi32, #tpu.memory_space<vmem>> -> memref<1x88xi32, #tpu.memory_space<vmem>>
      %dma_wait3A_503 = tpu.memref_squeeze %dma_wait3A_502 : memref<1x88xi32, #tpu.memory_space<vmem>> -> memref<88xi32, #tpu.memory_space<vmem>>
      %dma_wait3A_504 = arith.constant 0 : i32
      %dma_wait3A_505 = arith.constant 0 : i32
      %dma_wait3A_506 = tpu.memref_slice %arg2[%dma_wait3A_504, %dma_wait3A_505] : memref<20000x128xf32, #tpu.memory_space<hbm>> -> memref<20000x128xf32, #tpu.memory_space<hbm>>
      tpu.wait_indirect_dma semaphore(%arg17 : memref<!tpu.dma_semaphore, #tpu.memory_space<semaphore_mem>>) src(%dma_wait3A_506 : memref<20000x128xf32, #tpu.memory_space<hbm>>) dst(%arg10 : memref<88x128xf32, #tpu.memory_space<vmem>>)
      %dma_start3A_507 = arith.constant 1 : i32
      %dma_start3A_508 = arith.constant 0 : i32
      %dma_start3A_509 = tpu.memref_slice %arg6[%dma_start3A_507, %dma_start3A_508] : memref<2x88xi32, #tpu.memory_space<vmem>> -> memref<1x88xi32, #tpu.memory_space<vmem>>
      %dma_start3A_510 = tpu.memref_squeeze %dma_start3A_509 : memref<1x88xi32, #tpu.memory_space<vmem>> -> memref<88xi32, #tpu.memory_space<vmem>>
      %dma_start3A_511 = arith.constant 0 : i32
      %dma_start3A_512 = arith.constant 0 : i32
      %dma_start3A_513 = tpu.memref_slice %arg12[%dma_start3A_511, %dma_start3A_512] : memref<10512x128xf32, #tpu.memory_space<vmem_shared>> -> memref<10512x128xf32, #tpu.memory_space<vmem_shared>>
      tpu.enqueue_indirect_dma source(%arg10 : memref<88x128xf32, #tpu.memory_space<vmem>>) target(%dma_start3A_513 : memref<10512x128xf32, #tpu.memory_space<vmem_shared>>) offsets(%dma_start3A_510 : memref<88xi32, #tpu.memory_space<vmem>>) semaphore(%arg19 : memref<!tpu.dma_semaphore, #tpu.memory_space<semaphore_mem>>) {add = true}
      %add3A_514 = arith.constant 2 : i32
      %add3A_515 = arith.addi %mul3A_409, %add3A_514 : i32
      %add3A_516 = arith.addi %mul3A_2, %add3A_515 : i32
      %dma_wait3A_517 = arith.constant 0 : i32
      %dma_wait3A_518 = arith.constant 0 : i32
      %dma_wait3A_519 = tpu.memref_slice %arg3[%add3A_516, %dma_wait3A_517, %dma_wait3A_518] : memref<7296x2x88xi32, #tpu.memory_space<hbm>> -> memref<1x2x88xi32, #tpu.memory_space<hbm>>
      %dma_wait3A_520 = tpu.memref_squeeze %dma_wait3A_519 : memref<1x2x88xi32, #tpu.memory_space<hbm>> -> memref<2x88xi32, #tpu.memory_space<hbm>>
      %dma_wait3A_521 = arith.constant 0 : i32
      %dma_wait3A_522 = arith.constant 0 : i32
      %dma_wait3A_523 = tpu.memref_slice %arg3[%add3A_516, %dma_wait3A_521, %dma_wait3A_522] : memref<7296x2x88xi32, #tpu.memory_space<hbm>> -> memref<1x2x88xi32, #tpu.memory_space<hbm>>
      %dma_wait3A_524 = tpu.memref_squeeze %dma_wait3A_523 : memref<1x2x88xi32, #tpu.memory_space<hbm>> -> memref<2x88xi32, #tpu.memory_space<hbm>>
      tpu.wait_dma2 semaphore(%arg15 : memref<!tpu.dma_semaphore, #tpu.memory_space<semaphore_mem>>) src(%dma_wait3A_524 : memref<2x88xi32, #tpu.memory_space<hbm>>) dst(%arg8 : memref<2x88xi32, #tpu.memory_space<vmem>>)
      %dma_wait3A_525 = arith.constant 1 : i32
      %dma_wait3A_526 = arith.constant 0 : i32
      %dma_wait3A_527 = tpu.memref_slice %arg6[%dma_wait3A_525, %dma_wait3A_526] : memref<2x88xi32, #tpu.memory_space<vmem>> -> memref<1x88xi32, #tpu.memory_space<vmem>>
      %dma_wait3A_528 = tpu.memref_squeeze %dma_wait3A_527 : memref<1x88xi32, #tpu.memory_space<vmem>> -> memref<88xi32, #tpu.memory_space<vmem>>
      %dma_wait3A_529 = arith.constant 0 : i32
      %dma_wait3A_530 = arith.constant 0 : i32
      %dma_wait3A_531 = tpu.memref_slice %arg12[%dma_wait3A_529, %dma_wait3A_530] : memref<10512x128xf32, #tpu.memory_space<vmem_shared>> -> memref<10512x128xf32, #tpu.memory_space<vmem_shared>>
      tpu.wait_indirect_dma semaphore(%arg19 : memref<!tpu.dma_semaphore, #tpu.memory_space<semaphore_mem>>) src(%arg10 : memref<88x128xf32, #tpu.memory_space<vmem>>) dst(%dma_wait3A_531 : memref<10512x128xf32, #tpu.memory_space<vmem_shared>>)
      %add3A_532 = arith.constant 2 : i32
      %add3A_533 = arith.addi %mul3A_409, %add3A_532 : i32
      %add3A_534 = arith.constant 2 : i32
      %add3A_535 = arith.addi %add3A_533, %add3A_534 : i32
      %add3A_536 = arith.addi %mul3A_2, %add3A_535 : i32
      %dma_start3A_537 = arith.constant 0 : i32
      %dma_start3A_538 = arith.constant 0 : i32
      %dma_start3A_539 = tpu.memref_slice %arg3[%add3A_536, %dma_start3A_537, %dma_start3A_538] : memref<7296x2x88xi32, #tpu.memory_space<hbm>> -> memref<1x2x88xi32, #tpu.memory_space<hbm>>
      %dma_start3A_540 = tpu.memref_squeeze %dma_start3A_539 : memref<1x2x88xi32, #tpu.memory_space<hbm>> -> memref<2x88xi32, #tpu.memory_space<hbm>>
      %dma_start3A_541 = arith.constant 0 : i32
      %dma_start3A_542 = arith.constant 0 : i32
      %dma_start3A_543 = tpu.memref_slice %arg3[%add3A_536, %dma_start3A_541, %dma_start3A_542] : memref<7296x2x88xi32, #tpu.memory_space<hbm>> -> memref<1x2x88xi32, #tpu.memory_space<hbm>>
      %dma_start3A_544 = tpu.memref_squeeze %dma_start3A_543 : memref<1x2x88xi32, #tpu.memory_space<hbm>> -> memref<2x88xi32, #tpu.memory_space<hbm>>
      tpu.enqueue_dma source(%dma_start3A_544 : memref<2x88xi32, #tpu.memory_space<hbm>>) target(%arg6 : memref<2x88xi32, #tpu.memory_space<vmem>>) target_semaphore(%arg13 : memref<!tpu.dma_semaphore, #tpu.memory_space<semaphore_mem>>)
      %dma_start3A_545 = arith.constant 0 : i32
      %dma_start3A_546 = arith.constant 0 : i32
      %dma_start3A_547 = tpu.memref_slice %arg8[%dma_start3A_545, %dma_start3A_546] : memref<2x88xi32, #tpu.memory_space<vmem>> -> memref<1x88xi32, #tpu.memory_space<vmem>>
      %dma_start3A_548 = tpu.memref_squeeze %dma_start3A_547 : memref<1x88xi32, #tpu.memory_space<vmem>> -> memref<88xi32, #tpu.memory_space<vmem>>
      %dma_start3A_549 = arith.constant 0 : i32
      %dma_start3A_550 = arith.constant 0 : i32
      %dma_start3A_551 = tpu.memref_slice %arg2[%dma_start3A_549, %dma_start3A_550] : memref<20000x128xf32, #tpu.memory_space<hbm>> -> memref<20000x128xf32, #tpu.memory_space<hbm>>
      tpu.enqueue_indirect_dma source(%dma_start3A_551 : memref<20000x128xf32, #tpu.memory_space<hbm>>) target(%arg10 : memref<88x128xf32, #tpu.memory_space<vmem>>) offsets(%dma_start3A_548 : memref<88xi32, #tpu.memory_space<vmem>>) semaphore(%arg17 : memref<!tpu.dma_semaphore, #tpu.memory_space<semaphore_mem>>)
      %dma_wait3A_552 = arith.constant 0 : i32
      %dma_wait3A_553 = arith.constant 0 : i32
      %dma_wait3A_554 = tpu.memref_slice %arg7[%dma_wait3A_552, %dma_wait3A_553] : memref<2x88xi32, #tpu.memory_space<vmem>> -> memref<1x88xi32, #tpu.memory_space<vmem>>
      %dma_wait3A_555 = tpu.memref_squeeze %dma_wait3A_554 : memref<1x88xi32, #tpu.memory_space<vmem>> -> memref<88xi32, #tpu.memory_space<vmem>>
      %dma_wait3A_556 = arith.constant 0 : i32
      %dma_wait3A_557 = arith.constant 0 : i32
      %dma_wait3A_558 = tpu.memref_slice %arg2[%dma_wait3A_556, %dma_wait3A_557] : memref<20000x128xf32, #tpu.memory_space<hbm>> -> memref<20000x128xf32, #tpu.memory_space<hbm>>
      tpu.wait_indirect_dma semaphore(%arg18 : memref<!tpu.dma_semaphore, #tpu.memory_space<semaphore_mem>>) src(%dma_wait3A_558 : memref<20000x128xf32, #tpu.memory_space<hbm>>) dst(%arg11 : memref<88x128xf32, #tpu.memory_space<vmem>>)
      %dma_start3A_559 = arith.constant 1 : i32
      %dma_start3A_560 = arith.constant 0 : i32
      %dma_start3A_561 = tpu.memref_slice %arg7[%dma_start3A_559, %dma_start3A_560] : memref<2x88xi32, #tpu.memory_space<vmem>> -> memref<1x88xi32, #tpu.memory_space<vmem>>
      %dma_start3A_562 = tpu.memref_squeeze %dma_start3A_561 : memref<1x88xi32, #tpu.memory_space<vmem>> -> memref<88xi32, #tpu.memory_space<vmem>>
      %dma_start3A_563 = arith.constant 0 : i32
      %dma_start3A_564 = arith.constant 0 : i32
      %dma_start3A_565 = tpu.memref_slice %arg12[%dma_start3A_563, %dma_start3A_564] : memref<10512x128xf32, #tpu.memory_space<vmem_shared>> -> memref<10512x128xf32, #tpu.memory_space<vmem_shared>>
      tpu.enqueue_indirect_dma source(%arg11 : memref<88x128xf32, #tpu.memory_space<vmem>>) target(%dma_start3A_565 : memref<10512x128xf32, #tpu.memory_space<vmem_shared>>) offsets(%dma_start3A_562 : memref<88xi32, #tpu.memory_space<vmem>>) semaphore(%arg20 : memref<!tpu.dma_semaphore, #tpu.memory_space<semaphore_mem>>) {add = true}
      %add3A_566 = arith.constant 3 : i32
      %add3A_567 = arith.addi %mul3A_409, %add3A_566 : i32
      %add3A_568 = arith.addi %mul3A_2, %add3A_567 : i32
      %dma_wait3A_569 = arith.constant 0 : i32
      %dma_wait3A_570 = arith.constant 0 : i32
      %dma_wait3A_571 = tpu.memref_slice %arg3[%add3A_568, %dma_wait3A_569, %dma_wait3A_570] : memref<7296x2x88xi32, #tpu.memory_space<hbm>> -> memref<1x2x88xi32, #tpu.memory_space<hbm>>
      %dma_wait3A_572 = tpu.memref_squeeze %dma_wait3A_571 : memref<1x2x88xi32, #tpu.memory_space<hbm>> -> memref<2x88xi32, #tpu.memory_space<hbm>>
      %dma_wait3A_573 = arith.constant 0 : i32
      %dma_wait3A_574 = arith.constant 0 : i32
      %dma_wait3A_575 = tpu.memref_slice %arg3[%add3A_568, %dma_wait3A_573, %dma_wait3A_574] : memref<7296x2x88xi32, #tpu.memory_space<hbm>> -> memref<1x2x88xi32, #tpu.memory_space<hbm>>
      %dma_wait3A_576 = tpu.memref_squeeze %dma_wait3A_575 : memref<1x2x88xi32, #tpu.memory_space<hbm>> -> memref<2x88xi32, #tpu.memory_space<hbm>>
      tpu.wait_dma2 semaphore(%arg16 : memref<!tpu.dma_semaphore, #tpu.memory_space<semaphore_mem>>) src(%dma_wait3A_576 : memref<2x88xi32, #tpu.memory_space<hbm>>) dst(%arg9 : memref<2x88xi32, #tpu.memory_space<vmem>>)
      %dma_wait3A_577 = arith.constant 1 : i32
      %dma_wait3A_578 = arith.constant 0 : i32
      %dma_wait3A_579 = tpu.memref_slice %arg7[%dma_wait3A_577, %dma_wait3A_578] : memref<2x88xi32, #tpu.memory_space<vmem>> -> memref<1x88xi32, #tpu.memory_space<vmem>>
      %dma_wait3A_580 = tpu.memref_squeeze %dma_wait3A_579 : memref<1x88xi32, #tpu.memory_space<vmem>> -> memref<88xi32, #tpu.memory_space<vmem>>
      %dma_wait3A_581 = arith.constant 0 : i32
      %dma_wait3A_582 = arith.constant 0 : i32
      %dma_wait3A_583 = tpu.memref_slice %arg12[%dma_wait3A_581, %dma_wait3A_582] : memref<10512x128xf32, #tpu.memory_space<vmem_shared>> -> memref<10512x128xf32, #tpu.memory_space<vmem_shared>>
      tpu.wait_indirect_dma semaphore(%arg20 : memref<!tpu.dma_semaphore, #tpu.memory_space<semaphore_mem>>) src(%arg11 : memref<88x128xf32, #tpu.memory_space<vmem>>) dst(%dma_wait3A_583 : memref<10512x128xf32, #tpu.memory_space<vmem_shared>>)
      %add3A_584 = arith.constant 3 : i32
      %add3A_585 = arith.addi %mul3A_409, %add3A_584 : i32
      %add3A_586 = arith.constant 2 : i32
      %add3A_587 = arith.addi %add3A_585, %add3A_586 : i32
      %add3A_588 = arith.addi %mul3A_2, %add3A_587 : i32
      %dma_start3A_589 = arith.constant 0 : i32
      %dma_start3A_590 = arith.constant 0 : i32
      %dma_start3A_591 = tpu.memref_slice %arg3[%add3A_588, %dma_start3A_589, %dma_start3A_590] : memref<7296x2x88xi32, #tpu.memory_space<hbm>> -> memref<1x2x88xi32, #tpu.memory_space<hbm>>
      %dma_start3A_592 = tpu.memref_squeeze %dma_start3A_591 : memref<1x2x88xi32, #tpu.memory_space<hbm>> -> memref<2x88xi32, #tpu.memory_space<hbm>>
      %dma_start3A_593 = arith.constant 0 : i32
      %dma_start3A_594 = arith.constant 0 : i32
      %dma_start3A_595 = tpu.memref_slice %arg3[%add3A_588, %dma_start3A_593, %dma_start3A_594] : memref<7296x2x88xi32, #tpu.memory_space<hbm>> -> memref<1x2x88xi32, #tpu.memory_space<hbm>>
      %dma_start3A_596 = tpu.memref_squeeze %dma_start3A_595 : memref<1x2x88xi32, #tpu.memory_space<hbm>> -> memref<2x88xi32, #tpu.memory_space<hbm>>
      tpu.enqueue_dma source(%dma_start3A_596 : memref<2x88xi32, #tpu.memory_space<hbm>>) target(%arg7 : memref<2x88xi32, #tpu.memory_space<vmem>>) target_semaphore(%arg14 : memref<!tpu.dma_semaphore, #tpu.memory_space<semaphore_mem>>)
      %dma_start3A_597 = arith.constant 0 : i32
      %dma_start3A_598 = arith.constant 0 : i32
      %dma_start3A_599 = tpu.memref_slice %arg9[%dma_start3A_597, %dma_start3A_598] : memref<2x88xi32, #tpu.memory_space<vmem>> -> memref<1x88xi32, #tpu.memory_space<vmem>>
      %dma_start3A_600 = tpu.memref_squeeze %dma_start3A_599 : memref<1x88xi32, #tpu.memory_space<vmem>> -> memref<88xi32, #tpu.memory_space<vmem>>
      %dma_start3A_601 = arith.constant 0 : i32
      %dma_start3A_602 = arith.constant 0 : i32
      %dma_start3A_603 = tpu.memref_slice %arg2[%dma_start3A_601, %dma_start3A_602] : memref<20000x128xf32, #tpu.memory_space<hbm>> -> memref<20000x128xf32, #tpu.memory_space<hbm>>
      tpu.enqueue_indirect_dma source(%dma_start3A_603 : memref<20000x128xf32, #tpu.memory_space<hbm>>) target(%arg11 : memref<88x128xf32, #tpu.memory_space<vmem>>) offsets(%dma_start3A_600 : memref<88xi32, #tpu.memory_space<vmem>>) semaphore(%arg18 : memref<!tpu.dma_semaphore, #tpu.memory_space<semaphore_mem>>)
      %dma_wait3A_604 = arith.constant 0 : i32
      %dma_wait3A_605 = arith.constant 0 : i32
      %dma_wait3A_606 = tpu.memref_slice %arg8[%dma_wait3A_604, %dma_wait3A_605] : memref<2x88xi32, #tpu.memory_space<vmem>> -> memref<1x88xi32, #tpu.memory_space<vmem>>
      %dma_wait3A_607 = tpu.memref_squeeze %dma_wait3A_606 : memref<1x88xi32, #tpu.memory_space<vmem>> -> memref<88xi32, #tpu.memory_space<vmem>>
      %dma_wait3A_608 = arith.constant 0 : i32
      %dma_wait3A_609 = arith.constant 0 : i32
      %dma_wait3A_610 = tpu.memref_slice %arg2[%dma_wait3A_608, %dma_wait3A_609] : memref<20000x128xf32, #tpu.memory_space<hbm>> -> memref<20000x128xf32, #tpu.memory_space<hbm>>
      tpu.wait_indirect_dma semaphore(%arg17 : memref<!tpu.dma_semaphore, #tpu.memory_space<semaphore_mem>>) src(%dma_wait3A_610 : memref<20000x128xf32, #tpu.memory_space<hbm>>) dst(%arg10 : memref<88x128xf32, #tpu.memory_space<vmem>>)
      %dma_start3A_611 = arith.constant 1 : i32
      %dma_start3A_612 = arith.constant 0 : i32
      %dma_start3A_613 = tpu.memref_slice %arg8[%dma_start3A_611, %dma_start3A_612] : memref<2x88xi32, #tpu.memory_space<vmem>> -> memref<1x88xi32, #tpu.memory_space<vmem>>
      %dma_start3A_614 = tpu.memref_squeeze %dma_start3A_613 : memref<1x88xi32, #tpu.memory_space<vmem>> -> memref<88xi32, #tpu.memory_space<vmem>>
      %dma_start3A_615 = arith.constant 0 : i32
      %dma_start3A_616 = arith.constant 0 : i32
      %dma_start3A_617 = tpu.memref_slice %arg12[%dma_start3A_615, %dma_start3A_616] : memref<10512x128xf32, #tpu.memory_space<vmem_shared>> -> memref<10512x128xf32, #tpu.memory_space<vmem_shared>>
      tpu.enqueue_indirect_dma source(%arg10 : memref<88x128xf32, #tpu.memory_space<vmem>>) target(%dma_start3A_617 : memref<10512x128xf32, #tpu.memory_space<vmem_shared>>) offsets(%dma_start3A_614 : memref<88xi32, #tpu.memory_space<vmem>>) semaphore(%arg19 : memref<!tpu.dma_semaphore, #tpu.memory_space<semaphore_mem>>) {add = true}
    }
    %scan3A_195 = arith.constant 55 : i32
    %add3A_196 = arith.constant 224 : i32
    %add3A_197 = arith.addi %mul3A_2, %add3A_196 : i32
    %dma_wait3A_198 = arith.constant 0 : i32
    %dma_wait3A_199 = arith.constant 0 : i32
    %dma_wait3A_200 = tpu.memref_slice %arg3[%add3A_197, %dma_wait3A_198, %dma_wait3A_199] : memref<7296x2x88xi32, #tpu.memory_space<hbm>> -> memref<1x2x88xi32, #tpu.memory_space<hbm>>
    %dma_wait3A_201 = tpu.memref_squeeze %dma_wait3A_200 : memref<1x2x88xi32, #tpu.memory_space<hbm>> -> memref<2x88xi32, #tpu.memory_space<hbm>>
    %dma_wait3A_202 = arith.constant 0 : i32
    %dma_wait3A_203 = arith.constant 0 : i32
    %dma_wait3A_204 = tpu.memref_slice %arg3[%add3A_197, %dma_wait3A_202, %dma_wait3A_203] : memref<7296x2x88xi32, #tpu.memory_space<hbm>> -> memref<1x2x88xi32, #tpu.memory_space<hbm>>
    %dma_wait3A_205 = tpu.memref_squeeze %dma_wait3A_204 : memref<1x2x88xi32, #tpu.memory_space<hbm>> -> memref<2x88xi32, #tpu.memory_space<hbm>>
    tpu.wait_dma2 semaphore(%arg13 : memref<!tpu.dma_semaphore, #tpu.memory_space<semaphore_mem>>) src(%dma_wait3A_205 : memref<2x88xi32, #tpu.memory_space<hbm>>) dst(%arg6 : memref<2x88xi32, #tpu.memory_space<vmem>>)
    %dma_wait3A_206 = arith.constant 1 : i32
    %dma_wait3A_207 = arith.constant 0 : i32
    %dma_wait3A_208 = tpu.memref_slice %arg8[%dma_wait3A_206, %dma_wait3A_207] : memref<2x88xi32, #tpu.memory_space<vmem>> -> memref<1x88xi32, #tpu.memory_space<vmem>>
    %dma_wait3A_209 = tpu.memref_squeeze %dma_wait3A_208 : memref<1x88xi32, #tpu.memory_space<vmem>> -> memref<88xi32, #tpu.memory_space<vmem>>
    %dma_wait3A_210 = arith.constant 0 : i32
    %dma_wait3A_211 = arith.constant 0 : i32
    %dma_wait3A_212 = tpu.memref_slice %arg12[%dma_wait3A_210, %dma_wait3A_211] : memref<10512x128xf32, #tpu.memory_space<vmem_shared>> -> memref<10512x128xf32, #tpu.memory_space<vmem_shared>>
    tpu.wait_indirect_dma semaphore(%arg19 : memref<!tpu.dma_semaphore, #tpu.memory_space<semaphore_mem>>) src(%arg10 : memref<88x128xf32, #tpu.memory_space<vmem>>) dst(%dma_wait3A_212 : memref<10512x128xf32, #tpu.memory_space<vmem_shared>>)
    %add3A_213 = arith.constant 226 : i32
    %add3A_214 = arith.addi %mul3A_2, %add3A_213 : i32
    %dma_start3A_215 = arith.constant 0 : i32
    %dma_start3A_216 = arith.constant 0 : i32
    %dma_start3A_217 = tpu.memref_slice %arg3[%add3A_214, %dma_start3A_215, %dma_start3A_216] : memref<7296x2x88xi32, #tpu.memory_space<hbm>> -> memref<1x2x88xi32, #tpu.memory_space<hbm>>
    %dma_start3A_218 = tpu.memref_squeeze %dma_start3A_217 : memref<1x2x88xi32, #tpu.memory_space<hbm>> -> memref<2x88xi32, #tpu.memory_space<hbm>>
    %dma_start3A_219 = arith.constant 0 : i32
    %dma_start3A_220 = arith.constant 0 : i32
    %dma_start3A_221 = tpu.memref_slice %arg3[%add3A_214, %dma_start3A_219, %dma_start3A_220] : memref<7296x2x88xi32, #tpu.memory_space<hbm>> -> memref<1x2x88xi32, #tpu.memory_space<hbm>>
    %dma_start3A_222 = tpu.memref_squeeze %dma_start3A_221 : memref<1x2x88xi32, #tpu.memory_space<hbm>> -> memref<2x88xi32, #tpu.memory_space<hbm>>
    tpu.enqueue_dma source(%dma_start3A_222 : memref<2x88xi32, #tpu.memory_space<hbm>>) target(%arg8 : memref<2x88xi32, #tpu.memory_space<vmem>>) target_semaphore(%arg15 : memref<!tpu.dma_semaphore, #tpu.memory_space<semaphore_mem>>)
    %dma_start3A_223 = arith.constant 0 : i32
    %dma_start3A_224 = arith.constant 0 : i32
    %dma_start3A_225 = tpu.memref_slice %arg6[%dma_start3A_223, %dma_start3A_224] : memref<2x88xi32, #tpu.memory_space<vmem>> -> memref<1x88xi32, #tpu.memory_space<vmem>>
    %dma_start3A_226 = tpu.memref_squeeze %dma_start3A_225 : memref<1x88xi32, #tpu.memory_space<vmem>> -> memref<88xi32, #tpu.memory_space<vmem>>
    %dma_start3A_227 = arith.constant 0 : i32
    %dma_start3A_228 = arith.constant 0 : i32
    %dma_start3A_229 = tpu.memref_slice %arg2[%dma_start3A_227, %dma_start3A_228] : memref<20000x128xf32, #tpu.memory_space<hbm>> -> memref<20000x128xf32, #tpu.memory_space<hbm>>
    tpu.enqueue_indirect_dma source(%dma_start3A_229 : memref<20000x128xf32, #tpu.memory_space<hbm>>) target(%arg10 : memref<88x128xf32, #tpu.memory_space<vmem>>) offsets(%dma_start3A_226 : memref<88xi32, #tpu.memory_space<vmem>>) semaphore(%arg17 : memref<!tpu.dma_semaphore, #tpu.memory_space<semaphore_mem>>)
    %dma_wait3A_230 = arith.constant 0 : i32
    %dma_wait3A_231 = arith.constant 0 : i32
    %dma_wait3A_232 = tpu.memref_slice %arg9[%dma_wait3A_230, %dma_wait3A_231] : memref<2x88xi32, #tpu.memory_space<vmem>> -> memref<1x88xi32, #tpu.memory_space<vmem>>
    %dma_wait3A_233 = tpu.memref_squeeze %dma_wait3A_232 : memref<1x88xi32, #tpu.memory_space<vmem>> -> memref<88xi32, #tpu.memory_space<vmem>>
    %dma_wait3A_234 = arith.constant 0 : i32
    %dma_wait3A_235 = arith.constant 0 : i32
    %dma_wait3A_236 = tpu.memref_slice %arg2[%dma_wait3A_234, %dma_wait3A_235] : memref<20000x128xf32, #tpu.memory_space<hbm>> -> memref<20000x128xf32, #tpu.memory_space<hbm>>
    tpu.wait_indirect_dma semaphore(%arg18 : memref<!tpu.dma_semaphore, #tpu.memory_space<semaphore_mem>>) src(%dma_wait3A_236 : memref<20000x128xf32, #tpu.memory_space<hbm>>) dst(%arg11 : memref<88x128xf32, #tpu.memory_space<vmem>>)
    %dma_start3A_237 = arith.constant 1 : i32
    %dma_start3A_238 = arith.constant 0 : i32
    %dma_start3A_239 = tpu.memref_slice %arg9[%dma_start3A_237, %dma_start3A_238] : memref<2x88xi32, #tpu.memory_space<vmem>> -> memref<1x88xi32, #tpu.memory_space<vmem>>
    %dma_start3A_240 = tpu.memref_squeeze %dma_start3A_239 : memref<1x88xi32, #tpu.memory_space<vmem>> -> memref<88xi32, #tpu.memory_space<vmem>>
    %dma_start3A_241 = arith.constant 0 : i32
    %dma_start3A_242 = arith.constant 0 : i32
    %dma_start3A_243 = tpu.memref_slice %arg12[%dma_start3A_241, %dma_start3A_242] : memref<10512x128xf32, #tpu.memory_space<vmem_shared>> -> memref<10512x128xf32, #tpu.memory_space<vmem_shared>>
    tpu.enqueue_indirect_dma source(%arg11 : memref<88x128xf32, #tpu.memory_space<vmem>>) target(%dma_start3A_243 : memref<10512x128xf32, #tpu.memory_space<vmem_shared>>) offsets(%dma_start3A_240 : memref<88xi32, #tpu.memory_space<vmem>>) semaphore(%arg20 : memref<!tpu.dma_semaphore, #tpu.memory_space<semaphore_mem>>) {add = true}
    %add3A_244 = arith.constant 225 : i32
    %add3A_245 = arith.addi %mul3A_2, %add3A_244 : i32
    %dma_wait3A_246 = arith.constant 0 : i32
    %dma_wait3A_247 = arith.constant 0 : i32
    %dma_wait3A_248 = tpu.memref_slice %arg3[%add3A_245, %dma_wait3A_246, %dma_wait3A_247] : memref<7296x2x88xi32, #tpu.memory_space<hbm>> -> memref<1x2x88xi32, #tpu.memory_space<hbm>>
    %dma_wait3A_249 = tpu.memref_squeeze %dma_wait3A_248 : memref<1x2x88xi32, #tpu.memory_space<hbm>> -> memref<2x88xi32, #tpu.memory_space<hbm>>
    %dma_wait3A_250 = arith.constant 0 : i32
    %dma_wait3A_251 = arith.constant 0 : i32
    %dma_wait3A_252 = tpu.memref_slice %arg3[%add3A_245, %dma_wait3A_250, %dma_wait3A_251] : memref<7296x2x88xi32, #tpu.memory_space<hbm>> -> memref<1x2x88xi32, #tpu.memory_space<hbm>>
    %dma_wait3A_253 = tpu.memref_squeeze %dma_wait3A_252 : memref<1x2x88xi32, #tpu.memory_space<hbm>> -> memref<2x88xi32, #tpu.memory_space<hbm>>
    tpu.wait_dma2 semaphore(%arg14 : memref<!tpu.dma_semaphore, #tpu.memory_space<semaphore_mem>>) src(%dma_wait3A_253 : memref<2x88xi32, #tpu.memory_space<hbm>>) dst(%arg7 : memref<2x88xi32, #tpu.memory_space<vmem>>)
    %dma_wait3A_254 = arith.constant 1 : i32
    %dma_wait3A_255 = arith.constant 0 : i32
    %dma_wait3A_256 = tpu.memref_slice %arg9[%dma_wait3A_254, %dma_wait3A_255] : memref<2x88xi32, #tpu.memory_space<vmem>> -> memref<1x88xi32, #tpu.memory_space<vmem>>
    %dma_wait3A_257 = tpu.memref_squeeze %dma_wait3A_256 : memref<1x88xi32, #tpu.memory_space<vmem>> -> memref<88xi32, #tpu.memory_space<vmem>>
    %dma_wait3A_258 = arith.constant 0 : i32
    %dma_wait3A_259 = arith.constant 0 : i32
    %dma_wait3A_260 = tpu.memref_slice %arg12[%dma_wait3A_258, %dma_wait3A_259] : memref<10512x128xf32, #tpu.memory_space<vmem_shared>> -> memref<10512x128xf32, #tpu.memory_space<vmem_shared>>
    tpu.wait_indirect_dma semaphore(%arg20 : memref<!tpu.dma_semaphore, #tpu.memory_space<semaphore_mem>>) src(%arg11 : memref<88x128xf32, #tpu.memory_space<vmem>>) dst(%dma_wait3A_260 : memref<10512x128xf32, #tpu.memory_space<vmem_shared>>)
    %add3A_261 = arith.constant 227 : i32
    %add3A_262 = arith.addi %mul3A_2, %add3A_261 : i32
    %dma_start3A_263 = arith.constant 0 : i32
    %dma_start3A_264 = arith.constant 0 : i32
    %dma_start3A_265 = tpu.memref_slice %arg3[%add3A_262, %dma_start3A_263, %dma_start3A_264] : memref<7296x2x88xi32, #tpu.memory_space<hbm>> -> memref<1x2x88xi32, #tpu.memory_space<hbm>>
    %dma_start3A_266 = tpu.memref_squeeze %dma_start3A_265 : memref<1x2x88xi32, #tpu.memory_space<hbm>> -> memref<2x88xi32, #tpu.memory_space<hbm>>
    %dma_start3A_267 = arith.constant 0 : i32
    %dma_start3A_268 = arith.constant 0 : i32
    %dma_start3A_269 = tpu.memref_slice %arg3[%add3A_262, %dma_start3A_267, %dma_start3A_268] : memref<7296x2x88xi32, #tpu.memory_space<hbm>> -> memref<1x2x88xi32, #tpu.memory_space<hbm>>
    %dma_start3A_270 = tpu.memref_squeeze %dma_start3A_269 : memref<1x2x88xi32, #tpu.memory_space<hbm>> -> memref<2x88xi32, #tpu.memory_space<hbm>>
    tpu.enqueue_dma source(%dma_start3A_270 : memref<2x88xi32, #tpu.memory_space<hbm>>) target(%arg9 : memref<2x88xi32, #tpu.memory_space<vmem>>) target_semaphore(%arg16 : memref<!tpu.dma_semaphore, #tpu.memory_space<semaphore_mem>>)
    %dma_start3A_271 = arith.constant 0 : i32
    %dma_start3A_272 = arith.constant 0 : i32
    %dma_start3A_273 = tpu.memref_slice %arg7[%dma_start3A_271, %dma_start3A_272] : memref<2x88xi32, #tpu.memory_space<vmem>> -> memref<1x88xi32, #tpu.memory_space<vmem>>
    %dma_start3A_274 = tpu.memref_squeeze %dma_start3A_273 : memref<1x88xi32, #tpu.memory_space<vmem>> -> memref<88xi32, #tpu.memory_space<vmem>>
    %dma_start3A_275 = arith.constant 0 : i32
    %dma_start3A_276 = arith.constant 0 : i32
    %dma_start3A_277 = tpu.memref_slice %arg2[%dma_start3A_275, %dma_start3A_276] : memref<20000x128xf32, #tpu.memory_space<hbm>> -> memref<20000x128xf32, #tpu.memory_space<hbm>>
    tpu.enqueue_indirect_dma source(%dma_start3A_277 : memref<20000x128xf32, #tpu.memory_space<hbm>>) target(%arg11 : memref<88x128xf32, #tpu.memory_space<vmem>>) offsets(%dma_start3A_274 : memref<88xi32, #tpu.memory_space<vmem>>) semaphore(%arg18 : memref<!tpu.dma_semaphore, #tpu.memory_space<semaphore_mem>>)
    %dma_wait3A_278 = arith.constant 0 : i32
    %dma_wait3A_279 = arith.constant 0 : i32
    %dma_wait3A_280 = tpu.memref_slice %arg6[%dma_wait3A_278, %dma_wait3A_279] : memref<2x88xi32, #tpu.memory_space<vmem>> -> memref<1x88xi32, #tpu.memory_space<vmem>>
    %dma_wait3A_281 = tpu.memref_squeeze %dma_wait3A_280 : memref<1x88xi32, #tpu.memory_space<vmem>> -> memref<88xi32, #tpu.memory_space<vmem>>
    %dma_wait3A_282 = arith.constant 0 : i32
    %dma_wait3A_283 = arith.constant 0 : i32
    %dma_wait3A_284 = tpu.memref_slice %arg2[%dma_wait3A_282, %dma_wait3A_283] : memref<20000x128xf32, #tpu.memory_space<hbm>> -> memref<20000x128xf32, #tpu.memory_space<hbm>>
    tpu.wait_indirect_dma semaphore(%arg17 : memref<!tpu.dma_semaphore, #tpu.memory_space<semaphore_mem>>) src(%dma_wait3A_284 : memref<20000x128xf32, #tpu.memory_space<hbm>>) dst(%arg10 : memref<88x128xf32, #tpu.memory_space<vmem>>)
    %dma_start3A_285 = arith.constant 1 : i32
    %dma_start3A_286 = arith.constant 0 : i32
    %dma_start3A_287 = tpu.memref_slice %arg6[%dma_start3A_285, %dma_start3A_286] : memref<2x88xi32, #tpu.memory_space<vmem>> -> memref<1x88xi32, #tpu.memory_space<vmem>>
    %dma_start3A_288 = tpu.memref_squeeze %dma_start3A_287 : memref<1x88xi32, #tpu.memory_space<vmem>> -> memref<88xi32, #tpu.memory_space<vmem>>
    %dma_start3A_289 = arith.constant 0 : i32
    %dma_start3A_290 = arith.constant 0 : i32
    %dma_start3A_291 = tpu.memref_slice %arg12[%dma_start3A_289, %dma_start3A_290] : memref<10512x128xf32, #tpu.memory_space<vmem_shared>> -> memref<10512x128xf32, #tpu.memory_space<vmem_shared>>
    tpu.enqueue_indirect_dma source(%arg10 : memref<88x128xf32, #tpu.memory_space<vmem>>) target(%dma_start3A_291 : memref<10512x128xf32, #tpu.memory_space<vmem_shared>>) offsets(%dma_start3A_288 : memref<88xi32, #tpu.memory_space<vmem>>) semaphore(%arg19 : memref<!tpu.dma_semaphore, #tpu.memory_space<semaphore_mem>>) {add = true}
    %add3A_292 = arith.constant 226 : i32
    %add3A_293 = arith.addi %mul3A_2, %add3A_292 : i32
    %dma_wait3A_294 = arith.constant 0 : i32
    %dma_wait3A_295 = arith.constant 0 : i32
    %dma_wait3A_296 = tpu.memref_slice %arg3[%add3A_293, %dma_wait3A_294, %dma_wait3A_295] : memref<7296x2x88xi32, #tpu.memory_space<hbm>> -> memref<1x2x88xi32, #tpu.memory_space<hbm>>
    %dma_wait3A_297 = tpu.memref_squeeze %dma_wait3A_296 : memref<1x2x88xi32, #tpu.memory_space<hbm>> -> memref<2x88xi32, #tpu.memory_space<hbm>>
    %dma_wait3A_298 = arith.constant 0 : i32
    %dma_wait3A_299 = arith.constant 0 : i32
    %dma_wait3A_300 = tpu.memref_slice %arg3[%add3A_293, %dma_wait3A_298, %dma_wait3A_299] : memref<7296x2x88xi32, #tpu.memory_space<hbm>> -> memref<1x2x88xi32, #tpu.memory_space<hbm>>
    %dma_wait3A_301 = tpu.memref_squeeze %dma_wait3A_300 : memref<1x2x88xi32, #tpu.memory_space<hbm>> -> memref<2x88xi32, #tpu.memory_space<hbm>>
    tpu.wait_dma2 semaphore(%arg15 : memref<!tpu.dma_semaphore, #tpu.memory_space<semaphore_mem>>) src(%dma_wait3A_301 : memref<2x88xi32, #tpu.memory_space<hbm>>) dst(%arg8 : memref<2x88xi32, #tpu.memory_space<vmem>>)
    %dma_wait3A_302 = arith.constant 1 : i32
    %dma_wait3A_303 = arith.constant 0 : i32
    %dma_wait3A_304 = tpu.memref_slice %arg6[%dma_wait3A_302, %dma_wait3A_303] : memref<2x88xi32, #tpu.memory_space<vmem>> -> memref<1x88xi32, #tpu.memory_space<vmem>>
    %dma_wait3A_305 = tpu.memref_squeeze %dma_wait3A_304 : memref<1x88xi32, #tpu.memory_space<vmem>> -> memref<88xi32, #tpu.memory_space<vmem>>
    %dma_wait3A_306 = arith.constant 0 : i32
    %dma_wait3A_307 = arith.constant 0 : i32
    %dma_wait3A_308 = tpu.memref_slice %arg12[%dma_wait3A_306, %dma_wait3A_307] : memref<10512x128xf32, #tpu.memory_space<vmem_shared>> -> memref<10512x128xf32, #tpu.memory_space<vmem_shared>>
    tpu.wait_indirect_dma semaphore(%arg19 : memref<!tpu.dma_semaphore, #tpu.memory_space<semaphore_mem>>) src(%arg10 : memref<88x128xf32, #tpu.memory_space<vmem>>) dst(%dma_wait3A_308 : memref<10512x128xf32, #tpu.memory_space<vmem_shared>>)
    %dma_start3A_309 = arith.constant 0 : i32
    %dma_start3A_310 = arith.constant 0 : i32
    %dma_start3A_311 = tpu.memref_slice %arg8[%dma_start3A_309, %dma_start3A_310] : memref<2x88xi32, #tpu.memory_space<vmem>> -> memref<1x88xi32, #tpu.memory_space<vmem>>
    %dma_start3A_312 = tpu.memref_squeeze %dma_start3A_311 : memref<1x88xi32, #tpu.memory_space<vmem>> -> memref<88xi32, #tpu.memory_space<vmem>>
    %dma_start3A_313 = arith.constant 0 : i32
    %dma_start3A_314 = arith.constant 0 : i32
    %dma_start3A_315 = tpu.memref_slice %arg2[%dma_start3A_313, %dma_start3A_314] : memref<20000x128xf32, #tpu.memory_space<hbm>> -> memref<20000x128xf32, #tpu.memory_space<hbm>>
    tpu.enqueue_indirect_dma source(%dma_start3A_315 : memref<20000x128xf32, #tpu.memory_space<hbm>>) target(%arg10 : memref<88x128xf32, #tpu.memory_space<vmem>>) offsets(%dma_start3A_312 : memref<88xi32, #tpu.memory_space<vmem>>) semaphore(%arg17 : memref<!tpu.dma_semaphore, #tpu.memory_space<semaphore_mem>>)
    %dma_wait3A_316 = arith.constant 0 : i32
    %dma_wait3A_317 = arith.constant 0 : i32
    %dma_wait3A_318 = tpu.memref_slice %arg7[%dma_wait3A_316, %dma_wait3A_317] : memref<2x88xi32, #tpu.memory_space<vmem>> -> memref<1x88xi32, #tpu.memory_space<vmem>>
    %dma_wait3A_319 = tpu.memref_squeeze %dma_wait3A_318 : memref<1x88xi32, #tpu.memory_space<vmem>> -> memref<88xi32, #tpu.memory_space<vmem>>
    %dma_wait3A_320 = arith.constant 0 : i32
    %dma_wait3A_321 = arith.constant 0 : i32
    %dma_wait3A_322 = tpu.memref_slice %arg2[%dma_wait3A_320, %dma_wait3A_321] : memref<20000x128xf32, #tpu.memory_space<hbm>> -> memref<20000x128xf32, #tpu.memory_space<hbm>>
    tpu.wait_indirect_dma semaphore(%arg18 : memref<!tpu.dma_semaphore, #tpu.memory_space<semaphore_mem>>) src(%dma_wait3A_322 : memref<20000x128xf32, #tpu.memory_space<hbm>>) dst(%arg11 : memref<88x128xf32, #tpu.memory_space<vmem>>)
    %dma_start3A_323 = arith.constant 1 : i32
    %dma_start3A_324 = arith.constant 0 : i32
    %dma_start3A_325 = tpu.memref_slice %arg7[%dma_start3A_323, %dma_start3A_324] : memref<2x88xi32, #tpu.memory_space<vmem>> -> memref<1x88xi32, #tpu.memory_space<vmem>>
    %dma_start3A_326 = tpu.memref_squeeze %dma_start3A_325 : memref<1x88xi32, #tpu.memory_space<vmem>> -> memref<88xi32, #tpu.memory_space<vmem>>
    %dma_start3A_327 = arith.constant 0 : i32
    %dma_start3A_328 = arith.constant 0 : i32
    %dma_start3A_329 = tpu.memref_slice %arg12[%dma_start3A_327, %dma_start3A_328] : memref<10512x128xf32, #tpu.memory_space<vmem_shared>> -> memref<10512x128xf32, #tpu.memory_space<vmem_shared>>
    tpu.enqueue_indirect_dma source(%arg11 : memref<88x128xf32, #tpu.memory_space<vmem>>) target(%dma_start3A_329 : memref<10512x128xf32, #tpu.memory_space<vmem_shared>>) offsets(%dma_start3A_326 : memref<88xi32, #tpu.memory_space<vmem>>) semaphore(%arg20 : memref<!tpu.dma_semaphore, #tpu.memory_space<semaphore_mem>>) {add = true}
    %add3A_330 = arith.constant 227 : i32
    %add3A_331 = arith.addi %mul3A_2, %add3A_330 : i32
    %dma_wait3A_332 = arith.constant 0 : i32
    %dma_wait3A_333 = arith.constant 0 : i32
    %dma_wait3A_334 = tpu.memref_slice %arg3[%add3A_331, %dma_wait3A_332, %dma_wait3A_333] : memref<7296x2x88xi32, #tpu.memory_space<hbm>> -> memref<1x2x88xi32, #tpu.memory_space<hbm>>
    %dma_wait3A_335 = tpu.memref_squeeze %dma_wait3A_334 : memref<1x2x88xi32, #tpu.memory_space<hbm>> -> memref<2x88xi32, #tpu.memory_space<hbm>>
    %dma_wait3A_336 = arith.constant 0 : i32
    %dma_wait3A_337 = arith.constant 0 : i32
    %dma_wait3A_338 = tpu.memref_slice %arg3[%add3A_331, %dma_wait3A_336, %dma_wait3A_337] : memref<7296x2x88xi32, #tpu.memory_space<hbm>> -> memref<1x2x88xi32, #tpu.memory_space<hbm>>
    %dma_wait3A_339 = tpu.memref_squeeze %dma_wait3A_338 : memref<1x2x88xi32, #tpu.memory_space<hbm>> -> memref<2x88xi32, #tpu.memory_space<hbm>>
    tpu.wait_dma2 semaphore(%arg16 : memref<!tpu.dma_semaphore, #tpu.memory_space<semaphore_mem>>) src(%dma_wait3A_339 : memref<2x88xi32, #tpu.memory_space<hbm>>) dst(%arg9 : memref<2x88xi32, #tpu.memory_space<vmem>>)
    %dma_wait3A_340 = arith.constant 1 : i32
    %dma_wait3A_341 = arith.constant 0 : i32
    %dma_wait3A_342 = tpu.memref_slice %arg7[%dma_wait3A_340, %dma_wait3A_341] : memref<2x88xi32, #tpu.memory_space<vmem>> -> memref<1x88xi32, #tpu.memory_space<vmem>>
    %dma_wait3A_343 = tpu.memref_squeeze %dma_wait3A_342 : memref<1x88xi32, #tpu.memory_space<vmem>> -> memref<88xi32, #tpu.memory_space<vmem>>
    %dma_wait3A_344 = arith.constant 0 : i32
    %dma_wait3A_345 = arith.constant 0 : i32
    %dma_wait3A_346 = tpu.memref_slice %arg12[%dma_wait3A_344, %dma_wait3A_345] : memref<10512x128xf32, #tpu.memory_space<vmem_shared>> -> memref<10512x128xf32, #tpu.memory_space<vmem_shared>>
    tpu.wait_indirect_dma semaphore(%arg20 : memref<!tpu.dma_semaphore, #tpu.memory_space<semaphore_mem>>) src(%arg11 : memref<88x128xf32, #tpu.memory_space<vmem>>) dst(%dma_wait3A_346 : memref<10512x128xf32, #tpu.memory_space<vmem_shared>>)
    %dma_start3A_347 = arith.constant 0 : i32
    %dma_start3A_348 = arith.constant 0 : i32
    %dma_start3A_349 = tpu.memref_slice %arg9[%dma_start3A_347, %dma_start3A_348] : memref<2x88xi32, #tpu.memory_space<vmem>> -> memref<1x88xi32, #tpu.memory_space<vmem>>
    %dma_start3A_350 = tpu.memref_squeeze %dma_start3A_349 : memref<1x88xi32, #tpu.memory_space<vmem>> -> memref<88xi32, #tpu.memory_space<vmem>>
    %dma_start3A_351 = arith.constant 0 : i32
    %dma_start3A_352 = arith.constant 0 : i32
    %dma_start3A_353 = tpu.memref_slice %arg2[%dma_start3A_351, %dma_start3A_352] : memref<20000x128xf32, #tpu.memory_space<hbm>> -> memref<20000x128xf32, #tpu.memory_space<hbm>>
    tpu.enqueue_indirect_dma source(%dma_start3A_353 : memref<20000x128xf32, #tpu.memory_space<hbm>>) target(%arg11 : memref<88x128xf32, #tpu.memory_space<vmem>>) offsets(%dma_start3A_350 : memref<88xi32, #tpu.memory_space<vmem>>) semaphore(%arg18 : memref<!tpu.dma_semaphore, #tpu.memory_space<semaphore_mem>>)
    %dma_wait3A_354 = arith.constant 0 : i32
    %dma_wait3A_355 = arith.constant 0 : i32
    %dma_wait3A_356 = tpu.memref_slice %arg8[%dma_wait3A_354, %dma_wait3A_355] : memref<2x88xi32, #tpu.memory_space<vmem>> -> memref<1x88xi32, #tpu.memory_space<vmem>>
    %dma_wait3A_357 = tpu.memref_squeeze %dma_wait3A_356 : memref<1x88xi32, #tpu.memory_space<vmem>> -> memref<88xi32, #tpu.memory_space<vmem>>
    %dma_wait3A_358 = arith.constant 0 : i32
    %dma_wait3A_359 = arith.constant 0 : i32
    %dma_wait3A_360 = tpu.memref_slice %arg2[%dma_wait3A_358, %dma_wait3A_359] : memref<20000x128xf32, #tpu.memory_space<hbm>> -> memref<20000x128xf32, #tpu.memory_space<hbm>>
    tpu.wait_indirect_dma semaphore(%arg17 : memref<!tpu.dma_semaphore, #tpu.memory_space<semaphore_mem>>) src(%dma_wait3A_360 : memref<20000x128xf32, #tpu.memory_space<hbm>>) dst(%arg10 : memref<88x128xf32, #tpu.memory_space<vmem>>)
    %dma_start3A_361 = arith.constant 1 : i32
    %dma_start3A_362 = arith.constant 0 : i32
    %dma_start3A_363 = tpu.memref_slice %arg8[%dma_start3A_361, %dma_start3A_362] : memref<2x88xi32, #tpu.memory_space<vmem>> -> memref<1x88xi32, #tpu.memory_space<vmem>>
    %dma_start3A_364 = tpu.memref_squeeze %dma_start3A_363 : memref<1x88xi32, #tpu.memory_space<vmem>> -> memref<88xi32, #tpu.memory_space<vmem>>
    %dma_start3A_365 = arith.constant 0 : i32
    %dma_start3A_366 = arith.constant 0 : i32
    %dma_start3A_367 = tpu.memref_slice %arg12[%dma_start3A_365, %dma_start3A_366] : memref<10512x128xf32, #tpu.memory_space<vmem_shared>> -> memref<10512x128xf32, #tpu.memory_space<vmem_shared>>
    tpu.enqueue_indirect_dma source(%arg10 : memref<88x128xf32, #tpu.memory_space<vmem>>) target(%dma_start3A_367 : memref<10512x128xf32, #tpu.memory_space<vmem_shared>>) offsets(%dma_start3A_364 : memref<88xi32, #tpu.memory_space<vmem>>) semaphore(%arg19 : memref<!tpu.dma_semaphore, #tpu.memory_space<semaphore_mem>>) {add = true}
    %dma_wait3A_368 = arith.constant 0 : i32
    %dma_wait3A_369 = arith.constant 0 : i32
    %dma_wait3A_370 = tpu.memref_slice %arg9[%dma_wait3A_368, %dma_wait3A_369] : memref<2x88xi32, #tpu.memory_space<vmem>> -> memref<1x88xi32, #tpu.memory_space<vmem>>
    %dma_wait3A_371 = tpu.memref_squeeze %dma_wait3A_370 : memref<1x88xi32, #tpu.memory_space<vmem>> -> memref<88xi32, #tpu.memory_space<vmem>>
    %dma_wait3A_372 = arith.constant 0 : i32
    %dma_wait3A_373 = arith.constant 0 : i32
    %dma_wait3A_374 = tpu.memref_slice %arg2[%dma_wait3A_372, %dma_wait3A_373] : memref<20000x128xf32, #tpu.memory_space<hbm>> -> memref<20000x128xf32, #tpu.memory_space<hbm>>
    tpu.wait_indirect_dma semaphore(%arg18 : memref<!tpu.dma_semaphore, #tpu.memory_space<semaphore_mem>>) src(%dma_wait3A_374 : memref<20000x128xf32, #tpu.memory_space<hbm>>) dst(%arg11 : memref<88x128xf32, #tpu.memory_space<vmem>>)
    %dma_start3A_375 = arith.constant 1 : i32
    %dma_start3A_376 = arith.constant 0 : i32
    %dma_start3A_377 = tpu.memref_slice %arg9[%dma_start3A_375, %dma_start3A_376] : memref<2x88xi32, #tpu.memory_space<vmem>> -> memref<1x88xi32, #tpu.memory_space<vmem>>
    %dma_start3A_378 = tpu.memref_squeeze %dma_start3A_377 : memref<1x88xi32, #tpu.memory_space<vmem>> -> memref<88xi32, #tpu.memory_space<vmem>>
    %dma_start3A_379 = arith.constant 0 : i32
    %dma_start3A_380 = arith.constant 0 : i32
    %dma_start3A_381 = tpu.memref_slice %arg12[%dma_start3A_379, %dma_start3A_380] : memref<10512x128xf32, #tpu.memory_space<vmem_shared>> -> memref<10512x128xf32, #tpu.memory_space<vmem_shared>>
    tpu.enqueue_indirect_dma source(%arg11 : memref<88x128xf32, #tpu.memory_space<vmem>>) target(%dma_start3A_381 : memref<10512x128xf32, #tpu.memory_space<vmem_shared>>) offsets(%dma_start3A_378 : memref<88xi32, #tpu.memory_space<vmem>>) semaphore(%arg20 : memref<!tpu.dma_semaphore, #tpu.memory_space<semaphore_mem>>) {add = true}
    %dma_wait3A_382 = arith.constant 1 : i32
    %dma_wait3A_383 = arith.constant 0 : i32
    %dma_wait3A_384 = tpu.memref_slice %arg8[%dma_wait3A_382, %dma_wait3A_383] : memref<2x88xi32, #tpu.memory_space<vmem>> -> memref<1x88xi32, #tpu.memory_space<vmem>>
    %dma_wait3A_385 = tpu.memref_squeeze %dma_wait3A_384 : memref<1x88xi32, #tpu.memory_space<vmem>> -> memref<88xi32, #tpu.memory_space<vmem>>
    %dma_wait3A_386 = arith.constant 0 : i32
    %dma_wait3A_387 = arith.constant 0 : i32
    %dma_wait3A_388 = tpu.memref_slice %arg12[%dma_wait3A_386, %dma_wait3A_387] : memref<10512x128xf32, #tpu.memory_space<vmem_shared>> -> memref<10512x128xf32, #tpu.memory_space<vmem_shared>>
    tpu.wait_indirect_dma semaphore(%arg19 : memref<!tpu.dma_semaphore, #tpu.memory_space<semaphore_mem>>) src(%arg10 : memref<88x128xf32, #tpu.memory_space<vmem>>) dst(%dma_wait3A_388 : memref<10512x128xf32, #tpu.memory_space<vmem_shared>>)
    %dma_wait3A_389 = arith.constant 1 : i32
    %dma_wait3A_390 = arith.constant 0 : i32
    %dma_wait3A_391 = tpu.memref_slice %arg9[%dma_wait3A_389, %dma_wait3A_390] : memref<2x88xi32, #tpu.memory_space<vmem>> -> memref<1x88xi32, #tpu.memory_space<vmem>>
    %dma_wait3A_392 = tpu.memref_squeeze %dma_wait3A_391 : memref<1x88xi32, #tpu.memory_space<vmem>> -> memref<88xi32, #tpu.memory_space<vmem>>
    %dma_wait3A_393 = arith.constant 0 : i32
    %dma_wait3A_394 = arith.constant 0 : i32
    %dma_wait3A_395 = tpu.memref_slice %arg12[%dma_wait3A_393, %dma_wait3A_394] : memref<10512x128xf32, #tpu.memory_space<vmem_shared>> -> memref<10512x128xf32, #tpu.memory_space<vmem_shared>>
    tpu.wait_indirect_dma semaphore(%arg20 : memref<!tpu.dma_semaphore, #tpu.memory_space<semaphore_mem>>) src(%arg11 : memref<88x128xf32, #tpu.memory_space<vmem>>) dst(%dma_wait3A_395 : memref<10512x128xf32, #tpu.memory_space<vmem_shared>>)
    %barrier3A_396 = arith.constant 0 : index
    tpu.barrier barrier_id(%barrier3A_396)
    %lt3A_397 = arith.constant 15 : i32
    %lt3A_398 = arith.cmpi slt, %arg1, %lt3A_397 : i32
    %convert_element_type3A_399 = arith.extui %lt3A_398 : i1 to i32
    %cond3A_400 = arith.constant 0 : i32
    %cond3A_401 = arith.cmpi ne, %convert_element_type3A_399, %cond3A_400 : i32
    scf.if %cond3A_401 {
      %mul3A_407 = arith.constant 632 : i32
      %mul3A_408 = arith.muli %arg1, %mul3A_407 : i32
      %mul3A_409 = arith.constant 10000 : i32
      %mul3A_410 = arith.muli %arg0, %mul3A_409 : i32
      %mul3A_411 = arith.constant 632 : i32
      %mul3A_412 = arith.muli %arg1, %mul3A_411 : i32
      %add3A_413 = arith.addi %mul3A_410, %mul3A_412 : i32
      "tpu.region"() ({
        %run_scoped3A = tpu.sem_alloc : memref<!tpu.dma_semaphore, #tpu.memory_space<semaphore_mem>>
        %dma_start3A_414 = arith.constant 0 : i32
        %dma_start3A_415 = tpu.memref_slice %arg5[%add3A_413, %dma_start3A_414] : memref<20000x128xf32, #tpu.memory_space<hbm>> -> memref<632x128xf32, #tpu.memory_space<hbm>>
        %dma_start3A_416 = arith.constant 0 : i32
        %dma_start3A_417 = tpu.memref_slice %arg12[%mul3A_408, %dma_start3A_416] : memref<10512x128xf32, #tpu.memory_space<vmem_shared>> -> memref<632x128xf32, #tpu.memory_space<vmem_shared>>
        tpu.enqueue_dma source(%dma_start3A_417 : memref<632x128xf32, #tpu.memory_space<vmem_shared>>) target(%dma_start3A_415 : memref<632x128xf32, #tpu.memory_space<hbm>>) target_semaphore(%run_scoped3A : memref<!tpu.dma_semaphore, #tpu.memory_space<semaphore_mem>>)
        %dma_wait3A_418 = arith.constant 0 : i32
        %dma_wait3A_419 = tpu.memref_slice %arg5[%add3A_413, %dma_wait3A_418] : memref<20000x128xf32, #tpu.memory_space<hbm>> -> memref<632x128xf32, #tpu.memory_space<hbm>>
        %dma_wait3A_420 = arith.constant 0 : i32
        %dma_wait3A_421 = tpu.memref_slice %arg12[%mul3A_408, %dma_wait3A_420] : memref<10512x128xf32, #tpu.memory_space<vmem_shared>> -> memref<632x128xf32, #tpu.memory_space<vmem_shared>>
        tpu.wait_dma2 semaphore(%run_scoped3A : memref<!tpu.dma_semaphore, #tpu.memory_space<semaphore_mem>>) src(%dma_wait3A_421 : memref<632x128xf32, #tpu.memory_space<vmem_shared>>) dst(%dma_wait3A_419 : memref<632x128xf32, #tpu.memory_space<hbm>>)
        tpu.yield
      }) : () -> ()
    } else {
    }
    %eq3A_402 = arith.constant 15 : i32
    %eq3A_403 = arith.cmpi eq, %arg1, %eq3A_402 : i32
    %convert_element_type3A_404 = arith.extui %eq3A_403 : i1 to i32
    %cond3A_405 = arith.constant 0 : i32
    %cond3A_406 = arith.cmpi ne, %convert_element_type3A_404, %cond3A_405 : i32
    scf.if %cond3A_406 {
      %mul3A_407 = arith.constant 10000 : i32
      %mul3A_408 = arith.muli %arg0, %mul3A_407 : i32
      %add3A_409 = arith.constant 9480 : i32
      %add3A_410 = arith.addi %mul3A_408, %add3A_409 : i32
      "tpu.region"() ({
        %run_scoped3A = tpu.sem_alloc : memref<!tpu.dma_semaphore, #tpu.memory_space<semaphore_mem>>
        %dma_start3A_411 = arith.constant 0 : i32
        %dma_start3A_412 = tpu.memref_slice %arg5[%add3A_410, %dma_start3A_411] : memref<20000x128xf32, #tpu.memory_space<hbm>> -> memref<520x128xf32, #tpu.memory_space<hbm>>
        %dma_start3A_413 = arith.constant 9480 : i32
        %dma_start3A_414 = arith.constant 0 : i32
        %dma_start3A_415 = tpu.memref_slice %arg12[%dma_start3A_413, %dma_start3A_414] : memref<10512x128xf32, #tpu.memory_space<vmem_shared>> -> memref<520x128xf32, #tpu.memory_space<vmem_shared>>
        tpu.enqueue_dma source(%dma_start3A_415 : memref<520x128xf32, #tpu.memory_space<vmem_shared>>) target(%dma_start3A_412 : memref<520x128xf32, #tpu.memory_space<hbm>>) target_semaphore(%run_scoped3A : memref<!tpu.dma_semaphore, #tpu.memory_space<semaphore_mem>>)
        %dma_wait3A_416 = arith.constant 0 : i32
        %dma_wait3A_417 = tpu.memref_slice %arg5[%add3A_410, %dma_wait3A_416] : memref<20000x128xf32, #tpu.memory_space<hbm>> -> memref<520x128xf32, #tpu.memory_space<hbm>>
        %dma_wait3A_418 = arith.constant 9480 : i32
        %dma_wait3A_419 = arith.constant 0 : i32
        %dma_wait3A_420 = tpu.memref_slice %arg12[%dma_wait3A_418, %dma_wait3A_419] : memref<10512x128xf32, #tpu.memory_space<vmem_shared>> -> memref<520x128xf32, #tpu.memory_space<vmem_shared>>
        tpu.wait_dma2 semaphore(%run_scoped3A : memref<!tpu.dma_semaphore, #tpu.memory_space<semaphore_mem>>) src(%dma_wait3A_420 : memref<520x128xf32, #tpu.memory_space<vmem_shared>>) dst(%dma_wait3A_417 : memref<520x128xf32, #tpu.memory_space<hbm>>)
        tpu.yield
      }) : () -> ()
    } else {
    }
    return
  }
}

#map = affine_map<(d0, d1) -> (0, 0)>
#map1 = affine_map<(d0, d1) -> (0, 0, 0)>
module attributes {stable_mosaic.version = 14 : i64} {
  func.func @_sc_segsum(%arg0: i32, %arg1: i32, %arg2: memref<20000x128xf32, #tpu.memory_space<hbm>>, %arg3: memref<7296x2x88xi32, #tpu.memory_space<hbm>>, %arg4: memref<10000x128xf32, #tpu.memory_space<hbm>>, %arg5: memref<20000x128xf32, #tpu.memory_space<hbm>>, %arg6: memref<2x88xi32, #tpu.memory_space<vmem>>, %arg7: memref<2x88xi32, #tpu.memory_space<vmem>>, %arg8: memref<2x88xi32, #tpu.memory_space<vmem>>, %arg9: memref<2x88xi32, #tpu.memory_space<vmem>>, %arg10: memref<88x128xf32, #tpu.memory_space<vmem>>, %arg11: memref<88x128xf32, #tpu.memory_space<vmem>>, %arg12: memref<10512x128xf32, #tpu.memory_space<vmem_shared>>, %arg13: memref<!tpu.dma_semaphore, #tpu.memory_space<semaphore_mem>>, %arg14: memref<!tpu.dma_semaphore, #tpu.memory_space<semaphore_mem>>, %arg15: memref<!tpu.dma_semaphore, #tpu.memory_space<semaphore_mem>>, %arg16: memref<!tpu.dma_semaphore, #tpu.memory_space<semaphore_mem>>, %arg17: memref<!tpu.dma_semaphore, #tpu.memory_space<semaphore_mem>>, %arg18: memref<!tpu.dma_semaphore, #tpu.memory_space<semaphore_mem>>, %arg19: memref<!tpu.dma_semaphore, #tpu.memory_space<semaphore_mem>>, %arg20: memref<!tpu.dma_semaphore, #tpu.memory_space<semaphore_mem>>) attributes {dimension_semantics = [#tpu.dimension_semantics<core_parallel>, #tpu.dimension_semantics<subcore_parallel>], iteration_bounds = array<i64: 2, 16>, scalar_prefetch = 0 : i64, scratch_operands = 15 : i64, tpu.core_type = #tpu.core_type<sc_vector_subcore>, window_params = [{transform_indices = #map}, {transform_indices = #map1}, {transform_indices = #map}, {transform_indices = #map}]} {
    %mul3A = arith.constant 16 : i32
    %mul3A_0 = arith.muli %arg0, %mul3A : i32
    %add3A = arith.addi %mul3A_0, %arg1 : i32
    %mul3A_1 = arith.constant 228 : i32
    %mul3A_2 = arith.muli %add3A, %mul3A_1 : i32
    %lt3A = arith.constant 15 : i32
    %lt3A_3 = arith.cmpi slt, %arg1, %lt3A : i32
    %convert_element_type3A = arith.extui %lt3A_3 : i1 to i32
    %cond3A = arith.constant 0 : i32
    %cond3A_4 = arith.cmpi ne, %convert_element_type3A, %cond3A : i32
    scf.if %cond3A_4 {
      %mul3A_407 = arith.constant 632 : i32
      %mul3A_408 = arith.muli %arg1, %mul3A_407 : i32
      %mul3A_409 = arith.constant 632 : i32
      %mul3A_410 = arith.muli %arg1, %mul3A_409 : i32
      "tpu.region"() ({
        %run_scoped3A = tpu.sem_alloc : memref<!tpu.dma_semaphore, #tpu.memory_space<semaphore_mem>>
        %dma_start3A_411 = arith.constant 0 : i32
        %dma_start3A_412 = tpu.memref_slice %arg12[%mul3A_410, %dma_start3A_411] : memref<10512x128xf32, #tpu.memory_space<vmem_shared>> -> memref<632x128xf32, #tpu.memory_space<vmem_shared>>
        %dma_start3A_413 = arith.constant 0 : i32
        %dma_start3A_414 = tpu.memref_slice %arg4[%mul3A_408, %dma_start3A_413] : memref<10000x128xf32, #tpu.memory_space<hbm>> -> memref<632x128xf32, #tpu.memory_space<hbm>>
        tpu.enqueue_dma source(%dma_start3A_414 : memref<632x128xf32, #tpu.memory_space<hbm>>) target(%dma_start3A_412 : memref<632x128xf32, #tpu.memory_space<vmem_shared>>) target_semaphore(%run_scoped3A : memref<!tpu.dma_semaphore, #tpu.memory_space<semaphore_mem>>)
        %dma_wait3A_415 = arith.constant 0 : i32
        %dma_wait3A_416 = tpu.memref_slice %arg12[%mul3A_410, %dma_wait3A_415] : memref<10512x128xf32, #tpu.memory_space<vmem_shared>> -> memref<632x128xf32, #tpu.memory_space<vmem_shared>>
        %dma_wait3A_417 = arith.constant 0 : i32
        %dma_wait3A_418 = tpu.memref_slice %arg4[%mul3A_408, %dma_wait3A_417] : memref<10000x128xf32, #tpu.memory_space<hbm>> -> memref<632x128xf32, #tpu.memory_space<hbm>>
        tpu.wait_dma2 semaphore(%run_scoped3A : memref<!tpu.dma_semaphore, #tpu.memory_space<semaphore_mem>>) src(%dma_wait3A_418 : memref<632x128xf32, #tpu.memory_space<hbm>>) dst(%dma_wait3A_416 : memref<632x128xf32, #tpu.memory_space<vmem_shared>>)
        tpu.yield
      }) : () -> ()
    } else {
    }
    %eq3A = arith.constant 15 : i32
    %eq3A_5 = arith.cmpi eq, %arg1, %eq3A : i32
    %convert_element_type3A_6 = arith.extui %eq3A_5 : i1 to i32
    %cond3A_7 = arith.constant 0 : i32
    %cond3A_8 = arith.cmpi ne, %convert_element_type3A_6, %cond3A_7 : i32
    scf.if %cond3A_8 {
      "tpu.region"() ({
        %run_scoped3A = tpu.sem_alloc : memref<!tpu.dma_semaphore, #tpu.memory_space<semaphore_mem>>
        %dma_start3A_407 = arith.constant 9480 : i32
        %dma_start3A_408 = arith.constant 0 : i32
        %dma_start3A_409 = tpu.memref_slice %arg12[%dma_start3A_407, %dma_start3A_408] : memref<10512x128xf32, #tpu.memory_space<vmem_shared>> -> memref<520x128xf32, #tpu.memory_space<vmem_shared>>
        %dma_start3A_410 = arith.constant 9480 : i32
        %dma_start3A_411 = arith.constant 0 : i32
        %dma_start3A_412 = tpu.memref_slice %arg4[%dma_start3A_410, %dma_start3A_411] : memref<10000x128xf32, #tpu.memory_space<hbm>> -> memref<520x128xf32, #tpu.memory_space<hbm>>
        tpu.enqueue_dma source(%dma_start3A_412 : memref<520x128xf32, #tpu.memory_space<hbm>>) target(%dma_start3A_409 : memref<520x128xf32, #tpu.memory_space<vmem_shared>>) target_semaphore(%run_scoped3A : memref<!tpu.dma_semaphore, #tpu.memory_space<semaphore_mem>>)
        %dma_wait3A_413 = arith.constant 9480 : i32
        %dma_wait3A_414 = arith.constant 0 : i32
        %dma_wait3A_415 = tpu.memref_slice %arg12[%dma_wait3A_413, %dma_wait3A_414] : memref<10512x128xf32, #tpu.memory_space<vmem_shared>> -> memref<520x128xf32, #tpu.memory_space<vmem_shared>>
        %dma_wait3A_416 = arith.constant 9480 : i32
        %dma_wait3A_417 = arith.constant 0 : i32
        %dma_wait3A_418 = tpu.memref_slice %arg4[%dma_wait3A_416, %dma_wait3A_417] : memref<10000x128xf32, #tpu.memory_space<hbm>> -> memref<520x128xf32, #tpu.memory_space<hbm>>
        tpu.wait_dma2 semaphore(%run_scoped3A : memref<!tpu.dma_semaphore, #tpu.memory_space<semaphore_mem>>) src(%dma_wait3A_418 : memref<520x128xf32, #tpu.memory_space<hbm>>) dst(%dma_wait3A_415 : memref<520x128xf32, #tpu.memory_space<vmem_shared>>)
        tpu.yield
      }) : () -> ()
    } else {
    }
    %barrier3A = arith.constant 0 : index
    tpu.barrier barrier_id(%barrier3A)
    %add3A_9 = arith.constant 0 : i32
    %add3A_10 = arith.addi %mul3A_2, %add3A_9 : i32
    %dma_start3A = arith.constant 0 : i32
    %dma_start3A_11 = arith.constant 0 : i32
    %dma_start3A_12 = tpu.memref_slice %arg3[%add3A_10, %dma_start3A, %dma_start3A_11] : memref<7296x2x88xi32, #tpu.memory_space<hbm>> -> memref<1x2x88xi32, #tpu.memory_space<hbm>>
    %dma_start3A_13 = tpu.memref_squeeze %dma_start3A_12 : memref<1x2x88xi32, #tpu.memory_space<hbm>> -> memref<2x88xi32, #tpu.memory_space<hbm>>
    %dma_start3A_14 = arith.constant 0 : i32
    %dma_start3A_15 = arith.constant 0 : i32
    %dma_start3A_16 = tpu.memref_slice %arg3[%add3A_10, %dma_start3A_14, %dma_start3A_15] : memref<7296x2x88xi32, #tpu.memory_space<hbm>> -> memref<1x2x88xi32, #tpu.memory_space<hbm>>
    %dma_start3A_17 = tpu.memref_squeeze %dma_start3A_16 : memref<1x2x88xi32, #tpu.memory_space<hbm>> -> memref<2x88xi32, #tpu.memory_space<hbm>>
    tpu.enqueue_dma source(%dma_start3A_17 : memref<2x88xi32, #tpu.memory_space<hbm>>) target(%arg6 : memref<2x88xi32, #tpu.memory_space<vmem>>) target_semaphore(%arg13 : memref<!tpu.dma_semaphore, #tpu.memory_space<semaphore_mem>>)
    %add3A_18 = arith.constant 1 : i32
    %add3A_19 = arith.addi %mul3A_2, %add3A_18 : i32
    %dma_start3A_20 = arith.constant 0 : i32
    %dma_start3A_21 = arith.constant 0 : i32
    %dma_start3A_22 = tpu.memref_slice %arg3[%add3A_19, %dma_start3A_20, %dma_start3A_21] : memref<7296x2x88xi32, #tpu.memory_space<hbm>> -> memref<1x2x88xi32, #tpu.memory_space<hbm>>
    %dma_start3A_23 = tpu.memref_squeeze %dma_start3A_22 : memref<1x2x88xi32, #tpu.memory_space<hbm>> -> memref<2x88xi32, #tpu.memory_space<hbm>>
    %dma_start3A_24 = arith.constant 0 : i32
    %dma_start3A_25 = arith.constant 0 : i32
    %dma_start3A_26 = tpu.memref_slice %arg3[%add3A_19, %dma_start3A_24, %dma_start3A_25] : memref<7296x2x88xi32, #tpu.memory_space<hbm>> -> memref<1x2x88xi32, #tpu.memory_space<hbm>>
    %dma_start3A_27 = tpu.memref_squeeze %dma_start3A_26 : memref<1x2x88xi32, #tpu.memory_space<hbm>> -> memref<2x88xi32, #tpu.memory_space<hbm>>
    tpu.enqueue_dma source(%dma_start3A_27 : memref<2x88xi32, #tpu.memory_space<hbm>>) target(%arg7 : memref<2x88xi32, #tpu.memory_space<vmem>>) target_semaphore(%arg14 : memref<!tpu.dma_semaphore, #tpu.memory_space<semaphore_mem>>)
    %add3A_28 = arith.constant 0 : i32
    %add3A_29 = arith.addi %mul3A_2, %add3A_28 : i32
    %dma_wait3A = arith.constant 0 : i32
    %dma_wait3A_30 = arith.constant 0 : i32
    %dma_wait3A_31 = tpu.memref_slice %arg3[%add3A_29, %dma_wait3A, %dma_wait3A_30] : memref<7296x2x88xi32, #tpu.memory_space<hbm>> -> memref<1x2x88xi32, #tpu.memory_space<hbm>>
    %dma_wait3A_32 = tpu.memref_squeeze %dma_wait3A_31 : memref<1x2x88xi32, #tpu.memory_space<hbm>> -> memref<2x88xi32, #tpu.memory_space<hbm>>
    %dma_wait3A_33 = arith.constant 0 : i32
    %dma_wait3A_34 = arith.constant 0 : i32
    %dma_wait3A_35 = tpu.memref_slice %arg3[%add3A_29, %dma_wait3A_33, %dma_wait3A_34] : memref<7296x2x88xi32, #tpu.memory_space<hbm>> -> memref<1x2x88xi32, #tpu.memory_space<hbm>>
    %dma_wait3A_36 = tpu.memref_squeeze %dma_wait3A_35 : memref<1x2x88xi32, #tpu.memory_space<hbm>> -> memref<2x88xi32, #tpu.memory_space<hbm>>
    tpu.wait_dma2 semaphore(%arg13 : memref<!tpu.dma_semaphore, #tpu.memory_space<semaphore_mem>>) src(%dma_wait3A_36 : memref<2x88xi32, #tpu.memory_space<hbm>>) dst(%arg6 : memref<2x88xi32, #tpu.memory_space<vmem>>)
    %add3A_37 = arith.constant 2 : i32
    %add3A_38 = arith.addi %mul3A_2, %add3A_37 : i32
    %dma_start3A_39 = arith.constant 0 : i32
    %dma_start3A_40 = arith.constant 0 : i32
    %dma_start3A_41 = tpu.memref_slice %arg3[%add3A_38, %dma_start3A_39, %dma_start3A_40] : memref<7296x2x88xi32, #tpu.memory_space<hbm>> -> memref<1x2x88xi32, #tpu.memory_space<hbm>>
    %dma_start3A_42 = tpu.memref_squeeze %dma_start3A_41 : memref<1x2x88xi32, #tpu.memory_space<hbm>> -> memref<2x88xi32, #tpu.memory_space<hbm>>
    %dma_start3A_43 = arith.constant 0 : i32
    %dma_start3A_44 = arith.constant 0 : i32
    %dma_start3A_45 = tpu.memref_slice %arg3[%add3A_38, %dma_start3A_43, %dma_start3A_44] : memref<7296x2x88xi32, #tpu.memory_space<hbm>> -> memref<1x2x88xi32, #tpu.memory_space<hbm>>
    %dma_start3A_46 = tpu.memref_squeeze %dma_start3A_45 : memref<1x2x88xi32, #tpu.memory_space<hbm>> -> memref<2x88xi32, #tpu.memory_space<hbm>>
    tpu.enqueue_dma source(%dma_start3A_46 : memref<2x88xi32, #tpu.memory_space<hbm>>) target(%arg8 : memref<2x88xi32, #tpu.memory_space<vmem>>) target_semaphore(%arg15 : memref<!tpu.dma_semaphore, #tpu.memory_space<semaphore_mem>>)
    %dma_start3A_47 = arith.constant 0 : i32
    %dma_start3A_48 = arith.constant 0 : i32
    %dma_start3A_49 = tpu.memref_slice %arg6[%dma_start3A_47, %dma_start3A_48] : memref<2x88xi32, #tpu.memory_space<vmem>> -> memref<1x88xi32, #tpu.memory_space<vmem>>
    %dma_start3A_50 = tpu.memref_squeeze %dma_start3A_49 : memref<1x88xi32, #tpu.memory_space<vmem>> -> memref<88xi32, #tpu.memory_space<vmem>>
    %dma_start3A_51 = arith.constant 0 : i32
    %dma_start3A_52 = arith.constant 0 : i32
    %dma_start3A_53 = tpu.memref_slice %arg2[%dma_start3A_51, %dma_start3A_52] : memref<20000x128xf32, #tpu.memory_space<hbm>> -> memref<20000x128xf32, #tpu.memory_space<hbm>>
    tpu.enqueue_indirect_dma source(%dma_start3A_53 : memref<20000x128xf32, #tpu.memory_space<hbm>>) target(%arg10 : memref<88x128xf32, #tpu.memory_space<vmem>>) offsets(%dma_start3A_50 : memref<88xi32, #tpu.memory_space<vmem>>) semaphore(%arg17 : memref<!tpu.dma_semaphore, #tpu.memory_space<semaphore_mem>>)
    %add3A_54 = arith.constant 1 : i32
    %add3A_55 = arith.addi %mul3A_2, %add3A_54 : i32
    %dma_wait3A_56 = arith.constant 0 : i32
    %dma_wait3A_57 = arith.constant 0 : i32
    %dma_wait3A_58 = tpu.memref_slice %arg3[%add3A_55, %dma_wait3A_56, %dma_wait3A_57] : memref<7296x2x88xi32, #tpu.memory_space<hbm>> -> memref<1x2x88xi32, #tpu.memory_space<hbm>>
    %dma_wait3A_59 = tpu.memref_squeeze %dma_wait3A_58 : memref<1x2x88xi32, #tpu.memory_space<hbm>> -> memref<2x88xi32, #tpu.memory_space<hbm>>
    %dma_wait3A_60 = arith.constant 0 : i32
    %dma_wait3A_61 = arith.constant 0 : i32
    %dma_wait3A_62 = tpu.memref_slice %arg3[%add3A_55, %dma_wait3A_60, %dma_wait3A_61] : memref<7296x2x88xi32, #tpu.memory_space<hbm>> -> memref<1x2x88xi32, #tpu.memory_space<hbm>>
    %dma_wait3A_63 = tpu.memref_squeeze %dma_wait3A_62 : memref<1x2x88xi32, #tpu.memory_space<hbm>> -> memref<2x88xi32, #tpu.memory_space<hbm>>
    tpu.wait_dma2 semaphore(%arg14 : memref<!tpu.dma_semaphore, #tpu.memory_space<semaphore_mem>>) src(%dma_wait3A_63 : memref<2x88xi32, #tpu.memory_space<hbm>>) dst(%arg7 : memref<2x88xi32, #tpu.memory_space<vmem>>)
    %add3A_64 = arith.constant 3 : i32
    %add3A_65 = arith.addi %mul3A_2, %add3A_64 : i32
    %dma_start3A_66 = arith.constant 0 : i32
    %dma_start3A_67 = arith.constant 0 : i32
    %dma_start3A_68 = tpu.memref_slice %arg3[%add3A_65, %dma_start3A_66, %dma_start3A_67] : memref<7296x2x88xi32, #tpu.memory_space<hbm>> -> memref<1x2x88xi32, #tpu.memory_space<hbm>>
    %dma_start3A_69 = tpu.memref_squeeze %dma_start3A_68 : memref<1x2x88xi32, #tpu.memory_space<hbm>> -> memref<2x88xi32, #tpu.memory_space<hbm>>
    %dma_start3A_70 = arith.constant 0 : i32
    %dma_start3A_71 = arith.constant 0 : i32
    %dma_start3A_72 = tpu.memref_slice %arg3[%add3A_65, %dma_start3A_70, %dma_start3A_71] : memref<7296x2x88xi32, #tpu.memory_space<hbm>> -> memref<1x2x88xi32, #tpu.memory_space<hbm>>
    %dma_start3A_73 = tpu.memref_squeeze %dma_start3A_72 : memref<1x2x88xi32, #tpu.memory_space<hbm>> -> memref<2x88xi32, #tpu.memory_space<hbm>>
    tpu.enqueue_dma source(%dma_start3A_73 : memref<2x88xi32, #tpu.memory_space<hbm>>) target(%arg9 : memref<2x88xi32, #tpu.memory_space<vmem>>) target_semaphore(%arg16 : memref<!tpu.dma_semaphore, #tpu.memory_space<semaphore_mem>>)
    %dma_start3A_74 = arith.constant 0 : i32
    %dma_start3A_75 = arith.constant 0 : i32
    %dma_start3A_76 = tpu.memref_slice %arg7[%dma_start3A_74, %dma_start3A_75] : memref<2x88xi32, #tpu.memory_space<vmem>> -> memref<1x88xi32, #tpu.memory_space<vmem>>
    %dma_start3A_77 = tpu.memref_squeeze %dma_start3A_76 : memref<1x88xi32, #tpu.memory_space<vmem>> -> memref<88xi32, #tpu.memory_space<vmem>>
    %dma_start3A_78 = arith.constant 0 : i32
    %dma_start3A_79 = arith.constant 0 : i32
    %dma_start3A_80 = tpu.memref_slice %arg2[%dma_start3A_78, %dma_start3A_79] : memref<20000x128xf32, #tpu.memory_space<hbm>> -> memref<20000x128xf32, #tpu.memory_space<hbm>>
    tpu.enqueue_indirect_dma source(%dma_start3A_80 : memref<20000x128xf32, #tpu.memory_space<hbm>>) target(%arg11 : memref<88x128xf32, #tpu.memory_space<vmem>>) offsets(%dma_start3A_77 : memref<88xi32, #tpu.memory_space<vmem>>) semaphore(%arg18 : memref<!tpu.dma_semaphore, #tpu.memory_space<semaphore_mem>>)
    %dma_wait3A_81 = arith.constant 0 : i32
    %dma_wait3A_82 = arith.constant 0 : i32
    %dma_wait3A_83 = tpu.memref_slice %arg6[%dma_wait3A_81, %dma_wait3A_82] : memref<2x88xi32, #tpu.memory_space<vmem>> -> memref<1x88xi32, #tpu.memory_space<vmem>>
    %dma_wait3A_84 = tpu.memref_squeeze %dma_wait3A_83 : memref<1x88xi32, #tpu.memory_space<vmem>> -> memref<88xi32, #tpu.memory_space<vmem>>
    %dma_wait3A_85 = arith.constant 0 : i32
    %dma_wait3A_86 = arith.constant 0 : i32
    %dma_wait3A_87 = tpu.memref_slice %arg2[%dma_wait3A_85, %dma_wait3A_86] : memref<20000x128xf32, #tpu.memory_space<hbm>> -> memref<20000x128xf32, #tpu.memory_space<hbm>>
    tpu.wait_indirect_dma semaphore(%arg17 : memref<!tpu.dma_semaphore, #tpu.memory_space<semaphore_mem>>) src(%dma_wait3A_87 : memref<20000x128xf32, #tpu.memory_space<hbm>>) dst(%arg10 : memref<88x128xf32, #tpu.memory_space<vmem>>)
    %dma_start3A_88 = arith.constant 1 : i32
    %dma_start3A_89 = arith.constant 0 : i32
    %dma_start3A_90 = tpu.memref_slice %arg6[%dma_start3A_88, %dma_start3A_89] : memref<2x88xi32, #tpu.memory_space<vmem>> -> memref<1x88xi32, #tpu.memory_space<vmem>>
    %dma_start3A_91 = tpu.memref_squeeze %dma_start3A_90 : memref<1x88xi32, #tpu.memory_space<vmem>> -> memref<88xi32, #tpu.memory_space<vmem>>
    %dma_start3A_92 = arith.constant 0 : i32
    %dma_start3A_93 = arith.constant 0 : i32
    %dma_start3A_94 = tpu.memref_slice %arg12[%dma_start3A_92, %dma_start3A_93] : memref<10512x128xf32, #tpu.memory_space<vmem_shared>> -> memref<10512x128xf32, #tpu.memory_space<vmem_shared>>
    tpu.enqueue_indirect_dma source(%arg10 : memref<88x128xf32, #tpu.memory_space<vmem>>) target(%dma_start3A_94 : memref<10512x128xf32, #tpu.memory_space<vmem_shared>>) offsets(%dma_start3A_91 : memref<88xi32, #tpu.memory_space<vmem>>) semaphore(%arg19 : memref<!tpu.dma_semaphore, #tpu.memory_space<semaphore_mem>>) {add = true}
    %add3A_95 = arith.constant 2 : i32
    %add3A_96 = arith.addi %mul3A_2, %add3A_95 : i32
    %dma_wait3A_97 = arith.constant 0 : i32
    %dma_wait3A_98 = arith.constant 0 : i32
    %dma_wait3A_99 = tpu.memref_slice %arg3[%add3A_96, %dma_wait3A_97, %dma_wait3A_98] : memref<7296x2x88xi32, #tpu.memory_space<hbm>> -> memref<1x2x88xi32, #tpu.memory_space<hbm>>
    %dma_wait3A_100 = tpu.memref_squeeze %dma_wait3A_99 : memref<1x2x88xi32, #tpu.memory_space<hbm>> -> memref<2x88xi32, #tpu.memory_space<hbm>>
    %dma_wait3A_101 = arith.constant 0 : i32
    %dma_wait3A_102 = arith.constant 0 : i32
    %dma_wait3A_103 = tpu.memref_slice %arg3[%add3A_96, %dma_wait3A_101, %dma_wait3A_102] : memref<7296x2x88xi32, #tpu.memory_space<hbm>> -> memref<1x2x88xi32, #tpu.memory_space<hbm>>
    %dma_wait3A_104 = tpu.memref_squeeze %dma_wait3A_103 : memref<1x2x88xi32, #tpu.memory_space<hbm>> -> memref<2x88xi32, #tpu.memory_space<hbm>>
    tpu.wait_dma2 semaphore(%arg15 : memref<!tpu.dma_semaphore, #tpu.memory_space<semaphore_mem>>) src(%dma_wait3A_104 : memref<2x88xi32, #tpu.memory_space<hbm>>) dst(%arg8 : memref<2x88xi32, #tpu.memory_space<vmem>>)
    %dma_wait3A_105 = arith.constant 1 : i32
    %dma_wait3A_106 = arith.constant 0 : i32
    %dma_wait3A_107 = tpu.memref_slice %arg6[%dma_wait3A_105, %dma_wait3A_106] : memref<2x88xi32, #tpu.memory_space<vmem>> -> memref<1x88xi32, #tpu.memory_space<vmem>>
    %dma_wait3A_108 = tpu.memref_squeeze %dma_wait3A_107 : memref<1x88xi32, #tpu.memory_space<vmem>> -> memref<88xi32, #tpu.memory_space<vmem>>
    %dma_wait3A_109 = arith.constant 0 : i32
    %dma_wait3A_110 = arith.constant 0 : i32
    %dma_wait3A_111 = tpu.memref_slice %arg12[%dma_wait3A_109, %dma_wait3A_110] : memref<10512x128xf32, #tpu.memory_space<vmem_shared>> -> memref<10512x128xf32, #tpu.memory_space<vmem_shared>>
    tpu.wait_indirect_dma semaphore(%arg19 : memref<!tpu.dma_semaphore, #tpu.memory_space<semaphore_mem>>) src(%arg10 : memref<88x128xf32, #tpu.memory_space<vmem>>) dst(%dma_wait3A_111 : memref<10512x128xf32, #tpu.memory_space<vmem_shared>>)
    %add3A_112 = arith.constant 4 : i32
    %add3A_113 = arith.addi %mul3A_2, %add3A_112 : i32
    %dma_start3A_114 = arith.constant 0 : i32
    %dma_start3A_115 = arith.constant 0 : i32
    %dma_start3A_116 = tpu.memref_slice %arg3[%add3A_113, %dma_start3A_114, %dma_start3A_115] : memref<7296x2x88xi32, #tpu.memory_space<hbm>> -> memref<1x2x88xi32, #tpu.memory_space<hbm>>
    %dma_start3A_117 = tpu.memref_squeeze %dma_start3A_116 : memref<1x2x88xi32, #tpu.memory_space<hbm>> -> memref<2x88xi32, #tpu.memory_space<hbm>>
    %dma_start3A_118 = arith.constant 0 : i32
    %dma_start3A_119 = arith.constant 0 : i32
    %dma_start3A_120 = tpu.memref_slice %arg3[%add3A_113, %dma_start3A_118, %dma_start3A_119] : memref<7296x2x88xi32, #tpu.memory_space<hbm>> -> memref<1x2x88xi32, #tpu.memory_space<hbm>>
    %dma_start3A_121 = tpu.memref_squeeze %dma_start3A_120 : memref<1x2x88xi32, #tpu.memory_space<hbm>> -> memref<2x88xi32, #tpu.memory_space<hbm>>
    tpu.enqueue_dma source(%dma_start3A_121 : memref<2x88xi32, #tpu.memory_space<hbm>>) target(%arg6 : memref<2x88xi32, #tpu.memory_space<vmem>>) target_semaphore(%arg13 : memref<!tpu.dma_semaphore, #tpu.memory_space<semaphore_mem>>)
    %dma_start3A_122 = arith.constant 0 : i32
    %dma_start3A_123 = arith.constant 0 : i32
    %dma_start3A_124 = tpu.memref_slice %arg8[%dma_start3A_122, %dma_start3A_123] : memref<2x88xi32, #tpu.memory_space<vmem>> -> memref<1x88xi32, #tpu.memory_space<vmem>>
    %dma_start3A_125 = tpu.memref_squeeze %dma_start3A_124 : memref<1x88xi32, #tpu.memory_space<vmem>> -> memref<88xi32, #tpu.memory_space<vmem>>
    %dma_start3A_126 = arith.constant 0 : i32
    %dma_start3A_127 = arith.constant 0 : i32
    %dma_start3A_128 = tpu.memref_slice %arg2[%dma_start3A_126, %dma_start3A_127] : memref<20000x128xf32, #tpu.memory_space<hbm>> -> memref<20000x128xf32, #tpu.memory_space<hbm>>
    tpu.enqueue_indirect_dma source(%dma_start3A_128 : memref<20000x128xf32, #tpu.memory_space<hbm>>) target(%arg10 : memref<88x128xf32, #tpu.memory_space<vmem>>) offsets(%dma_start3A_125 : memref<88xi32, #tpu.memory_space<vmem>>) semaphore(%arg17 : memref<!tpu.dma_semaphore, #tpu.memory_space<semaphore_mem>>)
    %dma_wait3A_129 = arith.constant 0 : i32
    %dma_wait3A_130 = arith.constant 0 : i32
    %dma_wait3A_131 = tpu.memref_slice %arg7[%dma_wait3A_129, %dma_wait3A_130] : memref<2x88xi32, #tpu.memory_space<vmem>> -> memref<1x88xi32, #tpu.memory_space<vmem>>
    %dma_wait3A_132 = tpu.memref_squeeze %dma_wait3A_131 : memref<1x88xi32, #tpu.memory_space<vmem>> -> memref<88xi32, #tpu.memory_space<vmem>>
    %dma_wait3A_133 = arith.constant 0 : i32
    %dma_wait3A_134 = arith.constant 0 : i32
    %dma_wait3A_135 = tpu.memref_slice %arg2[%dma_wait3A_133, %dma_wait3A_134] : memref<20000x128xf32, #tpu.memory_space<hbm>> -> memref<20000x128xf32, #tpu.memory_space<hbm>>
    tpu.wait_indirect_dma semaphore(%arg18 : memref<!tpu.dma_semaphore, #tpu.memory_space<semaphore_mem>>) src(%dma_wait3A_135 : memref<20000x128xf32, #tpu.memory_space<hbm>>) dst(%arg11 : memref<88x128xf32, #tpu.memory_space<vmem>>)
    %dma_start3A_136 = arith.constant 1 : i32
    %dma_start3A_137 = arith.constant 0 : i32
    %dma_start3A_138 = tpu.memref_slice %arg7[%dma_start3A_136, %dma_start3A_137] : memref<2x88xi32, #tpu.memory_space<vmem>> -> memref<1x88xi32, #tpu.memory_space<vmem>>
    %dma_start3A_139 = tpu.memref_squeeze %dma_start3A_138 : memref<1x88xi32, #tpu.memory_space<vmem>> -> memref<88xi32, #tpu.memory_space<vmem>>
    %dma_start3A_140 = arith.constant 0 : i32
    %dma_start3A_141 = arith.constant 0 : i32
    %dma_start3A_142 = tpu.memref_slice %arg12[%dma_start3A_140, %dma_start3A_141] : memref<10512x128xf32, #tpu.memory_space<vmem_shared>> -> memref<10512x128xf32, #tpu.memory_space<vmem_shared>>
    tpu.enqueue_indirect_dma source(%arg11 : memref<88x128xf32, #tpu.memory_space<vmem>>) target(%dma_start3A_142 : memref<10512x128xf32, #tpu.memory_space<vmem_shared>>) offsets(%dma_start3A_139 : memref<88xi32, #tpu.memory_space<vmem>>) semaphore(%arg20 : memref<!tpu.dma_semaphore, #tpu.memory_space<semaphore_mem>>) {add = true}
    %add3A_143 = arith.constant 3 : i32
    %add3A_144 = arith.addi %mul3A_2, %add3A_143 : i32
    %dma_wait3A_145 = arith.constant 0 : i32
    %dma_wait3A_146 = arith.constant 0 : i32
    %dma_wait3A_147 = tpu.memref_slice %arg3[%add3A_144, %dma_wait3A_145, %dma_wait3A_146] : memref<7296x2x88xi32, #tpu.memory_space<hbm>> -> memref<1x2x88xi32, #tpu.memory_space<hbm>>
    %dma_wait3A_148 = tpu.memref_squeeze %dma_wait3A_147 : memref<1x2x88xi32, #tpu.memory_space<hbm>> -> memref<2x88xi32, #tpu.memory_space<hbm>>
    %dma_wait3A_149 = arith.constant 0 : i32
    %dma_wait3A_150 = arith.constant 0 : i32
    %dma_wait3A_151 = tpu.memref_slice %arg3[%add3A_144, %dma_wait3A_149, %dma_wait3A_150] : memref<7296x2x88xi32, #tpu.memory_space<hbm>> -> memref<1x2x88xi32, #tpu.memory_space<hbm>>
    %dma_wait3A_152 = tpu.memref_squeeze %dma_wait3A_151 : memref<1x2x88xi32, #tpu.memory_space<hbm>> -> memref<2x88xi32, #tpu.memory_space<hbm>>
    tpu.wait_dma2 semaphore(%arg16 : memref<!tpu.dma_semaphore, #tpu.memory_space<semaphore_mem>>) src(%dma_wait3A_152 : memref<2x88xi32, #tpu.memory_space<hbm>>) dst(%arg9 : memref<2x88xi32, #tpu.memory_space<vmem>>)
    %dma_wait3A_153 = arith.constant 1 : i32
    %dma_wait3A_154 = arith.constant 0 : i32
    %dma_wait3A_155 = tpu.memref_slice %arg7[%dma_wait3A_153, %dma_wait3A_154] : memref<2x88xi32, #tpu.memory_space<vmem>> -> memref<1x88xi32, #tpu.memory_space<vmem>>
    %dma_wait3A_156 = tpu.memref_squeeze %dma_wait3A_155 : memref<1x88xi32, #tpu.memory_space<vmem>> -> memref<88xi32, #tpu.memory_space<vmem>>
    %dma_wait3A_157 = arith.constant 0 : i32
    %dma_wait3A_158 = arith.constant 0 : i32
    %dma_wait3A_159 = tpu.memref_slice %arg12[%dma_wait3A_157, %dma_wait3A_158] : memref<10512x128xf32, #tpu.memory_space<vmem_shared>> -> memref<10512x128xf32, #tpu.memory_space<vmem_shared>>
    tpu.wait_indirect_dma semaphore(%arg20 : memref<!tpu.dma_semaphore, #tpu.memory_space<semaphore_mem>>) src(%arg11 : memref<88x128xf32, #tpu.memory_space<vmem>>) dst(%dma_wait3A_159 : memref<10512x128xf32, #tpu.memory_space<vmem_shared>>)
    %add3A_160 = arith.constant 5 : i32
    %add3A_161 = arith.addi %mul3A_2, %add3A_160 : i32
    %dma_start3A_162 = arith.constant 0 : i32
    %dma_start3A_163 = arith.constant 0 : i32
    %dma_start3A_164 = tpu.memref_slice %arg3[%add3A_161, %dma_start3A_162, %dma_start3A_163] : memref<7296x2x88xi32, #tpu.memory_space<hbm>> -> memref<1x2x88xi32, #tpu.memory_space<hbm>>
    %dma_start3A_165 = tpu.memref_squeeze %dma_start3A_164 : memref<1x2x88xi32, #tpu.memory_space<hbm>> -> memref<2x88xi32, #tpu.memory_space<hbm>>
    %dma_start3A_166 = arith.constant 0 : i32
    %dma_start3A_167 = arith.constant 0 : i32
    %dma_start3A_168 = tpu.memref_slice %arg3[%add3A_161, %dma_start3A_166, %dma_start3A_167] : memref<7296x2x88xi32, #tpu.memory_space<hbm>> -> memref<1x2x88xi32, #tpu.memory_space<hbm>>
    %dma_start3A_169 = tpu.memref_squeeze %dma_start3A_168 : memref<1x2x88xi32, #tpu.memory_space<hbm>> -> memref<2x88xi32, #tpu.memory_space<hbm>>
    tpu.enqueue_dma source(%dma_start3A_169 : memref<2x88xi32, #tpu.memory_space<hbm>>) target(%arg7 : memref<2x88xi32, #tpu.memory_space<vmem>>) target_semaphore(%arg14 : memref<!tpu.dma_semaphore, #tpu.memory_space<semaphore_mem>>)
    %dma_start3A_170 = arith.constant 0 : i32
    %dma_start3A_171 = arith.constant 0 : i32
    %dma_start3A_172 = tpu.memref_slice %arg9[%dma_start3A_170, %dma_start3A_171] : memref<2x88xi32, #tpu.memory_space<vmem>> -> memref<1x88xi32, #tpu.memory_space<vmem>>
    %dma_start3A_173 = tpu.memref_squeeze %dma_start3A_172 : memref<1x88xi32, #tpu.memory_space<vmem>> -> memref<88xi32, #tpu.memory_space<vmem>>
    %dma_start3A_174 = arith.constant 0 : i32
    %dma_start3A_175 = arith.constant 0 : i32
    %dma_start3A_176 = tpu.memref_slice %arg2[%dma_start3A_174, %dma_start3A_175] : memref<20000x128xf32, #tpu.memory_space<hbm>> -> memref<20000x128xf32, #tpu.memory_space<hbm>>
    tpu.enqueue_indirect_dma source(%dma_start3A_176 : memref<20000x128xf32, #tpu.memory_space<hbm>>) target(%arg11 : memref<88x128xf32, #tpu.memory_space<vmem>>) offsets(%dma_start3A_173 : memref<88xi32, #tpu.memory_space<vmem>>) semaphore(%arg18 : memref<!tpu.dma_semaphore, #tpu.memory_space<semaphore_mem>>)
    %dma_wait3A_177 = arith.constant 0 : i32
    %dma_wait3A_178 = arith.constant 0 : i32
    %dma_wait3A_179 = tpu.memref_slice %arg8[%dma_wait3A_177, %dma_wait3A_178] : memref<2x88xi32, #tpu.memory_space<vmem>> -> memref<1x88xi32, #tpu.memory_space<vmem>>
    %dma_wait3A_180 = tpu.memref_squeeze %dma_wait3A_179 : memref<1x88xi32, #tpu.memory_space<vmem>> -> memref<88xi32, #tpu.memory_space<vmem>>
    %dma_wait3A_181 = arith.constant 0 : i32
    %dma_wait3A_182 = arith.constant 0 : i32
    %dma_wait3A_183 = tpu.memref_slice %arg2[%dma_wait3A_181, %dma_wait3A_182] : memref<20000x128xf32, #tpu.memory_space<hbm>> -> memref<20000x128xf32, #tpu.memory_space<hbm>>
    tpu.wait_indirect_dma semaphore(%arg17 : memref<!tpu.dma_semaphore, #tpu.memory_space<semaphore_mem>>) src(%dma_wait3A_183 : memref<20000x128xf32, #tpu.memory_space<hbm>>) dst(%arg10 : memref<88x128xf32, #tpu.memory_space<vmem>>)
    %dma_start3A_184 = arith.constant 1 : i32
    %dma_start3A_185 = arith.constant 0 : i32
    %dma_start3A_186 = tpu.memref_slice %arg8[%dma_start3A_184, %dma_start3A_185] : memref<2x88xi32, #tpu.memory_space<vmem>> -> memref<1x88xi32, #tpu.memory_space<vmem>>
    %dma_start3A_187 = tpu.memref_squeeze %dma_start3A_186 : memref<1x88xi32, #tpu.memory_space<vmem>> -> memref<88xi32, #tpu.memory_space<vmem>>
    %dma_start3A_188 = arith.constant 0 : i32
    %dma_start3A_189 = arith.constant 0 : i32
    %dma_start3A_190 = tpu.memref_slice %arg12[%dma_start3A_188, %dma_start3A_189] : memref<10512x128xf32, #tpu.memory_space<vmem_shared>> -> memref<10512x128xf32, #tpu.memory_space<vmem_shared>>
    tpu.enqueue_indirect_dma source(%arg10 : memref<88x128xf32, #tpu.memory_space<vmem>>) target(%dma_start3A_190 : memref<10512x128xf32, #tpu.memory_space<vmem_shared>>) offsets(%dma_start3A_187 : memref<88xi32, #tpu.memory_space<vmem>>) semaphore(%arg19 : memref<!tpu.dma_semaphore, #tpu.memory_space<semaphore_mem>>) {add = true}
    %scan3A = arith.constant 0 : i32
    %scan3A_191 = arith.constant 1 : i32
    %scan3A_192 = arith.constant 55 : i32
    %scan3A_193 = arith.addi %scan3A_191, %scan3A_192 : i32
    %scan3A_194 = arith.constant 1 : i32
    scf.for %scan3A_407 = %scan3A_191 to %scan3A_193 step %scan3A_194  : i32 {
      %mul3A_408 = arith.constant 4 : i32
      %mul3A_409 = arith.muli %mul3A_408, %scan3A_407 : i32
      %add3A_410 = arith.constant 0 : i32
      %add3A_411 = arith.addi %mul3A_409, %add3A_410 : i32
      %add3A_412 = arith.addi %mul3A_2, %add3A_411 : i32
      %dma_wait3A_413 = arith.constant 0 : i32
      %dma_wait3A_414 = arith.constant 0 : i32
      %dma_wait3A_415 = tpu.memref_slice %arg3[%add3A_412, %dma_wait3A_413, %dma_wait3A_414] : memref<7296x2x88xi32, #tpu.memory_space<hbm>> -> memref<1x2x88xi32, #tpu.memory_space<hbm>>
      %dma_wait3A_416 = tpu.memref_squeeze %dma_wait3A_415 : memref<1x2x88xi32, #tpu.memory_space<hbm>> -> memref<2x88xi32, #tpu.memory_space<hbm>>
      %dma_wait3A_417 = arith.constant 0 : i32
      %dma_wait3A_418 = arith.constant 0 : i32
      %dma_wait3A_419 = tpu.memref_slice %arg3[%add3A_412, %dma_wait3A_417, %dma_wait3A_418] : memref<7296x2x88xi32, #tpu.memory_space<hbm>> -> memref<1x2x88xi32, #tpu.memory_space<hbm>>
      %dma_wait3A_420 = tpu.memref_squeeze %dma_wait3A_419 : memref<1x2x88xi32, #tpu.memory_space<hbm>> -> memref<2x88xi32, #tpu.memory_space<hbm>>
      tpu.wait_dma2 semaphore(%arg13 : memref<!tpu.dma_semaphore, #tpu.memory_space<semaphore_mem>>) src(%dma_wait3A_420 : memref<2x88xi32, #tpu.memory_space<hbm>>) dst(%arg6 : memref<2x88xi32, #tpu.memory_space<vmem>>)
      %dma_wait3A_421 = arith.constant 1 : i32
      %dma_wait3A_422 = arith.constant 0 : i32
      %dma_wait3A_423 = tpu.memref_slice %arg8[%dma_wait3A_421, %dma_wait3A_422] : memref<2x88xi32, #tpu.memory_space<vmem>> -> memref<1x88xi32, #tpu.memory_space<vmem>>
      %dma_wait3A_424 = tpu.memref_squeeze %dma_wait3A_423 : memref<1x88xi32, #tpu.memory_space<vmem>> -> memref<88xi32, #tpu.memory_space<vmem>>
      %dma_wait3A_425 = arith.constant 0 : i32
      %dma_wait3A_426 = arith.constant 0 : i32
      %dma_wait3A_427 = tpu.memref_slice %arg12[%dma_wait3A_425, %dma_wait3A_426] : memref<10512x128xf32, #tpu.memory_space<vmem_shared>> -> memref<10512x128xf32, #tpu.memory_space<vmem_shared>>
      tpu.wait_indirect_dma semaphore(%arg19 : memref<!tpu.dma_semaphore, #tpu.memory_space<semaphore_mem>>) src(%arg10 : memref<88x128xf32, #tpu.memory_space<vmem>>) dst(%dma_wait3A_427 : memref<10512x128xf32, #tpu.memory_space<vmem_shared>>)
      %add3A_428 = arith.constant 0 : i32
      %add3A_429 = arith.addi %mul3A_409, %add3A_428 : i32
      %add3A_430 = arith.constant 2 : i32
      %add3A_431 = arith.addi %add3A_429, %add3A_430 : i32
      %add3A_432 = arith.addi %mul3A_2, %add3A_431 : i32
      %dma_start3A_433 = arith.constant 0 : i32
      %dma_start3A_434 = arith.constant 0 : i32
      %dma_start3A_435 = tpu.memref_slice %arg3[%add3A_432, %dma_start3A_433, %dma_start3A_434] : memref<7296x2x88xi32, #tpu.memory_space<hbm>> -> memref<1x2x88xi32, #tpu.memory_space<hbm>>
      %dma_start3A_436 = tpu.memref_squeeze %dma_start3A_435 : memref<1x2x88xi32, #tpu.memory_space<hbm>> -> memref<2x88xi32, #tpu.memory_space<hbm>>
      %dma_start3A_437 = arith.constant 0 : i32
      %dma_start3A_438 = arith.constant 0 : i32
      %dma_start3A_439 = tpu.memref_slice %arg3[%add3A_432, %dma_start3A_437, %dma_start3A_438] : memref<7296x2x88xi32, #tpu.memory_space<hbm>> -> memref<1x2x88xi32, #tpu.memory_space<hbm>>
      %dma_start3A_440 = tpu.memref_squeeze %dma_start3A_439 : memref<1x2x88xi32, #tpu.memory_space<hbm>> -> memref<2x88xi32, #tpu.memory_space<hbm>>
      tpu.enqueue_dma source(%dma_start3A_440 : memref<2x88xi32, #tpu.memory_space<hbm>>) target(%arg8 : memref<2x88xi32, #tpu.memory_space<vmem>>) target_semaphore(%arg15 : memref<!tpu.dma_semaphore, #tpu.memory_space<semaphore_mem>>)
      %dma_start3A_441 = arith.constant 0 : i32
      %dma_start3A_442 = arith.constant 0 : i32
      %dma_start3A_443 = tpu.memref_slice %arg6[%dma_start3A_441, %dma_start3A_442] : memref<2x88xi32, #tpu.memory_space<vmem>> -> memref<1x88xi32, #tpu.memory_space<vmem>>
      %dma_start3A_444 = tpu.memref_squeeze %dma_start3A_443 : memref<1x88xi32, #tpu.memory_space<vmem>> -> memref<88xi32, #tpu.memory_space<vmem>>
      %dma_start3A_445 = arith.constant 0 : i32
      %dma_start3A_446 = arith.constant 0 : i32
      %dma_start3A_447 = tpu.memref_slice %arg2[%dma_start3A_445, %dma_start3A_446] : memref<20000x128xf32, #tpu.memory_space<hbm>> -> memref<20000x128xf32, #tpu.memory_space<hbm>>
      tpu.enqueue_indirect_dma source(%dma_start3A_447 : memref<20000x128xf32, #tpu.memory_space<hbm>>) target(%arg10 : memref<88x128xf32, #tpu.memory_space<vmem>>) offsets(%dma_start3A_444 : memref<88xi32, #tpu.memory_space<vmem>>) semaphore(%arg17 : memref<!tpu.dma_semaphore, #tpu.memory_space<semaphore_mem>>)
      %dma_wait3A_448 = arith.constant 0 : i32
      %dma_wait3A_449 = arith.constant 0 : i32
      %dma_wait3A_450 = tpu.memref_slice %arg9[%dma_wait3A_448, %dma_wait3A_449] : memref<2x88xi32, #tpu.memory_space<vmem>> -> memref<1x88xi32, #tpu.memory_space<vmem>>
      %dma_wait3A_451 = tpu.memref_squeeze %dma_wait3A_450 : memref<1x88xi32, #tpu.memory_space<vmem>> -> memref<88xi32, #tpu.memory_space<vmem>>
      %dma_wait3A_452 = arith.constant 0 : i32
      %dma_wait3A_453 = arith.constant 0 : i32
      %dma_wait3A_454 = tpu.memref_slice %arg2[%dma_wait3A_452, %dma_wait3A_453] : memref<20000x128xf32, #tpu.memory_space<hbm>> -> memref<20000x128xf32, #tpu.memory_space<hbm>>
      tpu.wait_indirect_dma semaphore(%arg18 : memref<!tpu.dma_semaphore, #tpu.memory_space<semaphore_mem>>) src(%dma_wait3A_454 : memref<20000x128xf32, #tpu.memory_space<hbm>>) dst(%arg11 : memref<88x128xf32, #tpu.memory_space<vmem>>)
      %dma_start3A_455 = arith.constant 1 : i32
      %dma_start3A_456 = arith.constant 0 : i32
      %dma_start3A_457 = tpu.memref_slice %arg9[%dma_start3A_455, %dma_start3A_456] : memref<2x88xi32, #tpu.memory_space<vmem>> -> memref<1x88xi32, #tpu.memory_space<vmem>>
      %dma_start3A_458 = tpu.memref_squeeze %dma_start3A_457 : memref<1x88xi32, #tpu.memory_space<vmem>> -> memref<88xi32, #tpu.memory_space<vmem>>
      %dma_start3A_459 = arith.constant 0 : i32
      %dma_start3A_460 = arith.constant 0 : i32
      %dma_start3A_461 = tpu.memref_slice %arg12[%dma_start3A_459, %dma_start3A_460] : memref<10512x128xf32, #tpu.memory_space<vmem_shared>> -> memref<10512x128xf32, #tpu.memory_space<vmem_shared>>
      tpu.enqueue_indirect_dma source(%arg11 : memref<88x128xf32, #tpu.memory_space<vmem>>) target(%dma_start3A_461 : memref<10512x128xf32, #tpu.memory_space<vmem_shared>>) offsets(%dma_start3A_458 : memref<88xi32, #tpu.memory_space<vmem>>) semaphore(%arg20 : memref<!tpu.dma_semaphore, #tpu.memory_space<semaphore_mem>>) {add = true}
      %add3A_462 = arith.constant 1 : i32
      %add3A_463 = arith.addi %mul3A_409, %add3A_462 : i32
      %add3A_464 = arith.addi %mul3A_2, %add3A_463 : i32
      %dma_wait3A_465 = arith.constant 0 : i32
      %dma_wait3A_466 = arith.constant 0 : i32
      %dma_wait3A_467 = tpu.memref_slice %arg3[%add3A_464, %dma_wait3A_465, %dma_wait3A_466] : memref<7296x2x88xi32, #tpu.memory_space<hbm>> -> memref<1x2x88xi32, #tpu.memory_space<hbm>>
      %dma_wait3A_468 = tpu.memref_squeeze %dma_wait3A_467 : memref<1x2x88xi32, #tpu.memory_space<hbm>> -> memref<2x88xi32, #tpu.memory_space<hbm>>
      %dma_wait3A_469 = arith.constant 0 : i32
      %dma_wait3A_470 = arith.constant 0 : i32
      %dma_wait3A_471 = tpu.memref_slice %arg3[%add3A_464, %dma_wait3A_469, %dma_wait3A_470] : memref<7296x2x88xi32, #tpu.memory_space<hbm>> -> memref<1x2x88xi32, #tpu.memory_space<hbm>>
      %dma_wait3A_472 = tpu.memref_squeeze %dma_wait3A_471 : memref<1x2x88xi32, #tpu.memory_space<hbm>> -> memref<2x88xi32, #tpu.memory_space<hbm>>
      tpu.wait_dma2 semaphore(%arg14 : memref<!tpu.dma_semaphore, #tpu.memory_space<semaphore_mem>>) src(%dma_wait3A_472 : memref<2x88xi32, #tpu.memory_space<hbm>>) dst(%arg7 : memref<2x88xi32, #tpu.memory_space<vmem>>)
      %dma_wait3A_473 = arith.constant 1 : i32
      %dma_wait3A_474 = arith.constant 0 : i32
      %dma_wait3A_475 = tpu.memref_slice %arg9[%dma_wait3A_473, %dma_wait3A_474] : memref<2x88xi32, #tpu.memory_space<vmem>> -> memref<1x88xi32, #tpu.memory_space<vmem>>
      %dma_wait3A_476 = tpu.memref_squeeze %dma_wait3A_475 : memref<1x88xi32, #tpu.memory_space<vmem>> -> memref<88xi32, #tpu.memory_space<vmem>>
      %dma_wait3A_477 = arith.constant 0 : i32
      %dma_wait3A_478 = arith.constant 0 : i32
      %dma_wait3A_479 = tpu.memref_slice %arg12[%dma_wait3A_477, %dma_wait3A_478] : memref<10512x128xf32, #tpu.memory_space<vmem_shared>> -> memref<10512x128xf32, #tpu.memory_space<vmem_shared>>
      tpu.wait_indirect_dma semaphore(%arg20 : memref<!tpu.dma_semaphore, #tpu.memory_space<semaphore_mem>>) src(%arg11 : memref<88x128xf32, #tpu.memory_space<vmem>>) dst(%dma_wait3A_479 : memref<10512x128xf32, #tpu.memory_space<vmem_shared>>)
      %add3A_480 = arith.constant 1 : i32
      %add3A_481 = arith.addi %mul3A_409, %add3A_480 : i32
      %add3A_482 = arith.constant 2 : i32
      %add3A_483 = arith.addi %add3A_481, %add3A_482 : i32
      %add3A_484 = arith.addi %mul3A_2, %add3A_483 : i32
      %dma_start3A_485 = arith.constant 0 : i32
      %dma_start3A_486 = arith.constant 0 : i32
      %dma_start3A_487 = tpu.memref_slice %arg3[%add3A_484, %dma_start3A_485, %dma_start3A_486] : memref<7296x2x88xi32, #tpu.memory_space<hbm>> -> memref<1x2x88xi32, #tpu.memory_space<hbm>>
      %dma_start3A_488 = tpu.memref_squeeze %dma_start3A_487 : memref<1x2x88xi32, #tpu.memory_space<hbm>> -> memref<2x88xi32, #tpu.memory_space<hbm>>
      %dma_start3A_489 = arith.constant 0 : i32
      %dma_start3A_490 = arith.constant 0 : i32
      %dma_start3A_491 = tpu.memref_slice %arg3[%add3A_484, %dma_start3A_489, %dma_start3A_490] : memref<7296x2x88xi32, #tpu.memory_space<hbm>> -> memref<1x2x88xi32, #tpu.memory_space<hbm>>
      %dma_start3A_492 = tpu.memref_squeeze %dma_start3A_491 : memref<1x2x88xi32, #tpu.memory_space<hbm>> -> memref<2x88xi32, #tpu.memory_space<hbm>>
      tpu.enqueue_dma source(%dma_start3A_492 : memref<2x88xi32, #tpu.memory_space<hbm>>) target(%arg9 : memref<2x88xi32, #tpu.memory_space<vmem>>) target_semaphore(%arg16 : memref<!tpu.dma_semaphore, #tpu.memory_space<semaphore_mem>>)
      %dma_start3A_493 = arith.constant 0 : i32
      %dma_start3A_494 = arith.constant 0 : i32
      %dma_start3A_495 = tpu.memref_slice %arg7[%dma_start3A_493, %dma_start3A_494] : memref<2x88xi32, #tpu.memory_space<vmem>> -> memref<1x88xi32, #tpu.memory_space<vmem>>
      %dma_start3A_496 = tpu.memref_squeeze %dma_start3A_495 : memref<1x88xi32, #tpu.memory_space<vmem>> -> memref<88xi32, #tpu.memory_space<vmem>>
      %dma_start3A_497 = arith.constant 0 : i32
      %dma_start3A_498 = arith.constant 0 : i32
      %dma_start3A_499 = tpu.memref_slice %arg2[%dma_start3A_497, %dma_start3A_498] : memref<20000x128xf32, #tpu.memory_space<hbm>> -> memref<20000x128xf32, #tpu.memory_space<hbm>>
      tpu.enqueue_indirect_dma source(%dma_start3A_499 : memref<20000x128xf32, #tpu.memory_space<hbm>>) target(%arg11 : memref<88x128xf32, #tpu.memory_space<vmem>>) offsets(%dma_start3A_496 : memref<88xi32, #tpu.memory_space<vmem>>) semaphore(%arg18 : memref<!tpu.dma_semaphore, #tpu.memory_space<semaphore_mem>>)
      %dma_wait3A_500 = arith.constant 0 : i32
      %dma_wait3A_501 = arith.constant 0 : i32
      %dma_wait3A_502 = tpu.memref_slice %arg6[%dma_wait3A_500, %dma_wait3A_501] : memref<2x88xi32, #tpu.memory_space<vmem>> -> memref<1x88xi32, #tpu.memory_space<vmem>>
      %dma_wait3A_503 = tpu.memref_squeeze %dma_wait3A_502 : memref<1x88xi32, #tpu.memory_space<vmem>> -> memref<88xi32, #tpu.memory_space<vmem>>
      %dma_wait3A_504 = arith.constant 0 : i32
      %dma_wait3A_505 = arith.constant 0 : i32
      %dma_wait3A_506 = tpu.memref_slice %arg2[%dma_wait3A_504, %dma_wait3A_505] : memref<20000x128xf32, #tpu.memory_space<hbm>> -> memref<20000x128xf32, #tpu.memory_space<hbm>>
      tpu.wait_indirect_dma semaphore(%arg17 : memref<!tpu.dma_semaphore, #tpu.memory_space<semaphore_mem>>) src(%dma_wait3A_506 : memref<20000x128xf32, #tpu.memory_space<hbm>>) dst(%arg10 : memref<88x128xf32, #tpu.memory_space<vmem>>)
      %dma_start3A_507 = arith.constant 1 : i32
      %dma_start3A_508 = arith.constant 0 : i32
      %dma_start3A_509 = tpu.memref_slice %arg6[%dma_start3A_507, %dma_start3A_508] : memref<2x88xi32, #tpu.memory_space<vmem>> -> memref<1x88xi32, #tpu.memory_space<vmem>>
      %dma_start3A_510 = tpu.memref_squeeze %dma_start3A_509 : memref<1x88xi32, #tpu.memory_space<vmem>> -> memref<88xi32, #tpu.memory_space<vmem>>
      %dma_start3A_511 = arith.constant 0 : i32
      %dma_start3A_512 = arith.constant 0 : i32
      %dma_start3A_513 = tpu.memref_slice %arg12[%dma_start3A_511, %dma_start3A_512] : memref<10512x128xf32, #tpu.memory_space<vmem_shared>> -> memref<10512x128xf32, #tpu.memory_space<vmem_shared>>
      tpu.enqueue_indirect_dma source(%arg10 : memref<88x128xf32, #tpu.memory_space<vmem>>) target(%dma_start3A_513 : memref<10512x128xf32, #tpu.memory_space<vmem_shared>>) offsets(%dma_start3A_510 : memref<88xi32, #tpu.memory_space<vmem>>) semaphore(%arg19 : memref<!tpu.dma_semaphore, #tpu.memory_space<semaphore_mem>>) {add = true}
      %add3A_514 = arith.constant 2 : i32
      %add3A_515 = arith.addi %mul3A_409, %add3A_514 : i32
      %add3A_516 = arith.addi %mul3A_2, %add3A_515 : i32
      %dma_wait3A_517 = arith.constant 0 : i32
      %dma_wait3A_518 = arith.constant 0 : i32
      %dma_wait3A_519 = tpu.memref_slice %arg3[%add3A_516, %dma_wait3A_517, %dma_wait3A_518] : memref<7296x2x88xi32, #tpu.memory_space<hbm>> -> memref<1x2x88xi32, #tpu.memory_space<hbm>>
      %dma_wait3A_520 = tpu.memref_squeeze %dma_wait3A_519 : memref<1x2x88xi32, #tpu.memory_space<hbm>> -> memref<2x88xi32, #tpu.memory_space<hbm>>
      %dma_wait3A_521 = arith.constant 0 : i32
      %dma_wait3A_522 = arith.constant 0 : i32
      %dma_wait3A_523 = tpu.memref_slice %arg3[%add3A_516, %dma_wait3A_521, %dma_wait3A_522] : memref<7296x2x88xi32, #tpu.memory_space<hbm>> -> memref<1x2x88xi32, #tpu.memory_space<hbm>>
      %dma_wait3A_524 = tpu.memref_squeeze %dma_wait3A_523 : memref<1x2x88xi32, #tpu.memory_space<hbm>> -> memref<2x88xi32, #tpu.memory_space<hbm>>
      tpu.wait_dma2 semaphore(%arg15 : memref<!tpu.dma_semaphore, #tpu.memory_space<semaphore_mem>>) src(%dma_wait3A_524 : memref<2x88xi32, #tpu.memory_space<hbm>>) dst(%arg8 : memref<2x88xi32, #tpu.memory_space<vmem>>)
      %dma_wait3A_525 = arith.constant 1 : i32
      %dma_wait3A_526 = arith.constant 0 : i32
      %dma_wait3A_527 = tpu.memref_slice %arg6[%dma_wait3A_525, %dma_wait3A_526] : memref<2x88xi32, #tpu.memory_space<vmem>> -> memref<1x88xi32, #tpu.memory_space<vmem>>
      %dma_wait3A_528 = tpu.memref_squeeze %dma_wait3A_527 : memref<1x88xi32, #tpu.memory_space<vmem>> -> memref<88xi32, #tpu.memory_space<vmem>>
      %dma_wait3A_529 = arith.constant 0 : i32
      %dma_wait3A_530 = arith.constant 0 : i32
      %dma_wait3A_531 = tpu.memref_slice %arg12[%dma_wait3A_529, %dma_wait3A_530] : memref<10512x128xf32, #tpu.memory_space<vmem_shared>> -> memref<10512x128xf32, #tpu.memory_space<vmem_shared>>
      tpu.wait_indirect_dma semaphore(%arg19 : memref<!tpu.dma_semaphore, #tpu.memory_space<semaphore_mem>>) src(%arg10 : memref<88x128xf32, #tpu.memory_space<vmem>>) dst(%dma_wait3A_531 : memref<10512x128xf32, #tpu.memory_space<vmem_shared>>)
      %add3A_532 = arith.constant 2 : i32
      %add3A_533 = arith.addi %mul3A_409, %add3A_532 : i32
      %add3A_534 = arith.constant 2 : i32
      %add3A_535 = arith.addi %add3A_533, %add3A_534 : i32
      %add3A_536 = arith.addi %mul3A_2, %add3A_535 : i32
      %dma_start3A_537 = arith.constant 0 : i32
      %dma_start3A_538 = arith.constant 0 : i32
      %dma_start3A_539 = tpu.memref_slice %arg3[%add3A_536, %dma_start3A_537, %dma_start3A_538] : memref<7296x2x88xi32, #tpu.memory_space<hbm>> -> memref<1x2x88xi32, #tpu.memory_space<hbm>>
      %dma_start3A_540 = tpu.memref_squeeze %dma_start3A_539 : memref<1x2x88xi32, #tpu.memory_space<hbm>> -> memref<2x88xi32, #tpu.memory_space<hbm>>
      %dma_start3A_541 = arith.constant 0 : i32
      %dma_start3A_542 = arith.constant 0 : i32
      %dma_start3A_543 = tpu.memref_slice %arg3[%add3A_536, %dma_start3A_541, %dma_start3A_542] : memref<7296x2x88xi32, #tpu.memory_space<hbm>> -> memref<1x2x88xi32, #tpu.memory_space<hbm>>
      %dma_start3A_544 = tpu.memref_squeeze %dma_start3A_543 : memref<1x2x88xi32, #tpu.memory_space<hbm>> -> memref<2x88xi32, #tpu.memory_space<hbm>>
      tpu.enqueue_dma source(%dma_start3A_544 : memref<2x88xi32, #tpu.memory_space<hbm>>) target(%arg6 : memref<2x88xi32, #tpu.memory_space<vmem>>) target_semaphore(%arg13 : memref<!tpu.dma_semaphore, #tpu.memory_space<semaphore_mem>>)
      %dma_start3A_545 = arith.constant 0 : i32
      %dma_start3A_546 = arith.constant 0 : i32
      %dma_start3A_547 = tpu.memref_slice %arg8[%dma_start3A_545, %dma_start3A_546] : memref<2x88xi32, #tpu.memory_space<vmem>> -> memref<1x88xi32, #tpu.memory_space<vmem>>
      %dma_start3A_548 = tpu.memref_squeeze %dma_start3A_547 : memref<1x88xi32, #tpu.memory_space<vmem>> -> memref<88xi32, #tpu.memory_space<vmem>>
      %dma_start3A_549 = arith.constant 0 : i32
      %dma_start3A_550 = arith.constant 0 : i32
      %dma_start3A_551 = tpu.memref_slice %arg2[%dma_start3A_549, %dma_start3A_550] : memref<20000x128xf32, #tpu.memory_space<hbm>> -> memref<20000x128xf32, #tpu.memory_space<hbm>>
      tpu.enqueue_indirect_dma source(%dma_start3A_551 : memref<20000x128xf32, #tpu.memory_space<hbm>>) target(%arg10 : memref<88x128xf32, #tpu.memory_space<vmem>>) offsets(%dma_start3A_548 : memref<88xi32, #tpu.memory_space<vmem>>) semaphore(%arg17 : memref<!tpu.dma_semaphore, #tpu.memory_space<semaphore_mem>>)
      %dma_wait3A_552 = arith.constant 0 : i32
      %dma_wait3A_553 = arith.constant 0 : i32
      %dma_wait3A_554 = tpu.memref_slice %arg7[%dma_wait3A_552, %dma_wait3A_553] : memref<2x88xi32, #tpu.memory_space<vmem>> -> memref<1x88xi32, #tpu.memory_space<vmem>>
      %dma_wait3A_555 = tpu.memref_squeeze %dma_wait3A_554 : memref<1x88xi32, #tpu.memory_space<vmem>> -> memref<88xi32, #tpu.memory_space<vmem>>
      %dma_wait3A_556 = arith.constant 0 : i32
      %dma_wait3A_557 = arith.constant 0 : i32
      %dma_wait3A_558 = tpu.memref_slice %arg2[%dma_wait3A_556, %dma_wait3A_557] : memref<20000x128xf32, #tpu.memory_space<hbm>> -> memref<20000x128xf32, #tpu.memory_space<hbm>>
      tpu.wait_indirect_dma semaphore(%arg18 : memref<!tpu.dma_semaphore, #tpu.memory_space<semaphore_mem>>) src(%dma_wait3A_558 : memref<20000x128xf32, #tpu.memory_space<hbm>>) dst(%arg11 : memref<88x128xf32, #tpu.memory_space<vmem>>)
      %dma_start3A_559 = arith.constant 1 : i32
      %dma_start3A_560 = arith.constant 0 : i32
      %dma_start3A_561 = tpu.memref_slice %arg7[%dma_start3A_559, %dma_start3A_560] : memref<2x88xi32, #tpu.memory_space<vmem>> -> memref<1x88xi32, #tpu.memory_space<vmem>>
      %dma_start3A_562 = tpu.memref_squeeze %dma_start3A_561 : memref<1x88xi32, #tpu.memory_space<vmem>> -> memref<88xi32, #tpu.memory_space<vmem>>
      %dma_start3A_563 = arith.constant 0 : i32
      %dma_start3A_564 = arith.constant 0 : i32
      %dma_start3A_565 = tpu.memref_slice %arg12[%dma_start3A_563, %dma_start3A_564] : memref<10512x128xf32, #tpu.memory_space<vmem_shared>> -> memref<10512x128xf32, #tpu.memory_space<vmem_shared>>
      tpu.enqueue_indirect_dma source(%arg11 : memref<88x128xf32, #tpu.memory_space<vmem>>) target(%dma_start3A_565 : memref<10512x128xf32, #tpu.memory_space<vmem_shared>>) offsets(%dma_start3A_562 : memref<88xi32, #tpu.memory_space<vmem>>) semaphore(%arg20 : memref<!tpu.dma_semaphore, #tpu.memory_space<semaphore_mem>>) {add = true}
      %add3A_566 = arith.constant 3 : i32
      %add3A_567 = arith.addi %mul3A_409, %add3A_566 : i32
      %add3A_568 = arith.addi %mul3A_2, %add3A_567 : i32
      %dma_wait3A_569 = arith.constant 0 : i32
      %dma_wait3A_570 = arith.constant 0 : i32
      %dma_wait3A_571 = tpu.memref_slice %arg3[%add3A_568, %dma_wait3A_569, %dma_wait3A_570] : memref<7296x2x88xi32, #tpu.memory_space<hbm>> -> memref<1x2x88xi32, #tpu.memory_space<hbm>>
      %dma_wait3A_572 = tpu.memref_squeeze %dma_wait3A_571 : memref<1x2x88xi32, #tpu.memory_space<hbm>> -> memref<2x88xi32, #tpu.memory_space<hbm>>
      %dma_wait3A_573 = arith.constant 0 : i32
      %dma_wait3A_574 = arith.constant 0 : i32
      %dma_wait3A_575 = tpu.memref_slice %arg3[%add3A_568, %dma_wait3A_573, %dma_wait3A_574] : memref<7296x2x88xi32, #tpu.memory_space<hbm>> -> memref<1x2x88xi32, #tpu.memory_space<hbm>>
      %dma_wait3A_576 = tpu.memref_squeeze %dma_wait3A_575 : memref<1x2x88xi32, #tpu.memory_space<hbm>> -> memref<2x88xi32, #tpu.memory_space<hbm>>
      tpu.wait_dma2 semaphore(%arg16 : memref<!tpu.dma_semaphore, #tpu.memory_space<semaphore_mem>>) src(%dma_wait3A_576 : memref<2x88xi32, #tpu.memory_space<hbm>>) dst(%arg9 : memref<2x88xi32, #tpu.memory_space<vmem>>)
      %dma_wait3A_577 = arith.constant 1 : i32
      %dma_wait3A_578 = arith.constant 0 : i32
      %dma_wait3A_579 = tpu.memref_slice %arg7[%dma_wait3A_577, %dma_wait3A_578] : memref<2x88xi32, #tpu.memory_space<vmem>> -> memref<1x88xi32, #tpu.memory_space<vmem>>
      %dma_wait3A_580 = tpu.memref_squeeze %dma_wait3A_579 : memref<1x88xi32, #tpu.memory_space<vmem>> -> memref<88xi32, #tpu.memory_space<vmem>>
      %dma_wait3A_581 = arith.constant 0 : i32
      %dma_wait3A_582 = arith.constant 0 : i32
      %dma_wait3A_583 = tpu.memref_slice %arg12[%dma_wait3A_581, %dma_wait3A_582] : memref<10512x128xf32, #tpu.memory_space<vmem_shared>> -> memref<10512x128xf32, #tpu.memory_space<vmem_shared>>
      tpu.wait_indirect_dma semaphore(%arg20 : memref<!tpu.dma_semaphore, #tpu.memory_space<semaphore_mem>>) src(%arg11 : memref<88x128xf32, #tpu.memory_space<vmem>>) dst(%dma_wait3A_583 : memref<10512x128xf32, #tpu.memory_space<vmem_shared>>)
      %add3A_584 = arith.constant 3 : i32
      %add3A_585 = arith.addi %mul3A_409, %add3A_584 : i32
      %add3A_586 = arith.constant 2 : i32
      %add3A_587 = arith.addi %add3A_585, %add3A_586 : i32
      %add3A_588 = arith.addi %mul3A_2, %add3A_587 : i32
      %dma_start3A_589 = arith.constant 0 : i32
      %dma_start3A_590 = arith.constant 0 : i32
      %dma_start3A_591 = tpu.memref_slice %arg3[%add3A_588, %dma_start3A_589, %dma_start3A_590] : memref<7296x2x88xi32, #tpu.memory_space<hbm>> -> memref<1x2x88xi32, #tpu.memory_space<hbm>>
      %dma_start3A_592 = tpu.memref_squeeze %dma_start3A_591 : memref<1x2x88xi32, #tpu.memory_space<hbm>> -> memref<2x88xi32, #tpu.memory_space<hbm>>
      %dma_start3A_593 = arith.constant 0 : i32
      %dma_start3A_594 = arith.constant 0 : i32
      %dma_start3A_595 = tpu.memref_slice %arg3[%add3A_588, %dma_start3A_593, %dma_start3A_594] : memref<7296x2x88xi32, #tpu.memory_space<hbm>> -> memref<1x2x88xi32, #tpu.memory_space<hbm>>
      %dma_start3A_596 = tpu.memref_squeeze %dma_start3A_595 : memref<1x2x88xi32, #tpu.memory_space<hbm>> -> memref<2x88xi32, #tpu.memory_space<hbm>>
      tpu.enqueue_dma source(%dma_start3A_596 : memref<2x88xi32, #tpu.memory_space<hbm>>) target(%arg7 : memref<2x88xi32, #tpu.memory_space<vmem>>) target_semaphore(%arg14 : memref<!tpu.dma_semaphore, #tpu.memory_space<semaphore_mem>>)
      %dma_start3A_597 = arith.constant 0 : i32
      %dma_start3A_598 = arith.constant 0 : i32
      %dma_start3A_599 = tpu.memref_slice %arg9[%dma_start3A_597, %dma_start3A_598] : memref<2x88xi32, #tpu.memory_space<vmem>> -> memref<1x88xi32, #tpu.memory_space<vmem>>
      %dma_start3A_600 = tpu.memref_squeeze %dma_start3A_599 : memref<1x88xi32, #tpu.memory_space<vmem>> -> memref<88xi32, #tpu.memory_space<vmem>>
      %dma_start3A_601 = arith.constant 0 : i32
      %dma_start3A_602 = arith.constant 0 : i32
      %dma_start3A_603 = tpu.memref_slice %arg2[%dma_start3A_601, %dma_start3A_602] : memref<20000x128xf32, #tpu.memory_space<hbm>> -> memref<20000x128xf32, #tpu.memory_space<hbm>>
      tpu.enqueue_indirect_dma source(%dma_start3A_603 : memref<20000x128xf32, #tpu.memory_space<hbm>>) target(%arg11 : memref<88x128xf32, #tpu.memory_space<vmem>>) offsets(%dma_start3A_600 : memref<88xi32, #tpu.memory_space<vmem>>) semaphore(%arg18 : memref<!tpu.dma_semaphore, #tpu.memory_space<semaphore_mem>>)
      %dma_wait3A_604 = arith.constant 0 : i32
      %dma_wait3A_605 = arith.constant 0 : i32
      %dma_wait3A_606 = tpu.memref_slice %arg8[%dma_wait3A_604, %dma_wait3A_605] : memref<2x88xi32, #tpu.memory_space<vmem>> -> memref<1x88xi32, #tpu.memory_space<vmem>>
      %dma_wait3A_607 = tpu.memref_squeeze %dma_wait3A_606 : memref<1x88xi32, #tpu.memory_space<vmem>> -> memref<88xi32, #tpu.memory_space<vmem>>
      %dma_wait3A_608 = arith.constant 0 : i32
      %dma_wait3A_609 = arith.constant 0 : i32
      %dma_wait3A_610 = tpu.memref_slice %arg2[%dma_wait3A_608, %dma_wait3A_609] : memref<20000x128xf32, #tpu.memory_space<hbm>> -> memref<20000x128xf32, #tpu.memory_space<hbm>>
      tpu.wait_indirect_dma semaphore(%arg17 : memref<!tpu.dma_semaphore, #tpu.memory_space<semaphore_mem>>) src(%dma_wait3A_610 : memref<20000x128xf32, #tpu.memory_space<hbm>>) dst(%arg10 : memref<88x128xf32, #tpu.memory_space<vmem>>)
      %dma_start3A_611 = arith.constant 1 : i32
      %dma_start3A_612 = arith.constant 0 : i32
      %dma_start3A_613 = tpu.memref_slice %arg8[%dma_start3A_611, %dma_start3A_612] : memref<2x88xi32, #tpu.memory_space<vmem>> -> memref<1x88xi32, #tpu.memory_space<vmem>>
      %dma_start3A_614 = tpu.memref_squeeze %dma_start3A_613 : memref<1x88xi32, #tpu.memory_space<vmem>> -> memref<88xi32, #tpu.memory_space<vmem>>
      %dma_start3A_615 = arith.constant 0 : i32
      %dma_start3A_616 = arith.constant 0 : i32
      %dma_start3A_617 = tpu.memref_slice %arg12[%dma_start3A_615, %dma_start3A_616] : memref<10512x128xf32, #tpu.memory_space<vmem_shared>> -> memref<10512x128xf32, #tpu.memory_space<vmem_shared>>
      tpu.enqueue_indirect_dma source(%arg10 : memref<88x128xf32, #tpu.memory_space<vmem>>) target(%dma_start3A_617 : memref<10512x128xf32, #tpu.memory_space<vmem_shared>>) offsets(%dma_start3A_614 : memref<88xi32, #tpu.memory_space<vmem>>) semaphore(%arg19 : memref<!tpu.dma_semaphore, #tpu.memory_space<semaphore_mem>>) {add = true}
    }
    %scan3A_195 = arith.constant 55 : i32
    %add3A_196 = arith.constant 224 : i32
    %add3A_197 = arith.addi %mul3A_2, %add3A_196 : i32
    %dma_wait3A_198 = arith.constant 0 : i32
    %dma_wait3A_199 = arith.constant 0 : i32
    %dma_wait3A_200 = tpu.memref_slice %arg3[%add3A_197, %dma_wait3A_198, %dma_wait3A_199] : memref<7296x2x88xi32, #tpu.memory_space<hbm>> -> memref<1x2x88xi32, #tpu.memory_space<hbm>>
    %dma_wait3A_201 = tpu.memref_squeeze %dma_wait3A_200 : memref<1x2x88xi32, #tpu.memory_space<hbm>> -> memref<2x88xi32, #tpu.memory_space<hbm>>
    %dma_wait3A_202 = arith.constant 0 : i32
    %dma_wait3A_203 = arith.constant 0 : i32
    %dma_wait3A_204 = tpu.memref_slice %arg3[%add3A_197, %dma_wait3A_202, %dma_wait3A_203] : memref<7296x2x88xi32, #tpu.memory_space<hbm>> -> memref<1x2x88xi32, #tpu.memory_space<hbm>>
    %dma_wait3A_205 = tpu.memref_squeeze %dma_wait3A_204 : memref<1x2x88xi32, #tpu.memory_space<hbm>> -> memref<2x88xi32, #tpu.memory_space<hbm>>
    tpu.wait_dma2 semaphore(%arg13 : memref<!tpu.dma_semaphore, #tpu.memory_space<semaphore_mem>>) src(%dma_wait3A_205 : memref<2x88xi32, #tpu.memory_space<hbm>>) dst(%arg6 : memref<2x88xi32, #tpu.memory_space<vmem>>)
    %dma_wait3A_206 = arith.constant 1 : i32
    %dma_wait3A_207 = arith.constant 0 : i32
    %dma_wait3A_208 = tpu.memref_slice %arg8[%dma_wait3A_206, %dma_wait3A_207] : memref<2x88xi32, #tpu.memory_space<vmem>> -> memref<1x88xi32, #tpu.memory_space<vmem>>
    %dma_wait3A_209 = tpu.memref_squeeze %dma_wait3A_208 : memref<1x88xi32, #tpu.memory_space<vmem>> -> memref<88xi32, #tpu.memory_space<vmem>>
    %dma_wait3A_210 = arith.constant 0 : i32
    %dma_wait3A_211 = arith.constant 0 : i32
    %dma_wait3A_212 = tpu.memref_slice %arg12[%dma_wait3A_210, %dma_wait3A_211] : memref<10512x128xf32, #tpu.memory_space<vmem_shared>> -> memref<10512x128xf32, #tpu.memory_space<vmem_shared>>
    tpu.wait_indirect_dma semaphore(%arg19 : memref<!tpu.dma_semaphore, #tpu.memory_space<semaphore_mem>>) src(%arg10 : memref<88x128xf32, #tpu.memory_space<vmem>>) dst(%dma_wait3A_212 : memref<10512x128xf32, #tpu.memory_space<vmem_shared>>)
    %add3A_213 = arith.constant 226 : i32
    %add3A_214 = arith.addi %mul3A_2, %add3A_213 : i32
    %dma_start3A_215 = arith.constant 0 : i32
    %dma_start3A_216 = arith.constant 0 : i32
    %dma_start3A_217 = tpu.memref_slice %arg3[%add3A_214, %dma_start3A_215, %dma_start3A_216] : memref<7296x2x88xi32, #tpu.memory_space<hbm>> -> memref<1x2x88xi32, #tpu.memory_space<hbm>>
    %dma_start3A_218 = tpu.memref_squeeze %dma_start3A_217 : memref<1x2x88xi32, #tpu.memory_space<hbm>> -> memref<2x88xi32, #tpu.memory_space<hbm>>
    %dma_start3A_219 = arith.constant 0 : i32
    %dma_start3A_220 = arith.constant 0 : i32
    %dma_start3A_221 = tpu.memref_slice %arg3[%add3A_214, %dma_start3A_219, %dma_start3A_220] : memref<7296x2x88xi32, #tpu.memory_space<hbm>> -> memref<1x2x88xi32, #tpu.memory_space<hbm>>
    %dma_start3A_222 = tpu.memref_squeeze %dma_start3A_221 : memref<1x2x88xi32, #tpu.memory_space<hbm>> -> memref<2x88xi32, #tpu.memory_space<hbm>>
    tpu.enqueue_dma source(%dma_start3A_222 : memref<2x88xi32, #tpu.memory_space<hbm>>) target(%arg8 : memref<2x88xi32, #tpu.memory_space<vmem>>) target_semaphore(%arg15 : memref<!tpu.dma_semaphore, #tpu.memory_space<semaphore_mem>>)
    %dma_start3A_223 = arith.constant 0 : i32
    %dma_start3A_224 = arith.constant 0 : i32
    %dma_start3A_225 = tpu.memref_slice %arg6[%dma_start3A_223, %dma_start3A_224] : memref<2x88xi32, #tpu.memory_space<vmem>> -> memref<1x88xi32, #tpu.memory_space<vmem>>
    %dma_start3A_226 = tpu.memref_squeeze %dma_start3A_225 : memref<1x88xi32, #tpu.memory_space<vmem>> -> memref<88xi32, #tpu.memory_space<vmem>>
    %dma_start3A_227 = arith.constant 0 : i32
    %dma_start3A_228 = arith.constant 0 : i32
    %dma_start3A_229 = tpu.memref_slice %arg2[%dma_start3A_227, %dma_start3A_228] : memref<20000x128xf32, #tpu.memory_space<hbm>> -> memref<20000x128xf32, #tpu.memory_space<hbm>>
    tpu.enqueue_indirect_dma source(%dma_start3A_229 : memref<20000x128xf32, #tpu.memory_space<hbm>>) target(%arg10 : memref<88x128xf32, #tpu.memory_space<vmem>>) offsets(%dma_start3A_226 : memref<88xi32, #tpu.memory_space<vmem>>) semaphore(%arg17 : memref<!tpu.dma_semaphore, #tpu.memory_space<semaphore_mem>>)
    %dma_wait3A_230 = arith.constant 0 : i32
    %dma_wait3A_231 = arith.constant 0 : i32
    %dma_wait3A_232 = tpu.memref_slice %arg9[%dma_wait3A_230, %dma_wait3A_231] : memref<2x88xi32, #tpu.memory_space<vmem>> -> memref<1x88xi32, #tpu.memory_space<vmem>>
    %dma_wait3A_233 = tpu.memref_squeeze %dma_wait3A_232 : memref<1x88xi32, #tpu.memory_space<vmem>> -> memref<88xi32, #tpu.memory_space<vmem>>
    %dma_wait3A_234 = arith.constant 0 : i32
    %dma_wait3A_235 = arith.constant 0 : i32
    %dma_wait3A_236 = tpu.memref_slice %arg2[%dma_wait3A_234, %dma_wait3A_235] : memref<20000x128xf32, #tpu.memory_space<hbm>> -> memref<20000x128xf32, #tpu.memory_space<hbm>>
    tpu.wait_indirect_dma semaphore(%arg18 : memref<!tpu.dma_semaphore, #tpu.memory_space<semaphore_mem>>) src(%dma_wait3A_236 : memref<20000x128xf32, #tpu.memory_space<hbm>>) dst(%arg11 : memref<88x128xf32, #tpu.memory_space<vmem>>)
    %dma_start3A_237 = arith.constant 1 : i32
    %dma_start3A_238 = arith.constant 0 : i32
    %dma_start3A_239 = tpu.memref_slice %arg9[%dma_start3A_237, %dma_start3A_238] : memref<2x88xi32, #tpu.memory_space<vmem>> -> memref<1x88xi32, #tpu.memory_space<vmem>>
    %dma_start3A_240 = tpu.memref_squeeze %dma_start3A_239 : memref<1x88xi32, #tpu.memory_space<vmem>> -> memref<88xi32, #tpu.memory_space<vmem>>
    %dma_start3A_241 = arith.constant 0 : i32
    %dma_start3A_242 = arith.constant 0 : i32
    %dma_start3A_243 = tpu.memref_slice %arg12[%dma_start3A_241, %dma_start3A_242] : memref<10512x128xf32, #tpu.memory_space<vmem_shared>> -> memref<10512x128xf32, #tpu.memory_space<vmem_shared>>
    tpu.enqueue_indirect_dma source(%arg11 : memref<88x128xf32, #tpu.memory_space<vmem>>) target(%dma_start3A_243 : memref<10512x128xf32, #tpu.memory_space<vmem_shared>>) offsets(%dma_start3A_240 : memref<88xi32, #tpu.memory_space<vmem>>) semaphore(%arg20 : memref<!tpu.dma_semaphore, #tpu.memory_space<semaphore_mem>>) {add = true}
    %add3A_244 = arith.constant 225 : i32
    %add3A_245 = arith.addi %mul3A_2, %add3A_244 : i32
    %dma_wait3A_246 = arith.constant 0 : i32
    %dma_wait3A_247 = arith.constant 0 : i32
    %dma_wait3A_248 = tpu.memref_slice %arg3[%add3A_245, %dma_wait3A_246, %dma_wait3A_247] : memref<7296x2x88xi32, #tpu.memory_space<hbm>> -> memref<1x2x88xi32, #tpu.memory_space<hbm>>
    %dma_wait3A_249 = tpu.memref_squeeze %dma_wait3A_248 : memref<1x2x88xi32, #tpu.memory_space<hbm>> -> memref<2x88xi32, #tpu.memory_space<hbm>>
    %dma_wait3A_250 = arith.constant 0 : i32
    %dma_wait3A_251 = arith.constant 0 : i32
    %dma_wait3A_252 = tpu.memref_slice %arg3[%add3A_245, %dma_wait3A_250, %dma_wait3A_251] : memref<7296x2x88xi32, #tpu.memory_space<hbm>> -> memref<1x2x88xi32, #tpu.memory_space<hbm>>
    %dma_wait3A_253 = tpu.memref_squeeze %dma_wait3A_252 : memref<1x2x88xi32, #tpu.memory_space<hbm>> -> memref<2x88xi32, #tpu.memory_space<hbm>>
    tpu.wait_dma2 semaphore(%arg14 : memref<!tpu.dma_semaphore, #tpu.memory_space<semaphore_mem>>) src(%dma_wait3A_253 : memref<2x88xi32, #tpu.memory_space<hbm>>) dst(%arg7 : memref<2x88xi32, #tpu.memory_space<vmem>>)
    %dma_wait3A_254 = arith.constant 1 : i32
    %dma_wait3A_255 = arith.constant 0 : i32
    %dma_wait3A_256 = tpu.memref_slice %arg9[%dma_wait3A_254, %dma_wait3A_255] : memref<2x88xi32, #tpu.memory_space<vmem>> -> memref<1x88xi32, #tpu.memory_space<vmem>>
    %dma_wait3A_257 = tpu.memref_squeeze %dma_wait3A_256 : memref<1x88xi32, #tpu.memory_space<vmem>> -> memref<88xi32, #tpu.memory_space<vmem>>
    %dma_wait3A_258 = arith.constant 0 : i32
    %dma_wait3A_259 = arith.constant 0 : i32
    %dma_wait3A_260 = tpu.memref_slice %arg12[%dma_wait3A_258, %dma_wait3A_259] : memref<10512x128xf32, #tpu.memory_space<vmem_shared>> -> memref<10512x128xf32, #tpu.memory_space<vmem_shared>>
    tpu.wait_indirect_dma semaphore(%arg20 : memref<!tpu.dma_semaphore, #tpu.memory_space<semaphore_mem>>) src(%arg11 : memref<88x128xf32, #tpu.memory_space<vmem>>) dst(%dma_wait3A_260 : memref<10512x128xf32, #tpu.memory_space<vmem_shared>>)
    %add3A_261 = arith.constant 227 : i32
    %add3A_262 = arith.addi %mul3A_2, %add3A_261 : i32
    %dma_start3A_263 = arith.constant 0 : i32
    %dma_start3A_264 = arith.constant 0 : i32
    %dma_start3A_265 = tpu.memref_slice %arg3[%add3A_262, %dma_start3A_263, %dma_start3A_264] : memref<7296x2x88xi32, #tpu.memory_space<hbm>> -> memref<1x2x88xi32, #tpu.memory_space<hbm>>
    %dma_start3A_266 = tpu.memref_squeeze %dma_start3A_265 : memref<1x2x88xi32, #tpu.memory_space<hbm>> -> memref<2x88xi32, #tpu.memory_space<hbm>>
    %dma_start3A_267 = arith.constant 0 : i32
    %dma_start3A_268 = arith.constant 0 : i32
    %dma_start3A_269 = tpu.memref_slice %arg3[%add3A_262, %dma_start3A_267, %dma_start3A_268] : memref<7296x2x88xi32, #tpu.memory_space<hbm>> -> memref<1x2x88xi32, #tpu.memory_space<hbm>>
    %dma_start3A_270 = tpu.memref_squeeze %dma_start3A_269 : memref<1x2x88xi32, #tpu.memory_space<hbm>> -> memref<2x88xi32, #tpu.memory_space<hbm>>
    tpu.enqueue_dma source(%dma_start3A_270 : memref<2x88xi32, #tpu.memory_space<hbm>>) target(%arg9 : memref<2x88xi32, #tpu.memory_space<vmem>>) target_semaphore(%arg16 : memref<!tpu.dma_semaphore, #tpu.memory_space<semaphore_mem>>)
    %dma_start3A_271 = arith.constant 0 : i32
    %dma_start3A_272 = arith.constant 0 : i32
    %dma_start3A_273 = tpu.memref_slice %arg7[%dma_start3A_271, %dma_start3A_272] : memref<2x88xi32, #tpu.memory_space<vmem>> -> memref<1x88xi32, #tpu.memory_space<vmem>>
    %dma_start3A_274 = tpu.memref_squeeze %dma_start3A_273 : memref<1x88xi32, #tpu.memory_space<vmem>> -> memref<88xi32, #tpu.memory_space<vmem>>
    %dma_start3A_275 = arith.constant 0 : i32
    %dma_start3A_276 = arith.constant 0 : i32
    %dma_start3A_277 = tpu.memref_slice %arg2[%dma_start3A_275, %dma_start3A_276] : memref<20000x128xf32, #tpu.memory_space<hbm>> -> memref<20000x128xf32, #tpu.memory_space<hbm>>
    tpu.enqueue_indirect_dma source(%dma_start3A_277 : memref<20000x128xf32, #tpu.memory_space<hbm>>) target(%arg11 : memref<88x128xf32, #tpu.memory_space<vmem>>) offsets(%dma_start3A_274 : memref<88xi32, #tpu.memory_space<vmem>>) semaphore(%arg18 : memref<!tpu.dma_semaphore, #tpu.memory_space<semaphore_mem>>)
    %dma_wait3A_278 = arith.constant 0 : i32
    %dma_wait3A_279 = arith.constant 0 : i32
    %dma_wait3A_280 = tpu.memref_slice %arg6[%dma_wait3A_278, %dma_wait3A_279] : memref<2x88xi32, #tpu.memory_space<vmem>> -> memref<1x88xi32, #tpu.memory_space<vmem>>
    %dma_wait3A_281 = tpu.memref_squeeze %dma_wait3A_280 : memref<1x88xi32, #tpu.memory_space<vmem>> -> memref<88xi32, #tpu.memory_space<vmem>>
    %dma_wait3A_282 = arith.constant 0 : i32
    %dma_wait3A_283 = arith.constant 0 : i32
    %dma_wait3A_284 = tpu.memref_slice %arg2[%dma_wait3A_282, %dma_wait3A_283] : memref<20000x128xf32, #tpu.memory_space<hbm>> -> memref<20000x128xf32, #tpu.memory_space<hbm>>
    tpu.wait_indirect_dma semaphore(%arg17 : memref<!tpu.dma_semaphore, #tpu.memory_space<semaphore_mem>>) src(%dma_wait3A_284 : memref<20000x128xf32, #tpu.memory_space<hbm>>) dst(%arg10 : memref<88x128xf32, #tpu.memory_space<vmem>>)
    %dma_start3A_285 = arith.constant 1 : i32
    %dma_start3A_286 = arith.constant 0 : i32
    %dma_start3A_287 = tpu.memref_slice %arg6[%dma_start3A_285, %dma_start3A_286] : memref<2x88xi32, #tpu.memory_space<vmem>> -> memref<1x88xi32, #tpu.memory_space<vmem>>
    %dma_start3A_288 = tpu.memref_squeeze %dma_start3A_287 : memref<1x88xi32, #tpu.memory_space<vmem>> -> memref<88xi32, #tpu.memory_space<vmem>>
    %dma_start3A_289 = arith.constant 0 : i32
    %dma_start3A_290 = arith.constant 0 : i32
    %dma_start3A_291 = tpu.memref_slice %arg12[%dma_start3A_289, %dma_start3A_290] : memref<10512x128xf32, #tpu.memory_space<vmem_shared>> -> memref<10512x128xf32, #tpu.memory_space<vmem_shared>>
    tpu.enqueue_indirect_dma source(%arg10 : memref<88x128xf32, #tpu.memory_space<vmem>>) target(%dma_start3A_291 : memref<10512x128xf32, #tpu.memory_space<vmem_shared>>) offsets(%dma_start3A_288 : memref<88xi32, #tpu.memory_space<vmem>>) semaphore(%arg19 : memref<!tpu.dma_semaphore, #tpu.memory_space<semaphore_mem>>) {add = true}
    %add3A_292 = arith.constant 226 : i32
    %add3A_293 = arith.addi %mul3A_2, %add3A_292 : i32
    %dma_wait3A_294 = arith.constant 0 : i32
    %dma_wait3A_295 = arith.constant 0 : i32
    %dma_wait3A_296 = tpu.memref_slice %arg3[%add3A_293, %dma_wait3A_294, %dma_wait3A_295] : memref<7296x2x88xi32, #tpu.memory_space<hbm>> -> memref<1x2x88xi32, #tpu.memory_space<hbm>>
    %dma_wait3A_297 = tpu.memref_squeeze %dma_wait3A_296 : memref<1x2x88xi32, #tpu.memory_space<hbm>> -> memref<2x88xi32, #tpu.memory_space<hbm>>
    %dma_wait3A_298 = arith.constant 0 : i32
    %dma_wait3A_299 = arith.constant 0 : i32
    %dma_wait3A_300 = tpu.memref_slice %arg3[%add3A_293, %dma_wait3A_298, %dma_wait3A_299] : memref<7296x2x88xi32, #tpu.memory_space<hbm>> -> memref<1x2x88xi32, #tpu.memory_space<hbm>>
    %dma_wait3A_301 = tpu.memref_squeeze %dma_wait3A_300 : memref<1x2x88xi32, #tpu.memory_space<hbm>> -> memref<2x88xi32, #tpu.memory_space<hbm>>
    tpu.wait_dma2 semaphore(%arg15 : memref<!tpu.dma_semaphore, #tpu.memory_space<semaphore_mem>>) src(%dma_wait3A_301 : memref<2x88xi32, #tpu.memory_space<hbm>>) dst(%arg8 : memref<2x88xi32, #tpu.memory_space<vmem>>)
    %dma_wait3A_302 = arith.constant 1 : i32
    %dma_wait3A_303 = arith.constant 0 : i32
    %dma_wait3A_304 = tpu.memref_slice %arg6[%dma_wait3A_302, %dma_wait3A_303] : memref<2x88xi32, #tpu.memory_space<vmem>> -> memref<1x88xi32, #tpu.memory_space<vmem>>
    %dma_wait3A_305 = tpu.memref_squeeze %dma_wait3A_304 : memref<1x88xi32, #tpu.memory_space<vmem>> -> memref<88xi32, #tpu.memory_space<vmem>>
    %dma_wait3A_306 = arith.constant 0 : i32
    %dma_wait3A_307 = arith.constant 0 : i32
    %dma_wait3A_308 = tpu.memref_slice %arg12[%dma_wait3A_306, %dma_wait3A_307] : memref<10512x128xf32, #tpu.memory_space<vmem_shared>> -> memref<10512x128xf32, #tpu.memory_space<vmem_shared>>
    tpu.wait_indirect_dma semaphore(%arg19 : memref<!tpu.dma_semaphore, #tpu.memory_space<semaphore_mem>>) src(%arg10 : memref<88x128xf32, #tpu.memory_space<vmem>>) dst(%dma_wait3A_308 : memref<10512x128xf32, #tpu.memory_space<vmem_shared>>)
    %dma_start3A_309 = arith.constant 0 : i32
    %dma_start3A_310 = arith.constant 0 : i32
    %dma_start3A_311 = tpu.memref_slice %arg8[%dma_start3A_309, %dma_start3A_310] : memref<2x88xi32, #tpu.memory_space<vmem>> -> memref<1x88xi32, #tpu.memory_space<vmem>>
    %dma_start3A_312 = tpu.memref_squeeze %dma_start3A_311 : memref<1x88xi32, #tpu.memory_space<vmem>> -> memref<88xi32, #tpu.memory_space<vmem>>
    %dma_start3A_313 = arith.constant 0 : i32
    %dma_start3A_314 = arith.constant 0 : i32
    %dma_start3A_315 = tpu.memref_slice %arg2[%dma_start3A_313, %dma_start3A_314] : memref<20000x128xf32, #tpu.memory_space<hbm>> -> memref<20000x128xf32, #tpu.memory_space<hbm>>
    tpu.enqueue_indirect_dma source(%dma_start3A_315 : memref<20000x128xf32, #tpu.memory_space<hbm>>) target(%arg10 : memref<88x128xf32, #tpu.memory_space<vmem>>) offsets(%dma_start3A_312 : memref<88xi32, #tpu.memory_space<vmem>>) semaphore(%arg17 : memref<!tpu.dma_semaphore, #tpu.memory_space<semaphore_mem>>)
    %dma_wait3A_316 = arith.constant 0 : i32
    %dma_wait3A_317 = arith.constant 0 : i32
    %dma_wait3A_318 = tpu.memref_slice %arg7[%dma_wait3A_316, %dma_wait3A_317] : memref<2x88xi32, #tpu.memory_space<vmem>> -> memref<1x88xi32, #tpu.memory_space<vmem>>
    %dma_wait3A_319 = tpu.memref_squeeze %dma_wait3A_318 : memref<1x88xi32, #tpu.memory_space<vmem>> -> memref<88xi32, #tpu.memory_space<vmem>>
    %dma_wait3A_320 = arith.constant 0 : i32
    %dma_wait3A_321 = arith.constant 0 : i32
    %dma_wait3A_322 = tpu.memref_slice %arg2[%dma_wait3A_320, %dma_wait3A_321] : memref<20000x128xf32, #tpu.memory_space<hbm>> -> memref<20000x128xf32, #tpu.memory_space<hbm>>
    tpu.wait_indirect_dma semaphore(%arg18 : memref<!tpu.dma_semaphore, #tpu.memory_space<semaphore_mem>>) src(%dma_wait3A_322 : memref<20000x128xf32, #tpu.memory_space<hbm>>) dst(%arg11 : memref<88x128xf32, #tpu.memory_space<vmem>>)
    %dma_start3A_323 = arith.constant 1 : i32
    %dma_start3A_324 = arith.constant 0 : i32
    %dma_start3A_325 = tpu.memref_slice %arg7[%dma_start3A_323, %dma_start3A_324] : memref<2x88xi32, #tpu.memory_space<vmem>> -> memref<1x88xi32, #tpu.memory_space<vmem>>
    %dma_start3A_326 = tpu.memref_squeeze %dma_start3A_325 : memref<1x88xi32, #tpu.memory_space<vmem>> -> memref<88xi32, #tpu.memory_space<vmem>>
    %dma_start3A_327 = arith.constant 0 : i32
    %dma_start3A_328 = arith.constant 0 : i32
    %dma_start3A_329 = tpu.memref_slice %arg12[%dma_start3A_327, %dma_start3A_328] : memref<10512x128xf32, #tpu.memory_space<vmem_shared>> -> memref<10512x128xf32, #tpu.memory_space<vmem_shared>>
    tpu.enqueue_indirect_dma source(%arg11 : memref<88x128xf32, #tpu.memory_space<vmem>>) target(%dma_start3A_329 : memref<10512x128xf32, #tpu.memory_space<vmem_shared>>) offsets(%dma_start3A_326 : memref<88xi32, #tpu.memory_space<vmem>>) semaphore(%arg20 : memref<!tpu.dma_semaphore, #tpu.memory_space<semaphore_mem>>) {add = true}
    %add3A_330 = arith.constant 227 : i32
    %add3A_331 = arith.addi %mul3A_2, %add3A_330 : i32
    %dma_wait3A_332 = arith.constant 0 : i32
    %dma_wait3A_333 = arith.constant 0 : i32
    %dma_wait3A_334 = tpu.memref_slice %arg3[%add3A_331, %dma_wait3A_332, %dma_wait3A_333] : memref<7296x2x88xi32, #tpu.memory_space<hbm>> -> memref<1x2x88xi32, #tpu.memory_space<hbm>>
    %dma_wait3A_335 = tpu.memref_squeeze %dma_wait3A_334 : memref<1x2x88xi32, #tpu.memory_space<hbm>> -> memref<2x88xi32, #tpu.memory_space<hbm>>
    %dma_wait3A_336 = arith.constant 0 : i32
    %dma_wait3A_337 = arith.constant 0 : i32
    %dma_wait3A_338 = tpu.memref_slice %arg3[%add3A_331, %dma_wait3A_336, %dma_wait3A_337] : memref<7296x2x88xi32, #tpu.memory_space<hbm>> -> memref<1x2x88xi32, #tpu.memory_space<hbm>>
    %dma_wait3A_339 = tpu.memref_squeeze %dma_wait3A_338 : memref<1x2x88xi32, #tpu.memory_space<hbm>> -> memref<2x88xi32, #tpu.memory_space<hbm>>
    tpu.wait_dma2 semaphore(%arg16 : memref<!tpu.dma_semaphore, #tpu.memory_space<semaphore_mem>>) src(%dma_wait3A_339 : memref<2x88xi32, #tpu.memory_space<hbm>>) dst(%arg9 : memref<2x88xi32, #tpu.memory_space<vmem>>)
    %dma_wait3A_340 = arith.constant 1 : i32
    %dma_wait3A_341 = arith.constant 0 : i32
    %dma_wait3A_342 = tpu.memref_slice %arg7[%dma_wait3A_340, %dma_wait3A_341] : memref<2x88xi32, #tpu.memory_space<vmem>> -> memref<1x88xi32, #tpu.memory_space<vmem>>
    %dma_wait3A_343 = tpu.memref_squeeze %dma_wait3A_342 : memref<1x88xi32, #tpu.memory_space<vmem>> -> memref<88xi32, #tpu.memory_space<vmem>>
    %dma_wait3A_344 = arith.constant 0 : i32
    %dma_wait3A_345 = arith.constant 0 : i32
    %dma_wait3A_346 = tpu.memref_slice %arg12[%dma_wait3A_344, %dma_wait3A_345] : memref<10512x128xf32, #tpu.memory_space<vmem_shared>> -> memref<10512x128xf32, #tpu.memory_space<vmem_shared>>
    tpu.wait_indirect_dma semaphore(%arg20 : memref<!tpu.dma_semaphore, #tpu.memory_space<semaphore_mem>>) src(%arg11 : memref<88x128xf32, #tpu.memory_space<vmem>>) dst(%dma_wait3A_346 : memref<10512x128xf32, #tpu.memory_space<vmem_shared>>)
    %dma_start3A_347 = arith.constant 0 : i32
    %dma_start3A_348 = arith.constant 0 : i32
    %dma_start3A_349 = tpu.memref_slice %arg9[%dma_start3A_347, %dma_start3A_348] : memref<2x88xi32, #tpu.memory_space<vmem>> -> memref<1x88xi32, #tpu.memory_space<vmem>>
    %dma_start3A_350 = tpu.memref_squeeze %dma_start3A_349 : memref<1x88xi32, #tpu.memory_space<vmem>> -> memref<88xi32, #tpu.memory_space<vmem>>
    %dma_start3A_351 = arith.constant 0 : i32
    %dma_start3A_352 = arith.constant 0 : i32
    %dma_start3A_353 = tpu.memref_slice %arg2[%dma_start3A_351, %dma_start3A_352] : memref<20000x128xf32, #tpu.memory_space<hbm>> -> memref<20000x128xf32, #tpu.memory_space<hbm>>
    tpu.enqueue_indirect_dma source(%dma_start3A_353 : memref<20000x128xf32, #tpu.memory_space<hbm>>) target(%arg11 : memref<88x128xf32, #tpu.memory_space<vmem>>) offsets(%dma_start3A_350 : memref<88xi32, #tpu.memory_space<vmem>>) semaphore(%arg18 : memref<!tpu.dma_semaphore, #tpu.memory_space<semaphore_mem>>)
    %dma_wait3A_354 = arith.constant 0 : i32
    %dma_wait3A_355 = arith.constant 0 : i32
    %dma_wait3A_356 = tpu.memref_slice %arg8[%dma_wait3A_354, %dma_wait3A_355] : memref<2x88xi32, #tpu.memory_space<vmem>> -> memref<1x88xi32, #tpu.memory_space<vmem>>
    %dma_wait3A_357 = tpu.memref_squeeze %dma_wait3A_356 : memref<1x88xi32, #tpu.memory_space<vmem>> -> memref<88xi32, #tpu.memory_space<vmem>>
    %dma_wait3A_358 = arith.constant 0 : i32
    %dma_wait3A_359 = arith.constant 0 : i32
    %dma_wait3A_360 = tpu.memref_slice %arg2[%dma_wait3A_358, %dma_wait3A_359] : memref<20000x128xf32, #tpu.memory_space<hbm>> -> memref<20000x128xf32, #tpu.memory_space<hbm>>
    tpu.wait_indirect_dma semaphore(%arg17 : memref<!tpu.dma_semaphore, #tpu.memory_space<semaphore_mem>>) src(%dma_wait3A_360 : memref<20000x128xf32, #tpu.memory_space<hbm>>) dst(%arg10 : memref<88x128xf32, #tpu.memory_space<vmem>>)
    %dma_start3A_361 = arith.constant 1 : i32
    %dma_start3A_362 = arith.constant 0 : i32
    %dma_start3A_363 = tpu.memref_slice %arg8[%dma_start3A_361, %dma_start3A_362] : memref<2x88xi32, #tpu.memory_space<vmem>> -> memref<1x88xi32, #tpu.memory_space<vmem>>
    %dma_start3A_364 = tpu.memref_squeeze %dma_start3A_363 : memref<1x88xi32, #tpu.memory_space<vmem>> -> memref<88xi32, #tpu.memory_space<vmem>>
    %dma_start3A_365 = arith.constant 0 : i32
    %dma_start3A_366 = arith.constant 0 : i32
    %dma_start3A_367 = tpu.memref_slice %arg12[%dma_start3A_365, %dma_start3A_366] : memref<10512x128xf32, #tpu.memory_space<vmem_shared>> -> memref<10512x128xf32, #tpu.memory_space<vmem_shared>>
    tpu.enqueue_indirect_dma source(%arg10 : memref<88x128xf32, #tpu.memory_space<vmem>>) target(%dma_start3A_367 : memref<10512x128xf32, #tpu.memory_space<vmem_shared>>) offsets(%dma_start3A_364 : memref<88xi32, #tpu.memory_space<vmem>>) semaphore(%arg19 : memref<!tpu.dma_semaphore, #tpu.memory_space<semaphore_mem>>) {add = true}
    %dma_wait3A_368 = arith.constant 0 : i32
    %dma_wait3A_369 = arith.constant 0 : i32
    %dma_wait3A_370 = tpu.memref_slice %arg9[%dma_wait3A_368, %dma_wait3A_369] : memref<2x88xi32, #tpu.memory_space<vmem>> -> memref<1x88xi32, #tpu.memory_space<vmem>>
    %dma_wait3A_371 = tpu.memref_squeeze %dma_wait3A_370 : memref<1x88xi32, #tpu.memory_space<vmem>> -> memref<88xi32, #tpu.memory_space<vmem>>
    %dma_wait3A_372 = arith.constant 0 : i32
    %dma_wait3A_373 = arith.constant 0 : i32
    %dma_wait3A_374 = tpu.memref_slice %arg2[%dma_wait3A_372, %dma_wait3A_373] : memref<20000x128xf32, #tpu.memory_space<hbm>> -> memref<20000x128xf32, #tpu.memory_space<hbm>>
    tpu.wait_indirect_dma semaphore(%arg18 : memref<!tpu.dma_semaphore, #tpu.memory_space<semaphore_mem>>) src(%dma_wait3A_374 : memref<20000x128xf32, #tpu.memory_space<hbm>>) dst(%arg11 : memref<88x128xf32, #tpu.memory_space<vmem>>)
    %dma_start3A_375 = arith.constant 1 : i32
    %dma_start3A_376 = arith.constant 0 : i32
    %dma_start3A_377 = tpu.memref_slice %arg9[%dma_start3A_375, %dma_start3A_376] : memref<2x88xi32, #tpu.memory_space<vmem>> -> memref<1x88xi32, #tpu.memory_space<vmem>>
    %dma_start3A_378 = tpu.memref_squeeze %dma_start3A_377 : memref<1x88xi32, #tpu.memory_space<vmem>> -> memref<88xi32, #tpu.memory_space<vmem>>
    %dma_start3A_379 = arith.constant 0 : i32
    %dma_start3A_380 = arith.constant 0 : i32
    %dma_start3A_381 = tpu.memref_slice %arg12[%dma_start3A_379, %dma_start3A_380] : memref<10512x128xf32, #tpu.memory_space<vmem_shared>> -> memref<10512x128xf32, #tpu.memory_space<vmem_shared>>
    tpu.enqueue_indirect_dma source(%arg11 : memref<88x128xf32, #tpu.memory_space<vmem>>) target(%dma_start3A_381 : memref<10512x128xf32, #tpu.memory_space<vmem_shared>>) offsets(%dma_start3A_378 : memref<88xi32, #tpu.memory_space<vmem>>) semaphore(%arg20 : memref<!tpu.dma_semaphore, #tpu.memory_space<semaphore_mem>>) {add = true}
    %dma_wait3A_382 = arith.constant 1 : i32
    %dma_wait3A_383 = arith.constant 0 : i32
    %dma_wait3A_384 = tpu.memref_slice %arg8[%dma_wait3A_382, %dma_wait3A_383] : memref<2x88xi32, #tpu.memory_space<vmem>> -> memref<1x88xi32, #tpu.memory_space<vmem>>
    %dma_wait3A_385 = tpu.memref_squeeze %dma_wait3A_384 : memref<1x88xi32, #tpu.memory_space<vmem>> -> memref<88xi32, #tpu.memory_space<vmem>>
    %dma_wait3A_386 = arith.constant 0 : i32
    %dma_wait3A_387 = arith.constant 0 : i32
    %dma_wait3A_388 = tpu.memref_slice %arg12[%dma_wait3A_386, %dma_wait3A_387] : memref<10512x128xf32, #tpu.memory_space<vmem_shared>> -> memref<10512x128xf32, #tpu.memory_space<vmem_shared>>
    tpu.wait_indirect_dma semaphore(%arg19 : memref<!tpu.dma_semaphore, #tpu.memory_space<semaphore_mem>>) src(%arg10 : memref<88x128xf32, #tpu.memory_space<vmem>>) dst(%dma_wait3A_388 : memref<10512x128xf32, #tpu.memory_space<vmem_shared>>)
    %dma_wait3A_389 = arith.constant 1 : i32
    %dma_wait3A_390 = arith.constant 0 : i32
    %dma_wait3A_391 = tpu.memref_slice %arg9[%dma_wait3A_389, %dma_wait3A_390] : memref<2x88xi32, #tpu.memory_space<vmem>> -> memref<1x88xi32, #tpu.memory_space<vmem>>
    %dma_wait3A_392 = tpu.memref_squeeze %dma_wait3A_391 : memref<1x88xi32, #tpu.memory_space<vmem>> -> memref<88xi32, #tpu.memory_space<vmem>>
    %dma_wait3A_393 = arith.constant 0 : i32
    %dma_wait3A_394 = arith.constant 0 : i32
    %dma_wait3A_395 = tpu.memref_slice %arg12[%dma_wait3A_393, %dma_wait3A_394] : memref<10512x128xf32, #tpu.memory_space<vmem_shared>> -> memref<10512x128xf32, #tpu.memory_space<vmem_shared>>
    tpu.wait_indirect_dma semaphore(%arg20 : memref<!tpu.dma_semaphore, #tpu.memory_space<semaphore_mem>>) src(%arg11 : memref<88x128xf32, #tpu.memory_space<vmem>>) dst(%dma_wait3A_395 : memref<10512x128xf32, #tpu.memory_space<vmem_shared>>)
    %barrier3A_396 = arith.constant 0 : index
    tpu.barrier barrier_id(%barrier3A_396)
    %lt3A_397 = arith.constant 15 : i32
    %lt3A_398 = arith.cmpi slt, %arg1, %lt3A_397 : i32
    %convert_element_type3A_399 = arith.extui %lt3A_398 : i1 to i32
    %cond3A_400 = arith.constant 0 : i32
    %cond3A_401 = arith.cmpi ne, %convert_element_type3A_399, %cond3A_400 : i32
    scf.if %cond3A_401 {
      %mul3A_407 = arith.constant 632 : i32
      %mul3A_408 = arith.muli %arg1, %mul3A_407 : i32
      %mul3A_409 = arith.constant 10000 : i32
      %mul3A_410 = arith.muli %arg0, %mul3A_409 : i32
      %mul3A_411 = arith.constant 632 : i32
      %mul3A_412 = arith.muli %arg1, %mul3A_411 : i32
      %add3A_413 = arith.addi %mul3A_410, %mul3A_412 : i32
      "tpu.region"() ({
        %run_scoped3A = tpu.sem_alloc : memref<!tpu.dma_semaphore, #tpu.memory_space<semaphore_mem>>
        %dma_start3A_414 = arith.constant 0 : i32
        %dma_start3A_415 = tpu.memref_slice %arg5[%add3A_413, %dma_start3A_414] : memref<20000x128xf32, #tpu.memory_space<hbm>> -> memref<632x128xf32, #tpu.memory_space<hbm>>
        %dma_start3A_416 = arith.constant 0 : i32
        %dma_start3A_417 = tpu.memref_slice %arg12[%mul3A_408, %dma_start3A_416] : memref<10512x128xf32, #tpu.memory_space<vmem_shared>> -> memref<632x128xf32, #tpu.memory_space<vmem_shared>>
        tpu.enqueue_dma source(%dma_start3A_417 : memref<632x128xf32, #tpu.memory_space<vmem_shared>>) target(%dma_start3A_415 : memref<632x128xf32, #tpu.memory_space<hbm>>) target_semaphore(%run_scoped3A : memref<!tpu.dma_semaphore, #tpu.memory_space<semaphore_mem>>)
        %dma_wait3A_418 = arith.constant 0 : i32
        %dma_wait3A_419 = tpu.memref_slice %arg5[%add3A_413, %dma_wait3A_418] : memref<20000x128xf32, #tpu.memory_space<hbm>> -> memref<632x128xf32, #tpu.memory_space<hbm>>
        %dma_wait3A_420 = arith.constant 0 : i32
        %dma_wait3A_421 = tpu.memref_slice %arg12[%mul3A_408, %dma_wait3A_420] : memref<10512x128xf32, #tpu.memory_space<vmem_shared>> -> memref<632x128xf32, #tpu.memory_space<vmem_shared>>
        tpu.wait_dma2 semaphore(%run_scoped3A : memref<!tpu.dma_semaphore, #tpu.memory_space<semaphore_mem>>) src(%dma_wait3A_421 : memref<632x128xf32, #tpu.memory_space<vmem_shared>>) dst(%dma_wait3A_419 : memref<632x128xf32, #tpu.memory_space<hbm>>)
        tpu.yield
      }) : () -> ()
    } else {
    }
    %eq3A_402 = arith.constant 15 : i32
    %eq3A_403 = arith.cmpi eq, %arg1, %eq3A_402 : i32
    %convert_element_type3A_404 = arith.extui %eq3A_403 : i1 to i32
    %cond3A_405 = arith.constant 0 : i32
    %cond3A_406 = arith.cmpi ne, %convert_element_type3A_404, %cond3A_405 : i32
    scf.if %cond3A_406 {
      %mul3A_407 = arith.constant 10000 : i32
      %mul3A_408 = arith.muli %arg0, %mul3A_407 : i32
      %add3A_409 = arith.constant 9480 : i32
      %add3A_410 = arith.addi %mul3A_408, %add3A_409 : i32
      "tpu.region"() ({
        %run_scoped3A = tpu.sem_alloc : memref<!tpu.dma_semaphore, #tpu.memory_space<semaphore_mem>>
        %dma_start3A_411 = arith.constant 0 : i32
        %dma_start3A_412 = tpu.memref_slice %arg5[%add3A_410, %dma_start3A_411] : memref<20000x128xf32, #tpu.memory_space<hbm>> -> memref<520x128xf32, #tpu.memory_space<hbm>>
        %dma_start3A_413 = arith.constant 9480 : i32
        %dma_start3A_414 = arith.constant 0 : i32
        %dma_start3A_415 = tpu.memref_slice %arg12[%dma_start3A_413, %dma_start3A_414] : memref<10512x128xf32, #tpu.memory_space<vmem_shared>> -> memref<520x128xf32, #tpu.memory_space<vmem_shared>>
        tpu.enqueue_dma source(%dma_start3A_415 : memref<520x128xf32, #tpu.memory_space<vmem_shared>>) target(%dma_start3A_412 : memref<520x128xf32, #tpu.memory_space<hbm>>) target_semaphore(%run_scoped3A : memref<!tpu.dma_semaphore, #tpu.memory_space<semaphore_mem>>)
        %dma_wait3A_416 = arith.constant 0 : i32
        %dma_wait3A_417 = tpu.memref_slice %arg5[%add3A_410, %dma_wait3A_416] : memref<20000x128xf32, #tpu.memory_space<hbm>> -> memref<520x128xf32, #tpu.memory_space<hbm>>
        %dma_wait3A_418 = arith.constant 9480 : i32
        %dma_wait3A_419 = arith.constant 0 : i32
        %dma_wait3A_420 = tpu.memref_slice %arg12[%dma_wait3A_418, %dma_wait3A_419] : memref<10512x128xf32, #tpu.memory_space<vmem_shared>> -> memref<520x128xf32, #tpu.memory_space<vmem_shared>>
        tpu.wait_dma2 semaphore(%run_scoped3A : memref<!tpu.dma_semaphore, #tpu.memory_space<semaphore_mem>>) src(%dma_wait3A_420 : memref<520x128xf32, #tpu.memory_space<vmem_shared>>) dst(%dma_wait3A_417 : memref<520x128xf32, #tpu.memory_space<hbm>>)
        tpu.yield
      }) : () -> ()
    } else {
    }
    return
  }
}

module attributes {stable_mosaic.version = 14 : i64} {
  func.func @_layer_body(%arg0: i32, %arg1: memref<1000x128xf32, #tpu.memory_space<vmem>>, %arg2: memref<1000x128xf32, #tpu.memory_space<vmem>>, %arg3: memref<128x128xf32, #tpu.memory_space<vmem>>, %arg4: memref<128x128xf32, #tpu.memory_space<vmem>>, %arg5: memref<1x128xf32, #tpu.memory_space<vmem>>, %arg6: memref<1x1x1000xi32, #tpu.memory_space<vmem>>, %arg7: memref<1000x128xf32, #tpu.memory_space<vmem>>, %arg8: memref<1x64x128xf32, #tpu.memory_space<vmem>>, %arg9: memref<1x64x128xf32, #tpu.memory_space<vmem>>) attributes {dimension_semantics = [#tpu.dimension_semantics<arbitrary>], iteration_bounds = array<i64: 20>, scalar_prefetch = 0 : i64, scratch_operands = 0 : i64, tpu.core_type = #tpu.core_type<tc>, window_params = [{transform_indices = @transform_0, window_bounds = array<i64: 1000, 128>}, {transform_indices = @transform_1, window_bounds = array<i64: 1000, 128>}, {pipeline_mode = #tpu.pipeline_mode<synchronous>, transform_indices = @transform_2, window_bounds = array<i64: 128, 128>}, {pipeline_mode = #tpu.pipeline_mode<synchronous>, transform_indices = @transform_3, window_bounds = array<i64: 128, 128>}, {pipeline_mode = #tpu.pipeline_mode<synchronous>, transform_indices = @transform_4, window_bounds = array<i64: 1, 128>}, {transform_indices = @transform_5, window_bounds = array<i64: 1, 1, 1000>}, {transform_indices = @transform_6, window_bounds = array<i64: 1000, 128>}, {transform_indices = @transform_7, window_bounds = array<i64: 1, 64, 128>}, {transform_indices = @transform_8, window_bounds = array<i64: 1, 64, 128>}]} {
    %get3A = arith.constant 0 : index
    %get3A_0 = arith.constant 0 : index
    %get3A_1 = vector.load %arg1[%get3A, %get3A_0] : memref<1000x128xf32, #tpu.memory_space<vmem>>, vector<1000x128xf32>
    %get3A_2 = arith.constant 0 : index
    %get3A_3 = arith.constant 0 : index
    %get3A_4 = vector.load %arg3[%get3A_2, %get3A_3] : memref<128x128xf32, #tpu.memory_space<vmem>>, vector<128x128xf32>
    %dot_general3A = arith.constant dense<0.000000e+00> : vector<1000x128xf32>
    %dot_general3A_5 = tpu.matmul %get3A_1, %get3A_4, %dot_general3A {dimension_numbers = #tpu.dot_dimension_numbers<[1], [0], [0], [1], [0, 0, 1, 1], [], []>, transpose_lhs_hint = false} : vector<1000x128xf32>, vector<128x128xf32>, vector<1000x128xf32> -> vector<1000x128xf32>
    %get3A_6 = arith.constant 0 : index
    %get3A_7 = arith.constant 0 : index
    %get3A_8 = vector.load %arg2[%get3A_6, %get3A_7] : memref<1000x128xf32, #tpu.memory_space<vmem>>, vector<1000x128xf32>
    %get3A_9 = arith.constant 0 : index
    %get3A_10 = arith.constant 0 : index
    %get3A_11 = vector.load %arg4[%get3A_9, %get3A_10] : memref<128x128xf32, #tpu.memory_space<vmem>>, vector<128x128xf32>
    %dot_general3A_12 = arith.constant dense<0.000000e+00> : vector<1000x128xf32>
    %dot_general3A_13 = tpu.matmul %get3A_8, %get3A_11, %dot_general3A_12 {dimension_numbers = #tpu.dot_dimension_numbers<[1], [0], [0], [1], [0, 0, 1, 1], [], []>, transpose_lhs_hint = false} : vector<1000x128xf32>, vector<128x128xf32>, vector<1000x128xf32> -> vector<1000x128xf32>
    %add3A = arith.addf %dot_general3A_5, %dot_general3A_13 : vector<1000x128xf32>
    %get3A_14 = arith.constant 0 : index
    %get3A_15 = arith.constant 0 : index
    %get3A_16 = vector.load %arg5[%get3A_14, %get3A_15] : memref<1x128xf32, #tpu.memory_space<vmem>>, vector<1x128xf32>
    %add3A_17 = vector.broadcast %get3A_16 : vector<1x128xf32> to vector<1000x128xf32>
    %add3A_18 = arith.addf %add3A, %add3A_17 : vector<1000x128xf32>
    %max3A = arith.constant 0.000000e+00 : f32
    %max3A_19 = vector.broadcast %max3A : f32 to vector<1000x128xf32>
    %max3A_20 = arith.maximumf %add3A_18, %max3A_19 : vector<1000x128xf32>
    %swap3A = arith.constant 0 : index
    %swap3A_21 = arith.constant 0 : index
    %swap3A_22 = vector.load %arg7[%swap3A, %swap3A_21] : memref<1000x128xf32, #tpu.memory_space<vmem>>, vector<1000x128xf32>
    tpu.vector_store %arg7[%swap3A, %swap3A_21], %max3A_20 {strides = array<i32>} : memref<1000x128xf32, #tpu.memory_space<vmem>>, vector<1000x128xf32>,
    %get3A_23 = arith.constant 0 : index
    %get3A_24 = arith.constant 0 : index
    %get3A_25 = arith.constant 0 : index
    %get3A_26 = vector.load %arg6[%get3A_23, %get3A_24, %get3A_25] : memref<1x1x1000xi32, #tpu.memory_space<vmem>>, vector<1x1x1000xi32>
    %get3A_27 = vector.shape_cast %get3A_26 : vector<1x1x1000xi32> to vector<1000xi32>
    %iota3A = tpu.iota {dimensions = array<i32: 0>} : vector<64x1000xi32>
    %broadcast_in_dim3A = vector.shape_cast %get3A_27 : vector<1000xi32> to vector<1x1000xi32>
    %eq3A = vector.broadcast %broadcast_in_dim3A : vector<1x1000xi32> to vector<64x1000xi32>
    %eq3A_28 = arith.cmpi eq, %iota3A, %eq3A : vector<64x1000xi32>
    %convert_element_type3A = arith.extui %eq3A_28 : vector<64x1000xi1> to vector<64x1000xi32>
    %convert_element_type3A_29 = arith.sitofp %convert_element_type3A : vector<64x1000xi32> to vector<64x1000xf32>
    %jit3A = arith.constant 10 : i32
    %eq3A_30 = arith.constant 0 : i32
    %eq3A_31 = arith.cmpi eq, %jit3A, %eq3A_30 : i32
    %jit3A_32 = arith.constant 1 : i32
    %select_n3A = arith.select %eq3A_31, %jit3A_32, %jit3A : i32
    %rem3A = arith.remsi %arg0, %select_n3A : i32
    %ne3A = arith.constant 0 : i32
    %ne3A_33 = arith.cmpi ne, %rem3A, %ne3A : i32
    %lt3A = arith.constant 0 : i32
    %lt3A_34 = arith.cmpi slt, %rem3A, %lt3A : i32
    %lt3A_35 = arith.constant 0 : i32
    %lt3A_36 = arith.cmpi slt, %select_n3A, %lt3A_35 : i32
    %ne3A_37 = arith.xori %lt3A_34, %lt3A_36 : i1
    %and3A = arith.andi %ne3A_37, %ne3A_33 : i1
    %add3A_38 = arith.addi %rem3A, %select_n3A : i32
    %select_n3A_39 = arith.select %and3A, %add3A_38, %rem3A : i32
    %eq3A_40 = arith.constant 0 : i32
    %eq3A_41 = arith.cmpi eq, %select_n3A_39, %eq3A_40 : i32
    %convert_element_type3A_42 = arith.extui %eq3A_41 : i1 to i32
    %cond3A = arith.constant 0 : i32
    %cond3A_43 = arith.cmpi ne, %convert_element_type3A_42, %cond3A : i32
    scf.if %cond3A_43 {
      %broadcast_in_dim3A_75 = arith.constant 0.000000e+00 : f32
      %broadcast_in_dim3A_76 = vector.broadcast %broadcast_in_dim3A_75 : f32 to vector<1x64x128xf32>
      %swap3A_77 = arith.constant 0 : index
      %swap3A_78 = arith.constant 0 : index
      %swap3A_79 = arith.constant 0 : index
      %swap3A_80 = vector.load %arg8[%swap3A_77, %swap3A_78, %swap3A_79] : memref<1x64x128xf32, #tpu.memory_space<vmem>>, vector<1x64x128xf32>
      tpu.vector_store %arg8[%swap3A_77, %swap3A_78, %swap3A_79], %broadcast_in_dim3A_76 {strides = array<i32>} : memref<1x64x128xf32, #tpu.memory_space<vmem>>, vector<1x64x128xf32>,
      %broadcast_in_dim3A_81 = arith.constant 0.000000e+00 : f32
      %broadcast_in_dim3A_82 = vector.broadcast %broadcast_in_dim3A_81 : f32 to vector<1x64x128xf32>
      %swap3A_83 = arith.constant 0 : index
      %swap3A_84 = arith.constant 0 : index
      %swap3A_85 = arith.constant 0 : index
      %swap3A_86 = vector.load %arg9[%swap3A_83, %swap3A_84, %swap3A_85] : memref<1x64x128xf32, #tpu.memory_space<vmem>>, vector<1x64x128xf32>
      tpu.vector_store %arg9[%swap3A_83, %swap3A_84, %swap3A_85], %broadcast_in_dim3A_82 {strides = array<i32>} : memref<1x64x128xf32, #tpu.memory_space<vmem>>, vector<1x64x128xf32>,
    } else {
    }
    %get3A_44 = arith.constant 0 : index
    %get3A_45 = arith.constant 0 : index
    %get3A_46 = arith.constant 0 : index
    %get3A_47 = vector.load %arg8[%get3A_44, %get3A_45, %get3A_46] : memref<1x64x128xf32, #tpu.memory_space<vmem>>, vector<1x64x128xf32>
    %get3A_48 = vector.shape_cast %get3A_47 : vector<1x64x128xf32> to vector<64x128xf32>
    %dot_general3A_49 = arith.constant dense<0.000000e+00> : vector<64x128xf32>
    %dot_general3A_50 = tpu.matmul %convert_element_type3A_29, %max3A_20, %dot_general3A_49 {dimension_numbers = #tpu.dot_dimension_numbers<[1], [0], [0], [1], [0, 0, 1, 1], [], []>, transpose_lhs_hint = false} : vector<64x1000xf32>, vector<1000x128xf32>, vector<64x128xf32> -> vector<64x128xf32>
    %add3A_51 = arith.addf %get3A_48, %dot_general3A_50 : vector<64x128xf32>
    %swap3A_52 = arith.constant 0 : index
    %swap3A_53 = arith.constant 0 : index
    %swap3A_54 = arith.constant 0 : index
    %swap3A_55 = vector.load %arg8[%swap3A_52, %swap3A_53, %swap3A_54] : memref<1x64x128xf32, #tpu.memory_space<vmem>>, vector<1x64x128xf32>
    %swap3A_56 = vector.shape_cast %swap3A_55 : vector<1x64x128xf32> to vector<64x128xf32>
    %swap3A_57 = vector.shape_cast %add3A_51 : vector<64x128xf32> to vector<1x64x128xf32>
    tpu.vector_store %arg8[%swap3A_52, %swap3A_53, %swap3A_54], %swap3A_57 {strides = array<i32>} : memref<1x64x128xf32, #tpu.memory_space<vmem>>, vector<1x64x128xf32>,
    %get3A_58 = arith.constant 0 : index
    %get3A_59 = arith.constant 0 : index
    %get3A_60 = arith.constant 0 : index
    %get3A_61 = vector.load %arg9[%get3A_58, %get3A_59, %get3A_60] : memref<1x64x128xf32, #tpu.memory_space<vmem>>, vector<1x64x128xf32>
    %get3A_62 = vector.shape_cast %get3A_61 : vector<1x64x128xf32> to vector<64x128xf32>
    %get3A_63 = arith.constant 0 : index
    %get3A_64 = arith.constant 0 : index
    %get3A_65 = vector.load %arg2[%get3A_63, %get3A_64] : memref<1000x128xf32, #tpu.memory_space<vmem>>, vector<1000x128xf32>
    %dot_general3A_66 = arith.constant dense<0.000000e+00> : vector<64x128xf32>
    %dot_general3A_67 = tpu.matmul %convert_element_type3A_29, %get3A_65, %dot_general3A_66 {dimension_numbers = #tpu.dot_dimension_numbers<[1], [0], [0], [1], [0, 0, 1, 1], [], []>, transpose_lhs_hint = false} : vector<64x1000xf32>, vector<1000x128xf32>, vector<64x128xf32> -> vector<64x128xf32>
    %add3A_68 = arith.addf %get3A_62, %dot_general3A_67 : vector<64x128xf32>
    %swap3A_69 = arith.constant 0 : index
    %swap3A_70 = arith.constant 0 : index
    %swap3A_71 = arith.constant 0 : index
    %swap3A_72 = vector.load %arg9[%swap3A_69, %swap3A_70, %swap3A_71] : memref<1x64x128xf32, #tpu.memory_space<vmem>>, vector<1x64x128xf32>
    %swap3A_73 = vector.shape_cast %swap3A_72 : vector<1x64x128xf32> to vector<64x128xf32>
    %swap3A_74 = vector.shape_cast %add3A_68 : vector<64x128xf32> to vector<1x64x128xf32>
    tpu.vector_store %arg9[%swap3A_69, %swap3A_70, %swap3A_71], %swap3A_74 {strides = array<i32>} : memref<1x64x128xf32, #tpu.memory_space<vmem>>, vector<1x64x128xf32>,
    return
  }
  func.func @transform_0(%arg0: i32) -> (i32, i32) {
    %c0_i32 = arith.constant 0 : i32
    %c0_i32_0 = arith.constant 0 : i32
    return %arg0, %c0_i32 : i32, i32
  }
  func.func @transform_1(%arg0: i32) -> (i32, i32) {
    %c0_i32 = arith.constant 0 : i32
    %c0_i32_0 = arith.constant 0 : i32
    return %arg0, %c0_i32 : i32, i32
  }
  func.func @transform_2(%arg0: i32) -> (i32, i32) {
    %c0_i32 = arith.constant 0 : i32
    %c0_i32_0 = arith.constant 0 : i32
    %c0_i32_1 = arith.constant 0 : i32
    return %c0_i32, %c0_i32_0 : i32, i32
  }
  func.func @transform_3(%arg0: i32) -> (i32, i32) {
    %c0_i32 = arith.constant 0 : i32
    %c0_i32_0 = arith.constant 0 : i32
    %c0_i32_1 = arith.constant 0 : i32
    return %c0_i32, %c0_i32_0 : i32, i32
  }
  func.func @transform_4(%arg0: i32) -> (i32, i32) {
    %c0_i32 = arith.constant 0 : i32
    %c0_i32_0 = arith.constant 0 : i32
    %c0_i32_1 = arith.constant 0 : i32
    return %c0_i32, %c0_i32_0 : i32, i32
  }
  func.func @transform_5(%arg0: i32) -> (i32, i32, i32) {
    %c0_i32 = arith.constant 0 : i32
    %c0_i32_0 = arith.constant 0 : i32
    %c0_i32_1 = arith.constant 0 : i32
    return %arg0, %c0_i32, %c0_i32_0 : i32, i32, i32
  }
  func.func @transform_6(%arg0: i32) -> (i32, i32) {
    %c0_i32 = arith.constant 0 : i32
    %c0_i32_0 = arith.constant 0 : i32
    return %arg0, %c0_i32 : i32, i32
  }
  func.func @transform_7(%arg0: i32) -> (i32, i32, i32) {
    %jit3A = arith.constant 10 : i32
    %div3A = arith.divsi %arg0, %jit3A : i32
    %sign3A = arith.constant 0 : i32
    %sign3A_0 = arith.cmpi sgt, %arg0, %sign3A : i32
    %sign3A_1 = arith.extui %sign3A_0 : i1 to i32
    %sign3A_2 = arith.constant 0 : i32
    %sign3A_3 = arith.cmpi slt, %arg0, %sign3A_2 : i32
    %sign3A_4 = arith.extui %sign3A_3 : i1 to i32
    %sign3A_5 = arith.subi %sign3A_1, %sign3A_4 : i32
    %sign3A_6 = arith.constant 0 : i32
    %sign3A_7 = arith.cmpi sgt, %jit3A, %sign3A_6 : i32
    %sign3A_8 = arith.extui %sign3A_7 : i1 to i32
    %sign3A_9 = arith.constant 0 : i32
    %sign3A_10 = arith.cmpi slt, %jit3A, %sign3A_9 : i32
    %sign3A_11 = arith.extui %sign3A_10 : i1 to i32
    %sign3A_12 = arith.subi %sign3A_8, %sign3A_11 : i32
    %ne3A = arith.cmpi ne, %sign3A_5, %sign3A_12 : i32
    %rem3A = arith.remsi %arg0, %jit3A : i32
    %ne3A_13 = arith.constant 0 : i32
    %ne3A_14 = arith.cmpi ne, %rem3A, %ne3A_13 : i32
    %and3A = arith.andi %ne3A, %ne3A_14 : i1
    %sub3A = arith.constant 1 : i32
    %sub3A_15 = arith.subi %div3A, %sub3A : i32
    %select_n3A = arith.select %and3A, %sub3A_15, %div3A : i32
    %c0_i32 = arith.constant 0 : i32
    %c0_i32_16 = arith.constant 0 : i32
    %c0_i32_17 = arith.constant 0 : i32
    return %select_n3A, %c0_i32, %c0_i32_16 : i32, i32, i32
  }
  func.func @transform_8(%arg0: i32) -> (i32, i32, i32) {
    %jit3A = arith.constant 10 : i32
    %div3A = arith.divsi %arg0, %jit3A : i32
    %sign3A = arith.constant 0 : i32
    %sign3A_0 = arith.cmpi sgt, %arg0, %sign3A : i32
    %sign3A_1 = arith.extui %sign3A_0 : i1 to i32
    %sign3A_2 = arith.constant 0 : i32
    %sign3A_3 = arith.cmpi slt, %arg0, %sign3A_2 : i32
    %sign3A_4 = arith.extui %sign3A_3 : i1 to i32
    %sign3A_5 = arith.subi %sign3A_1, %sign3A_4 : i32
    %sign3A_6 = arith.constant 0 : i32
    %sign3A_7 = arith.cmpi sgt, %jit3A, %sign3A_6 : i32
    %sign3A_8 = arith.extui %sign3A_7 : i1 to i32
    %sign3A_9 = arith.constant 0 : i32
    %sign3A_10 = arith.cmpi slt, %jit3A, %sign3A_9 : i32
    %sign3A_11 = arith.extui %sign3A_10 : i1 to i32
    %sign3A_12 = arith.subi %sign3A_8, %sign3A_11 : i32
    %ne3A = arith.cmpi ne, %sign3A_5, %sign3A_12 : i32
    %rem3A = arith.remsi %arg0, %jit3A : i32
    %ne3A_13 = arith.constant 0 : i32
    %ne3A_14 = arith.cmpi ne, %rem3A, %ne3A_13 : i32
    %and3A = arith.andi %ne3A, %ne3A_14 : i1
    %sub3A = arith.constant 1 : i32
    %sub3A_15 = arith.subi %div3A, %sub3A : i32
    %select_n3A = arith.select %and3A, %sub3A_15, %div3A : i32
    %c0_i32 = arith.constant 0 : i32
    %c0_i32_16 = arith.constant 0 : i32
    %c0_i32_17 = arith.constant 0 : i32
    return %select_n3A, %c0_i32, %c0_i32_16 : i32, i32, i32
  }
}

module attributes {stable_mosaic.version = 14 : i64} {
  func.func @_layer_body(%arg0: i32, %arg1: memref<1000x128xf32, #tpu.memory_space<vmem>>, %arg2: memref<1000x128xf32, #tpu.memory_space<vmem>>, %arg3: memref<128x128xf32, #tpu.memory_space<vmem>>, %arg4: memref<128x128xf32, #tpu.memory_space<vmem>>, %arg5: memref<1x128xf32, #tpu.memory_space<vmem>>, %arg6: memref<1x1x1000xi32, #tpu.memory_space<vmem>>, %arg7: memref<1000x128xf32, #tpu.memory_space<vmem>>, %arg8: memref<1x64x128xf32, #tpu.memory_space<vmem>>, %arg9: memref<1x64x128xf32, #tpu.memory_space<vmem>>) attributes {dimension_semantics = [#tpu.dimension_semantics<arbitrary>], iteration_bounds = array<i64: 20>, scalar_prefetch = 0 : i64, scratch_operands = 0 : i64, tpu.core_type = #tpu.core_type<tc>, window_params = [{transform_indices = @transform_0, window_bounds = array<i64: 1000, 128>}, {transform_indices = @transform_1, window_bounds = array<i64: 1000, 128>}, {pipeline_mode = #tpu.pipeline_mode<synchronous>, transform_indices = @transform_2, window_bounds = array<i64: 128, 128>}, {pipeline_mode = #tpu.pipeline_mode<synchronous>, transform_indices = @transform_3, window_bounds = array<i64: 128, 128>}, {pipeline_mode = #tpu.pipeline_mode<synchronous>, transform_indices = @transform_4, window_bounds = array<i64: 1, 128>}, {transform_indices = @transform_5, window_bounds = array<i64: 1, 1, 1000>}, {transform_indices = @transform_6, window_bounds = array<i64: 1000, 128>}, {transform_indices = @transform_7, window_bounds = array<i64: 1, 64, 128>}, {transform_indices = @transform_8, window_bounds = array<i64: 1, 64, 128>}]} {
    %get3A = arith.constant 0 : index
    %get3A_0 = arith.constant 0 : index
    %get3A_1 = vector.load %arg1[%get3A, %get3A_0] : memref<1000x128xf32, #tpu.memory_space<vmem>>, vector<1000x128xf32>
    %get3A_2 = arith.constant 0 : index
    %get3A_3 = arith.constant 0 : index
    %get3A_4 = vector.load %arg3[%get3A_2, %get3A_3] : memref<128x128xf32, #tpu.memory_space<vmem>>, vector<128x128xf32>
    %dot_general3A = arith.constant dense<0.000000e+00> : vector<1000x128xf32>
    %dot_general3A_5 = tpu.matmul %get3A_1, %get3A_4, %dot_general3A {dimension_numbers = #tpu.dot_dimension_numbers<[1], [0], [0], [1], [0, 0, 1, 1], [], []>, transpose_lhs_hint = false} : vector<1000x128xf32>, vector<128x128xf32>, vector<1000x128xf32> -> vector<1000x128xf32>
    %get3A_6 = arith.constant 0 : index
    %get3A_7 = arith.constant 0 : index
    %get3A_8 = vector.load %arg2[%get3A_6, %get3A_7] : memref<1000x128xf32, #tpu.memory_space<vmem>>, vector<1000x128xf32>
    %get3A_9 = arith.constant 0 : index
    %get3A_10 = arith.constant 0 : index
    %get3A_11 = vector.load %arg4[%get3A_9, %get3A_10] : memref<128x128xf32, #tpu.memory_space<vmem>>, vector<128x128xf32>
    %dot_general3A_12 = arith.constant dense<0.000000e+00> : vector<1000x128xf32>
    %dot_general3A_13 = tpu.matmul %get3A_8, %get3A_11, %dot_general3A_12 {dimension_numbers = #tpu.dot_dimension_numbers<[1], [0], [0], [1], [0, 0, 1, 1], [], []>, transpose_lhs_hint = false} : vector<1000x128xf32>, vector<128x128xf32>, vector<1000x128xf32> -> vector<1000x128xf32>
    %add3A = arith.addf %dot_general3A_5, %dot_general3A_13 : vector<1000x128xf32>
    %get3A_14 = arith.constant 0 : index
    %get3A_15 = arith.constant 0 : index
    %get3A_16 = vector.load %arg5[%get3A_14, %get3A_15] : memref<1x128xf32, #tpu.memory_space<vmem>>, vector<1x128xf32>
    %add3A_17 = vector.broadcast %get3A_16 : vector<1x128xf32> to vector<1000x128xf32>
    %add3A_18 = arith.addf %add3A, %add3A_17 : vector<1000x128xf32>
    %max3A = arith.constant 0.000000e+00 : f32
    %max3A_19 = vector.broadcast %max3A : f32 to vector<1000x128xf32>
    %max3A_20 = arith.maximumf %add3A_18, %max3A_19 : vector<1000x128xf32>
    %swap3A = arith.constant 0 : index
    %swap3A_21 = arith.constant 0 : index
    %swap3A_22 = vector.load %arg7[%swap3A, %swap3A_21] : memref<1000x128xf32, #tpu.memory_space<vmem>>, vector<1000x128xf32>
    tpu.vector_store %arg7[%swap3A, %swap3A_21], %max3A_20 {strides = array<i32>} : memref<1000x128xf32, #tpu.memory_space<vmem>>, vector<1000x128xf32>,
    %get3A_23 = arith.constant 0 : index
    %get3A_24 = arith.constant 0 : index
    %get3A_25 = arith.constant 0 : index
    %get3A_26 = vector.load %arg6[%get3A_23, %get3A_24, %get3A_25] : memref<1x1x1000xi32, #tpu.memory_space<vmem>>, vector<1x1x1000xi32>
    %get3A_27 = vector.shape_cast %get3A_26 : vector<1x1x1000xi32> to vector<1000xi32>
    %iota3A = tpu.iota {dimensions = array<i32: 0>} : vector<64x1000xi32>
    %broadcast_in_dim3A = vector.shape_cast %get3A_27 : vector<1000xi32> to vector<1x1000xi32>
    %eq3A = vector.broadcast %broadcast_in_dim3A : vector<1x1000xi32> to vector<64x1000xi32>
    %eq3A_28 = arith.cmpi eq, %iota3A, %eq3A : vector<64x1000xi32>
    %convert_element_type3A = arith.extui %eq3A_28 : vector<64x1000xi1> to vector<64x1000xi32>
    %convert_element_type3A_29 = arith.sitofp %convert_element_type3A : vector<64x1000xi32> to vector<64x1000xf32>
    %jit3A = arith.constant 10 : i32
    %eq3A_30 = arith.constant 0 : i32
    %eq3A_31 = arith.cmpi eq, %jit3A, %eq3A_30 : i32
    %jit3A_32 = arith.constant 1 : i32
    %select_n3A = arith.select %eq3A_31, %jit3A_32, %jit3A : i32
    %rem3A = arith.remsi %arg0, %select_n3A : i32
    %ne3A = arith.constant 0 : i32
    %ne3A_33 = arith.cmpi ne, %rem3A, %ne3A : i32
    %lt3A = arith.constant 0 : i32
    %lt3A_34 = arith.cmpi slt, %rem3A, %lt3A : i32
    %lt3A_35 = arith.constant 0 : i32
    %lt3A_36 = arith.cmpi slt, %select_n3A, %lt3A_35 : i32
    %ne3A_37 = arith.xori %lt3A_34, %lt3A_36 : i1
    %and3A = arith.andi %ne3A_37, %ne3A_33 : i1
    %add3A_38 = arith.addi %rem3A, %select_n3A : i32
    %select_n3A_39 = arith.select %and3A, %add3A_38, %rem3A : i32
    %eq3A_40 = arith.constant 0 : i32
    %eq3A_41 = arith.cmpi eq, %select_n3A_39, %eq3A_40 : i32
    %convert_element_type3A_42 = arith.extui %eq3A_41 : i1 to i32
    %cond3A = arith.constant 0 : i32
    %cond3A_43 = arith.cmpi ne, %convert_element_type3A_42, %cond3A : i32
    scf.if %cond3A_43 {
      %broadcast_in_dim3A_75 = arith.constant 0.000000e+00 : f32
      %broadcast_in_dim3A_76 = vector.broadcast %broadcast_in_dim3A_75 : f32 to vector<1x64x128xf32>
      %swap3A_77 = arith.constant 0 : index
      %swap3A_78 = arith.constant 0 : index
      %swap3A_79 = arith.constant 0 : index
      %swap3A_80 = vector.load %arg8[%swap3A_77, %swap3A_78, %swap3A_79] : memref<1x64x128xf32, #tpu.memory_space<vmem>>, vector<1x64x128xf32>
      tpu.vector_store %arg8[%swap3A_77, %swap3A_78, %swap3A_79], %broadcast_in_dim3A_76 {strides = array<i32>} : memref<1x64x128xf32, #tpu.memory_space<vmem>>, vector<1x64x128xf32>,
      %broadcast_in_dim3A_81 = arith.constant 0.000000e+00 : f32
      %broadcast_in_dim3A_82 = vector.broadcast %broadcast_in_dim3A_81 : f32 to vector<1x64x128xf32>
      %swap3A_83 = arith.constant 0 : index
      %swap3A_84 = arith.constant 0 : index
      %swap3A_85 = arith.constant 0 : index
      %swap3A_86 = vector.load %arg9[%swap3A_83, %swap3A_84, %swap3A_85] : memref<1x64x128xf32, #tpu.memory_space<vmem>>, vector<1x64x128xf32>
      tpu.vector_store %arg9[%swap3A_83, %swap3A_84, %swap3A_85], %broadcast_in_dim3A_82 {strides = array<i32>} : memref<1x64x128xf32, #tpu.memory_space<vmem>>, vector<1x64x128xf32>,
    } else {
    }
    %get3A_44 = arith.constant 0 : index
    %get3A_45 = arith.constant 0 : index
    %get3A_46 = arith.constant 0 : index
    %get3A_47 = vector.load %arg8[%get3A_44, %get3A_45, %get3A_46] : memref<1x64x128xf32, #tpu.memory_space<vmem>>, vector<1x64x128xf32>
    %get3A_48 = vector.shape_cast %get3A_47 : vector<1x64x128xf32> to vector<64x128xf32>
    %dot_general3A_49 = arith.constant dense<0.000000e+00> : vector<64x128xf32>
    %dot_general3A_50 = tpu.matmul %convert_element_type3A_29, %max3A_20, %dot_general3A_49 {dimension_numbers = #tpu.dot_dimension_numbers<[1], [0], [0], [1], [0, 0, 1, 1], [], []>, transpose_lhs_hint = false} : vector<64x1000xf32>, vector<1000x128xf32>, vector<64x128xf32> -> vector<64x128xf32>
    %add3A_51 = arith.addf %get3A_48, %dot_general3A_50 : vector<64x128xf32>
    %swap3A_52 = arith.constant 0 : index
    %swap3A_53 = arith.constant 0 : index
    %swap3A_54 = arith.constant 0 : index
    %swap3A_55 = vector.load %arg8[%swap3A_52, %swap3A_53, %swap3A_54] : memref<1x64x128xf32, #tpu.memory_space<vmem>>, vector<1x64x128xf32>
    %swap3A_56 = vector.shape_cast %swap3A_55 : vector<1x64x128xf32> to vector<64x128xf32>
    %swap3A_57 = vector.shape_cast %add3A_51 : vector<64x128xf32> to vector<1x64x128xf32>
    tpu.vector_store %arg8[%swap3A_52, %swap3A_53, %swap3A_54], %swap3A_57 {strides = array<i32>} : memref<1x64x128xf32, #tpu.memory_space<vmem>>, vector<1x64x128xf32>,
    %get3A_58 = arith.constant 0 : index
    %get3A_59 = arith.constant 0 : index
    %get3A_60 = arith.constant 0 : index
    %get3A_61 = vector.load %arg9[%get3A_58, %get3A_59, %get3A_60] : memref<1x64x128xf32, #tpu.memory_space<vmem>>, vector<1x64x128xf32>
    %get3A_62 = vector.shape_cast %get3A_61 : vector<1x64x128xf32> to vector<64x128xf32>
    %get3A_63 = arith.constant 0 : index
    %get3A_64 = arith.constant 0 : index
    %get3A_65 = vector.load %arg2[%get3A_63, %get3A_64] : memref<1000x128xf32, #tpu.memory_space<vmem>>, vector<1000x128xf32>
    %dot_general3A_66 = arith.constant dense<0.000000e+00> : vector<64x128xf32>
    %dot_general3A_67 = tpu.matmul %convert_element_type3A_29, %get3A_65, %dot_general3A_66 {dimension_numbers = #tpu.dot_dimension_numbers<[1], [0], [0], [1], [0, 0, 1, 1], [], []>, transpose_lhs_hint = false} : vector<64x1000xf32>, vector<1000x128xf32>, vector<64x128xf32> -> vector<64x128xf32>
    %add3A_68 = arith.addf %get3A_62, %dot_general3A_67 : vector<64x128xf32>
    %swap3A_69 = arith.constant 0 : index
    %swap3A_70 = arith.constant 0 : index
    %swap3A_71 = arith.constant 0 : index
    %swap3A_72 = vector.load %arg9[%swap3A_69, %swap3A_70, %swap3A_71] : memref<1x64x128xf32, #tpu.memory_space<vmem>>, vector<1x64x128xf32>
    %swap3A_73 = vector.shape_cast %swap3A_72 : vector<1x64x128xf32> to vector<64x128xf32>
    %swap3A_74 = vector.shape_cast %add3A_68 : vector<64x128xf32> to vector<1x64x128xf32>
    tpu.vector_store %arg9[%swap3A_69, %swap3A_70, %swap3A_71], %swap3A_74 {strides = array<i32>} : memref<1x64x128xf32, #tpu.memory_space<vmem>>, vector<1x64x128xf32>,
    return
  }
  func.func @transform_0(%arg0: i32) -> (i32, i32) {
    %c0_i32 = arith.constant 0 : i32
    %c0_i32_0 = arith.constant 0 : i32
    return %arg0, %c0_i32 : i32, i32
  }
  func.func @transform_1(%arg0: i32) -> (i32, i32) {
    %c0_i32 = arith.constant 0 : i32
    %c0_i32_0 = arith.constant 0 : i32
    return %arg0, %c0_i32 : i32, i32
  }
  func.func @transform_2(%arg0: i32) -> (i32, i32) {
    %c0_i32 = arith.constant 0 : i32
    %c0_i32_0 = arith.constant 0 : i32
    %c0_i32_1 = arith.constant 0 : i32
    return %c0_i32, %c0_i32_0 : i32, i32
  }
  func.func @transform_3(%arg0: i32) -> (i32, i32) {
    %c0_i32 = arith.constant 0 : i32
    %c0_i32_0 = arith.constant 0 : i32
    %c0_i32_1 = arith.constant 0 : i32
    return %c0_i32, %c0_i32_0 : i32, i32
  }
  func.func @transform_4(%arg0: i32) -> (i32, i32) {
    %c0_i32 = arith.constant 0 : i32
    %c0_i32_0 = arith.constant 0 : i32
    %c0_i32_1 = arith.constant 0 : i32
    return %c0_i32, %c0_i32_0 : i32, i32
  }
  func.func @transform_5(%arg0: i32) -> (i32, i32, i32) {
    %c0_i32 = arith.constant 0 : i32
    %c0_i32_0 = arith.constant 0 : i32
    %c0_i32_1 = arith.constant 0 : i32
    return %arg0, %c0_i32, %c0_i32_0 : i32, i32, i32
  }
  func.func @transform_6(%arg0: i32) -> (i32, i32) {
    %c0_i32 = arith.constant 0 : i32
    %c0_i32_0 = arith.constant 0 : i32
    return %arg0, %c0_i32 : i32, i32
  }
  func.func @transform_7(%arg0: i32) -> (i32, i32, i32) {
    %jit3A = arith.constant 10 : i32
    %div3A = arith.divsi %arg0, %jit3A : i32
    %sign3A = arith.constant 0 : i32
    %sign3A_0 = arith.cmpi sgt, %arg0, %sign3A : i32
    %sign3A_1 = arith.extui %sign3A_0 : i1 to i32
    %sign3A_2 = arith.constant 0 : i32
    %sign3A_3 = arith.cmpi slt, %arg0, %sign3A_2 : i32
    %sign3A_4 = arith.extui %sign3A_3 : i1 to i32
    %sign3A_5 = arith.subi %sign3A_1, %sign3A_4 : i32
    %sign3A_6 = arith.constant 0 : i32
    %sign3A_7 = arith.cmpi sgt, %jit3A, %sign3A_6 : i32
    %sign3A_8 = arith.extui %sign3A_7 : i1 to i32
    %sign3A_9 = arith.constant 0 : i32
    %sign3A_10 = arith.cmpi slt, %jit3A, %sign3A_9 : i32
    %sign3A_11 = arith.extui %sign3A_10 : i1 to i32
    %sign3A_12 = arith.subi %sign3A_8, %sign3A_11 : i32
    %ne3A = arith.cmpi ne, %sign3A_5, %sign3A_12 : i32
    %rem3A = arith.remsi %arg0, %jit3A : i32
    %ne3A_13 = arith.constant 0 : i32
    %ne3A_14 = arith.cmpi ne, %rem3A, %ne3A_13 : i32
    %and3A = arith.andi %ne3A, %ne3A_14 : i1
    %sub3A = arith.constant 1 : i32
    %sub3A_15 = arith.subi %div3A, %sub3A : i32
    %select_n3A = arith.select %and3A, %sub3A_15, %div3A : i32
    %c0_i32 = arith.constant 0 : i32
    %c0_i32_16 = arith.constant 0 : i32
    %c0_i32_17 = arith.constant 0 : i32
    return %select_n3A, %c0_i32, %c0_i32_16 : i32, i32, i32
  }
  func.func @transform_8(%arg0: i32) -> (i32, i32, i32) {
    %jit3A = arith.constant 10 : i32
    %div3A = arith.divsi %arg0, %jit3A : i32
    %sign3A = arith.constant 0 : i32
    %sign3A_0 = arith.cmpi sgt, %arg0, %sign3A : i32
    %sign3A_1 = arith.extui %sign3A_0 : i1 to i32
    %sign3A_2 = arith.constant 0 : i32
    %sign3A_3 = arith.cmpi slt, %arg0, %sign3A_2 : i32
    %sign3A_4 = arith.extui %sign3A_3 : i1 to i32
    %sign3A_5 = arith.subi %sign3A_1, %sign3A_4 : i32
    %sign3A_6 = arith.constant 0 : i32
    %sign3A_7 = arith.cmpi sgt, %jit3A, %sign3A_6 : i32
    %sign3A_8 = arith.extui %sign3A_7 : i1 to i32
    %sign3A_9 = arith.constant 0 : i32
    %sign3A_10 = arith.cmpi slt, %jit3A, %sign3A_9 : i32
    %sign3A_11 = arith.extui %sign3A_10 : i1 to i32
    %sign3A_12 = arith.subi %sign3A_8, %sign3A_11 : i32
    %ne3A = arith.cmpi ne, %sign3A_5, %sign3A_12 : i32
    %rem3A = arith.remsi %arg0, %jit3A : i32
    %ne3A_13 = arith.constant 0 : i32
    %ne3A_14 = arith.cmpi ne, %rem3A, %ne3A_13 : i32
    %and3A = arith.andi %ne3A, %ne3A_14 : i1
    %sub3A = arith.constant 1 : i32
    %sub3A_15 = arith.subi %div3A, %sub3A : i32
    %select_n3A = arith.select %and3A, %sub3A_15, %div3A : i32
    %c0_i32 = arith.constant 0 : i32
    %c0_i32_16 = arith.constant 0 : i32
    %c0_i32_17 = arith.constant 0 : i32
    return %select_n3A, %c0_i32, %c0_i32_16 : i32, i32, i32
  }
}

module attributes {stable_mosaic.version = 14 : i64} {
  func.func @_layer_body(%arg0: i32, %arg1: memref<1000x128xf32, #tpu.memory_space<vmem>>, %arg2: memref<1000x128xf32, #tpu.memory_space<vmem>>, %arg3: memref<128x128xf32, #tpu.memory_space<vmem>>, %arg4: memref<128x128xf32, #tpu.memory_space<vmem>>, %arg5: memref<1x128xf32, #tpu.memory_space<vmem>>, %arg6: memref<1x1x1000xi32, #tpu.memory_space<vmem>>, %arg7: memref<1000x128xf32, #tpu.memory_space<vmem>>, %arg8: memref<1x64x128xf32, #tpu.memory_space<vmem>>, %arg9: memref<1x64x128xf32, #tpu.memory_space<vmem>>) attributes {dimension_semantics = [#tpu.dimension_semantics<arbitrary>], iteration_bounds = array<i64: 20>, scalar_prefetch = 0 : i64, scratch_operands = 0 : i64, tpu.core_type = #tpu.core_type<tc>, window_params = [{transform_indices = @transform_0, window_bounds = array<i64: 1000, 128>}, {transform_indices = @transform_1, window_bounds = array<i64: 1000, 128>}, {pipeline_mode = #tpu.pipeline_mode<synchronous>, transform_indices = @transform_2, window_bounds = array<i64: 128, 128>}, {pipeline_mode = #tpu.pipeline_mode<synchronous>, transform_indices = @transform_3, window_bounds = array<i64: 128, 128>}, {pipeline_mode = #tpu.pipeline_mode<synchronous>, transform_indices = @transform_4, window_bounds = array<i64: 1, 128>}, {transform_indices = @transform_5, window_bounds = array<i64: 1, 1, 1000>}, {transform_indices = @transform_6, window_bounds = array<i64: 1000, 128>}, {transform_indices = @transform_7, window_bounds = array<i64: 1, 64, 128>}, {transform_indices = @transform_8, window_bounds = array<i64: 1, 64, 128>}]} {
    %get3A = arith.constant 0 : index
    %get3A_0 = arith.constant 0 : index
    %get3A_1 = vector.load %arg1[%get3A, %get3A_0] : memref<1000x128xf32, #tpu.memory_space<vmem>>, vector<1000x128xf32>
    %get3A_2 = arith.constant 0 : index
    %get3A_3 = arith.constant 0 : index
    %get3A_4 = vector.load %arg3[%get3A_2, %get3A_3] : memref<128x128xf32, #tpu.memory_space<vmem>>, vector<128x128xf32>
    %dot_general3A = arith.constant dense<0.000000e+00> : vector<1000x128xf32>
    %dot_general3A_5 = tpu.matmul %get3A_1, %get3A_4, %dot_general3A {dimension_numbers = #tpu.dot_dimension_numbers<[1], [0], [0], [1], [0, 0, 1, 1], [], []>, transpose_lhs_hint = false} : vector<1000x128xf32>, vector<128x128xf32>, vector<1000x128xf32> -> vector<1000x128xf32>
    %get3A_6 = arith.constant 0 : index
    %get3A_7 = arith.constant 0 : index
    %get3A_8 = vector.load %arg2[%get3A_6, %get3A_7] : memref<1000x128xf32, #tpu.memory_space<vmem>>, vector<1000x128xf32>
    %get3A_9 = arith.constant 0 : index
    %get3A_10 = arith.constant 0 : index
    %get3A_11 = vector.load %arg4[%get3A_9, %get3A_10] : memref<128x128xf32, #tpu.memory_space<vmem>>, vector<128x128xf32>
    %dot_general3A_12 = arith.constant dense<0.000000e+00> : vector<1000x128xf32>
    %dot_general3A_13 = tpu.matmul %get3A_8, %get3A_11, %dot_general3A_12 {dimension_numbers = #tpu.dot_dimension_numbers<[1], [0], [0], [1], [0, 0, 1, 1], [], []>, transpose_lhs_hint = false} : vector<1000x128xf32>, vector<128x128xf32>, vector<1000x128xf32> -> vector<1000x128xf32>
    %add3A = arith.addf %dot_general3A_5, %dot_general3A_13 : vector<1000x128xf32>
    %get3A_14 = arith.constant 0 : index
    %get3A_15 = arith.constant 0 : index
    %get3A_16 = vector.load %arg5[%get3A_14, %get3A_15] : memref<1x128xf32, #tpu.memory_space<vmem>>, vector<1x128xf32>
    %add3A_17 = vector.broadcast %get3A_16 : vector<1x128xf32> to vector<1000x128xf32>
    %add3A_18 = arith.addf %add3A, %add3A_17 : vector<1000x128xf32>
    %max3A = arith.constant 0.000000e+00 : f32
    %max3A_19 = vector.broadcast %max3A : f32 to vector<1000x128xf32>
    %max3A_20 = arith.maximumf %add3A_18, %max3A_19 : vector<1000x128xf32>
    %swap3A = arith.constant 0 : index
    %swap3A_21 = arith.constant 0 : index
    %swap3A_22 = vector.load %arg7[%swap3A, %swap3A_21] : memref<1000x128xf32, #tpu.memory_space<vmem>>, vector<1000x128xf32>
    tpu.vector_store %arg7[%swap3A, %swap3A_21], %max3A_20 {strides = array<i32>} : memref<1000x128xf32, #tpu.memory_space<vmem>>, vector<1000x128xf32>,
    %get3A_23 = arith.constant 0 : index
    %get3A_24 = arith.constant 0 : index
    %get3A_25 = arith.constant 0 : index
    %get3A_26 = vector.load %arg6[%get3A_23, %get3A_24, %get3A_25] : memref<1x1x1000xi32, #tpu.memory_space<vmem>>, vector<1x1x1000xi32>
    %get3A_27 = vector.shape_cast %get3A_26 : vector<1x1x1000xi32> to vector<1000xi32>
    %iota3A = tpu.iota {dimensions = array<i32: 0>} : vector<64x1000xi32>
    %broadcast_in_dim3A = vector.shape_cast %get3A_27 : vector<1000xi32> to vector<1x1000xi32>
    %eq3A = vector.broadcast %broadcast_in_dim3A : vector<1x1000xi32> to vector<64x1000xi32>
    %eq3A_28 = arith.cmpi eq, %iota3A, %eq3A : vector<64x1000xi32>
    %convert_element_type3A = arith.extui %eq3A_28 : vector<64x1000xi1> to vector<64x1000xi32>
    %convert_element_type3A_29 = arith.sitofp %convert_element_type3A : vector<64x1000xi32> to vector<64x1000xf32>
    %jit3A = arith.constant 10 : i32
    %eq3A_30 = arith.constant 0 : i32
    %eq3A_31 = arith.cmpi eq, %jit3A, %eq3A_30 : i32
    %jit3A_32 = arith.constant 1 : i32
    %select_n3A = arith.select %eq3A_31, %jit3A_32, %jit3A : i32
    %rem3A = arith.remsi %arg0, %select_n3A : i32
    %ne3A = arith.constant 0 : i32
    %ne3A_33 = arith.cmpi ne, %rem3A, %ne3A : i32
    %lt3A = arith.constant 0 : i32
    %lt3A_34 = arith.cmpi slt, %rem3A, %lt3A : i32
    %lt3A_35 = arith.constant 0 : i32
    %lt3A_36 = arith.cmpi slt, %select_n3A, %lt3A_35 : i32
    %ne3A_37 = arith.xori %lt3A_34, %lt3A_36 : i1
    %and3A = arith.andi %ne3A_37, %ne3A_33 : i1
    %add3A_38 = arith.addi %rem3A, %select_n3A : i32
    %select_n3A_39 = arith.select %and3A, %add3A_38, %rem3A : i32
    %eq3A_40 = arith.constant 0 : i32
    %eq3A_41 = arith.cmpi eq, %select_n3A_39, %eq3A_40 : i32
    %convert_element_type3A_42 = arith.extui %eq3A_41 : i1 to i32
    %cond3A = arith.constant 0 : i32
    %cond3A_43 = arith.cmpi ne, %convert_element_type3A_42, %cond3A : i32
    scf.if %cond3A_43 {
      %broadcast_in_dim3A_75 = arith.constant 0.000000e+00 : f32
      %broadcast_in_dim3A_76 = vector.broadcast %broadcast_in_dim3A_75 : f32 to vector<1x64x128xf32>
      %swap3A_77 = arith.constant 0 : index
      %swap3A_78 = arith.constant 0 : index
      %swap3A_79 = arith.constant 0 : index
      %swap3A_80 = vector.load %arg8[%swap3A_77, %swap3A_78, %swap3A_79] : memref<1x64x128xf32, #tpu.memory_space<vmem>>, vector<1x64x128xf32>
      tpu.vector_store %arg8[%swap3A_77, %swap3A_78, %swap3A_79], %broadcast_in_dim3A_76 {strides = array<i32>} : memref<1x64x128xf32, #tpu.memory_space<vmem>>, vector<1x64x128xf32>,
      %broadcast_in_dim3A_81 = arith.constant 0.000000e+00 : f32
      %broadcast_in_dim3A_82 = vector.broadcast %broadcast_in_dim3A_81 : f32 to vector<1x64x128xf32>
      %swap3A_83 = arith.constant 0 : index
      %swap3A_84 = arith.constant 0 : index
      %swap3A_85 = arith.constant 0 : index
      %swap3A_86 = vector.load %arg9[%swap3A_83, %swap3A_84, %swap3A_85] : memref<1x64x128xf32, #tpu.memory_space<vmem>>, vector<1x64x128xf32>
      tpu.vector_store %arg9[%swap3A_83, %swap3A_84, %swap3A_85], %broadcast_in_dim3A_82 {strides = array<i32>} : memref<1x64x128xf32, #tpu.memory_space<vmem>>, vector<1x64x128xf32>,
    } else {
    }
    %get3A_44 = arith.constant 0 : index
    %get3A_45 = arith.constant 0 : index
    %get3A_46 = arith.constant 0 : index
    %get3A_47 = vector.load %arg8[%get3A_44, %get3A_45, %get3A_46] : memref<1x64x128xf32, #tpu.memory_space<vmem>>, vector<1x64x128xf32>
    %get3A_48 = vector.shape_cast %get3A_47 : vector<1x64x128xf32> to vector<64x128xf32>
    %dot_general3A_49 = arith.constant dense<0.000000e+00> : vector<64x128xf32>
    %dot_general3A_50 = tpu.matmul %convert_element_type3A_29, %max3A_20, %dot_general3A_49 {dimension_numbers = #tpu.dot_dimension_numbers<[1], [0], [0], [1], [0, 0, 1, 1], [], []>, transpose_lhs_hint = false} : vector<64x1000xf32>, vector<1000x128xf32>, vector<64x128xf32> -> vector<64x128xf32>
    %add3A_51 = arith.addf %get3A_48, %dot_general3A_50 : vector<64x128xf32>
    %swap3A_52 = arith.constant 0 : index
    %swap3A_53 = arith.constant 0 : index
    %swap3A_54 = arith.constant 0 : index
    %swap3A_55 = vector.load %arg8[%swap3A_52, %swap3A_53, %swap3A_54] : memref<1x64x128xf32, #tpu.memory_space<vmem>>, vector<1x64x128xf32>
    %swap3A_56 = vector.shape_cast %swap3A_55 : vector<1x64x128xf32> to vector<64x128xf32>
    %swap3A_57 = vector.shape_cast %add3A_51 : vector<64x128xf32> to vector<1x64x128xf32>
    tpu.vector_store %arg8[%swap3A_52, %swap3A_53, %swap3A_54], %swap3A_57 {strides = array<i32>} : memref<1x64x128xf32, #tpu.memory_space<vmem>>, vector<1x64x128xf32>,
    %get3A_58 = arith.constant 0 : index
    %get3A_59 = arith.constant 0 : index
    %get3A_60 = arith.constant 0 : index
    %get3A_61 = vector.load %arg9[%get3A_58, %get3A_59, %get3A_60] : memref<1x64x128xf32, #tpu.memory_space<vmem>>, vector<1x64x128xf32>
    %get3A_62 = vector.shape_cast %get3A_61 : vector<1x64x128xf32> to vector<64x128xf32>
    %get3A_63 = arith.constant 0 : index
    %get3A_64 = arith.constant 0 : index
    %get3A_65 = vector.load %arg2[%get3A_63, %get3A_64] : memref<1000x128xf32, #tpu.memory_space<vmem>>, vector<1000x128xf32>
    %dot_general3A_66 = arith.constant dense<0.000000e+00> : vector<64x128xf32>
    %dot_general3A_67 = tpu.matmul %convert_element_type3A_29, %get3A_65, %dot_general3A_66 {dimension_numbers = #tpu.dot_dimension_numbers<[1], [0], [0], [1], [0, 0, 1, 1], [], []>, transpose_lhs_hint = false} : vector<64x1000xf32>, vector<1000x128xf32>, vector<64x128xf32> -> vector<64x128xf32>
    %add3A_68 = arith.addf %get3A_62, %dot_general3A_67 : vector<64x128xf32>
    %swap3A_69 = arith.constant 0 : index
    %swap3A_70 = arith.constant 0 : index
    %swap3A_71 = arith.constant 0 : index
    %swap3A_72 = vector.load %arg9[%swap3A_69, %swap3A_70, %swap3A_71] : memref<1x64x128xf32, #tpu.memory_space<vmem>>, vector<1x64x128xf32>
    %swap3A_73 = vector.shape_cast %swap3A_72 : vector<1x64x128xf32> to vector<64x128xf32>
    %swap3A_74 = vector.shape_cast %add3A_68 : vector<64x128xf32> to vector<1x64x128xf32>
    tpu.vector_store %arg9[%swap3A_69, %swap3A_70, %swap3A_71], %swap3A_74 {strides = array<i32>} : memref<1x64x128xf32, #tpu.memory_space<vmem>>, vector<1x64x128xf32>,
    return
  }
  func.func @transform_0(%arg0: i32) -> (i32, i32) {
    %c0_i32 = arith.constant 0 : i32
    %c0_i32_0 = arith.constant 0 : i32
    return %arg0, %c0_i32 : i32, i32
  }
  func.func @transform_1(%arg0: i32) -> (i32, i32) {
    %c0_i32 = arith.constant 0 : i32
    %c0_i32_0 = arith.constant 0 : i32
    return %arg0, %c0_i32 : i32, i32
  }
  func.func @transform_2(%arg0: i32) -> (i32, i32) {
    %c0_i32 = arith.constant 0 : i32
    %c0_i32_0 = arith.constant 0 : i32
    %c0_i32_1 = arith.constant 0 : i32
    return %c0_i32, %c0_i32_0 : i32, i32
  }
  func.func @transform_3(%arg0: i32) -> (i32, i32) {
    %c0_i32 = arith.constant 0 : i32
    %c0_i32_0 = arith.constant 0 : i32
    %c0_i32_1 = arith.constant 0 : i32
    return %c0_i32, %c0_i32_0 : i32, i32
  }
  func.func @transform_4(%arg0: i32) -> (i32, i32) {
    %c0_i32 = arith.constant 0 : i32
    %c0_i32_0 = arith.constant 0 : i32
    %c0_i32_1 = arith.constant 0 : i32
    return %c0_i32, %c0_i32_0 : i32, i32
  }
  func.func @transform_5(%arg0: i32) -> (i32, i32, i32) {
    %c0_i32 = arith.constant 0 : i32
    %c0_i32_0 = arith.constant 0 : i32
    %c0_i32_1 = arith.constant 0 : i32
    return %arg0, %c0_i32, %c0_i32_0 : i32, i32, i32
  }
  func.func @transform_6(%arg0: i32) -> (i32, i32) {
    %c0_i32 = arith.constant 0 : i32
    %c0_i32_0 = arith.constant 0 : i32
    return %arg0, %c0_i32 : i32, i32
  }
  func.func @transform_7(%arg0: i32) -> (i32, i32, i32) {
    %jit3A = arith.constant 10 : i32
    %div3A = arith.divsi %arg0, %jit3A : i32
    %sign3A = arith.constant 0 : i32
    %sign3A_0 = arith.cmpi sgt, %arg0, %sign3A : i32
    %sign3A_1 = arith.extui %sign3A_0 : i1 to i32
    %sign3A_2 = arith.constant 0 : i32
    %sign3A_3 = arith.cmpi slt, %arg0, %sign3A_2 : i32
    %sign3A_4 = arith.extui %sign3A_3 : i1 to i32
    %sign3A_5 = arith.subi %sign3A_1, %sign3A_4 : i32
    %sign3A_6 = arith.constant 0 : i32
    %sign3A_7 = arith.cmpi sgt, %jit3A, %sign3A_6 : i32
    %sign3A_8 = arith.extui %sign3A_7 : i1 to i32
    %sign3A_9 = arith.constant 0 : i32
    %sign3A_10 = arith.cmpi slt, %jit3A, %sign3A_9 : i32
    %sign3A_11 = arith.extui %sign3A_10 : i1 to i32
    %sign3A_12 = arith.subi %sign3A_8, %sign3A_11 : i32
    %ne3A = arith.cmpi ne, %sign3A_5, %sign3A_12 : i32
    %rem3A = arith.remsi %arg0, %jit3A : i32
    %ne3A_13 = arith.constant 0 : i32
    %ne3A_14 = arith.cmpi ne, %rem3A, %ne3A_13 : i32
    %and3A = arith.andi %ne3A, %ne3A_14 : i1
    %sub3A = arith.constant 1 : i32
    %sub3A_15 = arith.subi %div3A, %sub3A : i32
    %select_n3A = arith.select %and3A, %sub3A_15, %div3A : i32
    %c0_i32 = arith.constant 0 : i32
    %c0_i32_16 = arith.constant 0 : i32
    %c0_i32_17 = arith.constant 0 : i32
    return %select_n3A, %c0_i32, %c0_i32_16 : i32, i32, i32
  }
  func.func @transform_8(%arg0: i32) -> (i32, i32, i32) {
    %jit3A = arith.constant 10 : i32
    %div3A = arith.divsi %arg0, %jit3A : i32
    %sign3A = arith.constant 0 : i32
    %sign3A_0 = arith.cmpi sgt, %arg0, %sign3A : i32
    %sign3A_1 = arith.extui %sign3A_0 : i1 to i32
    %sign3A_2 = arith.constant 0 : i32
    %sign3A_3 = arith.cmpi slt, %arg0, %sign3A_2 : i32
    %sign3A_4 = arith.extui %sign3A_3 : i1 to i32
    %sign3A_5 = arith.subi %sign3A_1, %sign3A_4 : i32
    %sign3A_6 = arith.constant 0 : i32
    %sign3A_7 = arith.cmpi sgt, %jit3A, %sign3A_6 : i32
    %sign3A_8 = arith.extui %sign3A_7 : i1 to i32
    %sign3A_9 = arith.constant 0 : i32
    %sign3A_10 = arith.cmpi slt, %jit3A, %sign3A_9 : i32
    %sign3A_11 = arith.extui %sign3A_10 : i1 to i32
    %sign3A_12 = arith.subi %sign3A_8, %sign3A_11 : i32
    %ne3A = arith.cmpi ne, %sign3A_5, %sign3A_12 : i32
    %rem3A = arith.remsi %arg0, %jit3A : i32
    %ne3A_13 = arith.constant 0 : i32
    %ne3A_14 = arith.cmpi ne, %rem3A, %ne3A_13 : i32
    %and3A = arith.andi %ne3A, %ne3A_14 : i1
    %sub3A = arith.constant 1 : i32
    %sub3A_15 = arith.subi %div3A, %sub3A : i32
    %select_n3A = arith.select %and3A, %sub3A_15, %div3A : i32
    %c0_i32 = arith.constant 0 : i32
    %c0_i32_16 = arith.constant 0 : i32
    %c0_i32_17 = arith.constant 0 : i32
    return %select_n3A, %c0_i32, %c0_i32_16 : i32, i32, i32
  }
}

module attributes {stable_mosaic.version = 14 : i64} {
  func.func @_final_body(%arg0: memref<64x512xf32, #tpu.memory_space<vmem>>, %arg1: memref<64x512xf32, #tpu.memory_space<vmem>>, %arg2: memref<512x64xf32, #tpu.memory_space<vmem>>, %arg3: memref<1x64xf32, #tpu.memory_space<vmem>>, %arg4: memref<64x1xf32, #tpu.memory_space<vmem>>) attributes {dimension_semantics = [], scalar_prefetch = 0 : i64, scratch_operands = 0 : i64, tpu.core_type = #tpu.core_type<tc>} {
    %get3A = arith.constant 0 : index
    %get3A_0 = arith.constant 0 : index
    %get3A_1 = vector.load %arg0[%get3A, %get3A_0] : memref<64x512xf32, #tpu.memory_space<vmem>>, vector<64x512xf32>
    %get3A_2 = arith.constant 0 : index
    %get3A_3 = arith.constant 0 : index
    %get3A_4 = vector.load %arg2[%get3A_2, %get3A_3] : memref<512x64xf32, #tpu.memory_space<vmem>>, vector<512x64xf32>
    %dot_general3A = arith.constant dense<0.000000e+00> : vector<64x64xf32>
    %dot_general3A_5 = tpu.matmul %get3A_1, %get3A_4, %dot_general3A {dimension_numbers = #tpu.dot_dimension_numbers<[1], [0], [0], [1], [0, 0, 1, 1], [], []>, transpose_lhs_hint = false} : vector<64x512xf32>, vector<512x64xf32>, vector<64x64xf32> -> vector<64x64xf32>
    %get3A_6 = arith.constant 0 : index
    %get3A_7 = arith.constant 0 : index
    %get3A_8 = vector.load %arg3[%get3A_6, %get3A_7] : memref<1x64xf32, #tpu.memory_space<vmem>>, vector<1x64xf32>
    %add3A = vector.broadcast %get3A_8 : vector<1x64xf32> to vector<64x64xf32>
    %add3A_9 = arith.addf %dot_general3A_5, %add3A : vector<64x64xf32>
    %mul3A = arith.mulf %add3A_9, %add3A_9 : vector<64x64xf32>
    %reduce_sum3A = arith.constant dense<0.000000e+00> : vector<64xf32>
    %reduce_sum3A_10 = vector.multi_reduction <add>, %mul3A, %reduce_sum3A [1] : vector<64x64xf32> to vector<64xf32>
    %broadcast_in_dim3A = vector.shape_cast %reduce_sum3A_10 : vector<64xf32> to vector<64x1xf32>
    %sqrt3A = math.sqrt %broadcast_in_dim3A : vector<64x1xf32>
    %max3A = arith.constant 9.99999996E-13 : f32
    %max3A_11 = vector.broadcast %max3A : f32 to vector<64x1xf32>
    %max3A_12 = arith.maximumf %sqrt3A, %max3A_11 : vector<64x1xf32>
    %div3A = vector.broadcast %max3A_12 : vector<64x1xf32> to vector<64x64xf32>
    %div3A_13 = arith.divf %add3A_9, %div3A : vector<64x64xf32>
    %get3A_14 = arith.constant 0 : index
    %get3A_15 = arith.constant 0 : index
    %get3A_16 = vector.load %arg1[%get3A_14, %get3A_15] : memref<64x512xf32, #tpu.memory_space<vmem>>, vector<64x512xf32>
    %get3A_17 = arith.constant 0 : index
    %get3A_18 = arith.constant 0 : index
    %get3A_19 = vector.load %arg2[%get3A_17, %get3A_18] : memref<512x64xf32, #tpu.memory_space<vmem>>, vector<512x64xf32>
    %dot_general3A_20 = arith.constant dense<0.000000e+00> : vector<64x64xf32>
    %dot_general3A_21 = tpu.matmul %get3A_16, %get3A_19, %dot_general3A_20 {dimension_numbers = #tpu.dot_dimension_numbers<[1], [0], [0], [1], [0, 0, 1, 1], [], []>, transpose_lhs_hint = false} : vector<64x512xf32>, vector<512x64xf32>, vector<64x64xf32> -> vector<64x64xf32>
    %get3A_22 = arith.constant 0 : index
    %get3A_23 = arith.constant 0 : index
    %get3A_24 = vector.load %arg3[%get3A_22, %get3A_23] : memref<1x64xf32, #tpu.memory_space<vmem>>, vector<1x64xf32>
    %add3A_25 = vector.broadcast %get3A_24 : vector<1x64xf32> to vector<64x64xf32>
    %add3A_26 = arith.addf %dot_general3A_21, %add3A_25 : vector<64x64xf32>
    %mul3A_27 = arith.mulf %add3A_26, %add3A_26 : vector<64x64xf32>
    %reduce_sum3A_28 = arith.constant dense<0.000000e+00> : vector<64xf32>
    %reduce_sum3A_29 = vector.multi_reduction <add>, %mul3A_27, %reduce_sum3A_28 [1] : vector<64x64xf32> to vector<64xf32>
    %broadcast_in_dim3A_30 = vector.shape_cast %reduce_sum3A_29 : vector<64xf32> to vector<64x1xf32>
    %sqrt3A_31 = math.sqrt %broadcast_in_dim3A_30 : vector<64x1xf32>
    %max3A_32 = arith.constant 9.99999996E-13 : f32
    %max3A_33 = vector.broadcast %max3A_32 : f32 to vector<64x1xf32>
    %max3A_34 = arith.maximumf %sqrt3A_31, %max3A_33 : vector<64x1xf32>
    %div3A_35 = vector.broadcast %max3A_34 : vector<64x1xf32> to vector<64x64xf32>
    %div3A_36 = arith.divf %add3A_26, %div3A_35 : vector<64x64xf32>
    %sub3A = arith.subf %div3A_13, %div3A_36 : vector<64x64xf32>
    %mul3A_37 = arith.mulf %sub3A, %sub3A : vector<64x64xf32>
    %reduce_sum3A_38 = arith.constant dense<0.000000e+00> : vector<64xf32>
    %reduce_sum3A_39 = vector.multi_reduction <add>, %mul3A_37, %reduce_sum3A_38 [1] : vector<64x64xf32> to vector<64xf32>
    %broadcast_in_dim3A_40 = vector.shape_cast %reduce_sum3A_39 : vector<64xf32> to vector<64x1xf32>
    %sqrt3A_41 = math.sqrt %broadcast_in_dim3A_40 : vector<64x1xf32>
    %swap3A = arith.constant 0 : index
    %swap3A_42 = arith.constant 0 : index
    %swap3A_43 = vector.load %arg4[%swap3A, %swap3A_42] : memref<64x1xf32, #tpu.memory_space<vmem>>, vector<64x1xf32>
    tpu.vector_store %arg4[%swap3A, %swap3A_42], %sqrt3A_41 {strides = array<i32>} : memref<64x1xf32, #tpu.memory_space<vmem>>, vector<64x1xf32>,
    return
  }
}

</mosaic_0001>

<sc_bundles>
// kernel: kernel.12.cloned.1.call-start
scs
__scs_entry_jumppad:
0x0: {  	(pc) =	sbr.rel $0x88, $3  }
0x1: {  	(tag) =	ssettag $0x0;
	lr =	simm.s32 $0x1  }
0x2: {  	[smem:$0x3F90] =	sst lr;
	_ =	strace $0xD0000000  }
0x3: {  	_ = 	snop  }
0x4: {  	_ = 	snop  }
0x5: {  	_ = 	snop  }
0x6: {  	_ = 	snop  }
0x7: {  	_ = 	snop  }
__scs_overlays_trampoline_lowered:
0x8: {  	[smem:$0x3F9F] =	sst s0  }
0x9: {  	[smem:$0x3FA0] =	sst s1  }
0xa: {  	[smem:$0x3FA1] =	sst s2  }
0xb: {  	[smem:$0x3FA2] =	sst s3  }
0xc: {  	[smem:$0x3FA3] =	sst s4  }
0xd: {  	[smem:$0x3FA4] =	sst s5  }
0xe: {  	[smem:$0x3FA5] =	sst s6  }
0xf: {  	[smem:$0x3FA6] =	sst s7  }
0x10: {  	[smem:$0x3FA7] =	sst s8  }
0x11: {  	[smem:$0x3FA8] =	sst s9;
	s0 =	simm.s32 @!p0 $0x0  }
0x12: {  	s1 =	sld [smem:$0x3F8E];
	s0 =	simm.s32 @p0 $0x1  }
0x13: {  	[smem:$0x3FA9] =	sst s0;
	s0 =	simm.s32 @!p1 $0x0  }
0x14: {  	s2 =	sld [smem:$0x3F8D];
	s0 =	simm.s32 @p1 $0x1  }
0x15: {  	[smem:$0x3FAA] =	sst s0;
	s0 =	simm.s32 @!p2 $0x0  }
0x16: {  	s3 =	sld [smem:$0x3FDB];
	s0 =	simm.s32 @p2 $0x1  }
0x17: {  	s4 =	simm.s32 $0x1BF5;
	[smem:$0x3FAC] =	sst s0  }
0x18: {  	s0 =	sld [smem:$0x3F8F];
	_ =	swait.ge [sflag:s4], $0x0  }
0x19: {  	s7 =	sld [smem:$0x3F90]  }
0x1a: {  	s8 =	sadd.s32 $0xFFFFE003, lr  }
0x1b: {  	s9 =	sadd.s32 $0xFFFFFEF7, lr;
	s5 =	simm.s32 $0xFFFFFFFF;
	p2 =	slt.u32 s8, $0xFFFFF086  }
0x1c: {  	p1 =	slt.u32 s9, $0xF7A;
	s5 =	simm.s32 @!p2 $0x0  }
0x1d: {  	s5 =	simm.s32 @p1 $0x1;
	p0 =	seq.s32 s7, s2  }
0x1e: {  	s7 =	smul.u32 @!p0 $0xF7A, s2;
	p2 =	seq.s32 @!p0 s5, $0x0  }
0x1f: {  	s9 =	smul.u32 $0xF7A, s1;
	s8 =	simm.s32 @!p0 $0x1BF5;
	p2 =	por !p2, p0  }
0x20: {  	[sflag:s8] =	ssyncset.s32 @!p0 $0xFFFFF086;
	s6 =	sadd.s32 @!p0 s3, s7;
	s7 =	simm.s32 @!p0 $0x108  }
0x21: {  	s3 =	sadd.s32 s3, s9;
	s6 =	sadd.s32 @!p0 $0x88, s6;
	s7 =	simm.s32 @p2 $0x1082  }
0x22: {  	[simem:s7], [sflag:s8] =	dma.local @!p0 [hbm:s6], $0xF7A  }
0x23: {  	s9 =	sor.u32 $0xD0000000, s2;
	s6 =	simm.s32 $0x108;
	_ =	swait.ge @!p0 [sflag:s8], $0x0  }
0x24: {  	s3 =	sadd.s32 $0x88, s3;
	s6 =	simm.s32 @!p1 $0x1082;
	[sflag:s4] =	ssyncset.s32 $0xFFFFF086  }
0x25: {  	[simem:s6], [sflag:s4] =	dma.local [hbm:s3], $0xF7A  }
0x26: {  	[smem:$0x3F90] =	sst s1;
	(tag) =	ssettag s2;
	_ =	strace s9  }
0x27: {  	s1 =	sld [smem:$0x3FA0]  }
0x28: {  	s2 =	sld [smem:$0x3FA1]  }
0x29: {  	s4 =	sld [smem:$0x3FA3]  }
0x2a: {  	p0 =	seq.s32 s5, $0x0;
	s5 =	sld [smem:$0x3FA4]  }
0x2b: {  	s6 =	sld [smem:$0x3FA5]  }
0x2c: {  	s7 =	sld [smem:$0x3FA6]  }
0x2d: {  	s3 =	simm.s32 $0x108;
	s8 =	sld [smem:$0x3FA7]  }
0x2e: {  	s3 =	simm.s32 @!p0 $0x1082;
	s9 =	sld [smem:$0x3FA8]  }
0x2f: {  	lr =	sadd.s32 s0, s3;
	s0 =	sld [smem:$0x3F9F]  }
0x30: {  	s3 =	sld [smem:$0x3FA2]  }
0x31: {  	[smem:$0x3FAB] =	sst s10  }
0x32: {  	s10 =	sld [smem:$0x3FA9];
	_ =	sdelay $0x3  }
0x33: {  	p0 =	seq.s32 s10, $0x1;
	s10 =	sld [smem:$0x3FAB];
	_ =	sdelay $0x3  }
0x34: {  	[smem:$0x3FAB] =	sst s10  }
0x35: {  	s10 =	sld [smem:$0x3FAA];
	_ =	sdelay $0x3  }
0x36: {  	p1 =	seq.s32 s10, $0x1;
	s10 =	sld [smem:$0x3FAB];
	_ =	sdelay $0x3  }
0x37: {  	[smem:$0x3FAB] =	sst s10  }
0x38: {  	s10 =	sld [smem:$0x3FAC]  }
0x39: {  	_ = 	snop;
	(pc) =	sbr.ind lr, $3  }
0x3a: {  	_ = 	snop  }
0x3b: {  	_ = 	snop  }
0x3c: {  	p2 =	seq.s32 s10, $0x1;
	s10 =	sld [smem:$0x3FAB]  }
0x3d: {  	_ =	shalt  }
0x3e: {  	_ =	shalt  }
0x3f: {  	_ =	shalt  }
0x40: {  	_ =	shalt  }
0x41: {  	_ =	shalt  }
0x42: {  	_ =	shalt  }
0x43: {  	_ =	shalt  }
0x44: {  	_ =	shalt  }
0x45: {  	_ =	shalt  }
0x46: {  	_ =	shalt  }
0x47: {  	_ =	shalt  }
0x48: {  	_ =	shalt  }
0x49: {  	_ =	shalt  }
0x4a: {  	_ =	shalt  }
0x4b: {  	_ =	shalt  }
0x4c: {  	_ =	shalt  }
0x4d: {  	_ =	shalt  }
0x4e: {  	_ =	shalt  }
0x4f: {  	_ =	shalt  }
0x50: {  	_ =	shalt  }
0x51: {  	_ =	shalt  }
0x52: {  	_ =	shalt  }
0x53: {  	_ =	shalt  }
0x54: {  	_ =	shalt  }
0x55: {  	_ =	shalt  }
0x56: {  	_ =	shalt  }
0x57: {  	_ =	shalt  }
0x58: {  	_ =	shalt  }
0x59: {  	_ =	shalt  }
0x5a: {  	_ =	shalt  }
0x5b: {  	_ =	shalt  }
0x5c: {  	_ =	shalt  }
0x5d: {  	_ =	shalt  }
0x5e: {  	_ =	shalt  }
0x5f: {  	_ =	shalt  }
0x60: {  	_ =	shalt  }
0x61: {  	_ =	shalt  }
0x62: {  	_ =	shalt  }
0x63: {  	_ =	shalt  }
0x64: {  	_ =	shalt  }
0x65: {  	_ =	shalt  }
0x66: {  	_ =	shalt  }
0x67: {  	_ =	shalt  }
0x68: {  	_ =	shalt  }
0x69: {  	_ =	shalt  }
0x6a: {  	_ =	shalt  }
0x6b: {  	_ =	shalt  }
0x6c: {  	_ =	shalt  }
0x6d: {  	_ =	shalt  }
0x6e: {  	_ =	shalt  }
0x6f: {  	_ =	shalt  }
0x70: {  	_ =	shalt  }
0x71: {  	_ =	shalt  }
0x72: {  	_ =	shalt  }
0x73: {  	_ =	shalt  }
0x74: {  	_ =	shalt  }
0x75: {  	_ =	shalt  }
0x76: {  	_ =	shalt  }
0x77: {  	_ =	shalt  }
0x78: {  	_ =	shalt  }
0x79: {  	_ =	shalt  }
0x7a: {  	_ =	shalt  }
0x7b: {  	_ =	shalt  }
0x7c: {  	_ =	shalt  }
0x7d: {  	_ =	shalt  }
0x7e: {  	_ =	shalt  }
0x7f: {  	_ =	shalt  }
0x80: {  	_ =	shalt  }
0x81: {  	_ =	shalt  }
0x82: {  	_ =	shalt  }
0x83: {  	_ =	shalt  }
0x84: {  	_ =	shalt  }
0x85: {  	_ =	shalt  }
0x86: {  	_ =	shalt  }
0x87: {  	_ =	shalt  }
.Lfunc_end0:
.L_simem_size_0:
called_computation.1_lowered:
.L_overlay_start_0:
0x88: {  	s2 =	sld [smem:$0x3FD9]  }
0x89: {  	s3 =	sld [smem:$0x3FFE];
	_ =	sdelay $0x1  }
0x8a: {  	s1 =	srdreg.scid  }
0x8b: {  	s0 =	sand.u32 $0x1, s1  }
0x8c: {  	s16 =	sshll.u32 s0, $0xA;
	s2 =	sadd.s32 s3, s2  }
0x8d: {  	s2 =	sadd.s32 s2, s16  }
0x8e: {  	[smem:$0x3FB7] =	sst s2  }
0x8f: {  	_ = 	snop  }
0x90: {  	(tm) =	ssettm $0x1  }
0x91: {  	s17 =	sld [smem:$0x3FFB];
	_ =	sdelay $0x3  }
0x92: {  	_ =	strace s17  }
0x93: {  	s2 =	sld [smem:$0x3FFC];
	_ =	sdelay $0x3  }
0x94: {  	_ =	strace s2  }
0x95: {  	s2 =	sld [smem:$0x3FFD];
	_ =	sdelay $0x3  }
0x96: {  	_ =	strace s2  }
0x97: {  	_ =	strace $0x8FFFFFFF  }
0x98: {  	s18 =	sld [smem:$0x3FDB];
	_ =	sdelay $0x1  }
0x99: {  	s19 =	simm.s32 $_scs_section_size  }
0x9a: {  	s4 =	simm.s32 $_size__tile_overlayer_lowered;
	s5 =	simm.s32 $_tile_overlayer_lowered  }
0x9b: {  	s22 =	simm.s32 $0x1BFF;
	s21 =	sshll.u32 s5, $0x1;
	s2 =	sadd.s32 s19, s18  }
0x9c: {  	s6 =	simm.s32 $0x0;
	s20 =	sshll.u32 s4, $0x1;
	s4 =	sadd.s32 s21, s2  }
0x9d: {  	[timem:s6], [sflag:s22] =	dma.local [hbm:s4], s20  }
0x9e: {  	_ =	swait.ge [sflag:s22], s20  }
0x9f: {  	s3 =	ssub.s32 $0x0, s20;
	[sflag:s22] =	ssyncset.done $0x0  }
0xa0: {  	[sflag:s22] =	ssyncadd.s32 s3;
	_ =	sdelay $0x1  }
0xa1: {  	s23 =	simm.s32 $0x1B8B  }
0xa2: {  	_ =	swait.ge [sflag:s23], $0x1  }
0xa3: {  	[sflag:s23] =	ssyncset.done $0x0  }
0xa4: {  	s25 =	simm.s32 $0x1B8E;
	s24 =	sld [smem:$0x3FFE];
	[sflag:s23] =	ssyncadd.s32 $0xFFFFFFFF  }
0xa5: {  	s26 =	simm.s32 $execute0_lowered;
	[smem:$0x3FD2] =	sst s25  }
0xa6: {  	s4 =	sshll.u32 s26, $0x1;
	_ =	strace $0x80000049;
	[dreg:$0x1] =	wrdreg $0xFFFFFFFF  }
0xa7: {  	s28 =	simm.s32 $_size_execute0_lowered;
	s2 =	sadd.s32 s2, s4;
	[dreg:$0x0] =	wrdreg $0x0  }
0xa8: {  	s4 =	sshll.u32 s28, $0x1;
	[dreg:$0x2] =	wrdreg s2  }
0xa9: {  	[dreg:$0x3] =	wrdreg s4  }
0xaa: {  	[dreg:$0x4] =	wrdreg $0xC0  }
0xab: {  	_ =	task [dreg:s6], $0x5FFFF  }
0xac: {  	[dreg:$0x1] =	wrdreg $0xFFFFFFFF  }
0xad: {  	[dreg:$0x0] =	wrdreg $0x60  }
0xae: {  	[dreg:$0x2] =	wrdreg s24  }
0xaf: {  	[dreg:$0x3] =	wrdreg $0x5C000  }
0xb0: {  	[dreg:$0x4] =	wrdreg $0x9  }
0xb1: {  	_ =	task.clear_ibuf [dreg:s6], $0x5FFFF;
	_ =	strace $0x90000049  }
0xb2: {  	s29 =	simm.s32 $0x9;
	_ =	strace $0x8000004B  }
0xb3: {  	_ =	swait.ge [sflag:s29], $0x1  }
0xb4: {  	[sflag:s29] =	ssyncadd.s32 $0xFFFFFFFF  }
0xb5: {  	_ =	strace $0x9000004B  }
0xb6: {  	_ =	sfence  }
0xb7: {  	s30 =	sld [smem:$0x0];
	_ =	sdelay $0x2  }
0xb8: {  	s31 =	sshll.u32 s1, $0xD;
	s1 =	sshrl.u32 s1, $0x2  }
0xb9: {  	s3 =	sand.u32 $0x4000, s31;
	s1 =	sadd.s32 s1, s30  }
0xba: {  	s0 =	sor.u32 s3, s0;
	s1 =	sshll.u32 s1, $0x11  }
0xbb: {  	s0 =	sor.u32 s1, s0  }
0xbc: {  	s0 =	sadd.s32 $0x8F2B, s0  }
0xbd: {  	[sflag:s0] =	ssyncadd.remote.s32 $0x1  }
0xbe: {  	_ =	sfence.sel $0xFFFF  }
0xbf: {  	[dreg:$0x0] =	wrdreg $0xFFFFFFFF;
	(pc) =	sbr.abs _section_cstart, $3  }
0xc0: {  	[dreg:$0x1] =	wrdreg $0xFFFFFFFF  }
0xc1: {  	_ =	task.clear_ibuf [dreg:s6], $0x2FFFF;
	_ =	strace $0x9FFFFFFF  }
0xc2: {  	(tm) =	ssettm $0x7FFFFFFF  }
0xc3: {  	_ =	shalt  }
tec
execute0_lowered:
.L_overlay_start_1:
0x0: {  	(tag) =	ssettag $0x1  }
0x1: {  	s0 =	rddreg [dreg:$0x0]  }
0x2: {  	s2 =	rddreg [dreg:$0x1]  }
0x3: {  	s3 =	simm.s32 $0x0;
	s14 =	stileid.u32;
	s5 =	srdreg.scid  }
0x4: {  	s28 =	simm.s32 $0x58;
	s29 =	simm.s32 $0x400;
	s30 =	simm.s32 $0x2  }
0x5: {  	s31 =	simm.s32 $0x300;
	[smem:$0x7FF] =	sst s3;
	s1 =	smul.u32 $0x2780, s14  }
0x6: {  	s4 =	sadd.s32 $0x3C800, s0;
	s6 =	sadd.s32 $0x3800, s0;
	s5 =	sand.u32 $0x1, s5  }
0x7: {  	s9 =	smul.u32 $0x4F000, s14;
	s10 =	sadd.s32 $0xB1C00, s0;
	s13 =	sadd.s32 $0x128400, s2  }
0x8: {  	s15 =	sadd.s32 $0xAFA80, s0;
	s21 =	smul.u32 $0xE4, s14;
	p0 =	seq.s32 s14, $0xF  }
0x9: {  	_ =	strace $0x8000004A;
	s8 =	ssub.s32 $0x2, s5;
	s17 =	smul.u32 $0x27100, s5  }
0xa: {  	s12 =	sshll.u32 s5, $0x4;
	[dreg:$0x5] =	wrdreg s13;
	s18 =	smul.u32 $0x138800, s5  }
0xb: {  	[dreg:$0x6] =	wrdreg s15;
	s5 =	smul.u32 $0xE40, s5;
	s7 =	sadd.s32 s1, s0  }
0xc: {  	s11 =	sshrl.u32 s8, $0x1;
	s25 =	sor.u32 s14, s12;
	s9 =	sshrl.u32 s9, $0x2  }
0xd: {  	s14 =	simm.s32 $0x0;
	s8 =	ssub.s32 s8, s11;
	s26 =	smul.u32 $0x1C80, s25  }
0xe: {  	s9 =	sadd.s32 s9, s2;
	s7 =	sadd.s32 $0x8AA00, s7;
	s11 =	smul.u32 $0xE400, s25  }
0xf: {  	s1 =	sadd.s32 s1, s17;
	s23 =	sshrl.u32 s18, $0x3;
	[dreg:$0x3] =	wrdreg s9  }
0x10: {  	s5 =	sadd.s32 s21, s5;
	[dreg:$0x4] =	wrdreg s7;
	s9 =	sadd.s32 $0x3820, s0  }
0x11: {  	s0 =	sadd.s32 $0x3860, s0;
	s1 =	sadd.s32 s10, s1;
	s24 =	sadd.s32 s10, s23  }
0x12: {  	s25 =	smax.u32 s8, $0x1;
	s8 =	simm.s32 $0x6;
	s10 =	simm.s32 $0x180  }
0x13: {  	s16 =	sadd.s32 s6, s26;
	s13 =	sadd.s32 s26, s9;
	[dreg:$0xf] =	wrdreg s1  }
0x14: {  	s11 =	sshrl.u32 s11, $0x3;
	s7 =	sadd.s32 s26, s0;
	[dreg:$0x11] =	wrdreg s25  }
0x15: {  	s1 =	sadd.s32 $0x25080, s24;
	s26 =	sshll.u32 s5, $0x5;
	[dreg:$0x8] =	wrdreg s13  }
0x16: {  	s24 =	simm.s32 $0x100;
	s25 =	simm.s32 $0x1;
	[dreg:$0x7] =	wrdreg s16  }
0x17: {  	s12 =	sadd.s32 $0x40, s16;
	s11 =	sadd.s32 s6, s11;
	[dreg:$0xa] =	wrdreg s7  }
0x18: {  	[dreg:$0x10] =	wrdreg s1;
	s5 =	sadd.s32 s9, s26;
	s6 =	sadd.s32 s6, s26  }
0x19: {  	s0 =	sadd.s32 s0, s26;
	s26 =	simm.s32 $0x200;
	s1 =	simm.s32 $0x5  }
0x1a: {  	s7 =	simm.s32 $0x7;
	s13 =	simm.s32 $0x280;
	s9 =	simm.s32 $0x380  }
0x1b: {  	[dreg:$0x9] =	wrdreg s12;
	s19 =	sadd.s32 $0x80, s11;
	s20 =	sadd.s32 $0xA0, s11  }
0x1c: {  	s22 =	sadd.s32 $0x1C40, s11;
	s11 =	sadd.s32 $0x1C60, s11;
	[dreg:$0xb] =	wrdreg s19  }
0x1d: {  	s21 =	sadd.s32 $0x100, s6;
	s23 =	sadd.s32 $0xC0, s6;
	[dreg:$0xc] =	wrdreg s20  }
0x1e: {  	s6 =	simm.s32 $0x3;
	s12 =	simm.s32 $0x8;
	[dreg:$0xd] =	wrdreg s22  }
0x1f: {  	[dreg:$0xe] =	wrdreg s11;
	s20 =	sadd.s32 $0x100, s5;
	s22 =	sadd.s32 $0x80, s0  }
0x20: {  	s0 =	simm.s32 $0x3000;
	s5 =	simm.s32 $0x80;
	s11 =	simm.s32 $0x4  }
.LBB2_1:
0x21: {  	s15 =	rddreg [dreg:$0x5]  }
0x22: {  	s17 =	sshrl.u32 @p0 s15, $0x3;
	s15 =	rddreg [dreg:$0x6]  }
0x23: {  	s16 =	simm.s32 @p0 $0x1FC9;
	[dreg:$0x12] =	wrdreg s17  }
0x24: {  	[spmem:s17], [sflag:s16] =	dma.local @p0 [hbm:s15], $0x2080  }
0x25: {  	s16 =	simm.s32 @p0 $0x9  }
0x26: {  	_ =	swait.ge @p0 [sflag:s16], $0x2080  }
0x27: {  	s18 =	simm.s32 @!p0 $0x9;
	s15 =	stileid.u32;
	[sflag:s16] =	ssyncset.done @p0 $0x0  }
0x28: {  	s17 =	sshll.u32 @!p0 s15, $0x6;
	s15 =	rddreg [dreg:$0x3];
	[sflag:s16] =	ssyncadd.s32 @p0 $0xFFFFDF80  }
0x29: {  	s16 =	sor.u32 @!p0 $0x1C09, s17;
	s17 =	sshrl.u32 @!p0 s15, $0x3;
	s15 =	rddreg [dreg:$0x4]  }
0x2a: {  	[spmem:s17], [sflag:s16] =	dma.local @!p0 [hbm:s15], $0x2780  }
0x2b: {  	_ =	swait.ge @!p0 [sflag:s18], $0x2780  }
0x2c: {  	[sflag:s18] =	ssyncset.done @!p0 $0x0  }
0x2d: {  	[sflag:s18] =	ssyncadd.s32 @!p0 $0xFFFFD880  }
0x2e: {  	[bflag:$0x0] =	sbarrier.arrive $0xFFFF  }
0x2f: {  	s18 =	rddreg [dreg:$0x7]  }
0x30: {  	[tilespmem:s3], [sflag:$0x1] =	stream.linear.gather [hbm4b:s18+s3], $0x100, $0x38;
	[tilespmem:$0x1A480] =	vst v63  }
0x31: {  	s19 =	rddreg [dreg:$0x8]  }
0x32: {  	[tilespmem:s24], [sflag:$0x2] =	stream.linear.gather [hbm4b:s19+s3], $0x100, $0x38;
	[tilespmem:$0x1A480] =	vst v63  }
0x33: {  	_ =	swait.ge [sflag:s25], $0x100  }
0x34: {  	[sflag:s25] =	ssyncset.done $0x0  }
0x35: {  	s18 =	rddreg [dreg:$0x9];
	[sflag:s25] =	ssyncadd.s32 $0xFFFFFF00  }
0x36: {  	[tilespmem:s26], [sflag:$0x3] =	stream.linear.gather [hbm4b:s18+s3], $0x100, $0x38;
	[tilespmem:$0x1A480] =	vst v63  }
0x37: {  	_ = 	snop  }
0x38: {  	[tilespmem:s29], [sflag:$0x5] =	stream.indirect.gather [hbm4b:s4+s28], $0x80, s3, s28, $0xb8;
	[tilespmem:$0x1A480] =	vst v63  }
0x39: {  	_ =	swait.ge [sflag:s30], $0x100  }
0x3a: {  	[sflag:s30] =	ssyncset.done $0x0  }
0x3b: {  	s19 =	rddreg [dreg:$0xa];
	[sflag:s30] =	ssyncadd.s32 $0xFFFFFF00  }
0x3c: {  	[tilespmem:s31], [sflag:$0x4] =	stream.linear.gather [hbm4b:s19+s3], $0x100, $0x38;
	[tilespmem:$0x1A480] =	vst v63  }
0x3d: {  	_ = 	snop  }
0x3e: {  	[tilespmem:s0], [sflag:$0x6] =	stream.indirect.gather [hbm4b:s4+s28], $0x80, s24, s28, $0xb8;
	[tilespmem:$0x1A480] =	vst v63  }
0x3f: {  	_ =	swait.ge [sflag:s1], $0x2C00  }
0x40: {  	[sflag:s1] =	ssyncset.done $0x0  }
0x41: {  	[sflag:s1] =	ssyncadd.s32 $0xFFFFD400  }
0x42: {  	[spmem:s2] =	stream.indirect.scatter.add.f32 [tilespmem:s29], [sflag:$0x7], $0x80, s5, s28, $0xb8;
	[tilespmem:$0x1A480] =	vst v63  }
0x43: {  	_ =	swait.ge [sflag:s6], $0x100  }
0x44: {  	[sflag:s6] =	ssyncset.done $0x0  }
0x45: {  	[sflag:s6] =	ssyncadd.s32 $0xFFFFFF00  }
0x46: {  	_ =	swait.ge [sflag:s7], $0x2C00  }
0x47: {  	[sflag:s7] =	ssyncset.done $0x0  }
0x48: {  	s18 =	rddreg [dreg:$0xb];
	[sflag:s7] =	ssyncadd.s32 $0xFFFFD400  }
0x49: {  	[tilespmem:s3], [sflag:$0x1] =	stream.linear.gather [hbm4b:s18+s3], $0x100, $0x38;
	[tilespmem:$0x1A480] =	vst v63  }
0x4a: {  	_ = 	snop  }
0x4b: {  	[tilespmem:s29], [sflag:$0x5] =	stream.indirect.gather [hbm4b:s4+s28], $0x80, s26, s28, $0xb8;
	[tilespmem:$0x1A480] =	vst v63  }
0x4c: {  	_ =	swait.ge [sflag:s8], $0x2C00  }
0x4d: {  	[sflag:s8] =	ssyncset.done $0x0  }
0x4e: {  	[sflag:s8] =	ssyncadd.s32 $0xFFFFD400  }
0x4f: {  	[spmem:s2] =	stream.indirect.scatter.add.f32 [tilespmem:s0], [sflag:$0x8], $0x80, s10, s28, $0xb8;
	[tilespmem:$0x1A480] =	vst v63  }
0x50: {  	_ =	swait.ge [sflag:s11], $0x100  }
0x51: {  	[sflag:s11] =	ssyncset.done $0x0  }
0x52: {  	[sflag:s11] =	ssyncadd.s32 $0xFFFFFF00  }
0x53: {  	_ =	swait.ge [sflag:s12], $0x2C00  }
0x54: {  	[sflag:s12] =	ssyncset.done $0x0  }
0x55: {  	s19 =	rddreg [dreg:$0xc];
	[sflag:s12] =	ssyncadd.s32 $0xFFFFD400  }
0x56: {  	[tilespmem:s24], [sflag:$0x2] =	stream.linear.gather [hbm4b:s19+s3], $0x100, $0x38;
	[tilespmem:$0x1A480] =	vst v63  }
0x57: {  	_ = 	snop  }
0x58: {  	[tilespmem:s0], [sflag:$0x6] =	stream.indirect.gather [hbm4b:s4+s28], $0x80, s31, s28, $0xb8;
	[tilespmem:$0x1A480] =	vst v63  }
0x59: {  	_ =	swait.ge [sflag:s1], $0x2C00  }
0x5a: {  	[sflag:s1] =	ssyncset.done $0x0  }
0x5b: {  	[sflag:s1] =	ssyncadd.s32 $0xFFFFD400  }
0x5c: {  	[spmem:s2] =	stream.indirect.scatter.add.f32 [tilespmem:s29], [sflag:$0x7], $0x80, s13, s28, $0xb8;
	[tilespmem:$0x1A480] =	vst v63  }
0x5d: {  	_ =	swait.ge [sflag:s25], $0x100  }
0x5e: {  	[sflag:s25] =	ssyncset.done $0x0  }
0x5f: {  	[sflag:s25] =	ssyncadd.s32 $0xFFFFFF00  }
0x60: {  	_ =	swait.ge [sflag:s7], $0x2C00  }
0x61: {  	[sflag:s7] =	ssyncset.done $0x0  }
0x62: {  	s15 =	sadd.s32 $0x0, s23;
	[sflag:s7] =	ssyncadd.s32 $0xFFFFD400  }
0x63: {  	[tilespmem:s26], [sflag:$0x3] =	stream.linear.gather [hbm4b:s15+s3], $0x100, $0x38;
	[tilespmem:$0x1A480] =	vst v63  }
0x64: {  	_ = 	snop  }
0x65: {  	[tilespmem:s29], [sflag:$0x5] =	stream.indirect.gather [hbm4b:s4+s28], $0x80, s3, s28, $0xb8;
	[tilespmem:$0x1A480] =	vst v63  }
0x66: {  	_ =	swait.ge [sflag:s8], $0x2C00  }
0x67: {  	[sflag:s8] =	ssyncset.done $0x0  }
0x68: {  	[sflag:s8] =	ssyncadd.s32 $0xFFFFD400  }
0x69: {  	[spmem:s2] =	stream.indirect.scatter.add.f32 [tilespmem:s0], [sflag:$0x8], $0x80, s9, s28, $0xb8;
	[tilespmem:$0x1A480] =	vst v63  }
0x6a: {  	_ =	swait.ge [sflag:s30], $0x100  }
0x6b: {  	[sflag:s30] =	ssyncset.done $0x0  }
0x6c: {  	[sflag:s30] =	ssyncadd.s32 $0xFFFFFF00  }
0x6d: {  	_ =	swait.ge [sflag:s12], $0x2C00  }
0x6e: {  	[sflag:s12] =	ssyncset.done $0x0  }
0x6f: {  	s19 =	sadd.s32 $0x0, s22;
	[sflag:s12] =	ssyncadd.s32 $0xFFFFD400  }
0x70: {  	[tilespmem:s31], [sflag:$0x4] =	stream.linear.gather [hbm4b:s19+s3], $0x100, $0x38;
	[tilespmem:$0x1A480] =	vst v63  }
0x71: {  	_ = 	snop  }
0x72: {  	[tilespmem:s0], [sflag:$0x6] =	stream.indirect.gather [hbm4b:s4+s28], $0x80, s24, s28, $0xb8;
	[tilespmem:$0x1A480] =	vst v63  }
0x73: {  	_ =	swait.ge [sflag:s1], $0x2C00  }
0x74: {  	[sflag:s1] =	ssyncset.done $0x0  }
0x75: {  	[sflag:s1] =	ssyncadd.s32 $0xFFFFD400  }
0x76: {  	[spmem:s2] =	stream.indirect.scatter.add.f32 [tilespmem:s29], [sflag:$0x7], $0x80, s5, s28, $0xb8;
	[tilespmem:$0x1A480] =	vst v63  }
0x77: {  	_ =	swait.ge [sflag:s6], $0x100  }
0x78: {  	[sflag:s6] =	ssyncset.done $0x0  }
0x79: {  	[sflag:s6] =	ssyncadd.s32 $0xFFFFFF00  }
0x7a: {  	_ =	swait.ge [sflag:s7], $0x2C00  }
0x7b: {  	[sflag:s7] =	ssyncset.done $0x0  }
0x7c: {  	s15 =	sadd.s32 $0x0, s21;
	[sflag:s7] =	ssyncadd.s32 $0xFFFFD400  }
0x7d: {  	[tilespmem:s3], [sflag:$0x1] =	stream.linear.gather [hbm4b:s15+s3], $0x100, $0x38;
	[tilespmem:$0x1A480] =	vst v63  }
0x7e: {  	_ = 	snop  }
0x7f: {  	[tilespmem:s29], [sflag:$0x5] =	stream.indirect.gather [hbm4b:s4+s28], $0x80, s26, s28, $0xb8;
	[tilespmem:$0x1A480] =	vst v63  }
0x80: {  	_ =	swait.ge [sflag:s8], $0x2C00  }
0x81: {  	[sflag:s8] =	ssyncset.done $0x0  }
0x82: {  	[sflag:s8] =	ssyncadd.s32 $0xFFFFD400  }
0x83: {  	[spmem:s2] =	stream.indirect.scatter.add.f32 [tilespmem:s0], [sflag:$0x8], $0x80, s10, s28, $0xb8;
	[tilespmem:$0x1A480] =	vst v63  }
0x84: {  	_ =	swait.ge [sflag:s11], $0x100  }
0x85: {  	[sflag:s11] =	ssyncset.done $0x0  }
0x86: {  	[sflag:s11] =	ssyncadd.s32 $0xFFFFFF00  }
0x87: {  	_ =	swait.ge [sflag:s12], $0x2C00  }
0x88: {  	[sflag:s12] =	ssyncset.done $0x0  }
0x89: {  	s19 =	sadd.s32 $0x0, s20;
	[sflag:s12] =	ssyncadd.s32 $0xFFFFD400  }
0x8a: {  	[tilespmem:s24], [sflag:$0x2] =	stream.linear.gather [hbm4b:s19+s3], $0x100, $0x38;
	[tilespmem:$0x1A480] =	vst v63  }
0x8b: {  	_ = 	snop  }
0x8c: {  	[tilespmem:s0], [sflag:$0x6] =	stream.indirect.gather [hbm4b:s4+s28], $0x80, s31, s28, $0xb8;
	[tilespmem:$0x1A480] =	vst v63  }
0x8d: {  	_ =	swait.ge [sflag:s1], $0x2C00  }
0x8e: {  	[sflag:s1] =	ssyncset.done $0x0  }
0x8f: {  	s18 =	simm.s32 $0x80;
	[sflag:s1] =	ssyncadd.s32 $0xFFFFD400  }
.LBB2_2:
0x90: {  	[spmem:s2] =	stream.indirect.scatter.add.f32 [tilespmem:s29], [sflag:$0x7], $0x80, s13, s28, $0xb8;
	[tilespmem:$0x1A480] =	vst v63  }
0x91: {  	s19 =	smov.u32 s18  }
0x92: {  	p1 =	sne.s32 s18, $0x1B00;
	s18 =	sadd.s32 $0x80, s18;
	_ =	swait.ge [sflag:s25], $0x100  }
0x93: {  	[sflag:s25] =	ssyncset.done $0x0  }
0x94: {  	[sflag:s25] =	ssyncadd.s32 $0xFFFFFF00  }
0x95: {  	_ =	swait.ge [sflag:s7], $0x2C00  }
0x96: {  	[sflag:s7] =	ssyncset.done $0x0  }
0x97: {  	s15 =	sadd.s32 s19, s23;
	[sflag:s7] =	ssyncadd.s32 $0xFFFFD400  }
0x98: {  	[tilespmem:s26], [sflag:$0x3] =	stream.linear.gather [hbm4b:s15+s3], $0x100, $0x38;
	[tilespmem:$0x1A480] =	vst v63  }
0x99: {  	_ = 	snop  }
0x9a: {  	[tilespmem:s29], [sflag:$0x5] =	stream.indirect.gather [hbm4b:s4+s28], $0x80, s3, s28, $0xb8;
	[tilespmem:$0x1A480] =	vst v63  }
0x9b: {  	_ =	swait.ge [sflag:s8], $0x2C00  }
0x9c: {  	[sflag:s8] =	ssyncset.done $0x0  }
0x9d: {  	[sflag:s8] =	ssyncadd.s32 $0xFFFFD400  }
0x9e: {  	[spmem:s2] =	stream.indirect.scatter.add.f32 [tilespmem:s0], [sflag:$0x8], $0x80, s9, s28, $0xb8;
	[tilespmem:$0x1A480] =	vst v63  }
0x9f: {  	_ =	swait.ge [sflag:s30], $0x100  }
0xa0: {  	[sflag:s30] =	ssyncset.done $0x0  }
0xa1: {  	[sflag:s30] =	ssyncadd.s32 $0xFFFFFF00  }
0xa2: {  	_ =	swait.ge [sflag:s12], $0x2C00  }
0xa3: {  	[sflag:s12] =	ssyncset.done $0x0  }
0xa4: {  	s15 =	sadd.s32 s19, s22;
	[sflag:s12] =	ssyncadd.s32 $0xFFFFD400  }
0xa5: {  	[tilespmem:s31], [sflag:$0x4] =	stream.linear.gather [hbm4b:s15+s3], $0x100, $0x38;
	[tilespmem:$0x1A480] =	vst v63  }
0xa6: {  	_ = 	snop  }
0xa7: {  	[tilespmem:s0], [sflag:$0x6] =	stream.indirect.gather [hbm4b:s4+s28], $0x80, s24, s28, $0xb8;
	[tilespmem:$0x1A480] =	vst v63  }
0xa8: {  	_ =	swait.ge [sflag:s1], $0x2C00  }
0xa9: {  	[sflag:s1] =	ssyncset.done $0x0  }
0xaa: {  	[sflag:s1] =	ssyncadd.s32 $0xFFFFD400  }
0xab: {  	[spmem:s2] =	stream.indirect.scatter.add.f32 [tilespmem:s29], [sflag:$0x7], $0x80, s5, s28, $0xb8;
	[tilespmem:$0x1A480] =	vst v63  }
0xac: {  	_ =	swait.ge [sflag:s6], $0x100  }
0xad: {  	[sflag:s6] =	ssyncset.done $0x0  }
0xae: {  	[sflag:s6] =	ssyncadd.s32 $0xFFFFFF00  }
0xaf: {  	_ =	swait.ge [sflag:s7], $0x2C00  }
0xb0: {  	[sflag:s7] =	ssyncset.done $0x0  }
0xb1: {  	s15 =	sadd.s32 s19, s21;
	[sflag:s7] =	ssyncadd.s32 $0xFFFFD400  }
0xb2: {  	[tilespmem:s3], [sflag:$0x1] =	stream.linear.gather [hbm4b:s15+s3], $0x100, $0x38;
	[tilespmem:$0x1A480] =	vst v63  }
0xb3: {  	_ = 	snop  }
0xb4: {  	[tilespmem:s29], [sflag:$0x5] =	stream.indirect.gather [hbm4b:s4+s28], $0x80, s26, s28, $0xb8;
	[tilespmem:$0x1A480] =	vst v63  }
0xb5: {  	_ =	swait.ge [sflag:s8], $0x2C00  }
0xb6: {  	[sflag:s8] =	ssyncset.done $0x0  }
0xb7: {  	[sflag:s8] =	ssyncadd.s32 $0xFFFFD400  }
0xb8: {  	[spmem:s2] =	stream.indirect.scatter.add.f32 [tilespmem:s0], [sflag:$0x8], $0x80, s10, s28, $0xb8;
	[tilespmem:$0x1A480] =	vst v63  }
0xb9: {  	_ =	swait.ge [sflag:s11], $0x100  }
0xba: {  	[sflag:s11] =	ssyncset.done $0x0  }
0xbb: {  	[sflag:s11] =	ssyncadd.s32 $0xFFFFFF00  }
0xbc: {  	_ =	swait.ge [sflag:s12], $0x2C00  }
0xbd: {  	[sflag:s12] =	ssyncset.done $0x0  }
0xbe: {  	s15 =	sadd.s32 s19, s20;
	[sflag:s12] =	ssyncadd.s32 $0xFFFFD400  }
0xbf: {  	[tilespmem:s24], [sflag:$0x2] =	stream.linear.gather [hbm4b:s15+s3], $0x100, $0x38;
	[tilespmem:$0x1A480] =	vst v63  }
.Ltmp0:
0xc0: {  	(pc) =	sbr.rel @p1 .LBB2_2-.Ltmp0, $4  }
0xc1: {  	[tilespmem:s0], [sflag:$0x6] =	stream.indirect.gather [hbm4b:s4+s28], $0x80, s31, s28, $0xb8;
	[tilespmem:$0x1A480] =	vst v63  }
0xc2: {  	_ =	swait.ge [sflag:s1], $0x2C00  }
0xc3: {  	[sflag:s1] =	ssyncset.done $0x0  }
0xc4: {  	[sflag:s1] =	ssyncadd.s32 $0xFFFFD400  }
0xc5: {  	[spmem:s2] =	stream.indirect.scatter.add.f32 [tilespmem:s29], [sflag:$0x7], $0x80, s13, s28, $0xb8;
	[tilespmem:$0x1A480] =	vst v63  }
0xc6: {  	_ =	swait.ge [sflag:s25], $0x100  }
0xc7: {  	[sflag:s25] =	ssyncset.done $0x0  }
0xc8: {  	[sflag:s25] =	ssyncadd.s32 $0xFFFFFF00  }
0xc9: {  	_ =	swait.ge [sflag:s7], $0x2C00  }
0xca: {  	[sflag:s7] =	ssyncset.done $0x0  }
0xcb: {  	s15 =	rddreg [dreg:$0xd];
	[sflag:s7] =	ssyncadd.s32 $0xFFFFD400  }
0xcc: {  	[tilespmem:s26], [sflag:$0x3] =	stream.linear.gather [hbm4b:s15+s3], $0x100, $0x38;
	[tilespmem:$0x1A480] =	vst v63  }
0xcd: {  	_ = 	snop  }
0xce: {  	[tilespmem:s29], [sflag:$0x5] =	stream.indirect.gather [hbm4b:s4+s28], $0x80, s3, s28, $0xb8;
	[tilespmem:$0x1A480] =	vst v63  }
0xcf: {  	_ =	swait.ge [sflag:s8], $0x2C00  }
0xd0: {  	[sflag:s8] =	ssyncset.done $0x0  }
0xd1: {  	[sflag:s8] =	ssyncadd.s32 $0xFFFFD400  }
0xd2: {  	[spmem:s2] =	stream.indirect.scatter.add.f32 [tilespmem:s0], [sflag:$0x8], $0x80, s9, s28, $0xb8;
	[tilespmem:$0x1A480] =	vst v63  }
0xd3: {  	_ =	swait.ge [sflag:s30], $0x100  }
0xd4: {  	[sflag:s30] =	ssyncset.done $0x0  }
0xd5: {  	[sflag:s30] =	ssyncadd.s32 $0xFFFFFF00  }
0xd6: {  	_ =	swait.ge [sflag:s12], $0x2C00  }
0xd7: {  	[sflag:s12] =	ssyncset.done $0x0  }
0xd8: {  	s18 =	rddreg [dreg:$0xe];
	[sflag:s12] =	ssyncadd.s32 $0xFFFFD400  }
0xd9: {  	[tilespmem:s31], [sflag:$0x4] =	stream.linear.gather [hbm4b:s18+s3], $0x100, $0x38;
	[tilespmem:$0x1A480] =	vst v63  }
0xda: {  	_ = 	snop  }
0xdb: {  	[tilespmem:s0], [sflag:$0x6] =	stream.indirect.gather [hbm4b:s4+s28], $0x80, s24, s28, $0xb8;
	[tilespmem:$0x1A480] =	vst v63  }
0xdc: {  	_ =	swait.ge [sflag:s1], $0x2C00  }
0xdd: {  	[sflag:s1] =	ssyncset.done $0x0  }
0xde: {  	[sflag:s1] =	ssyncadd.s32 $0xFFFFD400  }
0xdf: {  	[spmem:s2] =	stream.indirect.scatter.add.f32 [tilespmem:s29], [sflag:$0x7], $0x80, s5, s28, $0xb8;
	[tilespmem:$0x1A480] =	vst v63  }
0xe0: {  	_ =	swait.ge [sflag:s6], $0x100  }
0xe1: {  	[sflag:s6] =	ssyncset.done $0x0  }
0xe2: {  	[sflag:s6] =	ssyncadd.s32 $0xFFFFFF00  }
0xe3: {  	_ =	swait.ge [sflag:s7], $0x2C00  }
0xe4: {  	[sflag:s7] =	ssyncset.done $0x0  }
0xe5: {  	[sflag:s7] =	ssyncadd.s32 $0xFFFFD400  }
0xe6: {  	[tilespmem:s29], [sflag:$0x5] =	stream.indirect.gather [hbm4b:s4+s28], $0x80, s26, s28, $0xb8;
	[tilespmem:$0x1A480] =	vst v63  }
0xe7: {  	_ =	swait.ge [sflag:s8], $0x2C00  }
0xe8: {  	[sflag:s8] =	ssyncset.done $0x0  }
0xe9: {  	[sflag:s8] =	ssyncadd.s32 $0xFFFFD400  }
0xea: {  	[spmem:s2] =	stream.indirect.scatter.add.f32 [tilespmem:s0], [sflag:$0x8], $0x80, s10, s28, $0xb8;
	[tilespmem:$0x1A480] =	vst v63  }
0xeb: {  	_ =	swait.ge [sflag:s11], $0x100  }
0xec: {  	[sflag:s11] =	ssyncset.done $0x0  }
0xed: {  	[sflag:s11] =	ssyncadd.s32 $0xFFFFFF00  }
0xee: {  	_ =	swait.ge [sflag:s12], $0x2C00  }
0xef: {  	[sflag:s12] =	ssyncset.done $0x0  }
0xf0: {  	[sflag:s12] =	ssyncadd.s32 $0xFFFFD400  }
0xf1: {  	[tilespmem:s0], [sflag:$0x6] =	stream.indirect.gather [hbm4b:s4+s28], $0x80, s31, s28, $0xb8;
	[tilespmem:$0x1A480] =	vst v63  }
0xf2: {  	_ =	swait.ge [sflag:s1], $0x2C00  }
0xf3: {  	[sflag:s1] =	ssyncset.done $0x0  }
0xf4: {  	[sflag:s1] =	ssyncadd.s32 $0xFFFFD400  }
0xf5: {  	[spmem:s2] =	stream.indirect.scatter.add.f32 [tilespmem:s29], [sflag:$0x7], $0x80, s13, s28, $0xb8;
	[tilespmem:$0x1A480] =	vst v63  }
0xf6: {  	_ =	swait.ge [sflag:s8], $0x2C00  }
0xf7: {  	[sflag:s8] =	ssyncset.done $0x0  }
0xf8: {  	[sflag:s8] =	ssyncadd.s32 $0xFFFFD400  }
0xf9: {  	[spmem:s2] =	stream.indirect.scatter.add.f32 [tilespmem:s0], [sflag:$0x8], $0x80, s9, s28, $0xb8;
	[tilespmem:$0x1A480] =	vst v63  }
0xfa: {  	_ =	swait.ge [sflag:s7], $0x2C00  }
0xfb: {  	[sflag:s7] =	ssyncset.done $0x0  }
0xfc: {  	[sflag:s7] =	ssyncadd.s32 $0xFFFFD400  }
0xfd: {  	_ =	swait.ge [sflag:s12], $0x2C00  }
0xfe: {  	[sflag:s12] =	ssyncset.done $0x0  }
0xff: {  	[sflag:s12] =	ssyncadd.s32 $0xFFFFD400  }
0x100: {  	[bflag:$0x0] =	sbarrier.arrive $0xFFFF  }
0x101: {  	s18 =	rddreg [dreg:$0x10]  }
0x102: {  	s15 =	simm.s32 @p0 $0x1FC9;
	s19 =	rddreg [dreg:$0x12]  }
0x103: {  	[hbm:s18], [sflag:s15] =	dma.local @p0 [spmem:s19], $0x2080  }
0x104: {  	s15 =	simm.s32 @p0 $0x9  }
0x105: {  	_ =	swait.ge @p0 [sflag:s15], $0x2080  }
0x106: {  	[sflag:s15] =	ssyncset.done @p0 $0x0  }
0x107: {  	[sflag:s15] =	ssyncadd.s32 @p0 $0xFFFFDF80;
	s15 =	rddreg [dreg:$0xf]  }
0x108: {  	[hbm:s15], [sflag:s16] =	dma.local @!p0 [spmem:s17], $0x2780  }
0x109: {  	s15 =	simm.s32 @!p0 $0x9  }
0x10a: {  	_ =	swait.ge @!p0 [sflag:s15], $0x2780  }
0x10b: {  	s14 =	sadd.s32 $0x1, s14;
	s19 =	rddreg [dreg:$0x11]  }
0x10c: {  	p1 =	sne.s32 s14, s19  }
.Ltmp1:
0x10d: {  	_ = 	snop;
	(pc) =	sbr.rel @p1 .LBB2_1-.Ltmp1, $3  }
0x10e: {  	_ =	sdelay $0x1  }
0x10f: {  	[sflag:s15] =	ssyncset.done @!p0 $0x0  }
0x110: {  	[sflag:s15] =	ssyncadd.s32 @!p0 $0xFFFFD880  }
0x111: {  	_ =	sfence.sel $0x180000  }
0x112: {  	[bflag:$0x0] =	sbarrier.arrive $0xFFFF  }
0x113: {  	_ =	strace $0x9000004A  }
0x114: {  	s0 =	stileid.u32;
	[bflag:$0x2] =	sbarrier.arrive $0xFFFF  }
0x115: {  	p0 =	sne.s32 s0, $0x0;
	s0 =	rddreg [dreg:$0x2]  }
0x116: {  	s0 =	sadd.s32 @!p0 $0x100000, s0  }
0x117: {  	[sflag:s0] =	ssyncadd.tile.s32 @!p0 $0x1;
	_ =	shalt  }
.Lfunc_end2:
_tile_overlayer_lowered:
.L_overlay_start_2:
0x118: {  	(tag) =	ssettag $0x2  }
0x119: {  	s0 =	rddreg [dreg:$0x0];
	s2 =	stileid.u32  }
0x11a: {  	s1 =	rddreg [dreg:$0x1];
	p0 =	sne.s32 s2, $0x0  }
0x11b: {  	s3 =	rddreg [dreg:$0x2];
	[bflag:$0x3] =	sbarrier.arrive $0xFFFF;
	s2 =	simm.s32 @!p0 $0x1C09  }
0x11c: {  	[timem:s3], [sflag:s2] =	dma.local @!p0 [hbm:s0], s1  }
0x11d: {  	s0 =	simm.s32 @!p0 $0x9  }
0x11e: {  	_ =	swait.ge @!p0 [sflag:s0], s1  }
0x11f: {  	s1 =	ssub.s32 @!p0 $0x0, s1;
	[sflag:s0] =	ssyncset.done @!p0 $0x0  }
0x120: {  	[sflag:s0] =	ssyncadd.s32 @!p0 s1  }
0x121: {  	[bflag:$0x3] =	sbarrier.arrive $0xFFFF  }
0x122: {  	_ =	shalt  }

// kernel: kernel.15.cloned.1.call-start
scs
__scs_entry_jumppad:
0x0: {  	(pc) =	sbr.rel $0x88, $3  }
0x1: {  	(tag) =	ssettag $0x0;
	lr =	simm.s32 $0x1  }
0x2: {  	[smem:$0x3F90] =	sst lr;
	_ =	strace $0xD0000000  }
0x3: {  	_ = 	snop  }
0x4: {  	_ = 	snop  }
0x5: {  	_ = 	snop  }
0x6: {  	_ = 	snop  }
0x7: {  	_ = 	snop  }
__scs_overlays_trampoline_lowered:
0x8: {  	[smem:$0x3F9F] =	sst s0  }
0x9: {  	[smem:$0x3FA0] =	sst s1  }
0xa: {  	[smem:$0x3FA1] =	sst s2  }
0xb: {  	[smem:$0x3FA2] =	sst s3  }
0xc: {  	[smem:$0x3FA3] =	sst s4  }
0xd: {  	[smem:$0x3FA4] =	sst s5  }
0xe: {  	[smem:$0x3FA5] =	sst s6  }
0xf: {  	[smem:$0x3FA6] =	sst s7  }
0x10: {  	[smem:$0x3FA7] =	sst s8  }
0x11: {  	[smem:$0x3FA8] =	sst s9;
	s0 =	simm.s32 @!p0 $0x0  }
0x12: {  	s1 =	sld [smem:$0x3F8E];
	s0 =	simm.s32 @p0 $0x1  }
0x13: {  	[smem:$0x3FA9] =	sst s0;
	s0 =	simm.s32 @!p1 $0x0  }
0x14: {  	s2 =	sld [smem:$0x3F8D];
	s0 =	simm.s32 @p1 $0x1  }
0x15: {  	[smem:$0x3FAA] =	sst s0;
	s0 =	simm.s32 @!p2 $0x0  }
0x16: {  	s3 =	sld [smem:$0x3FDB];
	s0 =	simm.s32 @p2 $0x1  }
0x17: {  	s4 =	simm.s32 $0x1BF5;
	[smem:$0x3FAC] =	sst s0  }
0x18: {  	s0 =	sld [smem:$0x3F8F];
	_ =	swait.ge [sflag:s4], $0x0  }
0x19: {  	s7 =	sld [smem:$0x3F90]  }
0x1a: {  	s8 =	sadd.s32 $0xFFFFE003, lr  }
0x1b: {  	s9 =	sadd.s32 $0xFFFFFEF7, lr;
	s5 =	simm.s32 $0xFFFFFFFF;
	p2 =	slt.u32 s8, $0xFFFFF086  }
0x1c: {  	p1 =	slt.u32 s9, $0xF7A;
	s5 =	simm.s32 @!p2 $0x0  }
0x1d: {  	s5 =	simm.s32 @p1 $0x1;
	p0 =	seq.s32 s7, s2  }
0x1e: {  	s7 =	smul.u32 @!p0 $0xF7A, s2;
	p2 =	seq.s32 @!p0 s5, $0x0  }
0x1f: {  	s9 =	smul.u32 $0xF7A, s1;
	s8 =	simm.s32 @!p0 $0x1BF5;
	p2 =	por !p2, p0  }
0x20: {  	[sflag:s8] =	ssyncset.s32 @!p0 $0xFFFFF086;
	s6 =	sadd.s32 @!p0 s3, s7;
	s7 =	simm.s32 @!p0 $0x108  }
0x21: {  	s3 =	sadd.s32 s3, s9;
	s6 =	sadd.s32 @!p0 $0x88, s6;
	s7 =	simm.s32 @p2 $0x1082  }
0x22: {  	[simem:s7], [sflag:s8] =	dma.local @!p0 [hbm:s6], $0xF7A  }
0x23: {  	s9 =	sor.u32 $0xD0000000, s2;
	s6 =	simm.s32 $0x108;
	_ =	swait.ge @!p0 [sflag:s8], $0x0  }
0x24: {  	s3 =	sadd.s32 $0x88, s3;
	s6 =	simm.s32 @!p1 $0x1082;
	[sflag:s4] =	ssyncset.s32 $0xFFFFF086  }
0x25: {  	[simem:s6], [sflag:s4] =	dma.local [hbm:s3], $0xF7A  }
0x26: {  	[smem:$0x3F90] =	sst s1;
	(tag) =	ssettag s2;
	_ =	strace s9  }
0x27: {  	s1 =	sld [smem:$0x3FA0]  }
0x28: {  	s2 =	sld [smem:$0x3FA1]  }
0x29: {  	s4 =	sld [smem:$0x3FA3]  }
0x2a: {  	p0 =	seq.s32 s5, $0x0;
	s5 =	sld [smem:$0x3FA4]  }
0x2b: {  	s6 =	sld [smem:$0x3FA5]  }
0x2c: {  	s7 =	sld [smem:$0x3FA6]  }
0x2d: {  	s3 =	simm.s32 $0x108;
	s8 =	sld [smem:$0x3FA7]  }
0x2e: {  	s3 =	simm.s32 @!p0 $0x1082;
	s9 =	sld [smem:$0x3FA8]  }
0x2f: {  	lr =	sadd.s32 s0, s3;
	s0 =	sld [smem:$0x3F9F]  }
0x30: {  	s3 =	sld [smem:$0x3FA2]  }
0x31: {  	[smem:$0x3FAB] =	sst s10  }
0x32: {  	s10 =	sld [smem:$0x3FA9];
	_ =	sdelay $0x3  }
0x33: {  	p0 =	seq.s32 s10, $0x1;
	s10 =	sld [smem:$0x3FAB];
	_ =	sdelay $0x3  }
0x34: {  	[smem:$0x3FAB] =	sst s10  }
0x35: {  	s10 =	sld [smem:$0x3FAA];
	_ =	sdelay $0x3  }
0x36: {  	p1 =	seq.s32 s10, $0x1;
	s10 =	sld [smem:$0x3FAB];
	_ =	sdelay $0x3  }
0x37: {  	[smem:$0x3FAB] =	sst s10  }
0x38: {  	s10 =	sld [smem:$0x3FAC]  }
0x39: {  	_ = 	snop;
	(pc) =	sbr.ind lr, $3  }
0x3a: {  	_ = 	snop  }
0x3b: {  	_ = 	snop  }
0x3c: {  	p2 =	seq.s32 s10, $0x1;
	s10 =	sld [smem:$0x3FAB]  }
0x3d: {  	_ =	shalt  }
0x3e: {  	_ =	shalt  }
0x3f: {  	_ =	shalt  }
0x40: {  	_ =	shalt  }
0x41: {  	_ =	shalt  }
0x42: {  	_ =	shalt  }
0x43: {  	_ =	shalt  }
0x44: {  	_ =	shalt  }
0x45: {  	_ =	shalt  }
0x46: {  	_ =	shalt  }
0x47: {  	_ =	shalt  }
0x48: {  	_ =	shalt  }
0x49: {  	_ =	shalt  }
0x4a: {  	_ =	shalt  }
0x4b: {  	_ =	shalt  }
0x4c: {  	_ =	shalt  }
0x4d: {  	_ =	shalt  }
0x4e: {  	_ =	shalt  }
0x4f: {  	_ =	shalt  }
0x50: {  	_ =	shalt  }
0x51: {  	_ =	shalt  }
0x52: {  	_ =	shalt  }
0x53: {  	_ =	shalt  }
0x54: {  	_ =	shalt  }
0x55: {  	_ =	shalt  }
0x56: {  	_ =	shalt  }
0x57: {  	_ =	shalt  }
0x58: {  	_ =	shalt  }
0x59: {  	_ =	shalt  }
0x5a: {  	_ =	shalt  }
0x5b: {  	_ =	shalt  }
0x5c: {  	_ =	shalt  }
0x5d: {  	_ =	shalt  }
0x5e: {  	_ =	shalt  }
0x5f: {  	_ =	shalt  }
0x60: {  	_ =	shalt  }
0x61: {  	_ =	shalt  }
0x62: {  	_ =	shalt  }
0x63: {  	_ =	shalt  }
0x64: {  	_ =	shalt  }
0x65: {  	_ =	shalt  }
0x66: {  	_ =	shalt  }
0x67: {  	_ =	shalt  }
0x68: {  	_ =	shalt  }
0x69: {  	_ =	shalt  }
0x6a: {  	_ =	shalt  }
0x6b: {  	_ =	shalt  }
0x6c: {  	_ =	shalt  }
0x6d: {  	_ =	shalt  }
0x6e: {  	_ =	shalt  }
0x6f: {  	_ =	shalt  }
0x70: {  	_ =	shalt  }
0x71: {  	_ =	shalt  }
0x72: {  	_ =	shalt  }
0x73: {  	_ =	shalt  }
0x74: {  	_ =	shalt  }
0x75: {  	_ =	shalt  }
0x76: {  	_ =	shalt  }
0x77: {  	_ =	shalt  }
0x78: {  	_ =	shalt  }
0x79: {  	_ =	shalt  }
0x7a: {  	_ =	shalt  }
0x7b: {  	_ =	shalt  }
0x7c: {  	_ =	shalt  }
0x7d: {  	_ =	shalt  }
0x7e: {  	_ =	shalt  }
0x7f: {  	_ =	shalt  }
0x80: {  	_ =	shalt  }
0x81: {  	_ =	shalt  }
0x82: {  	_ =	shalt  }
0x83: {  	_ =	shalt  }
0x84: {  	_ =	shalt  }
0x85: {  	_ =	shalt  }
0x86: {  	_ =	shalt  }
0x87: {  	_ =	shalt  }
.Lfunc_end0:
.L_simem_size_0:
called_computation.2_lowered:
.L_overlay_start_0:
0x88: {  	s2 =	sld [smem:$0x3FD9]  }
0x89: {  	s3 =	sld [smem:$0x3FFE];
	_ =	sdelay $0x1  }
0x8a: {  	s1 =	srdreg.scid  }
0x8b: {  	s0 =	sand.u32 $0x1, s1  }
0x8c: {  	s16 =	sshll.u32 s0, $0xA;
	s2 =	sadd.s32 s3, s2  }
0x8d: {  	s2 =	sadd.s32 s2, s16  }
0x8e: {  	[smem:$0x3FB7] =	sst s2  }
0x8f: {  	_ = 	snop  }
0x90: {  	(tm) =	ssettm $0x1  }
0x91: {  	s17 =	sld [smem:$0x3FFB];
	_ =	sdelay $0x3  }
0x92: {  	_ =	strace s17  }
0x93: {  	s2 =	sld [smem:$0x3FFC];
	_ =	sdelay $0x3  }
0x94: {  	_ =	strace s2  }
0x95: {  	s2 =	sld [smem:$0x3FFD];
	_ =	sdelay $0x3  }
0x96: {  	_ =	strace s2  }
0x97: {  	_ =	strace $0x8FFFFFFF  }
0x98: {  	s18 =	sld [smem:$0x3FDB];
	_ =	sdelay $0x1  }
0x99: {  	s19 =	simm.s32 $_scs_section_size  }
0x9a: {  	s4 =	simm.s32 $_size__tile_overlayer_lowered;
	s5 =	simm.s32 $_tile_overlayer_lowered  }
0x9b: {  	s22 =	simm.s32 $0x1BFF;
	s21 =	sshll.u32 s5, $0x1;
	s2 =	sadd.s32 s19, s18  }
0x9c: {  	s6 =	simm.s32 $0x0;
	s20 =	sshll.u32 s4, $0x1;
	s4 =	sadd.s32 s21, s2  }
0x9d: {  	[timem:s6], [sflag:s22] =	dma.local [hbm:s4], s20  }
0x9e: {  	_ =	swait.ge [sflag:s22], s20  }
0x9f: {  	s3 =	ssub.s32 $0x0, s20;
	[sflag:s22] =	ssyncset.done $0x0  }
0xa0: {  	[sflag:s22] =	ssyncadd.s32 s3;
	_ =	sdelay $0x1  }
0xa1: {  	s23 =	simm.s32 $0x1B8B  }
0xa2: {  	_ =	swait.ge [sflag:s23], $0x1  }
0xa3: {  	[sflag:s23] =	ssyncset.done $0x0  }
0xa4: {  	s25 =	simm.s32 $0x1B8E;
	s24 =	sld [smem:$0x3FFE];
	[sflag:s23] =	ssyncadd.s32 $0xFFFFFFFF  }
0xa5: {  	s26 =	simm.s32 $execute0_lowered;
	[smem:$0x3FD2] =	sst s25  }
0xa6: {  	s4 =	sshll.u32 s26, $0x1;
	_ =	strace $0x8000004C;
	[dreg:$0x1] =	wrdreg $0xFFFFFFFF  }
0xa7: {  	s28 =	simm.s32 $_size_execute0_lowered;
	s2 =	sadd.s32 s2, s4;
	[dreg:$0x0] =	wrdreg $0x0  }
0xa8: {  	s4 =	sshll.u32 s28, $0x1;
	[dreg:$0x2] =	wrdreg s2  }
0xa9: {  	[dreg:$0x3] =	wrdreg s4  }
0xaa: {  	[dreg:$0x4] =	wrdreg $0xC0  }
0xab: {  	_ =	task [dreg:s6], $0x5FFFF  }
0xac: {  	[dreg:$0x1] =	wrdreg $0xFFFFFFFF  }
0xad: {  	[dreg:$0x0] =	wrdreg $0x60  }
0xae: {  	[dreg:$0x2] =	wrdreg s24  }
0xaf: {  	[dreg:$0x3] =	wrdreg $0x5C000  }
0xb0: {  	[dreg:$0x4] =	wrdreg $0x9  }
0xb1: {  	_ =	task.clear_ibuf [dreg:s6], $0x5FFFF;
	_ =	strace $0x9000004C  }
0xb2: {  	s29 =	simm.s32 $0x9;
	_ =	strace $0x8000004E  }
0xb3: {  	_ =	swait.ge [sflag:s29], $0x1  }
0xb4: {  	[sflag:s29] =	ssyncadd.s32 $0xFFFFFFFF  }
0xb5: {  	_ =	strace $0x9000004E  }
0xb6: {  	_ =	sfence  }
0xb7: {  	s30 =	sld [smem:$0x0];
	_ =	sdelay $0x2  }
0xb8: {  	s31 =	sshll.u32 s1, $0xD;
	s1 =	sshrl.u32 s1, $0x2  }
0xb9: {  	s3 =	sand.u32 $0x4000, s31;
	s1 =	sadd.s32 s1, s30  }
0xba: {  	s0 =	sor.u32 s3, s0;
	s1 =	sshll.u32 s1, $0x11  }
0xbb: {  	s0 =	sor.u32 s1, s0  }
0xbc: {  	s0 =	sadd.s32 $0x8F2B, s0  }
0xbd: {  	[sflag:s0] =	ssyncadd.remote.s32 $0x1  }
0xbe: {  	_ =	sfence.sel $0xFFFF  }
0xbf: {  	[dreg:$0x0] =	wrdreg $0xFFFFFFFF;
	(pc) =	sbr.abs _section_cstart, $3  }
0xc0: {  	[dreg:$0x1] =	wrdreg $0xFFFFFFFF  }
0xc1: {  	_ =	task.clear_ibuf [dreg:s6], $0x2FFFF;
	_ =	strace $0x9FFFFFFF  }
0xc2: {  	(tm) =	ssettm $0x7FFFFFFF  }
0xc3: {  	_ =	shalt  }
tec
execute0_lowered:
.L_overlay_start_1:
0x0: {  	(tag) =	ssettag $0x1  }
0x1: {  	s0 =	rddreg [dreg:$0x0]  }
0x2: {  	s2 =	rddreg [dreg:$0x1]  }
0x3: {  	s3 =	simm.s32 $0x0;
	s14 =	stileid.u32;
	s5 =	srdreg.scid  }
0x4: {  	s28 =	simm.s32 $0x58;
	s29 =	simm.s32 $0x400;
	s30 =	simm.s32 $0x2  }
0x5: {  	s31 =	simm.s32 $0x300;
	[smem:$0x7FF] =	sst s3;
	s1 =	smul.u32 $0x2780, s14  }
0x6: {  	s4 =	sadd.s32 $0x3C800, s0;
	s6 =	sadd.s32 $0x3800, s0;
	s5 =	sand.u32 $0x1, s5  }
0x7: {  	s9 =	smul.u32 $0x4F000, s14;
	s10 =	sadd.s32 $0xB1C00, s0;
	s13 =	sadd.s32 $0x128400, s2  }
0x8: {  	s15 =	sadd.s32 $0xAFA80, s0;
	s21 =	smul.u32 $0xE4, s14;
	p0 =	seq.s32 s14, $0xF  }
0x9: {  	_ =	strace $0x8000004D;
	s8 =	ssub.s32 $0x2, s5;
	s17 =	smul.u32 $0x27100, s5  }
0xa: {  	s12 =	sshll.u32 s5, $0x4;
	[dreg:$0x5] =	wrdreg s13;
	s18 =	smul.u32 $0x138800, s5  }
0xb: {  	[dreg:$0x6] =	wrdreg s15;
	s5 =	smul.u32 $0xE40, s5;
	s7 =	sadd.s32 s1, s0  }
0xc: {  	s11 =	sshrl.u32 s8, $0x1;
	s25 =	sor.u32 s14, s12;
	s9 =	sshrl.u32 s9, $0x2  }
0xd: {  	s14 =	simm.s32 $0x0;
	s8 =	ssub.s32 s8, s11;
	s26 =	smul.u32 $0x1C80, s25  }
0xe: {  	s9 =	sadd.s32 s9, s2;
	s7 =	sadd.s32 $0x8AA00, s7;
	s11 =	smul.u32 $0xE400, s25  }
0xf: {  	s1 =	sadd.s32 s1, s17;
	s23 =	sshrl.u32 s18, $0x3;
	[dreg:$0x3] =	wrdreg s9  }
0x10: {  	s5 =	sadd.s32 s21, s5;
	[dreg:$0x4] =	wrdreg s7;
	s9 =	sadd.s32 $0x3820, s0  }
0x11: {  	s0 =	sadd.s32 $0x3860, s0;
	s1 =	sadd.s32 s10, s1;
	s24 =	sadd.s32 s10, s23  }
0x12: {  	s25 =	smax.u32 s8, $0x1;
	s8 =	simm.s32 $0x6;
	s10 =	simm.s32 $0x180  }
0x13: {  	s16 =	sadd.s32 s6, s26;
	s13 =	sadd.s32 s26, s9;
	[dreg:$0xf] =	wrdreg s1  }
0x14: {  	s11 =	sshrl.u32 s11, $0x3;
	s7 =	sadd.s32 s26, s0;
	[dreg:$0x11] =	wrdreg s25  }
0x15: {  	s1 =	sadd.s32 $0x25080, s24;
	s26 =	sshll.u32 s5, $0x5;
	[dreg:$0x8] =	wrdreg s13  }
0x16: {  	s24 =	simm.s32 $0x100;
	s25 =	simm.s32 $0x1;
	[dreg:$0x7] =	wrdreg s16  }
0x17: {  	s12 =	sadd.s32 $0x40, s16;
	s11 =	sadd.s32 s6, s11;
	[dreg:$0xa] =	wrdreg s7  }
0x18: {  	[dreg:$0x10] =	wrdreg s1;
	s5 =	sadd.s32 s9, s26;
	s6 =	sadd.s32 s6, s26  }
0x19: {  	s0 =	sadd.s32 s0, s26;
	s26 =	simm.s32 $0x200;
	s1 =	simm.s32 $0x5  }
0x1a: {  	s7 =	simm.s32 $0x7;
	s13 =	simm.s32 $0x280;
	s9 =	simm.s32 $0x380  }
0x1b: {  	[dreg:$0x9] =	wrdreg s12;
	s19 =	sadd.s32 $0x80, s11;
	s20 =	sadd.s32 $0xA0, s11  }
0x1c: {  	s22 =	sadd.s32 $0x1C40, s11;
	s11 =	sadd.s32 $0x1C60, s11;
	[dreg:$0xb] =	wrdreg s19  }
0x1d: {  	s21 =	sadd.s32 $0x100, s6;
	s23 =	sadd.s32 $0xC0, s6;
	[dreg:$0xc] =	wrdreg s20  }
0x1e: {  	s6 =	simm.s32 $0x3;
	s12 =	simm.s32 $0x8;
	[dreg:$0xd] =	wrdreg s22  }
0x1f: {  	[dreg:$0xe] =	wrdreg s11;
	s20 =	sadd.s32 $0x100, s5;
	s22 =	sadd.s32 $0x80, s0  }
0x20: {  	s0 =	simm.s32 $0x3000;
	s5 =	simm.s32 $0x80;
	s11 =	simm.s32 $0x4  }
.LBB2_1:
0x21: {  	s15 =	rddreg [dreg:$0x5]  }
0x22: {  	s17 =	sshrl.u32 @p0 s15, $0x3;
	s15 =	rddreg [dreg:$0x6]  }
0x23: {  	s16 =	simm.s32 @p0 $0x1FC9;
	[dreg:$0x12] =	wrdreg s17  }
0x24: {  	[spmem:s17], [sflag:s16] =	dma.local @p0 [hbm:s15], $0x2080  }
0x25: {  	s16 =	simm.s32 @p0 $0x9  }
0x26: {  	_ =	swait.ge @p0 [sflag:s16], $0x2080  }
0x27: {  	s18 =	simm.s32 @!p0 $0x9;
	s15 =	stileid.u32;
	[sflag:s16] =	ssyncset.done @p0 $0x0  }
0x28: {  	s17 =	sshll.u32 @!p0 s15, $0x6;
	s15 =	rddreg [dreg:$0x3];
	[sflag:s16] =	ssyncadd.s32 @p0 $0xFFFFDF80  }
0x29: {  	s16 =	sor.u32 @!p0 $0x1C09, s17;
	s17 =	sshrl.u32 @!p0 s15, $0x3;
	s15 =	rddreg [dreg:$0x4]  }
0x2a: {  	[spmem:s17], [sflag:s16] =	dma.local @!p0 [hbm:s15], $0x2780  }
0x2b: {  	_ =	swait.ge @!p0 [sflag:s18], $0x2780  }
0x2c: {  	[sflag:s18] =	ssyncset.done @!p0 $0x0  }
0x2d: {  	[sflag:s18] =	ssyncadd.s32 @!p0 $0xFFFFD880  }
0x2e: {  	[bflag:$0x0] =	sbarrier.arrive $0xFFFF  }
0x2f: {  	s18 =	rddreg [dreg:$0x7]  }
0x30: {  	[tilespmem:s3], [sflag:$0x1] =	stream.linear.gather [hbm4b:s18+s3], $0x100, $0x38;
	[tilespmem:$0x1A480] =	vst v63  }
0x31: {  	s19 =	rddreg [dreg:$0x8]  }
0x32: {  	[tilespmem:s24], [sflag:$0x2] =	stream.linear.gather [hbm4b:s19+s3], $0x100, $0x38;
	[tilespmem:$0x1A480] =	vst v63  }
0x33: {  	_ =	swait.ge [sflag:s25], $0x100  }
0x34: {  	[sflag:s25] =	ssyncset.done $0x0  }
0x35: {  	s18 =	rddreg [dreg:$0x9];
	[sflag:s25] =	ssyncadd.s32 $0xFFFFFF00  }
0x36: {  	[tilespmem:s26], [sflag:$0x3] =	stream.linear.gather [hbm4b:s18+s3], $0x100, $0x38;
	[tilespmem:$0x1A480] =	vst v63  }
0x37: {  	_ = 	snop  }
0x38: {  	[tilespmem:s29], [sflag:$0x5] =	stream.indirect.gather [hbm4b:s4+s28], $0x80, s3, s28, $0xb8;
	[tilespmem:$0x1A480] =	vst v63  }
0x39: {  	_ =	swait.ge [sflag:s30], $0x100  }
0x3a: {  	[sflag:s30] =	ssyncset.done $0x0  }
0x3b: {  	s19 =	rddreg [dreg:$0xa];
	[sflag:s30] =	ssyncadd.s32 $0xFFFFFF00  }
0x3c: {  	[tilespmem:s31], [sflag:$0x4] =	stream.linear.gather [hbm4b:s19+s3], $0x100, $0x38;
	[tilespmem:$0x1A480] =	vst v63  }
0x3d: {  	_ = 	snop  }
0x3e: {  	[tilespmem:s0], [sflag:$0x6] =	stream.indirect.gather [hbm4b:s4+s28], $0x80, s24, s28, $0xb8;
	[tilespmem:$0x1A480] =	vst v63  }
0x3f: {  	_ =	swait.ge [sflag:s1], $0x2C00  }
0x40: {  	[sflag:s1] =	ssyncset.done $0x0  }
0x41: {  	[sflag:s1] =	ssyncadd.s32 $0xFFFFD400  }
0x42: {  	[spmem:s2] =	stream.indirect.scatter.add.f32 [tilespmem:s29], [sflag:$0x7], $0x80, s5, s28, $0xb8;
	[tilespmem:$0x1A480] =	vst v63  }
0x43: {  	_ =	swait.ge [sflag:s6], $0x100  }
0x44: {  	[sflag:s6] =	ssyncset.done $0x0  }
0x45: {  	[sflag:s6] =	ssyncadd.s32 $0xFFFFFF00  }
0x46: {  	_ =	swait.ge [sflag:s7], $0x2C00  }
0x47: {  	[sflag:s7] =	ssyncset.done $0x0  }
0x48: {  	s18 =	rddreg [dreg:$0xb];
	[sflag:s7] =	ssyncadd.s32 $0xFFFFD400  }
0x49: {  	[tilespmem:s3], [sflag:$0x1] =	stream.linear.gather [hbm4b:s18+s3], $0x100, $0x38;
	[tilespmem:$0x1A480] =	vst v63  }
0x4a: {  	_ = 	snop  }
0x4b: {  	[tilespmem:s29], [sflag:$0x5] =	stream.indirect.gather [hbm4b:s4+s28], $0x80, s26, s28, $0xb8;
	[tilespmem:$0x1A480] =	vst v63  }
0x4c: {  	_ =	swait.ge [sflag:s8], $0x2C00  }
0x4d: {  	[sflag:s8] =	ssyncset.done $0x0  }
0x4e: {  	[sflag:s8] =	ssyncadd.s32 $0xFFFFD400  }
0x4f: {  	[spmem:s2] =	stream.indirect.scatter.add.f32 [tilespmem:s0], [sflag:$0x8], $0x80, s10, s28, $0xb8;
	[tilespmem:$0x1A480] =	vst v63  }
0x50: {  	_ =	swait.ge [sflag:s11], $0x100  }
0x51: {  	[sflag:s11] =	ssyncset.done $0x0  }
0x52: {  	[sflag:s11] =	ssyncadd.s32 $0xFFFFFF00  }
0x53: {  	_ =	swait.ge [sflag:s12], $0x2C00  }
0x54: {  	[sflag:s12] =	ssyncset.done $0x0  }
0x55: {  	s19 =	rddreg [dreg:$0xc];
	[sflag:s12] =	ssyncadd.s32 $0xFFFFD400  }
0x56: {  	[tilespmem:s24], [sflag:$0x2] =	stream.linear.gather [hbm4b:s19+s3], $0x100, $0x38;
	[tilespmem:$0x1A480] =	vst v63  }
0x57: {  	_ = 	snop  }
0x58: {  	[tilespmem:s0], [sflag:$0x6] =	stream.indirect.gather [hbm4b:s4+s28], $0x80, s31, s28, $0xb8;
	[tilespmem:$0x1A480] =	vst v63  }
0x59: {  	_ =	swait.ge [sflag:s1], $0x2C00  }
0x5a: {  	[sflag:s1] =	ssyncset.done $0x0  }
0x5b: {  	[sflag:s1] =	ssyncadd.s32 $0xFFFFD400  }
0x5c: {  	[spmem:s2] =	stream.indirect.scatter.add.f32 [tilespmem:s29], [sflag:$0x7], $0x80, s13, s28, $0xb8;
	[tilespmem:$0x1A480] =	vst v63  }
0x5d: {  	_ =	swait.ge [sflag:s25], $0x100  }
0x5e: {  	[sflag:s25] =	ssyncset.done $0x0  }
0x5f: {  	[sflag:s25] =	ssyncadd.s32 $0xFFFFFF00  }
0x60: {  	_ =	swait.ge [sflag:s7], $0x2C00  }
0x61: {  	[sflag:s7] =	ssyncset.done $0x0  }
0x62: {  	s15 =	sadd.s32 $0x0, s23;
	[sflag:s7] =	ssyncadd.s32 $0xFFFFD400  }
0x63: {  	[tilespmem:s26], [sflag:$0x3] =	stream.linear.gather [hbm4b:s15+s3], $0x100, $0x38;
	[tilespmem:$0x1A480] =	vst v63  }
0x64: {  	_ = 	snop  }
0x65: {  	[tilespmem:s29], [sflag:$0x5] =	stream.indirect.gather [hbm4b:s4+s28], $0x80, s3, s28, $0xb8;
	[tilespmem:$0x1A480] =	vst v63  }
0x66: {  	_ =	swait.ge [sflag:s8], $0x2C00  }
0x67: {  	[sflag:s8] =	ssyncset.done $0x0  }
0x68: {  	[sflag:s8] =	ssyncadd.s32 $0xFFFFD400  }
0x69: {  	[spmem:s2] =	stream.indirect.scatter.add.f32 [tilespmem:s0], [sflag:$0x8], $0x80, s9, s28, $0xb8;
	[tilespmem:$0x1A480] =	vst v63  }
0x6a: {  	_ =	swait.ge [sflag:s30], $0x100  }
0x6b: {  	[sflag:s30] =	ssyncset.done $0x0  }
0x6c: {  	[sflag:s30] =	ssyncadd.s32 $0xFFFFFF00  }
0x6d: {  	_ =	swait.ge [sflag:s12], $0x2C00  }
0x6e: {  	[sflag:s12] =	ssyncset.done $0x0  }
0x6f: {  	s19 =	sadd.s32 $0x0, s22;
	[sflag:s12] =	ssyncadd.s32 $0xFFFFD400  }
0x70: {  	[tilespmem:s31], [sflag:$0x4] =	stream.linear.gather [hbm4b:s19+s3], $0x100, $0x38;
	[tilespmem:$0x1A480] =	vst v63  }
0x71: {  	_ = 	snop  }
0x72: {  	[tilespmem:s0], [sflag:$0x6] =	stream.indirect.gather [hbm4b:s4+s28], $0x80, s24, s28, $0xb8;
	[tilespmem:$0x1A480] =	vst v63  }
0x73: {  	_ =	swait.ge [sflag:s1], $0x2C00  }
0x74: {  	[sflag:s1] =	ssyncset.done $0x0  }
0x75: {  	[sflag:s1] =	ssyncadd.s32 $0xFFFFD400  }
0x76: {  	[spmem:s2] =	stream.indirect.scatter.add.f32 [tilespmem:s29], [sflag:$0x7], $0x80, s5, s28, $0xb8;
	[tilespmem:$0x1A480] =	vst v63  }
0x77: {  	_ =	swait.ge [sflag:s6], $0x100  }
0x78: {  	[sflag:s6] =	ssyncset.done $0x0  }
0x79: {  	[sflag:s6] =	ssyncadd.s32 $0xFFFFFF00  }
0x7a: {  	_ =	swait.ge [sflag:s7], $0x2C00  }
0x7b: {  	[sflag:s7] =	ssyncset.done $0x0  }
0x7c: {  	s15 =	sadd.s32 $0x0, s21;
	[sflag:s7] =	ssyncadd.s32 $0xFFFFD400  }
0x7d: {  	[tilespmem:s3], [sflag:$0x1] =	stream.linear.gather [hbm4b:s15+s3], $0x100, $0x38;
	[tilespmem:$0x1A480] =	vst v63  }
0x7e: {  	_ = 	snop  }
0x7f: {  	[tilespmem:s29], [sflag:$0x5] =	stream.indirect.gather [hbm4b:s4+s28], $0x80, s26, s28, $0xb8;
	[tilespmem:$0x1A480] =	vst v63  }
0x80: {  	_ =	swait.ge [sflag:s8], $0x2C00  }
0x81: {  	[sflag:s8] =	ssyncset.done $0x0  }
0x82: {  	[sflag:s8] =	ssyncadd.s32 $0xFFFFD400  }
0x83: {  	[spmem:s2] =	stream.indirect.scatter.add.f32 [tilespmem:s0], [sflag:$0x8], $0x80, s10, s28, $0xb8;
	[tilespmem:$0x1A480] =	vst v63  }
0x84: {  	_ =	swait.ge [sflag:s11], $0x100  }
0x85: {  	[sflag:s11] =	ssyncset.done $0x0  }
0x86: {  	[sflag:s11] =	ssyncadd.s32 $0xFFFFFF00  }
0x87: {  	_ =	swait.ge [sflag:s12], $0x2C00  }
0x88: {  	[sflag:s12] =	ssyncset.done $0x0  }
0x89: {  	s19 =	sadd.s32 $0x0, s20;
	[sflag:s12] =	ssyncadd.s32 $0xFFFFD400  }
0x8a: {  	[tilespmem:s24], [sflag:$0x2] =	stream.linear.gather [hbm4b:s19+s3], $0x100, $0x38;
	[tilespmem:$0x1A480] =	vst v63  }
0x8b: {  	_ = 	snop  }
0x8c: {  	[tilespmem:s0], [sflag:$0x6] =	stream.indirect.gather [hbm4b:s4+s28], $0x80, s31, s28, $0xb8;
	[tilespmem:$0x1A480] =	vst v63  }
0x8d: {  	_ =	swait.ge [sflag:s1], $0x2C00  }
0x8e: {  	[sflag:s1] =	ssyncset.done $0x0  }
0x8f: {  	s18 =	simm.s32 $0x80;
	[sflag:s1] =	ssyncadd.s32 $0xFFFFD400  }
.LBB2_2:
0x90: {  	[spmem:s2] =	stream.indirect.scatter.add.f32 [tilespmem:s29], [sflag:$0x7], $0x80, s13, s28, $0xb8;
	[tilespmem:$0x1A480] =	vst v63  }
0x91: {  	s19 =	smov.u32 s18  }
0x92: {  	p1 =	sne.s32 s18, $0x1B00;
	s18 =	sadd.s32 $0x80, s18;
	_ =	swait.ge [sflag:s25], $0x100  }
0x93: {  	[sflag:s25] =	ssyncset.done $0x0  }
0x94: {  	[sflag:s25] =	ssyncadd.s32 $0xFFFFFF00  }
0x95: {  	_ =	swait.ge [sflag:s7], $0x2C00  }
0x96: {  	[sflag:s7] =	ssyncset.done $0x0  }
0x97: {  	s15 =	sadd.s32 s19, s23;
	[sflag:s7] =	ssyncadd.s32 $0xFFFFD400  }
0x98: {  	[tilespmem:s26], [sflag:$0x3] =	stream.linear.gather [hbm4b:s15+s3], $0x100, $0x38;
	[tilespmem:$0x1A480] =	vst v63  }
0x99: {  	_ = 	snop  }
0x9a: {  	[tilespmem:s29], [sflag:$0x5] =	stream.indirect.gather [hbm4b:s4+s28], $0x80, s3, s28, $0xb8;
	[tilespmem:$0x1A480] =	vst v63  }
0x9b: {  	_ =	swait.ge [sflag:s8], $0x2C00  }
0x9c: {  	[sflag:s8] =	ssyncset.done $0x0  }
0x9d: {  	[sflag:s8] =	ssyncadd.s32 $0xFFFFD400  }
0x9e: {  	[spmem:s2] =	stream.indirect.scatter.add.f32 [tilespmem:s0], [sflag:$0x8], $0x80, s9, s28, $0xb8;
	[tilespmem:$0x1A480] =	vst v63  }
0x9f: {  	_ =	swait.ge [sflag:s30], $0x100  }
0xa0: {  	[sflag:s30] =	ssyncset.done $0x0  }
0xa1: {  	[sflag:s30] =	ssyncadd.s32 $0xFFFFFF00  }
0xa2: {  	_ =	swait.ge [sflag:s12], $0x2C00  }
0xa3: {  	[sflag:s12] =	ssyncset.done $0x0  }
0xa4: {  	s15 =	sadd.s32 s19, s22;
	[sflag:s12] =	ssyncadd.s32 $0xFFFFD400  }
0xa5: {  	[tilespmem:s31], [sflag:$0x4] =	stream.linear.gather [hbm4b:s15+s3], $0x100, $0x38;
	[tilespmem:$0x1A480] =	vst v63  }
0xa6: {  	_ = 	snop  }
0xa7: {  	[tilespmem:s0], [sflag:$0x6] =	stream.indirect.gather [hbm4b:s4+s28], $0x80, s24, s28, $0xb8;
	[tilespmem:$0x1A480] =	vst v63  }
0xa8: {  	_ =	swait.ge [sflag:s1], $0x2C00  }
0xa9: {  	[sflag:s1] =	ssyncset.done $0x0  }
0xaa: {  	[sflag:s1] =	ssyncadd.s32 $0xFFFFD400  }
0xab: {  	[spmem:s2] =	stream.indirect.scatter.add.f32 [tilespmem:s29], [sflag:$0x7], $0x80, s5, s28, $0xb8;
	[tilespmem:$0x1A480] =	vst v63  }
0xac: {  	_ =	swait.ge [sflag:s6], $0x100  }
0xad: {  	[sflag:s6] =	ssyncset.done $0x0  }
0xae: {  	[sflag:s6] =	ssyncadd.s32 $0xFFFFFF00  }
0xaf: {  	_ =	swait.ge [sflag:s7], $0x2C00  }
0xb0: {  	[sflag:s7] =	ssyncset.done $0x0  }
0xb1: {  	s15 =	sadd.s32 s19, s21;
	[sflag:s7] =	ssyncadd.s32 $0xFFFFD400  }
0xb2: {  	[tilespmem:s3], [sflag:$0x1] =	stream.linear.gather [hbm4b:s15+s3], $0x100, $0x38;
	[tilespmem:$0x1A480] =	vst v63  }
0xb3: {  	_ = 	snop  }
0xb4: {  	[tilespmem:s29], [sflag:$0x5] =	stream.indirect.gather [hbm4b:s4+s28], $0x80, s26, s28, $0xb8;
	[tilespmem:$0x1A480] =	vst v63  }
0xb5: {  	_ =	swait.ge [sflag:s8], $0x2C00  }
0xb6: {  	[sflag:s8] =	ssyncset.done $0x0  }
0xb7: {  	[sflag:s8] =	ssyncadd.s32 $0xFFFFD400  }
0xb8: {  	[spmem:s2] =	stream.indirect.scatter.add.f32 [tilespmem:s0], [sflag:$0x8], $0x80, s10, s28, $0xb8;
	[tilespmem:$0x1A480] =	vst v63  }
0xb9: {  	_ =	swait.ge [sflag:s11], $0x100  }
0xba: {  	[sflag:s11] =	ssyncset.done $0x0  }
0xbb: {  	[sflag:s11] =	ssyncadd.s32 $0xFFFFFF00  }
0xbc: {  	_ =	swait.ge [sflag:s12], $0x2C00  }
0xbd: {  	[sflag:s12] =	ssyncset.done $0x0  }
0xbe: {  	s15 =	sadd.s32 s19, s20;
	[sflag:s12] =	ssyncadd.s32 $0xFFFFD400  }
0xbf: {  	[tilespmem:s24], [sflag:$0x2] =	stream.linear.gather [hbm4b:s15+s3], $0x100, $0x38;
	[tilespmem:$0x1A480] =	vst v63  }
.Ltmp0:
0xc0: {  	(pc) =	sbr.rel @p1 .LBB2_2-.Ltmp0, $4  }
0xc1: {  	[tilespmem:s0], [sflag:$0x6] =	stream.indirect.gather [hbm4b:s4+s28], $0x80, s31, s28, $0xb8;
	[tilespmem:$0x1A480] =	vst v63  }
0xc2: {  	_ =	swait.ge [sflag:s1], $0x2C00  }
0xc3: {  	[sflag:s1] =	ssyncset.done $0x0  }
0xc4: {  	[sflag:s1] =	ssyncadd.s32 $0xFFFFD400  }
0xc5: {  	[spmem:s2] =	stream.indirect.scatter.add.f32 [tilespmem:s29], [sflag:$0x7], $0x80, s13, s28, $0xb8;
	[tilespmem:$0x1A480] =	vst v63  }
0xc6: {  	_ =	swait.ge [sflag:s25], $0x100  }
0xc7: {  	[sflag:s25] =	ssyncset.done $0x0  }
0xc8: {  	[sflag:s25] =	ssyncadd.s32 $0xFFFFFF00  }
0xc9: {  	_ =	swait.ge [sflag:s7], $0x2C00  }
0xca: {  	[sflag:s7] =	ssyncset.done $0x0  }
0xcb: {  	s15 =	rddreg [dreg:$0xd];
	[sflag:s7] =	ssyncadd.s32 $0xFFFFD400  }
0xcc: {  	[tilespmem:s26], [sflag:$0x3] =	stream.linear.gather [hbm4b:s15+s3], $0x100, $0x38;
	[tilespmem:$0x1A480] =	vst v63  }
0xcd: {  	_ = 	snop  }
0xce: {  	[tilespmem:s29], [sflag:$0x5] =	stream.indirect.gather [hbm4b:s4+s28], $0x80, s3, s28, $0xb8;
	[tilespmem:$0x1A480] =	vst v63  }
0xcf: {  	_ =	swait.ge [sflag:s8], $0x2C00  }
0xd0: {  	[sflag:s8] =	ssyncset.done $0x0  }
0xd1: {  	[sflag:s8] =	ssyncadd.s32 $0xFFFFD400  }
0xd2: {  	[spmem:s2] =	stream.indirect.scatter.add.f32 [tilespmem:s0], [sflag:$0x8], $0x80, s9, s28, $0xb8;
	[tilespmem:$0x1A480] =	vst v63  }
0xd3: {  	_ =	swait.ge [sflag:s30], $0x100  }
0xd4: {  	[sflag:s30] =	ssyncset.done $0x0  }
0xd5: {  	[sflag:s30] =	ssyncadd.s32 $0xFFFFFF00  }
0xd6: {  	_ =	swait.ge [sflag:s12], $0x2C00  }
0xd7: {  	[sflag:s12] =	ssyncset.done $0x0  }
0xd8: {  	s18 =	rddreg [dreg:$0xe];
	[sflag:s12] =	ssyncadd.s32 $0xFFFFD400  }
0xd9: {  	[tilespmem:s31], [sflag:$0x4] =	stream.linear.gather [hbm4b:s18+s3], $0x100, $0x38;
	[tilespmem:$0x1A480] =	vst v63  }
0xda: {  	_ = 	snop  }
0xdb: {  	[tilespmem:s0], [sflag:$0x6] =	stream.indirect.gather [hbm4b:s4+s28], $0x80, s24, s28, $0xb8;
	[tilespmem:$0x1A480] =	vst v63  }
0xdc: {  	_ =	swait.ge [sflag:s1], $0x2C00  }
0xdd: {  	[sflag:s1] =	ssyncset.done $0x0  }
0xde: {  	[sflag:s1] =	ssyncadd.s32 $0xFFFFD400  }
0xdf: {  	[spmem:s2] =	stream.indirect.scatter.add.f32 [tilespmem:s29], [sflag:$0x7], $0x80, s5, s28, $0xb8;
	[tilespmem:$0x1A480] =	vst v63  }
0xe0: {  	_ =	swait.ge [sflag:s6], $0x100  }
0xe1: {  	[sflag:s6] =	ssyncset.done $0x0  }
0xe2: {  	[sflag:s6] =	ssyncadd.s32 $0xFFFFFF00  }
0xe3: {  	_ =	swait.ge [sflag:s7], $0x2C00  }
0xe4: {  	[sflag:s7] =	ssyncset.done $0x0  }
0xe5: {  	[sflag:s7] =	ssyncadd.s32 $0xFFFFD400  }
0xe6: {  	[tilespmem:s29], [sflag:$0x5] =	stream.indirect.gather [hbm4b:s4+s28], $0x80, s26, s28, $0xb8;
	[tilespmem:$0x1A480] =	vst v63  }
0xe7: {  	_ =	swait.ge [sflag:s8], $0x2C00  }
0xe8: {  	[sflag:s8] =	ssyncset.done $0x0  }
0xe9: {  	[sflag:s8] =	ssyncadd.s32 $0xFFFFD400  }
0xea: {  	[spmem:s2] =	stream.indirect.scatter.add.f32 [tilespmem:s0], [sflag:$0x8], $0x80, s10, s28, $0xb8;
	[tilespmem:$0x1A480] =	vst v63  }
0xeb: {  	_ =	swait.ge [sflag:s11], $0x100  }
0xec: {  	[sflag:s11] =	ssyncset.done $0x0  }
0xed: {  	[sflag:s11] =	ssyncadd.s32 $0xFFFFFF00  }
0xee: {  	_ =	swait.ge [sflag:s12], $0x2C00  }
0xef: {  	[sflag:s12] =	ssyncset.done $0x0  }
0xf0: {  	[sflag:s12] =	ssyncadd.s32 $0xFFFFD400  }
0xf1: {  	[tilespmem:s0], [sflag:$0x6] =	stream.indirect.gather [hbm4b:s4+s28], $0x80, s31, s28, $0xb8;
	[tilespmem:$0x1A480] =	vst v63  }
0xf2: {  	_ =	swait.ge [sflag:s1], $0x2C00  }
0xf3: {  	[sflag:s1] =	ssyncset.done $0x0  }
0xf4: {  	[sflag:s1] =	ssyncadd.s32 $0xFFFFD400  }
0xf5: {  	[spmem:s2] =	stream.indirect.scatter.add.f32 [tilespmem:s29], [sflag:$0x7], $0x80, s13, s28, $0xb8;
	[tilespmem:$0x1A480] =	vst v63  }
0xf6: {  	_ =	swait.ge [sflag:s8], $0x2C00  }
0xf7: {  	[sflag:s8] =	ssyncset.done $0x0  }
0xf8: {  	[sflag:s8] =	ssyncadd.s32 $0xFFFFD400  }
0xf9: {  	[spmem:s2] =	stream.indirect.scatter.add.f32 [tilespmem:s0], [sflag:$0x8], $0x80, s9, s28, $0xb8;
	[tilespmem:$0x1A480] =	vst v63  }
0xfa: {  	_ =	swait.ge [sflag:s7], $0x2C00  }
0xfb: {  	[sflag:s7] =	ssyncset.done $0x0  }
0xfc: {  	[sflag:s7] =	ssyncadd.s32 $0xFFFFD400  }
0xfd: {  	_ =	swait.ge [sflag:s12], $0x2C00  }
0xfe: {  	[sflag:s12] =	ssyncset.done $0x0  }
0xff: {  	[sflag:s12] =	ssyncadd.s32 $0xFFFFD400  }
0x100: {  	[bflag:$0x0] =	sbarrier.arrive $0xFFFF  }
0x101: {  	s18 =	rddreg [dreg:$0x10]  }
0x102: {  	s15 =	simm.s32 @p0 $0x1FC9;
	s19 =	rddreg [dreg:$0x12]  }
0x103: {  	[hbm:s18], [sflag:s15] =	dma.local @p0 [spmem:s19], $0x2080  }
0x104: {  	s15 =	simm.s32 @p0 $0x9  }
0x105: {  	_ =	swait.ge @p0 [sflag:s15], $0x2080  }
0x106: {  	[sflag:s15] =	ssyncset.done @p0 $0x0  }
0x107: {  	[sflag:s15] =	ssyncadd.s32 @p0 $0xFFFFDF80;
	s15 =	rddreg [dreg:$0xf]  }
0x108: {  	[hbm:s15], [sflag:s16] =	dma.local @!p0 [spmem:s17], $0x2780  }
0x109: {  	s15 =	simm.s32 @!p0 $0x9  }
0x10a: {  	_ =	swait.ge @!p0 [sflag:s15], $0x2780  }
0x10b: {  	s14 =	sadd.s32 $0x1, s14;
	s19 =	rddreg [dreg:$0x11]  }
0x10c: {  	p1 =	sne.s32 s14, s19  }
.Ltmp1:
0x10d: {  	_ = 	snop;
	(pc) =	sbr.rel @p1 .LBB2_1-.Ltmp1, $3  }
0x10e: {  	_ =	sdelay $0x1  }
0x10f: {  	[sflag:s15] =	ssyncset.done @!p0 $0x0  }
0x110: {  	[sflag:s15] =	ssyncadd.s32 @!p0 $0xFFFFD880  }
0x111: {  	_ =	sfence.sel $0x180000  }
0x112: {  	[bflag:$0x0] =	sbarrier.arrive $0xFFFF  }
0x113: {  	_ =	strace $0x9000004D  }
0x114: {  	s0 =	stileid.u32;
	[bflag:$0x2] =	sbarrier.arrive $0xFFFF  }
0x115: {  	p0 =	sne.s32 s0, $0x0;
	s0 =	rddreg [dreg:$0x2]  }
0x116: {  	s0 =	sadd.s32 @!p0 $0x100000, s0  }
0x117: {  	[sflag:s0] =	ssyncadd.tile.s32 @!p0 $0x1;
	_ =	shalt  }
.Lfunc_end2:
_tile_overlayer_lowered:
.L_overlay_start_2:
0x118: {  	(tag) =	ssettag $0x2  }
0x119: {  	s0 =	rddreg [dreg:$0x0];
	s2 =	stileid.u32  }
0x11a: {  	s1 =	rddreg [dreg:$0x1];
	p0 =	sne.s32 s2, $0x0  }
0x11b: {  	s3 =	rddreg [dreg:$0x2];
	[bflag:$0x3] =	sbarrier.arrive $0xFFFF;
	s2 =	simm.s32 @!p0 $0x1C09  }
0x11c: {  	[timem:s3], [sflag:s2] =	dma.local @!p0 [hbm:s0], s1  }
0x11d: {  	s0 =	simm.s32 @!p0 $0x9  }
0x11e: {  	_ =	swait.ge @!p0 [sflag:s0], s1  }
0x11f: {  	s1 =	ssub.s32 @!p0 $0x0, s1;
	[sflag:s0] =	ssyncset.done @!p0 $0x0  }
0x120: {  	[sflag:s0] =	ssyncadd.s32 @!p0 s1  }
0x121: {  	[bflag:$0x3] =	sbarrier.arrive $0xFFFF  }
0x122: {  	_ =	shalt  }

// kernel: kernel.9.cloned.1.call-start
scs
__scs_entry_jumppad:
0x0: {  	(pc) =	sbr.rel $0x88, $3  }
0x1: {  	(tag) =	ssettag $0x0;
	lr =	simm.s32 $0x1  }
0x2: {  	[smem:$0x3F90] =	sst lr;
	_ =	strace $0xD0000000  }
0x3: {  	_ = 	snop  }
0x4: {  	_ = 	snop  }
0x5: {  	_ = 	snop  }
0x6: {  	_ = 	snop  }
0x7: {  	_ = 	snop  }
__scs_overlays_trampoline_lowered:
0x8: {  	[smem:$0x3F9F] =	sst s0  }
0x9: {  	[smem:$0x3FA0] =	sst s1  }
0xa: {  	[smem:$0x3FA1] =	sst s2  }
0xb: {  	[smem:$0x3FA2] =	sst s3  }
0xc: {  	[smem:$0x3FA3] =	sst s4  }
0xd: {  	[smem:$0x3FA4] =	sst s5  }
0xe: {  	[smem:$0x3FA5] =	sst s6  }
0xf: {  	[smem:$0x3FA6] =	sst s7  }
0x10: {  	[smem:$0x3FA7] =	sst s8  }
0x11: {  	[smem:$0x3FA8] =	sst s9;
	s0 =	simm.s32 @!p0 $0x0  }
0x12: {  	s1 =	sld [smem:$0x3F8E];
	s0 =	simm.s32 @p0 $0x1  }
0x13: {  	[smem:$0x3FA9] =	sst s0;
	s0 =	simm.s32 @!p1 $0x0  }
0x14: {  	s2 =	sld [smem:$0x3F8D];
	s0 =	simm.s32 @p1 $0x1  }
0x15: {  	[smem:$0x3FAA] =	sst s0;
	s0 =	simm.s32 @!p2 $0x0  }
0x16: {  	s3 =	sld [smem:$0x3FDB];
	s0 =	simm.s32 @p2 $0x1  }
0x17: {  	s4 =	simm.s32 $0x1BF5;
	[smem:$0x3FAC] =	sst s0  }
0x18: {  	s0 =	sld [smem:$0x3F8F];
	_ =	swait.ge [sflag:s4], $0x0  }
0x19: {  	s7 =	sld [smem:$0x3F90]  }
0x1a: {  	s8 =	sadd.s32 $0xFFFFE003, lr  }
0x1b: {  	s9 =	sadd.s32 $0xFFFFFEF7, lr;
	s5 =	simm.s32 $0xFFFFFFFF;
	p2 =	slt.u32 s8, $0xFFFFF086  }
0x1c: {  	p1 =	slt.u32 s9, $0xF7A;
	s5 =	simm.s32 @!p2 $0x0  }
0x1d: {  	s5 =	simm.s32 @p1 $0x1;
	p0 =	seq.s32 s7, s2  }
0x1e: {  	s7 =	smul.u32 @!p0 $0xF7A, s2;
	p2 =	seq.s32 @!p0 s5, $0x0  }
0x1f: {  	s9 =	smul.u32 $0xF7A, s1;
	s8 =	simm.s32 @!p0 $0x1BF5;
	p2 =	por !p2, p0  }
0x20: {  	[sflag:s8] =	ssyncset.s32 @!p0 $0xFFFFF086;
	s6 =	sadd.s32 @!p0 s3, s7;
	s7 =	simm.s32 @!p0 $0x108  }
0x21: {  	s3 =	sadd.s32 s3, s9;
	s6 =	sadd.s32 @!p0 $0x88, s6;
	s7 =	simm.s32 @p2 $0x1082  }
0x22: {  	[simem:s7], [sflag:s8] =	dma.local @!p0 [hbm:s6], $0xF7A  }
0x23: {  	s9 =	sor.u32 $0xD0000000, s2;
	s6 =	simm.s32 $0x108;
	_ =	swait.ge @!p0 [sflag:s8], $0x0  }
0x24: {  	s3 =	sadd.s32 $0x88, s3;
	s6 =	simm.s32 @!p1 $0x1082;
	[sflag:s4] =	ssyncset.s32 $0xFFFFF086  }
0x25: {  	[simem:s6], [sflag:s4] =	dma.local [hbm:s3], $0xF7A  }
0x26: {  	[smem:$0x3F90] =	sst s1;
	(tag) =	ssettag s2;
	_ =	strace s9  }
0x27: {  	s1 =	sld [smem:$0x3FA0]  }
0x28: {  	s2 =	sld [smem:$0x3FA1]  }
0x29: {  	s4 =	sld [smem:$0x3FA3]  }
0x2a: {  	p0 =	seq.s32 s5, $0x0;
	s5 =	sld [smem:$0x3FA4]  }
0x2b: {  	s6 =	sld [smem:$0x3FA5]  }
0x2c: {  	s7 =	sld [smem:$0x3FA6]  }
0x2d: {  	s3 =	simm.s32 $0x108;
	s8 =	sld [smem:$0x3FA7]  }
0x2e: {  	s3 =	simm.s32 @!p0 $0x1082;
	s9 =	sld [smem:$0x3FA8]  }
0x2f: {  	lr =	sadd.s32 s0, s3;
	s0 =	sld [smem:$0x3F9F]  }
0x30: {  	s3 =	sld [smem:$0x3FA2]  }
0x31: {  	[smem:$0x3FAB] =	sst s10  }
0x32: {  	s10 =	sld [smem:$0x3FA9];
	_ =	sdelay $0x3  }
0x33: {  	p0 =	seq.s32 s10, $0x1;
	s10 =	sld [smem:$0x3FAB];
	_ =	sdelay $0x3  }
0x34: {  	[smem:$0x3FAB] =	sst s10  }
0x35: {  	s10 =	sld [smem:$0x3FAA];
	_ =	sdelay $0x3  }
0x36: {  	p1 =	seq.s32 s10, $0x1;
	s10 =	sld [smem:$0x3FAB];
	_ =	sdelay $0x3  }
0x37: {  	[smem:$0x3FAB] =	sst s10  }
0x38: {  	s10 =	sld [smem:$0x3FAC]  }
0x39: {  	_ = 	snop;
	(pc) =	sbr.ind lr, $3  }
0x3a: {  	_ = 	snop  }
0x3b: {  	_ = 	snop  }
0x3c: {  	p2 =	seq.s32 s10, $0x1;
	s10 =	sld [smem:$0x3FAB]  }
0x3d: {  	_ =	shalt  }
0x3e: {  	_ =	shalt  }
0x3f: {  	_ =	shalt  }
0x40: {  	_ =	shalt  }
0x41: {  	_ =	shalt  }
0x42: {  	_ =	shalt  }
0x43: {  	_ =	shalt  }
0x44: {  	_ =	shalt  }
0x45: {  	_ =	shalt  }
0x46: {  	_ =	shalt  }
0x47: {  	_ =	shalt  }
0x48: {  	_ =	shalt  }
0x49: {  	_ =	shalt  }
0x4a: {  	_ =	shalt  }
0x4b: {  	_ =	shalt  }
0x4c: {  	_ =	shalt  }
0x4d: {  	_ =	shalt  }
0x4e: {  	_ =	shalt  }
0x4f: {  	_ =	shalt  }
0x50: {  	_ =	shalt  }
0x51: {  	_ =	shalt  }
0x52: {  	_ =	shalt  }
0x53: {  	_ =	shalt  }
0x54: {  	_ =	shalt  }
0x55: {  	_ =	shalt  }
0x56: {  	_ =	shalt  }
0x57: {  	_ =	shalt  }
0x58: {  	_ =	shalt  }
0x59: {  	_ =	shalt  }
0x5a: {  	_ =	shalt  }
0x5b: {  	_ =	shalt  }
0x5c: {  	_ =	shalt  }
0x5d: {  	_ =	shalt  }
0x5e: {  	_ =	shalt  }
0x5f: {  	_ =	shalt  }
0x60: {  	_ =	shalt  }
0x61: {  	_ =	shalt  }
0x62: {  	_ =	shalt  }
0x63: {  	_ =	shalt  }
0x64: {  	_ =	shalt  }
0x65: {  	_ =	shalt  }
0x66: {  	_ =	shalt  }
0x67: {  	_ =	shalt  }
0x68: {  	_ =	shalt  }
0x69: {  	_ =	shalt  }
0x6a: {  	_ =	shalt  }
0x6b: {  	_ =	shalt  }
0x6c: {  	_ =	shalt  }
0x6d: {  	_ =	shalt  }
0x6e: {  	_ =	shalt  }
0x6f: {  	_ =	shalt  }
0x70: {  	_ =	shalt  }
0x71: {  	_ =	shalt  }
0x72: {  	_ =	shalt  }
0x73: {  	_ =	shalt  }
0x74: {  	_ =	shalt  }
0x75: {  	_ =	shalt  }
0x76: {  	_ =	shalt  }
0x77: {  	_ =	shalt  }
0x78: {  	_ =	shalt  }
0x79: {  	_ =	shalt  }
0x7a: {  	_ =	shalt  }
0x7b: {  	_ =	shalt  }
0x7c: {  	_ =	shalt  }
0x7d: {  	_ =	shalt  }
0x7e: {  	_ =	shalt  }
0x7f: {  	_ =	shalt  }
0x80: {  	_ =	shalt  }
0x81: {  	_ =	shalt  }
0x82: {  	_ =	shalt  }
0x83: {  	_ =	shalt  }
0x84: {  	_ =	shalt  }
0x85: {  	_ =	shalt  }
0x86: {  	_ =	shalt  }
0x87: {  	_ =	shalt  }
.Lfunc_end0:
.L_simem_size_0:
called_computation_lowered:
.L_overlay_start_0:
0x88: {  	s2 =	sld [smem:$0x3FD9]  }
0x89: {  	s3 =	sld [smem:$0x3FFE];
	_ =	sdelay $0x1  }
0x8a: {  	s1 =	srdreg.scid  }
0x8b: {  	s0 =	sand.u32 $0x1, s1  }
0x8c: {  	s16 =	sshll.u32 s0, $0xA;
	s2 =	sadd.s32 s3, s2  }
0x8d: {  	s2 =	sadd.s32 s2, s16  }
0x8e: {  	[smem:$0x3FB7] =	sst s2  }
0x8f: {  	_ = 	snop  }
0x90: {  	(tm) =	ssettm $0x1  }
0x91: {  	s17 =	sld [smem:$0x3FFB];
	_ =	sdelay $0x3  }
0x92: {  	_ =	strace s17  }
0x93: {  	s2 =	sld [smem:$0x3FFC];
	_ =	sdelay $0x3  }
0x94: {  	_ =	strace s2  }
0x95: {  	s2 =	sld [smem:$0x3FFD];
	_ =	sdelay $0x3  }
0x96: {  	_ =	strace s2  }
0x97: {  	_ =	strace $0x8FFFFFFF  }
0x98: {  	s18 =	sld [smem:$0x3FDB];
	_ =	sdelay $0x1  }
0x99: {  	s19 =	simm.s32 $_scs_section_size  }
0x9a: {  	s4 =	simm.s32 $_size__tile_overlayer_lowered;
	s5 =	simm.s32 $_tile_overlayer_lowered  }
0x9b: {  	s22 =	simm.s32 $0x1BFF;
	s21 =	sshll.u32 s5, $0x1;
	s2 =	sadd.s32 s19, s18  }
0x9c: {  	s6 =	simm.s32 $0x0;
	s20 =	sshll.u32 s4, $0x1;
	s4 =	sadd.s32 s21, s2  }
0x9d: {  	[timem:s6], [sflag:s22] =	dma.local [hbm:s4], s20  }
0x9e: {  	_ =	swait.ge [sflag:s22], s20  }
0x9f: {  	s3 =	ssub.s32 $0x0, s20;
	[sflag:s22] =	ssyncset.done $0x0  }
0xa0: {  	[sflag:s22] =	ssyncadd.s32 s3;
	_ =	sdelay $0x1  }
0xa1: {  	s23 =	simm.s32 $0x1B8B  }
0xa2: {  	_ =	swait.ge [sflag:s23], $0x1  }
0xa3: {  	[sflag:s23] =	ssyncset.done $0x0  }
0xa4: {  	s25 =	simm.s32 $0x1B8E;
	s24 =	sld [smem:$0x3FFE];
	[sflag:s23] =	ssyncadd.s32 $0xFFFFFFFF  }
0xa5: {  	s26 =	simm.s32 $execute0_lowered;
	[smem:$0x3FD2] =	sst s25  }
0xa6: {  	s4 =	sshll.u32 s26, $0x1;
	_ =	strace $0x80000046;
	[dreg:$0x1] =	wrdreg $0xFFFFFFFF  }
0xa7: {  	s28 =	simm.s32 $_size_execute0_lowered;
	s2 =	sadd.s32 s2, s4;
	[dreg:$0x0] =	wrdreg $0x0  }
0xa8: {  	s4 =	sshll.u32 s28, $0x1;
	[dreg:$0x2] =	wrdreg s2  }
0xa9: {  	[dreg:$0x3] =	wrdreg s4  }
0xaa: {  	[dreg:$0x4] =	wrdreg $0xC0  }
0xab: {  	_ =	task [dreg:s6], $0x5FFFF  }
0xac: {  	[dreg:$0x1] =	wrdreg $0xFFFFFFFF  }
0xad: {  	[dreg:$0x0] =	wrdreg $0x60  }
0xae: {  	[dreg:$0x2] =	wrdreg s24  }
0xaf: {  	[dreg:$0x3] =	wrdreg $0x5C000  }
0xb0: {  	[dreg:$0x4] =	wrdreg $0x9  }
0xb1: {  	_ =	task.clear_ibuf [dreg:s6], $0x5FFFF;
	_ =	strace $0x90000046  }
0xb2: {  	s29 =	simm.s32 $0x9;
	_ =	strace $0x80000048  }
0xb3: {  	_ =	swait.ge [sflag:s29], $0x1  }
0xb4: {  	[sflag:s29] =	ssyncadd.s32 $0xFFFFFFFF  }
0xb5: {  	_ =	strace $0x90000048  }
0xb6: {  	_ =	sfence  }
0xb7: {  	s30 =	sld [smem:$0x0];
	_ =	sdelay $0x2  }
0xb8: {  	s31 =	sshll.u32 s1, $0xD;
	s1 =	sshrl.u32 s1, $0x2  }
0xb9: {  	s3 =	sand.u32 $0x4000, s31;
	s1 =	sadd.s32 s1, s30  }
0xba: {  	s0 =	sor.u32 s3, s0;
	s1 =	sshll.u32 s1, $0x11  }
0xbb: {  	s0 =	sor.u32 s1, s0  }
0xbc: {  	s0 =	sadd.s32 $0x8F2B, s0  }
0xbd: {  	[sflag:s0] =	ssyncadd.remote.s32 $0x1  }
0xbe: {  	_ =	sfence.sel $0xFFFF  }
0xbf: {  	[dreg:$0x0] =	wrdreg $0xFFFFFFFF;
	(pc) =	sbr.abs _section_cstart, $3  }
0xc0: {  	[dreg:$0x1] =	wrdreg $0xFFFFFFFF  }
0xc1: {  	_ =	task.clear_ibuf [dreg:s6], $0x2FFFF;
	_ =	strace $0x9FFFFFFF  }
0xc2: {  	(tm) =	ssettm $0x7FFFFFFF  }
0xc3: {  	_ =	shalt  }
tec
execute0_lowered:
.L_overlay_start_1:
0x0: {  	(tag) =	ssettag $0x1  }
0x1: {  	s0 =	rddreg [dreg:$0x0]  }
0x2: {  	s2 =	rddreg [dreg:$0x1]  }
0x3: {  	s3 =	simm.s32 $0x0;
	s14 =	stileid.u32;
	s5 =	srdreg.scid  }
0x4: {  	s28 =	simm.s32 $0x58;
	s29 =	simm.s32 $0x400;
	s30 =	simm.s32 $0x2  }
0x5: {  	s31 =	simm.s32 $0x300;
	[smem:$0x7FF] =	sst s3;
	s1 =	smul.u32 $0x2780, s14  }
0x6: {  	s4 =	sadd.s32 $0x3C800, s0;
	s6 =	sadd.s32 $0x3800, s0;
	s5 =	sand.u32 $0x1, s5  }
0x7: {  	s9 =	smul.u32 $0x4F000, s14;
	s10 =	sadd.s32 $0xB1C00, s0;
	s13 =	sadd.s32 $0x128400, s2  }
0x8: {  	s15 =	sadd.s32 $0xAFA80, s0;
	s21 =	smul.u32 $0xE4, s14;
	p0 =	seq.s32 s14, $0xF  }
0x9: {  	_ =	strace $0x80000047;
	s8 =	ssub.s32 $0x2, s5;
	s17 =	smul.u32 $0x27100, s5  }
0xa: {  	s12 =	sshll.u32 s5, $0x4;
	[dreg:$0x5] =	wrdreg s13;
	s18 =	smul.u32 $0x138800, s5  }
0xb: {  	[dreg:$0x6] =	wrdreg s15;
	s5 =	smul.u32 $0xE40, s5;
	s7 =	sadd.s32 s1, s0  }
0xc: {  	s11 =	sshrl.u32 s8, $0x1;
	s25 =	sor.u32 s14, s12;
	s9 =	sshrl.u32 s9, $0x2  }
0xd: {  	s14 =	simm.s32 $0x0;
	s8 =	ssub.s32 s8, s11;
	s26 =	smul.u32 $0x1C80, s25  }
0xe: {  	s9 =	sadd.s32 s9, s2;
	s7 =	sadd.s32 $0x8AA00, s7;
	s11 =	smul.u32 $0xE400, s25  }
0xf: {  	s1 =	sadd.s32 s1, s17;
	s23 =	sshrl.u32 s18, $0x3;
	[dreg:$0x3] =	wrdreg s9  }
0x10: {  	s5 =	sadd.s32 s21, s5;
	[dreg:$0x4] =	wrdreg s7;
	s9 =	sadd.s32 $0x3820, s0  }
0x11: {  	s0 =	sadd.s32 $0x3860, s0;
	s1 =	sadd.s32 s10, s1;
	s24 =	sadd.s32 s10, s23  }
0x12: {  	s25 =	smax.u32 s8, $0x1;
	s8 =	simm.s32 $0x6;
	s10 =	simm.s32 $0x180  }
0x13: {  	s16 =	sadd.s32 s6, s26;
	s13 =	sadd.s32 s26, s9;
	[dreg:$0xf] =	wrdreg s1  }
0x14: {  	s11 =	sshrl.u32 s11, $0x3;
	s7 =	sadd.s32 s26, s0;
	[dreg:$0x11] =	wrdreg s25  }
0x15: {  	s1 =	sadd.s32 $0x25080, s24;
	s26 =	sshll.u32 s5, $0x5;
	[dreg:$0x8] =	wrdreg s13  }
0x16: {  	s24 =	simm.s32 $0x100;
	s25 =	simm.s32 $0x1;
	[dreg:$0x7] =	wrdreg s16  }
0x17: {  	s12 =	sadd.s32 $0x40, s16;
	s11 =	sadd.s32 s6, s11;
	[dreg:$0xa] =	wrdreg s7  }
0x18: {  	[dreg:$0x10] =	wrdreg s1;
	s5 =	sadd.s32 s9, s26;
	s6 =	sadd.s32 s6, s26  }
0x19: {  	s0 =	sadd.s32 s0, s26;
	s26 =	simm.s32 $0x200;
	s1 =	simm.s32 $0x5  }
0x1a: {  	s7 =	simm.s32 $0x7;
	s13 =	simm.s32 $0x280;
	s9 =	simm.s32 $0x380  }
0x1b: {  	[dreg:$0x9] =	wrdreg s12;
	s19 =	sadd.s32 $0x80, s11;
	s20 =	sadd.s32 $0xA0, s11  }
0x1c: {  	s22 =	sadd.s32 $0x1C40, s11;
	s11 =	sadd.s32 $0x1C60, s11;
	[dreg:$0xb] =	wrdreg s19  }
0x1d: {  	s21 =	sadd.s32 $0x100, s6;
	s23 =	sadd.s32 $0xC0, s6;
	[dreg:$0xc] =	wrdreg s20  }
0x1e: {  	s6 =	simm.s32 $0x3;
	s12 =	simm.s32 $0x8;
	[dreg:$0xd] =	wrdreg s22  }
0x1f: {  	[dreg:$0xe] =	wrdreg s11;
	s20 =	sadd.s32 $0x100, s5;
	s22 =	sadd.s32 $0x80, s0  }
0x20: {  	s0 =	simm.s32 $0x3000;
	s5 =	simm.s32 $0x80;
	s11 =	simm.s32 $0x4  }
.LBB2_1:
0x21: {  	s15 =	rddreg [dreg:$0x5]  }
0x22: {  	s17 =	sshrl.u32 @p0 s15, $0x3;
	s15 =	rddreg [dreg:$0x6]  }
0x23: {  	s16 =	simm.s32 @p0 $0x1FC9;
	[dreg:$0x12] =	wrdreg s17  }
0x24: {  	[spmem:s17], [sflag:s16] =	dma.local @p0 [hbm:s15], $0x2080  }
0x25: {  	s16 =	simm.s32 @p0 $0x9  }
0x26: {  	_ =	swait.ge @p0 [sflag:s16], $0x2080  }
0x27: {  	s18 =	simm.s32 @!p0 $0x9;
	s15 =	stileid.u32;
	[sflag:s16] =	ssyncset.done @p0 $0x0  }
0x28: {  	s17 =	sshll.u32 @!p0 s15, $0x6;
	s15 =	rddreg [dreg:$0x3];
	[sflag:s16] =	ssyncadd.s32 @p0 $0xFFFFDF80  }
0x29: {  	s16 =	sor.u32 @!p0 $0x1C09, s17;
	s17 =	sshrl.u32 @!p0 s15, $0x3;
	s15 =	rddreg [dreg:$0x4]  }
0x2a: {  	[spmem:s17], [sflag:s16] =	dma.local @!p0 [hbm:s15], $0x2780  }
0x2b: {  	_ =	swait.ge @!p0 [sflag:s18], $0x2780  }
0x2c: {  	[sflag:s18] =	ssyncset.done @!p0 $0x0  }
0x2d: {  	[sflag:s18] =	ssyncadd.s32 @!p0 $0xFFFFD880  }
0x2e: {  	[bflag:$0x0] =	sbarrier.arrive $0xFFFF  }
0x2f: {  	s18 =	rddreg [dreg:$0x7]  }
0x30: {  	[tilespmem:s3], [sflag:$0x1] =	stream.linear.gather [hbm4b:s18+s3], $0x100, $0x38;
	[tilespmem:$0x1A480] =	vst v63  }
0x31: {  	s19 =	rddreg [dreg:$0x8]  }
0x32: {  	[tilespmem:s24], [sflag:$0x2] =	stream.linear.gather [hbm4b:s19+s3], $0x100, $0x38;
	[tilespmem:$0x1A480] =	vst v63  }
0x33: {  	_ =	swait.ge [sflag:s25], $0x100  }
0x34: {  	[sflag:s25] =	ssyncset.done $0x0  }
0x35: {  	s18 =	rddreg [dreg:$0x9];
	[sflag:s25] =	ssyncadd.s32 $0xFFFFFF00  }
0x36: {  	[tilespmem:s26], [sflag:$0x3] =	stream.linear.gather [hbm4b:s18+s3], $0x100, $0x38;
	[tilespmem:$0x1A480] =	vst v63  }
0x37: {  	_ = 	snop  }
0x38: {  	[tilespmem:s29], [sflag:$0x5] =	stream.indirect.gather [hbm4b:s4+s28], $0x80, s3, s28, $0xb8;
	[tilespmem:$0x1A480] =	vst v63  }
0x39: {  	_ =	swait.ge [sflag:s30], $0x100  }
0x3a: {  	[sflag:s30] =	ssyncset.done $0x0  }
0x3b: {  	s19 =	rddreg [dreg:$0xa];
	[sflag:s30] =	ssyncadd.s32 $0xFFFFFF00  }
0x3c: {  	[tilespmem:s31], [sflag:$0x4] =	stream.linear.gather [hbm4b:s19+s3], $0x100, $0x38;
	[tilespmem:$0x1A480] =	vst v63  }
0x3d: {  	_ = 	snop  }
0x3e: {  	[tilespmem:s0], [sflag:$0x6] =	stream.indirect.gather [hbm4b:s4+s28], $0x80, s24, s28, $0xb8;
	[tilespmem:$0x1A480] =	vst v63  }
0x3f: {  	_ =	swait.ge [sflag:s1], $0x2C00  }
0x40: {  	[sflag:s1] =	ssyncset.done $0x0  }
0x41: {  	[sflag:s1] =	ssyncadd.s32 $0xFFFFD400  }
0x42: {  	[spmem:s2] =	stream.indirect.scatter.add.f32 [tilespmem:s29], [sflag:$0x7], $0x80, s5, s28, $0xb8;
	[tilespmem:$0x1A480] =	vst v63  }
0x43: {  	_ =	swait.ge [sflag:s6], $0x100  }
0x44: {  	[sflag:s6] =	ssyncset.done $0x0  }
0x45: {  	[sflag:s6] =	ssyncadd.s32 $0xFFFFFF00  }
0x46: {  	_ =	swait.ge [sflag:s7], $0x2C00  }
0x47: {  	[sflag:s7] =	ssyncset.done $0x0  }
0x48: {  	s18 =	rddreg [dreg:$0xb];
	[sflag:s7] =	ssyncadd.s32 $0xFFFFD400  }
0x49: {  	[tilespmem:s3], [sflag:$0x1] =	stream.linear.gather [hbm4b:s18+s3], $0x100, $0x38;
	[tilespmem:$0x1A480] =	vst v63  }
0x4a: {  	_ = 	snop  }
0x4b: {  	[tilespmem:s29], [sflag:$0x5] =	stream.indirect.gather [hbm4b:s4+s28], $0x80, s26, s28, $0xb8;
	[tilespmem:$0x1A480] =	vst v63  }
0x4c: {  	_ =	swait.ge [sflag:s8], $0x2C00  }
0x4d: {  	[sflag:s8] =	ssyncset.done $0x0  }
0x4e: {  	[sflag:s8] =	ssyncadd.s32 $0xFFFFD400  }
0x4f: {  	[spmem:s2] =	stream.indirect.scatter.add.f32 [tilespmem:s0], [sflag:$0x8], $0x80, s10, s28, $0xb8;
	[tilespmem:$0x1A480] =	vst v63  }
0x50: {  	_ =	swait.ge [sflag:s11], $0x100  }
0x51: {  	[sflag:s11] =	ssyncset.done $0x0  }
0x52: {  	[sflag:s11] =	ssyncadd.s32 $0xFFFFFF00  }
0x53: {  	_ =	swait.ge [sflag:s12], $0x2C00  }
0x54: {  	[sflag:s12] =	ssyncset.done $0x0  }
0x55: {  	s19 =	rddreg [dreg:$0xc];
	[sflag:s12] =	ssyncadd.s32 $0xFFFFD400  }
0x56: {  	[tilespmem:s24], [sflag:$0x2] =	stream.linear.gather [hbm4b:s19+s3], $0x100, $0x38;
	[tilespmem:$0x1A480] =	vst v63  }
0x57: {  	_ = 	snop  }
0x58: {  	[tilespmem:s0], [sflag:$0x6] =	stream.indirect.gather [hbm4b:s4+s28], $0x80, s31, s28, $0xb8;
	[tilespmem:$0x1A480] =	vst v63  }
0x59: {  	_ =	swait.ge [sflag:s1], $0x2C00  }
0x5a: {  	[sflag:s1] =	ssyncset.done $0x0  }
0x5b: {  	[sflag:s1] =	ssyncadd.s32 $0xFFFFD400  }
0x5c: {  	[spmem:s2] =	stream.indirect.scatter.add.f32 [tilespmem:s29], [sflag:$0x7], $0x80, s13, s28, $0xb8;
	[tilespmem:$0x1A480] =	vst v63  }
0x5d: {  	_ =	swait.ge [sflag:s25], $0x100  }
0x5e: {  	[sflag:s25] =	ssyncset.done $0x0  }
0x5f: {  	[sflag:s25] =	ssyncadd.s32 $0xFFFFFF00  }
0x60: {  	_ =	swait.ge [sflag:s7], $0x2C00  }
0x61: {  	[sflag:s7] =	ssyncset.done $0x0  }
0x62: {  	s15 =	sadd.s32 $0x0, s23;
	[sflag:s7] =	ssyncadd.s32 $0xFFFFD400  }
0x63: {  	[tilespmem:s26], [sflag:$0x3] =	stream.linear.gather [hbm4b:s15+s3], $0x100, $0x38;
	[tilespmem:$0x1A480] =	vst v63  }
0x64: {  	_ = 	snop  }
0x65: {  	[tilespmem:s29], [sflag:$0x5] =	stream.indirect.gather [hbm4b:s4+s28], $0x80, s3, s28, $0xb8;
	[tilespmem:$0x1A480] =	vst v63  }
0x66: {  	_ =	swait.ge [sflag:s8], $0x2C00  }
0x67: {  	[sflag:s8] =	ssyncset.done $0x0  }
0x68: {  	[sflag:s8] =	ssyncadd.s32 $0xFFFFD400  }
0x69: {  	[spmem:s2] =	stream.indirect.scatter.add.f32 [tilespmem:s0], [sflag:$0x8], $0x80, s9, s28, $0xb8;
	[tilespmem:$0x1A480] =	vst v63  }
0x6a: {  	_ =	swait.ge [sflag:s30], $0x100  }
0x6b: {  	[sflag:s30] =	ssyncset.done $0x0  }
0x6c: {  	[sflag:s30] =	ssyncadd.s32 $0xFFFFFF00  }
0x6d: {  	_ =	swait.ge [sflag:s12], $0x2C00  }
0x6e: {  	[sflag:s12] =	ssyncset.done $0x0  }
0x6f: {  	s19 =	sadd.s32 $0x0, s22;
	[sflag:s12] =	ssyncadd.s32 $0xFFFFD400  }
0x70: {  	[tilespmem:s31], [sflag:$0x4] =	stream.linear.gather [hbm4b:s19+s3], $0x100, $0x38;
	[tilespmem:$0x1A480] =	vst v63  }
0x71: {  	_ = 	snop  }
0x72: {  	[tilespmem:s0], [sflag:$0x6] =	stream.indirect.gather [hbm4b:s4+s28], $0x80, s24, s28, $0xb8;
	[tilespmem:$0x1A480] =	vst v63  }
0x73: {  	_ =	swait.ge [sflag:s1], $0x2C00  }
0x74: {  	[sflag:s1] =	ssyncset.done $0x0  }
0x75: {  	[sflag:s1] =	ssyncadd.s32 $0xFFFFD400  }
0x76: {  	[spmem:s2] =	stream.indirect.scatter.add.f32 [tilespmem:s29], [sflag:$0x7], $0x80, s5, s28, $0xb8;
	[tilespmem:$0x1A480] =	vst v63  }
0x77: {  	_ =	swait.ge [sflag:s6], $0x100  }
0x78: {  	[sflag:s6] =	ssyncset.done $0x0  }
0x79: {  	[sflag:s6] =	ssyncadd.s32 $0xFFFFFF00  }
0x7a: {  	_ =	swait.ge [sflag:s7], $0x2C00  }
0x7b: {  	[sflag:s7] =	ssyncset.done $0x0  }
0x7c: {  	s15 =	sadd.s32 $0x0, s21;
	[sflag:s7] =	ssyncadd.s32 $0xFFFFD400  }
0x7d: {  	[tilespmem:s3], [sflag:$0x1] =	stream.linear.gather [hbm4b:s15+s3], $0x100, $0x38;
	[tilespmem:$0x1A480] =	vst v63  }
0x7e: {  	_ = 	snop  }
0x7f: {  	[tilespmem:s29], [sflag:$0x5] =	stream.indirect.gather [hbm4b:s4+s28], $0x80, s26, s28, $0xb8;
	[tilespmem:$0x1A480] =	vst v63  }
0x80: {  	_ =	swait.ge [sflag:s8], $0x2C00  }
0x81: {  	[sflag:s8] =	ssyncset.done $0x0  }
0x82: {  	[sflag:s8] =	ssyncadd.s32 $0xFFFFD400  }
0x83: {  	[spmem:s2] =	stream.indirect.scatter.add.f32 [tilespmem:s0], [sflag:$0x8], $0x80, s10, s28, $0xb8;
	[tilespmem:$0x1A480] =	vst v63  }
0x84: {  	_ =	swait.ge [sflag:s11], $0x100  }
0x85: {  	[sflag:s11] =	ssyncset.done $0x0  }
0x86: {  	[sflag:s11] =	ssyncadd.s32 $0xFFFFFF00  }
0x87: {  	_ =	swait.ge [sflag:s12], $0x2C00  }
0x88: {  	[sflag:s12] =	ssyncset.done $0x0  }
0x89: {  	s19 =	sadd.s32 $0x0, s20;
	[sflag:s12] =	ssyncadd.s32 $0xFFFFD400  }
0x8a: {  	[tilespmem:s24], [sflag:$0x2] =	stream.linear.gather [hbm4b:s19+s3], $0x100, $0x38;
	[tilespmem:$0x1A480] =	vst v63  }
0x8b: {  	_ = 	snop  }
0x8c: {  	[tilespmem:s0], [sflag:$0x6] =	stream.indirect.gather [hbm4b:s4+s28], $0x80, s31, s28, $0xb8;
	[tilespmem:$0x1A480] =	vst v63  }
0x8d: {  	_ =	swait.ge [sflag:s1], $0x2C00  }
0x8e: {  	[sflag:s1] =	ssyncset.done $0x0  }
0x8f: {  	s18 =	simm.s32 $0x80;
	[sflag:s1] =	ssyncadd.s32 $0xFFFFD400  }
.LBB2_2:
0x90: {  	[spmem:s2] =	stream.indirect.scatter.add.f32 [tilespmem:s29], [sflag:$0x7], $0x80, s13, s28, $0xb8;
	[tilespmem:$0x1A480] =	vst v63  }
0x91: {  	s19 =	smov.u32 s18  }
0x92: {  	p1 =	sne.s32 s18, $0x1B00;
	s18 =	sadd.s32 $0x80, s18;
	_ =	swait.ge [sflag:s25], $0x100  }
0x93: {  	[sflag:s25] =	ssyncset.done $0x0  }
0x94: {  	[sflag:s25] =	ssyncadd.s32 $0xFFFFFF00  }
0x95: {  	_ =	swait.ge [sflag:s7], $0x2C00  }
0x96: {  	[sflag:s7] =	ssyncset.done $0x0  }
0x97: {  	s15 =	sadd.s32 s19, s23;
	[sflag:s7] =	ssyncadd.s32 $0xFFFFD400  }
0x98: {  	[tilespmem:s26], [sflag:$0x3] =	stream.linear.gather [hbm4b:s15+s3], $0x100, $0x38;
	[tilespmem:$0x1A480] =	vst v63  }
0x99: {  	_ = 	snop  }
0x9a: {  	[tilespmem:s29], [sflag:$0x5] =	stream.indirect.gather [hbm4b:s4+s28], $0x80, s3, s28, $0xb8;
	[tilespmem:$0x1A480] =	vst v63  }
0x9b: {  	_ =	swait.ge [sflag:s8], $0x2C00  }
0x9c: {  	[sflag:s8] =	ssyncset.done $0x0  }
0x9d: {  	[sflag:s8] =	ssyncadd.s32 $0xFFFFD400  }
0x9e: {  	[spmem:s2] =	stream.indirect.scatter.add.f32 [tilespmem:s0], [sflag:$0x8], $0x80, s9, s28, $0xb8;
	[tilespmem:$0x1A480] =	vst v63  }
0x9f: {  	_ =	swait.ge [sflag:s30], $0x100  }
0xa0: {  	[sflag:s30] =	ssyncset.done $0x0  }
0xa1: {  	[sflag:s30] =	ssyncadd.s32 $0xFFFFFF00  }
0xa2: {  	_ =	swait.ge [sflag:s12], $0x2C00  }
0xa3: {  	[sflag:s12] =	ssyncset.done $0x0  }
0xa4: {  	s15 =	sadd.s32 s19, s22;
	[sflag:s12] =	ssyncadd.s32 $0xFFFFD400  }
0xa5: {  	[tilespmem:s31], [sflag:$0x4] =	stream.linear.gather [hbm4b:s15+s3], $0x100, $0x38;
	[tilespmem:$0x1A480] =	vst v63  }
0xa6: {  	_ = 	snop  }
0xa7: {  	[tilespmem:s0], [sflag:$0x6] =	stream.indirect.gather [hbm4b:s4+s28], $0x80, s24, s28, $0xb8;
	[tilespmem:$0x1A480] =	vst v63  }
0xa8: {  	_ =	swait.ge [sflag:s1], $0x2C00  }
0xa9: {  	[sflag:s1] =	ssyncset.done $0x0  }
0xaa: {  	[sflag:s1] =	ssyncadd.s32 $0xFFFFD400  }
0xab: {  	[spmem:s2] =	stream.indirect.scatter.add.f32 [tilespmem:s29], [sflag:$0x7], $0x80, s5, s28, $0xb8;
	[tilespmem:$0x1A480] =	vst v63  }
0xac: {  	_ =	swait.ge [sflag:s6], $0x100  }
0xad: {  	[sflag:s6] =	ssyncset.done $0x0  }
0xae: {  	[sflag:s6] =	ssyncadd.s32 $0xFFFFFF00  }
0xaf: {  	_ =	swait.ge [sflag:s7], $0x2C00  }
0xb0: {  	[sflag:s7] =	ssyncset.done $0x0  }
0xb1: {  	s15 =	sadd.s32 s19, s21;
	[sflag:s7] =	ssyncadd.s32 $0xFFFFD400  }
0xb2: {  	[tilespmem:s3], [sflag:$0x1] =	stream.linear.gather [hbm4b:s15+s3], $0x100, $0x38;
	[tilespmem:$0x1A480] =	vst v63  }
0xb3: {  	_ = 	snop  }
0xb4: {  	[tilespmem:s29], [sflag:$0x5] =	stream.indirect.gather [hbm4b:s4+s28], $0x80, s26, s28, $0xb8;
	[tilespmem:$0x1A480] =	vst v63  }
0xb5: {  	_ =	swait.ge [sflag:s8], $0x2C00  }
0xb6: {  	[sflag:s8] =	ssyncset.done $0x0  }
0xb7: {  	[sflag:s8] =	ssyncadd.s32 $0xFFFFD400  }
0xb8: {  	[spmem:s2] =	stream.indirect.scatter.add.f32 [tilespmem:s0], [sflag:$0x8], $0x80, s10, s28, $0xb8;
	[tilespmem:$0x1A480] =	vst v63  }
0xb9: {  	_ =	swait.ge [sflag:s11], $0x100  }
0xba: {  	[sflag:s11] =	ssyncset.done $0x0  }
0xbb: {  	[sflag:s11] =	ssyncadd.s32 $0xFFFFFF00  }
0xbc: {  	_ =	swait.ge [sflag:s12], $0x2C00  }
0xbd: {  	[sflag:s12] =	ssyncset.done $0x0  }
0xbe: {  	s15 =	sadd.s32 s19, s20;
	[sflag:s12] =	ssyncadd.s32 $0xFFFFD400  }
0xbf: {  	[tilespmem:s24], [sflag:$0x2] =	stream.linear.gather [hbm4b:s15+s3], $0x100, $0x38;
	[tilespmem:$0x1A480] =	vst v63  }
.Ltmp0:
0xc0: {  	(pc) =	sbr.rel @p1 .LBB2_2-.Ltmp0, $4  }
0xc1: {  	[tilespmem:s0], [sflag:$0x6] =	stream.indirect.gather [hbm4b:s4+s28], $0x80, s31, s28, $0xb8;
	[tilespmem:$0x1A480] =	vst v63  }
0xc2: {  	_ =	swait.ge [sflag:s1], $0x2C00  }
0xc3: {  	[sflag:s1] =	ssyncset.done $0x0  }
0xc4: {  	[sflag:s1] =	ssyncadd.s32 $0xFFFFD400  }
0xc5: {  	[spmem:s2] =	stream.indirect.scatter.add.f32 [tilespmem:s29], [sflag:$0x7], $0x80, s13, s28, $0xb8;
	[tilespmem:$0x1A480] =	vst v63  }
0xc6: {  	_ =	swait.ge [sflag:s25], $0x100  }
0xc7: {  	[sflag:s25] =	ssyncset.done $0x0  }
0xc8: {  	[sflag:s25] =	ssyncadd.s32 $0xFFFFFF00  }
0xc9: {  	_ =	swait.ge [sflag:s7], $0x2C00  }
0xca: {  	[sflag:s7] =	ssyncset.done $0x0  }
0xcb: {  	s15 =	rddreg [dreg:$0xd];
	[sflag:s7] =	ssyncadd.s32 $0xFFFFD400  }
0xcc: {  	[tilespmem:s26], [sflag:$0x3] =	stream.linear.gather [hbm4b:s15+s3], $0x100, $0x38;
	[tilespmem:$0x1A480] =	vst v63  }
0xcd: {  	_ = 	snop  }
0xce: {  	[tilespmem:s29], [sflag:$0x5] =	stream.indirect.gather [hbm4b:s4+s28], $0x80, s3, s28, $0xb8;
	[tilespmem:$0x1A480] =	vst v63  }
0xcf: {  	_ =	swait.ge [sflag:s8], $0x2C00  }
0xd0: {  	[sflag:s8] =	ssyncset.done $0x0  }
0xd1: {  	[sflag:s8] =	ssyncadd.s32 $0xFFFFD400  }
0xd2: {  	[spmem:s2] =	stream.indirect.scatter.add.f32 [tilespmem:s0], [sflag:$0x8], $0x80, s9, s28, $0xb8;
	[tilespmem:$0x1A480] =	vst v63  }
0xd3: {  	_ =	swait.ge [sflag:s30], $0x100  }
0xd4: {  	[sflag:s30] =	ssyncset.done $0x0  }
0xd5: {  	[sflag:s30] =	ssyncadd.s32 $0xFFFFFF00  }
0xd6: {  	_ =	swait.ge [sflag:s12], $0x2C00  }
0xd7: {  	[sflag:s12] =	ssyncset.done $0x0  }
0xd8: {  	s18 =	rddreg [dreg:$0xe];
	[sflag:s12] =	ssyncadd.s32 $0xFFFFD400  }
0xd9: {  	[tilespmem:s31], [sflag:$0x4] =	stream.linear.gather [hbm4b:s18+s3], $0x100, $0x38;
	[tilespmem:$0x1A480] =	vst v63  }
0xda: {  	_ = 	snop  }
0xdb: {  	[tilespmem:s0], [sflag:$0x6] =	stream.indirect.gather [hbm4b:s4+s28], $0x80, s24, s28, $0xb8;
	[tilespmem:$0x1A480] =	vst v63  }
0xdc: {  	_ =	swait.ge [sflag:s1], $0x2C00  }
0xdd: {  	[sflag:s1] =	ssyncset.done $0x0  }
0xde: {  	[sflag:s1] =	ssyncadd.s32 $0xFFFFD400  }
0xdf: {  	[spmem:s2] =	stream.indirect.scatter.add.f32 [tilespmem:s29], [sflag:$0x7], $0x80, s5, s28, $0xb8;
	[tilespmem:$0x1A480] =	vst v63  }
0xe0: {  	_ =	swait.ge [sflag:s6], $0x100  }
0xe1: {  	[sflag:s6] =	ssyncset.done $0x0  }
0xe2: {  	[sflag:s6] =	ssyncadd.s32 $0xFFFFFF00  }
0xe3: {  	_ =	swait.ge [sflag:s7], $0x2C00  }
0xe4: {  	[sflag:s7] =	ssyncset.done $0x0  }
0xe5: {  	[sflag:s7] =	ssyncadd.s32 $0xFFFFD400  }
0xe6: {  	[tilespmem:s29], [sflag:$0x5] =	stream.indirect.gather [hbm4b:s4+s28], $0x80, s26, s28, $0xb8;
	[tilespmem:$0x1A480] =	vst v63  }
0xe7: {  	_ =	swait.ge [sflag:s8], $0x2C00  }
0xe8: {  	[sflag:s8] =	ssyncset.done $0x0  }
0xe9: {  	[sflag:s8] =	ssyncadd.s32 $0xFFFFD400  }
0xea: {  	[spmem:s2] =	stream.indirect.scatter.add.f32 [tilespmem:s0], [sflag:$0x8], $0x80, s10, s28, $0xb8;
	[tilespmem:$0x1A480] =	vst v63  }
0xeb: {  	_ =	swait.ge [sflag:s11], $0x100  }
0xec: {  	[sflag:s11] =	ssyncset.done $0x0  }
0xed: {  	[sflag:s11] =	ssyncadd.s32 $0xFFFFFF00  }
0xee: {  	_ =	swait.ge [sflag:s12], $0x2C00  }
0xef: {  	[sflag:s12] =	ssyncset.done $0x0  }
0xf0: {  	[sflag:s12] =	ssyncadd.s32 $0xFFFFD400  }
0xf1: {  	[tilespmem:s0], [sflag:$0x6] =	stream.indirect.gather [hbm4b:s4+s28], $0x80, s31, s28, $0xb8;
	[tilespmem:$0x1A480] =	vst v63  }
0xf2: {  	_ =	swait.ge [sflag:s1], $0x2C00  }
0xf3: {  	[sflag:s1] =	ssyncset.done $0x0  }
0xf4: {  	[sflag:s1] =	ssyncadd.s32 $0xFFFFD400  }
0xf5: {  	[spmem:s2] =	stream.indirect.scatter.add.f32 [tilespmem:s29], [sflag:$0x7], $0x80, s13, s28, $0xb8;
	[tilespmem:$0x1A480] =	vst v63  }
0xf6: {  	_ =	swait.ge [sflag:s8], $0x2C00  }
0xf7: {  	[sflag:s8] =	ssyncset.done $0x0  }
0xf8: {  	[sflag:s8] =	ssyncadd.s32 $0xFFFFD400  }
0xf9: {  	[spmem:s2] =	stream.indirect.scatter.add.f32 [tilespmem:s0], [sflag:$0x8], $0x80, s9, s28, $0xb8;
	[tilespmem:$0x1A480] =	vst v63  }
0xfa: {  	_ =	swait.ge [sflag:s7], $0x2C00  }
0xfb: {  	[sflag:s7] =	ssyncset.done $0x0  }
0xfc: {  	[sflag:s7] =	ssyncadd.s32 $0xFFFFD400  }
0xfd: {  	_ =	swait.ge [sflag:s12], $0x2C00  }
0xfe: {  	[sflag:s12] =	ssyncset.done $0x0  }
0xff: {  	[sflag:s12] =	ssyncadd.s32 $0xFFFFD400  }
0x100: {  	[bflag:$0x0] =	sbarrier.arrive $0xFFFF  }
0x101: {  	s18 =	rddreg [dreg:$0x10]  }
0x102: {  	s15 =	simm.s32 @p0 $0x1FC9;
	s19 =	rddreg [dreg:$0x12]  }
0x103: {  	[hbm:s18], [sflag:s15] =	dma.local @p0 [spmem:s19], $0x2080  }
0x104: {  	s15 =	simm.s32 @p0 $0x9  }
0x105: {  	_ =	swait.ge @p0 [sflag:s15], $0x2080  }
0x106: {  	[sflag:s15] =	ssyncset.done @p0 $0x0  }
0x107: {  	[sflag:s15] =	ssyncadd.s32 @p0 $0xFFFFDF80;
	s15 =	rddreg [dreg:$0xf]  }
0x108: {  	[hbm:s15], [sflag:s16] =	dma.local @!p0 [spmem:s17], $0x2780  }
0x109: {  	s15 =	simm.s32 @!p0 $0x9  }
0x10a: {  	_ =	swait.ge @!p0 [sflag:s15], $0x2780  }
0x10b: {  	s14 =	sadd.s32 $0x1, s14;
	s19 =	rddreg [dreg:$0x11]  }
0x10c: {  	p1 =	sne.s32 s14, s19  }
.Ltmp1:
0x10d: {  	_ = 	snop;
	(pc) =	sbr.rel @p1 .LBB2_1-.Ltmp1, $3  }
0x10e: {  	_ =	sdelay $0x1  }
0x10f: {  	[sflag:s15] =	ssyncset.done @!p0 $0x0  }
0x110: {  	[sflag:s15] =	ssyncadd.s32 @!p0 $0xFFFFD880  }
0x111: {  	_ =	sfence.sel $0x180000  }
0x112: {  	[bflag:$0x0] =	sbarrier.arrive $0xFFFF  }
0x113: {  	_ =	strace $0x90000047  }
0x114: {  	s0 =	stileid.u32;
	[bflag:$0x2] =	sbarrier.arrive $0xFFFF  }
0x115: {  	p0 =	sne.s32 s0, $0x0;
	s0 =	rddreg [dreg:$0x2]  }
0x116: {  	s0 =	sadd.s32 @!p0 $0x100000, s0  }
0x117: {  	[sflag:s0] =	ssyncadd.tile.s32 @!p0 $0x1;
	_ =	shalt  }
.Lfunc_end2:
_tile_overlayer_lowered:
.L_overlay_start_2:
0x118: {  	(tag) =	ssettag $0x2  }
0x119: {  	s0 =	rddreg [dreg:$0x0];
	s2 =	stileid.u32  }
0x11a: {  	s1 =	rddreg [dreg:$0x1];
	p0 =	sne.s32 s2, $0x0  }
0x11b: {  	s3 =	rddreg [dreg:$0x2];
	[bflag:$0x3] =	sbarrier.arrive $0xFFFF;
	s2 =	simm.s32 @!p0 $0x1C09  }
0x11c: {  	[timem:s3], [sflag:s2] =	dma.local @!p0 [hbm:s0], s1  }
0x11d: {  	s0 =	simm.s32 @!p0 $0x9  }
0x11e: {  	_ =	swait.ge @!p0 [sflag:s0], s1  }
0x11f: {  	s1 =	ssub.s32 @!p0 $0x0, s1;
	[sflag:s0] =	ssyncset.done @!p0 $0x0  }
0x120: {  	[sflag:s0] =	ssyncadd.s32 @!p0 s1  }
0x121: {  	[bflag:$0x3] =	sbarrier.arrive $0xFFFF  }
0x122: {  	_ =	shalt  }

</sc_bundles>
